<compile_context>
chip_gen: v7x
topology: tpu7x:2x2x1
jax: 0.10.2.dev20260603
libtpu: 0.0.44.dev20260713+nightly
codegen_flags: <defaults>
</compile_context>

<pallas_src>
import functools

import jax
import jax.numpy as jnp
from jax import lax
from jax.experimental import pallas as pl
from jax.experimental.pallas import tpu as pltpu
from jax.experimental.pallas import tpu_sc as plsc

EPS = 1e-15
D = 128
B = 16384
W = 21
R = 20
NC, NS, L = 2, 16, 16
NW = NC * NS
WALKS_PER_WORKER = 2 * B // NW
CHUNK = 16
N_CHUNKS = WALKS_PER_WORKER // CHUNK
ROWS_PER_CHUNK = CHUNK * W
DOTS_PER_CHUNK = CHUNK * R


def _sc_dots_body(emb_hbm, pos_idx_hbm, neg_idx_hbm, dots_hbm,
                  idx0, idx1, rows0, rows1, dout0, dout1,
                  gsem0, gsem1, ssem0, ssem1):
    wid = lax.axis_index("s") * NC + lax.axis_index("c")
    walk_base = wid * WALKS_PER_WORKER
    half_base = (wid % (NW // 2)) * WALKS_PER_WORKER
    idxs, rows, douts = (idx0, idx1), (rows0, rows1), (dout0, dout1)
    gsems, ssems = (gsem0, gsem1), (ssem0, ssem1)

    def fire(ci, b):
        off = pl.ds((half_base + ci * CHUNK) * W, ROWS_PER_CHUNK)

        @pl.when(wid < NW // 2)
        def _():
            pltpu.sync_copy(pos_idx_hbm.at[off], idxs[b])

        @pl.when(wid >= NW // 2)
        def _():
            pltpu.sync_copy(neg_idx_hbm.at[off], idxs[b])

        pltpu.async_copy(emb_hbm.at[idxs[b]], rows[b], gsems[b])

    def drain_gather(b):
        pltpu.make_async_copy(emb_hbm.at[idxs[b]], rows[b], gsems[b]).wait()

    def store(ci, b):
        pltpu.async_copy(
            douts[b].at[pl.ds(0, DOTS_PER_CHUNK)],
            dots_hbm.at[pl.ds((walk_base + ci * CHUNK) * R,
                              DOTS_PER_CHUNK)],
            ssems[b])

    def drain_store(ci, b):
        pltpu.make_async_copy(
            douts[b].at[pl.ds(0, DOTS_PER_CHUNK)],
            dots_hbm.at[pl.ds((walk_base + ci * CHUNK) * R,
                              DOTS_PER_CHUNK)],
            ssems[b]).wait()

    lane = lax.iota(jnp.int32, L)

    def compute(b):
        rbuf, dbuf = rows[b], douts[b]

        def walk_body(w, c2):
            base = w * W
            svec = [rbuf[base, pl.ds(k * L, L)] for k in range(D // L)]
            dv0 = jnp.zeros((L,), jnp.float32)
            dv1 = jnp.zeros((L,), jnp.float32)
            for j in range(R):
                r = base + 1 + j
                acc = svec[0] * rbuf[r, pl.ds(0, L)]
                for k in range(1, D // L):
                    acc = acc + svec[k] * rbuf[r, pl.ds(k * L, L)]
                for sh in (8, 4, 2, 1):
                    acc = acc + acc.at[lane ^ sh].get(
                        mode="promise_in_bounds")
                if j < L:
                    dv0 = jnp.where(lane == j, acc, dv0)
                else:
                    dv1 = jnp.where(lane == (j - L), acc, dv1)
            dbuf[pl.ds(w * R, L)] = dv0
            dbuf[pl.ds(w * R + L, L)] = dv1
            return c2

        lax.fori_loop(0, CHUNK, walk_body, 0, unroll=False)

    fire(0, 0)

    def outer(g, carry):
        for b in range(2):
            ci = g * 2 + b

            @pl.when(ci + 1 < N_CHUNKS)
            def _():
                fire(ci + 1, 1 - b)

            drain_gather(b)

            @pl.when(ci >= 2)
            def _():
                drain_store(ci, b)

            compute(b)
            store(ci, b)
        return carry

    lax.fori_loop(0, N_CHUNKS // 2, outer, 0, unroll=False)
    drain_store(N_CHUNKS - 2, 0)
    drain_store(N_CHUNKS - 1, 1)


_sc_dots = functools.partial(
    pl.kernel,
    out_type=jax.ShapeDtypeStruct((2 * B * R,), jnp.float32),
    mesh=plsc.VectorSubcoreMesh(core_axis_name="c", subcore_axis_name="s"),
    scratch_types=[
        pltpu.VMEM((ROWS_PER_CHUNK,), jnp.int32),
        pltpu.VMEM((ROWS_PER_CHUNK,), jnp.int32),
        pltpu.VMEM((ROWS_PER_CHUNK, D), jnp.float32),
        pltpu.VMEM((ROWS_PER_CHUNK, D), jnp.float32),
        pltpu.VMEM((DOTS_PER_CHUNK + L,), jnp.float32),
        pltpu.VMEM((DOTS_PER_CHUNK + L,), jnp.float32),
        pltpu.SemaphoreType.DMA,
        pltpu.SemaphoreType.DMA,
        pltpu.SemaphoreType.DMA,
        pltpu.SemaphoreType.DMA,
    ],
)(_sc_dots_body)


def _tc_loss_body(dots_ref, out_ref):
    x = dots_ref[...]
    half = x.shape[0] // 2
    pos = x[:half]
    neg = x[half:]
    pos_terms = -jnp.log(jax.nn.sigmoid(pos) + EPS)
    neg_terms = -jnp.log(1.0 - jax.nn.sigmoid(neg) + EPS)
    out_ref[0, 0] = (jnp.sum(pos_terms) + jnp.sum(neg_terms)) / (B * R)


_tc_loss = pl.pallas_call(
    _tc_loss_body,
    out_shape=jax.ShapeDtypeStruct((1, 1), jnp.float32),
    in_specs=[pl.BlockSpec(memory_space=pltpu.VMEM)],
    out_specs=pl.BlockSpec(memory_space=pltpu.SMEM),
)


def kernel(emb_weight, pos_rw, neg_rw):
    dots = _sc_dots(emb_weight, pos_rw.reshape(-1), neg_rw.reshape(-1))
    loss = _tc_loss(dots.reshape(2 * B * R // 256, 256))
    return loss[0, 0]

# --- scband reference (transcript-rebuilt; emitter-appended) ---
"""Pipeline reference for scband-node2-vec-17214228922703 (READ-ONLY COPY).

The authoritative reference and input builder live on the scoring server;
editing this copy changes nothing except your own understanding.
"""

import jax, jax.numpy as jnp
import numpy as np

EPS = 1e-15
NUM_NODES = 100000
EMBED_DIM = 128
BATCH = 16384
WALK_LEN = 21


def setup_inputs(seed: int = 0) -> dict:
    key = jax.random.key(seed)
    k1, k2, k3 = jax.random.split(key, 3)
    # nn.Embedding default init: N(0, 1)
    emb_weight = jax.random.normal(k1, (NUM_NODES, EMBED_DIM), dtype=jnp.float32)
    pos_rw = jax.random.randint(k2, (BATCH, WALK_LEN), 0, NUM_NODES, dtype=jnp.int64 if jax.config.jax_enable_x64 else jnp.int32)
    neg_rw = jax.random.randint(k3, (BATCH, WALK_LEN), 0, NUM_NODES, dtype=jnp.int64 if jax.config.jax_enable_x64 else jnp.int32)
    return {"emb_weight": emb_weight, "pos_rw": pos_rw, "neg_rw": neg_rw}


def _walk_loss(emb_weight, rw, positive):
    start = rw[:, 0]
    rest = rw[:, 1:]
    B = rw.shape[0]
    h_start = jnp.take(emb_weight, start, axis=0).reshape(B, 1, EMBED_DIM)
    h_rest = jnp.take(emb_weight, rest.reshape(-1), axis=0).reshape(B, -1, EMBED_DIM)
    out = (h_start * h_rest).sum(axis=-1).reshape(-1)
    if positive:
        return -jnp.log(jax.nn.sigmoid(out) + EPS).mean()
    else:
        return -jnp.log(1.0 - jax.nn.sigmoid(out) + EPS).mean()


def reference(emb_weight, pos_rw, neg_rw):
    # Node2Vec.forward(data1=pos_rw, data2=neg_rw) -> self.loss(pos_rw, neg_rw)
    pos_loss = _walk_loss(emb_weight, pos_rw, True)
    neg_loss = _walk_loss(emb_weight, neg_rw, False)
    return pos_loss + neg_loss

if __name__ == "__main__":
    import jax
    _d = setup_inputs()
    print(jax.jit(kernel)(*tuple(_d.values())))

</pallas_src>

<mosaic_0001>
#map = affine_map<(d0, d1) -> (0, 0)>
#map1 = affine_map<(d0, d1) -> (0)>
module attributes {stable_mosaic.version = 14 : i64} {
  func.func @_sc_dots_body(%arg0: i32, %arg1: i32, %arg2: memref<100000x128xf32, #tpu.memory_space<hbm>>, %arg3: memref<344064xi32, #tpu.memory_space<hbm>>, %arg4: memref<344064xi32, #tpu.memory_space<hbm>>, %arg5: memref<655360xf32, #tpu.memory_space<hbm>>, %arg6: memref<336xi32, #tpu.memory_space<vmem>>, %arg7: memref<336xi32, #tpu.memory_space<vmem>>, %arg8: memref<336x128xf32, #tpu.memory_space<vmem>>, %arg9: memref<336x128xf32, #tpu.memory_space<vmem>>, %arg10: memref<336xf32, #tpu.memory_space<vmem>>, %arg11: memref<336xf32, #tpu.memory_space<vmem>>, %arg12: memref<!tpu.dma_semaphore, #tpu.memory_space<semaphore_mem>>, %arg13: memref<!tpu.dma_semaphore, #tpu.memory_space<semaphore_mem>>, %arg14: memref<!tpu.dma_semaphore, #tpu.memory_space<semaphore_mem>>, %arg15: memref<!tpu.dma_semaphore, #tpu.memory_space<semaphore_mem>>) attributes {dimension_semantics = [#tpu.dimension_semantics<core_parallel>, #tpu.dimension_semantics<subcore_parallel>], iteration_bounds = array<i64: 2, 16>, scalar_prefetch = 0 : i64, scratch_operands = 10 : i64, tpu.core_type = #tpu.core_type<sc_vector_subcore>, window_params = [{transform_indices = #map}, {transform_indices = #map1}, {transform_indices = #map1}, {transform_indices = #map1}]} {
    %mul3A = arith.constant 2 : i32
    %mul3A_0 = arith.muli %arg1, %mul3A : i32
    %add3A = arith.addi %mul3A_0, %arg0 : i32
    %mul3A_1 = arith.constant 1024 : i32
    %mul3A_2 = arith.muli %add3A, %mul3A_1 : i32
    %jit3A = arith.constant 16 : i32
    %eq3A = arith.constant 0 : i32
    %eq3A_3 = arith.cmpi eq, %jit3A, %eq3A : i32
    %jit3A_4 = arith.constant 1 : i32
    %select_n3A = arith.select %eq3A_3, %jit3A_4, %jit3A : i32
    %rem3A = arith.remsi %add3A, %select_n3A : i32
    %ne3A = arith.constant 0 : i32
    %ne3A_5 = arith.cmpi ne, %rem3A, %ne3A : i32
    %lt3A = arith.constant 0 : i32
    %lt3A_6 = arith.cmpi slt, %rem3A, %lt3A : i32
    %lt3A_7 = arith.constant 0 : i32
    %lt3A_8 = arith.cmpi slt, %select_n3A, %lt3A_7 : i32
    %ne3A_9 = arith.xori %lt3A_6, %lt3A_8 : i1
    %and3A = arith.andi %ne3A_9, %ne3A_5 : i1
    %add3A_10 = arith.addi %rem3A, %select_n3A : i32
    %select_n3A_11 = arith.select %and3A, %add3A_10, %rem3A : i32
    %mul3A_12 = arith.constant 1024 : i32
    %mul3A_13 = arith.muli %select_n3A_11, %mul3A_12 : i32
    %iota3A = tpu.iota {dimensions = array<i32: 0>} : vector<16xi32>
    %add3A_14 = arith.constant 0 : i32
    %add3A_15 = arith.addi %mul3A_13, %add3A_14 : i32
    %mul3A_16 = arith.constant 21 : i32
    %mul3A_17 = arith.muli %add3A_15, %mul3A_16 : i32
    %lt3A_18 = arith.constant 16 : i32
    %lt3A_19 = arith.cmpi slt, %add3A, %lt3A_18 : i32
    %convert_element_type3A = arith.extui %lt3A_19 : i1 to i32
    %cond3A = arith.constant 0 : i32
    %cond3A_20 = arith.cmpi ne, %convert_element_type3A, %cond3A : i32
    scf.if %cond3A_20 {
      "tpu.region"() ({
        %run_scoped3A = tpu.sem_alloc : memref<!tpu.dma_semaphore, #tpu.memory_space<semaphore_mem>>
        %dma_start3A_51 = tpu.memref_slice %arg3[%mul3A_17] : memref<344064xi32, #tpu.memory_space<hbm>> -> memref<336xi32, #tpu.memory_space<hbm>>
        %dma_start3A_52 = tpu.memref_slice %arg3[%mul3A_17] : memref<344064xi32, #tpu.memory_space<hbm>> -> memref<336xi32, #tpu.memory_space<hbm>>
        tpu.enqueue_dma source(%dma_start3A_52 : memref<336xi32, #tpu.memory_space<hbm>>) target(%arg6 : memref<336xi32, #tpu.memory_space<vmem>>) target_semaphore(%run_scoped3A : memref<!tpu.dma_semaphore, #tpu.memory_space<semaphore_mem>>)
        %dma_wait3A_53 = tpu.memref_slice %arg3[%mul3A_17] : memref<344064xi32, #tpu.memory_space<hbm>> -> memref<336xi32, #tpu.memory_space<hbm>>
        %dma_wait3A_54 = tpu.memref_slice %arg3[%mul3A_17] : memref<344064xi32, #tpu.memory_space<hbm>> -> memref<336xi32, #tpu.memory_space<hbm>>
        tpu.wait_dma2 semaphore(%run_scoped3A : memref<!tpu.dma_semaphore, #tpu.memory_space<semaphore_mem>>) src(%dma_wait3A_54 : memref<336xi32, #tpu.memory_space<hbm>>) dst(%arg6 : memref<336xi32, #tpu.memory_space<vmem>>)
        tpu.yield
      }) : () -> ()
    } else {
    }
    %ge3A = arith.constant 16 : i32
    %ge3A_21 = arith.cmpi sge, %add3A, %ge3A : i32
    %convert_element_type3A_22 = arith.extui %ge3A_21 : i1 to i32
    %cond3A_23 = arith.constant 0 : i32
    %cond3A_24 = arith.cmpi ne, %convert_element_type3A_22, %cond3A_23 : i32
    scf.if %cond3A_24 {
      "tpu.region"() ({
        %run_scoped3A = tpu.sem_alloc : memref<!tpu.dma_semaphore, #tpu.memory_space<semaphore_mem>>
        %dma_start3A_51 = tpu.memref_slice %arg4[%mul3A_17] : memref<344064xi32, #tpu.memory_space<hbm>> -> memref<336xi32, #tpu.memory_space<hbm>>
        %dma_start3A_52 = tpu.memref_slice %arg4[%mul3A_17] : memref<344064xi32, #tpu.memory_space<hbm>> -> memref<336xi32, #tpu.memory_space<hbm>>
        tpu.enqueue_dma source(%dma_start3A_52 : memref<336xi32, #tpu.memory_space<hbm>>) target(%arg6 : memref<336xi32, #tpu.memory_space<vmem>>) target_semaphore(%run_scoped3A : memref<!tpu.dma_semaphore, #tpu.memory_space<semaphore_mem>>)
        %dma_wait3A_53 = tpu.memref_slice %arg4[%mul3A_17] : memref<344064xi32, #tpu.memory_space<hbm>> -> memref<336xi32, #tpu.memory_space<hbm>>
        %dma_wait3A_54 = tpu.memref_slice %arg4[%mul3A_17] : memref<344064xi32, #tpu.memory_space<hbm>> -> memref<336xi32, #tpu.memory_space<hbm>>
        tpu.wait_dma2 semaphore(%run_scoped3A : memref<!tpu.dma_semaphore, #tpu.memory_space<semaphore_mem>>) src(%dma_wait3A_54 : memref<336xi32, #tpu.memory_space<hbm>>) dst(%arg6 : memref<336xi32, #tpu.memory_space<vmem>>)
        tpu.yield
      }) : () -> ()
    } else {
    }
    %dma_start3A = arith.constant 0 : i32
    %dma_start3A_25 = arith.constant 0 : i32
    %dma_start3A_26 = tpu.memref_slice %arg2[%dma_start3A, %dma_start3A_25] : memref<100000x128xf32, #tpu.memory_space<hbm>> -> memref<100000x128xf32, #tpu.memory_space<hbm>>
    tpu.enqueue_indirect_dma source(%dma_start3A_26 : memref<100000x128xf32, #tpu.memory_space<hbm>>) target(%arg8 : memref<336x128xf32, #tpu.memory_space<vmem>>) offsets(%arg6 : memref<336xi32, #tpu.memory_space<vmem>>) semaphore(%arg12 : memref<!tpu.dma_semaphore, #tpu.memory_space<semaphore_mem>>)
    %scan3A = arith.constant 0 : i32
    %scan3A_27 = arith.constant 0 : i32
    %scan3A_28 = arith.constant 32 : i32
    %scan3A_29 = arith.addi %scan3A_27, %scan3A_28 : i32
    %scan3A_30 = arith.constant 1 : i32
    scf.for %scan3A_51 = %scan3A_27 to %scan3A_29 step %scan3A_30  : i32 {
      %mul3A_52 = arith.constant 2 : i32
      %mul3A_53 = arith.muli %scan3A_51, %mul3A_52 : i32
      %add3A_54 = arith.constant 0 : i32
      %add3A_55 = arith.addi %mul3A_53, %add3A_54 : i32
      %add3A_56 = arith.constant 1 : i32
      %add3A_57 = arith.addi %add3A_55, %add3A_56 : i32
      %lt3A_58 = arith.constant 64 : i32
      %lt3A_59 = arith.cmpi slt, %add3A_57, %lt3A_58 : i32
      %convert_element_type3A_60 = arith.extui %lt3A_59 : i1 to i32
      %cond3A_61 = arith.constant 0 : i32
      %cond3A_62 = arith.cmpi ne, %convert_element_type3A_60, %cond3A_61 : i32
      scf.if %cond3A_62 {
        %add3A_124 = arith.constant 1 : i32
        %add3A_125 = arith.addi %add3A_55, %add3A_124 : i32
        %mul3A_126 = arith.constant 16 : i32
        %mul3A_127 = arith.muli %add3A_125, %mul3A_126 : i32
        %add3A_128 = arith.addi %mul3A_13, %mul3A_127 : i32
        %mul3A_129 = arith.constant 21 : i32
        %mul3A_130 = arith.muli %add3A_128, %mul3A_129 : i32
        %lt3A_131 = arith.constant 16 : i32
        %lt3A_132 = arith.cmpi slt, %add3A, %lt3A_131 : i32
        %convert_element_type3A_133 = arith.extui %lt3A_132 : i1 to i32
        %cond3A_134 = arith.constant 0 : i32
        %cond3A_135 = arith.cmpi ne, %convert_element_type3A_133, %cond3A_134 : i32
        scf.if %cond3A_135 {
          "tpu.region"() ({
            %run_scoped3A = tpu.sem_alloc : memref<!tpu.dma_semaphore, #tpu.memory_space<semaphore_mem>>
            %dma_start3A_144 = tpu.memref_slice %arg3[%mul3A_130] : memref<344064xi32, #tpu.memory_space<hbm>> -> memref<336xi32, #tpu.memory_space<hbm>>
            %dma_start3A_145 = tpu.memref_slice %arg3[%mul3A_130] : memref<344064xi32, #tpu.memory_space<hbm>> -> memref<336xi32, #tpu.memory_space<hbm>>
            tpu.enqueue_dma source(%dma_start3A_145 : memref<336xi32, #tpu.memory_space<hbm>>) target(%arg7 : memref<336xi32, #tpu.memory_space<vmem>>) target_semaphore(%run_scoped3A : memref<!tpu.dma_semaphore, #tpu.memory_space<semaphore_mem>>)
            %dma_wait3A_146 = tpu.memref_slice %arg3[%mul3A_130] : memref<344064xi32, #tpu.memory_space<hbm>> -> memref<336xi32, #tpu.memory_space<hbm>>
            %dma_wait3A_147 = tpu.memref_slice %arg3[%mul3A_130] : memref<344064xi32, #tpu.memory_space<hbm>> -> memref<336xi32, #tpu.memory_space<hbm>>
            tpu.wait_dma2 semaphore(%run_scoped3A : memref<!tpu.dma_semaphore, #tpu.memory_space<semaphore_mem>>) src(%dma_wait3A_147 : memref<336xi32, #tpu.memory_space<hbm>>) dst(%arg7 : memref<336xi32, #tpu.memory_space<vmem>>)
            tpu.yield
          }) : () -> ()
        } else {
        }
        %ge3A_136 = arith.constant 16 : i32
        %ge3A_137 = arith.cmpi sge, %add3A, %ge3A_136 : i32
        %convert_element_type3A_138 = arith.extui %ge3A_137 : i1 to i32
        %cond3A_139 = arith.constant 0 : i32
        %cond3A_140 = arith.cmpi ne, %convert_element_type3A_138, %cond3A_139 : i32
        scf.if %cond3A_140 {
          "tpu.region"() ({
            %run_scoped3A = tpu.sem_alloc : memref<!tpu.dma_semaphore, #tpu.memory_space<semaphore_mem>>
            %dma_start3A_144 = tpu.memref_slice %arg4[%mul3A_130] : memref<344064xi32, #tpu.memory_space<hbm>> -> memref<336xi32, #tpu.memory_space<hbm>>
            %dma_start3A_145 = tpu.memref_slice %arg4[%mul3A_130] : memref<344064xi32, #tpu.memory_space<hbm>> -> memref<336xi32, #tpu.memory_space<hbm>>
            tpu.enqueue_dma source(%dma_start3A_145 : memref<336xi32, #tpu.memory_space<hbm>>) target(%arg7 : memref<336xi32, #tpu.memory_space<vmem>>) target_semaphore(%run_scoped3A : memref<!tpu.dma_semaphore, #tpu.memory_space<semaphore_mem>>)
            %dma_wait3A_146 = tpu.memref_slice %arg4[%mul3A_130] : memref<344064xi32, #tpu.memory_space<hbm>> -> memref<336xi32, #tpu.memory_space<hbm>>
            %dma_wait3A_147 = tpu.memref_slice %arg4[%mul3A_130] : memref<344064xi32, #tpu.memory_space<hbm>> -> memref<336xi32, #tpu.memory_space<hbm>>
            tpu.wait_dma2 semaphore(%run_scoped3A : memref<!tpu.dma_semaphore, #tpu.memory_space<semaphore_mem>>) src(%dma_wait3A_147 : memref<336xi32, #tpu.memory_space<hbm>>) dst(%arg7 : memref<336xi32, #tpu.memory_space<vmem>>)
            tpu.yield
          }) : () -> ()
        } else {
        }
        %dma_start3A_141 = arith.constant 0 : i32
        %dma_start3A_142 = arith.constant 0 : i32
        %dma_start3A_143 = tpu.memref_slice %arg2[%dma_start3A_141, %dma_start3A_142] : memref<100000x128xf32, #tpu.memory_space<hbm>> -> memref<100000x128xf32, #tpu.memory_space<hbm>>
        tpu.enqueue_indirect_dma source(%dma_start3A_143 : memref<100000x128xf32, #tpu.memory_space<hbm>>) target(%arg9 : memref<336x128xf32, #tpu.memory_space<vmem>>) offsets(%arg7 : memref<336xi32, #tpu.memory_space<vmem>>) semaphore(%arg13 : memref<!tpu.dma_semaphore, #tpu.memory_space<semaphore_mem>>)
      } else {
      }
      %dma_wait3A_63 = arith.constant 0 : i32
      %dma_wait3A_64 = arith.constant 0 : i32
      %dma_wait3A_65 = tpu.memref_slice %arg2[%dma_wait3A_63, %dma_wait3A_64] : memref<100000x128xf32, #tpu.memory_space<hbm>> -> memref<100000x128xf32, #tpu.memory_space<hbm>>
      tpu.wait_indirect_dma semaphore(%arg12 : memref<!tpu.dma_semaphore, #tpu.memory_space<semaphore_mem>>) src(%dma_wait3A_65 : memref<100000x128xf32, #tpu.memory_space<hbm>>) dst(%arg8 : memref<336x128xf32, #tpu.memory_space<vmem>>)
      %ge3A_66 = arith.constant 2 : i32
      %ge3A_67 = arith.cmpi sge, %add3A_55, %ge3A_66 : i32
      %convert_element_type3A_68 = arith.extui %ge3A_67 : i1 to i32
      %cond3A_69 = arith.constant 0 : i32
      %cond3A_70 = arith.cmpi ne, %convert_element_type3A_68, %cond3A_69 : i32
      scf.if %cond3A_70 {
        %mul3A_124 = arith.constant 16 : i32
        %mul3A_125 = arith.muli %add3A_55, %mul3A_124 : i32
        %add3A_126 = arith.addi %mul3A_2, %mul3A_125 : i32
        %mul3A_127 = arith.constant 20 : i32
        %mul3A_128 = arith.muli %add3A_126, %mul3A_127 : i32
        %dma_wait3A_129 = arith.constant 0 : i32
        %dma_wait3A_130 = tpu.memref_slice %arg10[%dma_wait3A_129] : memref<336xf32, #tpu.memory_space<vmem>> -> memref<320xf32, #tpu.memory_space<vmem>>
        %dma_wait3A_131 = tpu.memref_slice %arg5[%mul3A_128] : memref<655360xf32, #tpu.memory_space<hbm>> -> memref<320xf32, #tpu.memory_space<hbm>>
        %dma_wait3A_132 = tpu.memref_slice %arg5[%mul3A_128] : memref<655360xf32, #tpu.memory_space<hbm>> -> memref<320xf32, #tpu.memory_space<hbm>>
        %dma_wait3A_133 = arith.constant 0 : i32
        %dma_wait3A_134 = tpu.memref_slice %arg10[%dma_wait3A_133] : memref<336xf32, #tpu.memory_space<vmem>> -> memref<320xf32, #tpu.memory_space<vmem>>
        tpu.wait_dma2 semaphore(%arg14 : memref<!tpu.dma_semaphore, #tpu.memory_space<semaphore_mem>>) src(%dma_wait3A_134 : memref<320xf32, #tpu.memory_space<vmem>>) dst(%dma_wait3A_132 : memref<320xf32, #tpu.memory_space<hbm>>)
      } else {
      }
      %scan3A_71 = arith.constant 0 : i32
      %scan3A_72 = arith.constant 0 : i32
      %scan3A_73 = arith.constant 16 : i32
      %scan3A_74 = arith.addi %scan3A_72, %scan3A_73 : i32
      %scan3A_75 = arith.constant 1 : i32
      scf.for %scan3A_124 = %scan3A_72 to %scan3A_74 step %scan3A_75  : i32 {
        %mul3A_125 = arith.constant 21 : i32
        %mul3A_126 = arith.muli %scan3A_124, %mul3A_125 : i32
        %get3A = arith.index_cast %mul3A_126 : i32 to index
        %get3A_127 = arith.constant 0 : index
        %get3A_128 = tpu.vector_load %arg8[%get3A, %get3A_127] {strides = array<i32>} : memref<336x128xf32, #tpu.memory_space<vmem>>, vector<1x16xf32>,
        %get3A_129 = vector.shape_cast %get3A_128 : vector<1x16xf32> to vector<16xf32>
        %get3A_130 = arith.index_cast %mul3A_126 : i32 to index
        %get3A_131 = arith.constant 16 : index
        %get3A_132 = tpu.vector_load %arg8[%get3A_130, %get3A_131] {strides = array<i32>} : memref<336x128xf32, #tpu.memory_space<vmem>>, vector<1x16xf32>,
        %get3A_133 = vector.shape_cast %get3A_132 : vector<1x16xf32> to vector<16xf32>
        %get3A_134 = arith.index_cast %mul3A_126 : i32 to index
        %get3A_135 = arith.constant 32 : index
        %get3A_136 = tpu.vector_load %arg8[%get3A_134, %get3A_135] {strides = array<i32>} : memref<336x128xf32, #tpu.memory_space<vmem>>, vector<1x16xf32>,
        %get3A_137 = vector.shape_cast %get3A_136 : vector<1x16xf32> to vector<16xf32>
        %get3A_138 = arith.index_cast %mul3A_126 : i32 to index
        %get3A_139 = arith.constant 48 : index
        %get3A_140 = tpu.vector_load %arg8[%get3A_138, %get3A_139] {strides = array<i32>} : memref<336x128xf32, #tpu.memory_space<vmem>>, vector<1x16xf32>,
        %get3A_141 = vector.shape_cast %get3A_140 : vector<1x16xf32> to vector<16xf32>
        %get3A_142 = arith.index_cast %mul3A_126 : i32 to index
        %get3A_143 = arith.constant 64 : index
        %get3A_144 = tpu.vector_load %arg8[%get3A_142, %get3A_143] {strides = array<i32>} : memref<336x128xf32, #tpu.memory_space<vmem>>, vector<1x16xf32>,
        %get3A_145 = vector.shape_cast %get3A_144 : vector<1x16xf32> to vector<16xf32>
        %get3A_146 = arith.index_cast %mul3A_126 : i32 to index
        %get3A_147 = arith.constant 80 : index
        %get3A_148 = tpu.vector_load %arg8[%get3A_146, %get3A_147] {strides = array<i32>} : memref<336x128xf32, #tpu.memory_space<vmem>>, vector<1x16xf32>,
        %get3A_149 = vector.shape_cast %get3A_148 : vector<1x16xf32> to vector<16xf32>
        %get3A_150 = arith.index_cast %mul3A_126 : i32 to index
        %get3A_151 = arith.constant 96 : index
        %get3A_152 = tpu.vector_load %arg8[%get3A_150, %get3A_151] {strides = array<i32>} : memref<336x128xf32, #tpu.memory_space<vmem>>, vector<1x16xf32>,
        %get3A_153 = vector.shape_cast %get3A_152 : vector<1x16xf32> to vector<16xf32>
        %get3A_154 = arith.index_cast %mul3A_126 : i32 to index
        %get3A_155 = arith.constant 112 : index
        %get3A_156 = tpu.vector_load %arg8[%get3A_154, %get3A_155] {strides = array<i32>} : memref<336x128xf32, #tpu.memory_space<vmem>>, vector<1x16xf32>,
        %get3A_157 = vector.shape_cast %get3A_156 : vector<1x16xf32> to vector<16xf32>
        %broadcast_in_dim3A = arith.constant 0.000000e+00 : f32
        %broadcast_in_dim3A_158 = vector.broadcast %broadcast_in_dim3A : f32 to vector<16xf32>
        %broadcast_in_dim3A_159 = arith.constant 0.000000e+00 : f32
        %broadcast_in_dim3A_160 = vector.broadcast %broadcast_in_dim3A_159 : f32 to vector<16xf32>
        %add3A_161 = arith.constant 1 : i32
        %add3A_162 = arith.addi %mul3A_126, %add3A_161 : i32
        %add3A_163 = arith.constant 0 : i32
        %add3A_164 = arith.addi %add3A_162, %add3A_163 : i32
        %get3A_165 = arith.index_cast %add3A_164 : i32 to index
        %get3A_166 = arith.constant 0 : index
        %get3A_167 = tpu.vector_load %arg8[%get3A_165, %get3A_166] {strides = array<i32>} : memref<336x128xf32, #tpu.memory_space<vmem>>, vector<1x16xf32>,
        %get3A_168 = vector.shape_cast %get3A_167 : vector<1x16xf32> to vector<16xf32>
        %mul3A_169 = arith.mulf %get3A_129, %get3A_168 : vector<16xf32>
        %get3A_170 = arith.index_cast %add3A_164 : i32 to index
        %get3A_171 = arith.constant 16 : index
        %get3A_172 = tpu.vector_load %arg8[%get3A_170, %get3A_171] {strides = array<i32>} : memref<336x128xf32, #tpu.memory_space<vmem>>, vector<1x16xf32>,
        %get3A_173 = vector.shape_cast %get3A_172 : vector<1x16xf32> to vector<16xf32>
        %mul3A_174 = arith.mulf %get3A_133, %get3A_173 : vector<16xf32>
        %add3A_175 = arith.addf %mul3A_169, %mul3A_174 : vector<16xf32>
        %get3A_176 = arith.index_cast %add3A_164 : i32 to index
        %get3A_177 = arith.constant 32 : index
        %get3A_178 = tpu.vector_load %arg8[%get3A_176, %get3A_177] {strides = array<i32>} : memref<336x128xf32, #tpu.memory_space<vmem>>, vector<1x16xf32>,
        %get3A_179 = vector.shape_cast %get3A_178 : vector<1x16xf32> to vector<16xf32>
        %mul3A_180 = arith.mulf %get3A_137, %get3A_179 : vector<16xf32>
        %add3A_181 = arith.addf %add3A_175, %mul3A_180 : vector<16xf32>
        %get3A_182 = arith.index_cast %add3A_164 : i32 to index
        %get3A_183 = arith.constant 48 : index
        %get3A_184 = tpu.vector_load %arg8[%get3A_182, %get3A_183] {strides = array<i32>} : memref<336x128xf32, #tpu.memory_space<vmem>>, vector<1x16xf32>,
        %get3A_185 = vector.shape_cast %get3A_184 : vector<1x16xf32> to vector<16xf32>
        %mul3A_186 = arith.mulf %get3A_141, %get3A_185 : vector<16xf32>
        %add3A_187 = arith.addf %add3A_181, %mul3A_186 : vector<16xf32>
        %get3A_188 = arith.index_cast %add3A_164 : i32 to index
        %get3A_189 = arith.constant 64 : index
        %get3A_190 = tpu.vector_load %arg8[%get3A_188, %get3A_189] {strides = array<i32>} : memref<336x128xf32, #tpu.memory_space<vmem>>, vector<1x16xf32>,
        %get3A_191 = vector.shape_cast %get3A_190 : vector<1x16xf32> to vector<16xf32>
        %mul3A_192 = arith.mulf %get3A_145, %get3A_191 : vector<16xf32>
        %add3A_193 = arith.addf %add3A_187, %mul3A_192 : vector<16xf32>
        %get3A_194 = arith.index_cast %add3A_164 : i32 to index
        %get3A_195 = arith.constant 80 : index
        %get3A_196 = tpu.vector_load %arg8[%get3A_194, %get3A_195] {strides = array<i32>} : memref<336x128xf32, #tpu.memory_space<vmem>>, vector<1x16xf32>,
        %get3A_197 = vector.shape_cast %get3A_196 : vector<1x16xf32> to vector<16xf32>
        %mul3A_198 = arith.mulf %get3A_149, %get3A_197 : vector<16xf32>
        %add3A_199 = arith.addf %add3A_193, %mul3A_198 : vector<16xf32>
        %get3A_200 = arith.index_cast %add3A_164 : i32 to index
        %get3A_201 = arith.constant 96 : index
        %get3A_202 = tpu.vector_load %arg8[%get3A_200, %get3A_201] {strides = array<i32>} : memref<336x128xf32, #tpu.memory_space<vmem>>, vector<1x16xf32>,
        %get3A_203 = vector.shape_cast %get3A_202 : vector<1x16xf32> to vector<16xf32>
        %mul3A_204 = arith.mulf %get3A_153, %get3A_203 : vector<16xf32>
        %add3A_205 = arith.addf %add3A_199, %mul3A_204 : vector<16xf32>
        %get3A_206 = arith.index_cast %add3A_164 : i32 to index
        %get3A_207 = arith.constant 112 : index
        %get3A_208 = tpu.vector_load %arg8[%get3A_206, %get3A_207] {strides = array<i32>} : memref<336x128xf32, #tpu.memory_space<vmem>>, vector<1x16xf32>,
        %get3A_209 = vector.shape_cast %get3A_208 : vector<1x16xf32> to vector<16xf32>
        %mul3A_210 = arith.mulf %get3A_157, %get3A_209 : vector<16xf32>
        %add3A_211 = arith.addf %add3A_205, %mul3A_210 : vector<16xf32>
        %xor3A = arith.constant 8 : i32
        %xor3A_212 = vector.broadcast %xor3A : i32 to vector<16xi32>
        %xor3A_213 = arith.xori %iota3A, %xor3A_212 : vector<16xi32>
        %lt3A_214 = arith.constant 0 : i32
        %lt3A_215 = vector.broadcast %lt3A_214 : i32 to vector<16xi32>
        %lt3A_216 = arith.cmpi slt, %xor3A_213, %lt3A_215 : vector<16xi32>
        %add3A_217 = arith.constant 16 : i32
        %add3A_218 = vector.broadcast %add3A_217 : i32 to vector<16xi32>
        %add3A_219 = arith.addi %xor3A_213, %add3A_218 : vector<16xi32>
        %select_n3A_220 = arith.select %lt3A_216, %add3A_219, %xor3A_213 : vector<16xi1>, vector<16xi32>
        %broadcast_in_dim3A_221 = vector.shape_cast %select_n3A_220 : vector<16xi32> to vector<16x1xi32>
        %gather3A = vector.shape_cast %broadcast_in_dim3A_221 : vector<16x1xi32> to vector<16xi32>
        %gather3A_222 = tpu.dynamic_gather %add3A_211[%gather3A] in [0] : vector<16xf32>, vector<16xi32> -> vector<16xf32>
        %add3A_223 = arith.addf %add3A_211, %gather3A_222 : vector<16xf32>
        %xor3A_224 = arith.constant 4 : i32
        %xor3A_225 = vector.broadcast %xor3A_224 : i32 to vector<16xi32>
        %xor3A_226 = arith.xori %iota3A, %xor3A_225 : vector<16xi32>
        %lt3A_227 = arith.constant 0 : i32
        %lt3A_228 = vector.broadcast %lt3A_227 : i32 to vector<16xi32>
        %lt3A_229 = arith.cmpi slt, %xor3A_226, %lt3A_228 : vector<16xi32>
        %add3A_230 = arith.constant 16 : i32
        %add3A_231 = vector.broadcast %add3A_230 : i32 to vector<16xi32>
        %add3A_232 = arith.addi %xor3A_226, %add3A_231 : vector<16xi32>
        %select_n3A_233 = arith.select %lt3A_229, %add3A_232, %xor3A_226 : vector<16xi1>, vector<16xi32>
        %broadcast_in_dim3A_234 = vector.shape_cast %select_n3A_233 : vector<16xi32> to vector<16x1xi32>
        %gather3A_235 = vector.shape_cast %broadcast_in_dim3A_234 : vector<16x1xi32> to vector<16xi32>
        %gather3A_236 = tpu.dynamic_gather %add3A_223[%gather3A_235] in [0] : vector<16xf32>, vector<16xi32> -> vector<16xf32>
        %add3A_237 = arith.addf %add3A_223, %gather3A_236 : vector<16xf32>
        %xor3A_238 = arith.constant 2 : i32
        %xor3A_239 = vector.broadcast %xor3A_238 : i32 to vector<16xi32>
        %xor3A_240 = arith.xori %iota3A, %xor3A_239 : vector<16xi32>
        %lt3A_241 = arith.constant 0 : i32
        %lt3A_242 = vector.broadcast %lt3A_241 : i32 to vector<16xi32>
        %lt3A_243 = arith.cmpi slt, %xor3A_240, %lt3A_242 : vector<16xi32>
        %add3A_244 = arith.constant 16 : i32
        %add3A_245 = vector.broadcast %add3A_244 : i32 to vector<16xi32>
        %add3A_246 = arith.addi %xor3A_240, %add3A_245 : vector<16xi32>
        %select_n3A_247 = arith.select %lt3A_243, %add3A_246, %xor3A_240 : vector<16xi1>, vector<16xi32>
        %broadcast_in_dim3A_248 = vector.shape_cast %select_n3A_247 : vector<16xi32> to vector<16x1xi32>
        %gather3A_249 = vector.shape_cast %broadcast_in_dim3A_248 : vector<16x1xi32> to vector<16xi32>
        %gather3A_250 = tpu.dynamic_gather %add3A_237[%gather3A_249] in [0] : vector<16xf32>, vector<16xi32> -> vector<16xf32>
        %add3A_251 = arith.addf %add3A_237, %gather3A_250 : vector<16xf32>
        %xor3A_252 = arith.constant 1 : i32
        %xor3A_253 = vector.broadcast %xor3A_252 : i32 to vector<16xi32>
        %xor3A_254 = arith.xori %iota3A, %xor3A_253 : vector<16xi32>
        %lt3A_255 = arith.constant 0 : i32
        %lt3A_256 = vector.broadcast %lt3A_255 : i32 to vector<16xi32>
        %lt3A_257 = arith.cmpi slt, %xor3A_254, %lt3A_256 : vector<16xi32>
        %add3A_258 = arith.constant 16 : i32
        %add3A_259 = vector.broadcast %add3A_258 : i32 to vector<16xi32>
        %add3A_260 = arith.addi %xor3A_254, %add3A_259 : vector<16xi32>
        %select_n3A_261 = arith.select %lt3A_257, %add3A_260, %xor3A_254 : vector<16xi1>, vector<16xi32>
        %broadcast_in_dim3A_262 = vector.shape_cast %select_n3A_261 : vector<16xi32> to vector<16x1xi32>
        %gather3A_263 = vector.shape_cast %broadcast_in_dim3A_262 : vector<16x1xi32> to vector<16xi32>
        %gather3A_264 = tpu.dynamic_gather %add3A_251[%gather3A_263] in [0] : vector<16xf32>, vector<16xi32> -> vector<16xf32>
        %add3A_265 = arith.addf %add3A_251, %gather3A_264 : vector<16xf32>
        %eq3A_266 = arith.constant 0 : i32
        %eq3A_267 = vector.broadcast %eq3A_266 : i32 to vector<16xi32>
        %eq3A_268 = arith.cmpi eq, %iota3A, %eq3A_267 : vector<16xi32>
        %select_n3A_269 = arith.select %eq3A_268, %add3A_265, %broadcast_in_dim3A_158 : vector<16xi1>, vector<16xf32>
        %add3A_270 = arith.constant 1 : i32
        %add3A_271 = arith.addi %mul3A_126, %add3A_270 : i32
        %add3A_272 = arith.constant 1 : i32
        %add3A_273 = arith.addi %add3A_271, %add3A_272 : i32
        %get3A_274 = arith.index_cast %add3A_273 : i32 to index
        %get3A_275 = arith.constant 0 : index
        %get3A_276 = tpu.vector_load %arg8[%get3A_274, %get3A_275] {strides = array<i32>} : memref<336x128xf32, #tpu.memory_space<vmem>>, vector<1x16xf32>,
        %get3A_277 = vector.shape_cast %get3A_276 : vector<1x16xf32> to vector<16xf32>
        %mul3A_278 = arith.mulf %get3A_129, %get3A_277 : vector<16xf32>
        %get3A_279 = arith.index_cast %add3A_273 : i32 to index
        %get3A_280 = arith.constant 16 : index
        %get3A_281 = tpu.vector_load %arg8[%get3A_279, %get3A_280] {strides = array<i32>} : memref<336x128xf32, #tpu.memory_space<vmem>>, vector<1x16xf32>,
        %get3A_282 = vector.shape_cast %get3A_281 : vector<1x16xf32> to vector<16xf32>
        %mul3A_283 = arith.mulf %get3A_133, %get3A_282 : vector<16xf32>
        %add3A_284 = arith.addf %mul3A_278, %mul3A_283 : vector<16xf32>
        %get3A_285 = arith.index_cast %add3A_273 : i32 to index
        %get3A_286 = arith.constant 32 : index
        %get3A_287 = tpu.vector_load %arg8[%get3A_285, %get3A_286] {strides = array<i32>} : memref<336x128xf32, #tpu.memory_space<vmem>>, vector<1x16xf32>,
        %get3A_288 = vector.shape_cast %get3A_287 : vector<1x16xf32> to vector<16xf32>
        %mul3A_289 = arith.mulf %get3A_137, %get3A_288 : vector<16xf32>
        %add3A_290 = arith.addf %add3A_284, %mul3A_289 : vector<16xf32>
        %get3A_291 = arith.index_cast %add3A_273 : i32 to index
        %get3A_292 = arith.constant 48 : index
        %get3A_293 = tpu.vector_load %arg8[%get3A_291, %get3A_292] {strides = array<i32>} : memref<336x128xf32, #tpu.memory_space<vmem>>, vector<1x16xf32>,
        %get3A_294 = vector.shape_cast %get3A_293 : vector<1x16xf32> to vector<16xf32>
        %mul3A_295 = arith.mulf %get3A_141, %get3A_294 : vector<16xf32>
        %add3A_296 = arith.addf %add3A_290, %mul3A_295 : vector<16xf32>
        %get3A_297 = arith.index_cast %add3A_273 : i32 to index
        %get3A_298 = arith.constant 64 : index
        %get3A_299 = tpu.vector_load %arg8[%get3A_297, %get3A_298] {strides = array<i32>} : memref<336x128xf32, #tpu.memory_space<vmem>>, vector<1x16xf32>,
        %get3A_300 = vector.shape_cast %get3A_299 : vector<1x16xf32> to vector<16xf32>
        %mul3A_301 = arith.mulf %get3A_145, %get3A_300 : vector<16xf32>
        %add3A_302 = arith.addf %add3A_296, %mul3A_301 : vector<16xf32>
        %get3A_303 = arith.index_cast %add3A_273 : i32 to index
        %get3A_304 = arith.constant 80 : index
        %get3A_305 = tpu.vector_load %arg8[%get3A_303, %get3A_304] {strides = array<i32>} : memref<336x128xf32, #tpu.memory_space<vmem>>, vector<1x16xf32>,
        %get3A_306 = vector.shape_cast %get3A_305 : vector<1x16xf32> to vector<16xf32>
        %mul3A_307 = arith.mulf %get3A_149, %get3A_306 : vector<16xf32>
        %add3A_308 = arith.addf %add3A_302, %mul3A_307 : vector<16xf32>
        %get3A_309 = arith.index_cast %add3A_273 : i32 to index
        %get3A_310 = arith.constant 96 : index
        %get3A_311 = tpu.vector_load %arg8[%get3A_309, %get3A_310] {strides = array<i32>} : memref<336x128xf32, #tpu.memory_space<vmem>>, vector<1x16xf32>,
        %get3A_312 = vector.shape_cast %get3A_311 : vector<1x16xf32> to vector<16xf32>
        %mul3A_313 = arith.mulf %get3A_153, %get3A_312 : vector<16xf32>
        %add3A_314 = arith.addf %add3A_308, %mul3A_313 : vector<16xf32>
        %get3A_315 = arith.index_cast %add3A_273 : i32 to index
        %get3A_316 = arith.constant 112 : index
        %get3A_317 = tpu.vector_load %arg8[%get3A_315, %get3A_316] {strides = array<i32>} : memref<336x128xf32, #tpu.memory_space<vmem>>, vector<1x16xf32>,
        %get3A_318 = vector.shape_cast %get3A_317 : vector<1x16xf32> to vector<16xf32>
        %mul3A_319 = arith.mulf %get3A_157, %get3A_318 : vector<16xf32>
        %add3A_320 = arith.addf %add3A_314, %mul3A_319 : vector<16xf32>
        %xor3A_321 = arith.constant 8 : i32
        %xor3A_322 = vector.broadcast %xor3A_321 : i32 to vector<16xi32>
        %xor3A_323 = arith.xori %iota3A, %xor3A_322 : vector<16xi32>
        %lt3A_324 = arith.constant 0 : i32
        %lt3A_325 = vector.broadcast %lt3A_324 : i32 to vector<16xi32>
        %lt3A_326 = arith.cmpi slt, %xor3A_323, %lt3A_325 : vector<16xi32>
        %add3A_327 = arith.constant 16 : i32
        %add3A_328 = vector.broadcast %add3A_327 : i32 to vector<16xi32>
        %add3A_329 = arith.addi %xor3A_323, %add3A_328 : vector<16xi32>
        %select_n3A_330 = arith.select %lt3A_326, %add3A_329, %xor3A_323 : vector<16xi1>, vector<16xi32>
        %broadcast_in_dim3A_331 = vector.shape_cast %select_n3A_330 : vector<16xi32> to vector<16x1xi32>
        %gather3A_332 = vector.shape_cast %broadcast_in_dim3A_331 : vector<16x1xi32> to vector<16xi32>
        %gather3A_333 = tpu.dynamic_gather %add3A_320[%gather3A_332] in [0] : vector<16xf32>, vector<16xi32> -> vector<16xf32>
        %add3A_334 = arith.addf %add3A_320, %gather3A_333 : vector<16xf32>
        %xor3A_335 = arith.constant 4 : i32
        %xor3A_336 = vector.broadcast %xor3A_335 : i32 to vector<16xi32>
        %xor3A_337 = arith.xori %iota3A, %xor3A_336 : vector<16xi32>
        %lt3A_338 = arith.constant 0 : i32
        %lt3A_339 = vector.broadcast %lt3A_338 : i32 to vector<16xi32>
        %lt3A_340 = arith.cmpi slt, %xor3A_337, %lt3A_339 : vector<16xi32>
        %add3A_341 = arith.constant 16 : i32
        %add3A_342 = vector.broadcast %add3A_341 : i32 to vector<16xi32>
        %add3A_343 = arith.addi %xor3A_337, %add3A_342 : vector<16xi32>
        %select_n3A_344 = arith.select %lt3A_340, %add3A_343, %xor3A_337 : vector<16xi1>, vector<16xi32>
        %broadcast_in_dim3A_345 = vector.shape_cast %select_n3A_344 : vector<16xi32> to vector<16x1xi32>
        %gather3A_346 = vector.shape_cast %broadcast_in_dim3A_345 : vector<16x1xi32> to vector<16xi32>
        %gather3A_347 = tpu.dynamic_gather %add3A_334[%gather3A_346] in [0] : vector<16xf32>, vector<16xi32> -> vector<16xf32>
        %add3A_348 = arith.addf %add3A_334, %gather3A_347 : vector<16xf32>
        %xor3A_349 = arith.constant 2 : i32
        %xor3A_350 = vector.broadcast %xor3A_349 : i32 to vector<16xi32>
        %xor3A_351 = arith.xori %iota3A, %xor3A_350 : vector<16xi32>
        %lt3A_352 = arith.constant 0 : i32
        %lt3A_353 = vector.broadcast %lt3A_352 : i32 to vector<16xi32>
        %lt3A_354 = arith.cmpi slt, %xor3A_351, %lt3A_353 : vector<16xi32>
        %add3A_355 = arith.constant 16 : i32
        %add3A_356 = vector.broadcast %add3A_355 : i32 to vector<16xi32>
        %add3A_357 = arith.addi %xor3A_351, %add3A_356 : vector<16xi32>
        %select_n3A_358 = arith.select %lt3A_354, %add3A_357, %xor3A_351 : vector<16xi1>, vector<16xi32>
        %broadcast_in_dim3A_359 = vector.shape_cast %select_n3A_358 : vector<16xi32> to vector<16x1xi32>
        %gather3A_360 = vector.shape_cast %broadcast_in_dim3A_359 : vector<16x1xi32> to vector<16xi32>
        %gather3A_361 = tpu.dynamic_gather %add3A_348[%gather3A_360] in [0] : vector<16xf32>, vector<16xi32> -> vector<16xf32>
        %add3A_362 = arith.addf %add3A_348, %gather3A_361 : vector<16xf32>
        %xor3A_363 = arith.constant 1 : i32
        %xor3A_364 = vector.broadcast %xor3A_363 : i32 to vector<16xi32>
        %xor3A_365 = arith.xori %iota3A, %xor3A_364 : vector<16xi32>
        %lt3A_366 = arith.constant 0 : i32
        %lt3A_367 = vector.broadcast %lt3A_366 : i32 to vector<16xi32>
        %lt3A_368 = arith.cmpi slt, %xor3A_365, %lt3A_367 : vector<16xi32>
        %add3A_369 = arith.constant 16 : i32
        %add3A_370 = vector.broadcast %add3A_369 : i32 to vector<16xi32>
        %add3A_371 = arith.addi %xor3A_365, %add3A_370 : vector<16xi32>
        %select_n3A_372 = arith.select %lt3A_368, %add3A_371, %xor3A_365 : vector<16xi1>, vector<16xi32>
        %broadcast_in_dim3A_373 = vector.shape_cast %select_n3A_372 : vector<16xi32> to vector<16x1xi32>
        %gather3A_374 = vector.shape_cast %broadcast_in_dim3A_373 : vector<16x1xi32> to vector<16xi32>
        %gather3A_375 = tpu.dynamic_gather %add3A_362[%gather3A_374] in [0] : vector<16xf32>, vector<16xi32> -> vector<16xf32>
        %add3A_376 = arith.addf %add3A_362, %gather3A_375 : vector<16xf32>
        %eq3A_377 = arith.constant 1 : i32
        %eq3A_378 = vector.broadcast %eq3A_377 : i32 to vector<16xi32>
        %eq3A_379 = arith.cmpi eq, %iota3A, %eq3A_378 : vector<16xi32>
        %select_n3A_380 = arith.select %eq3A_379, %add3A_376, %select_n3A_269 : vector<16xi1>, vector<16xf32>
        %add3A_381 = arith.constant 1 : i32
        %add3A_382 = arith.addi %mul3A_126, %add3A_381 : i32
        %add3A_383 = arith.constant 2 : i32
        %add3A_384 = arith.addi %add3A_382, %add3A_383 : i32
        %get3A_385 = arith.index_cast %add3A_384 : i32 to index
        %get3A_386 = arith.constant 0 : index
        %get3A_387 = tpu.vector_load %arg8[%get3A_385, %get3A_386] {strides = array<i32>} : memref<336x128xf32, #tpu.memory_space<vmem>>, vector<1x16xf32>,
        %get3A_388 = vector.shape_cast %get3A_387 : vector<1x16xf32> to vector<16xf32>
        %mul3A_389 = arith.mulf %get3A_129, %get3A_388 : vector<16xf32>
        %get3A_390 = arith.index_cast %add3A_384 : i32 to index
        %get3A_391 = arith.constant 16 : index
        %get3A_392 = tpu.vector_load %arg8[%get3A_390, %get3A_391] {strides = array<i32>} : memref<336x128xf32, #tpu.memory_space<vmem>>, vector<1x16xf32>,
        %get3A_393 = vector.shape_cast %get3A_392 : vector<1x16xf32> to vector<16xf32>
        %mul3A_394 = arith.mulf %get3A_133, %get3A_393 : vector<16xf32>
        %add3A_395 = arith.addf %mul3A_389, %mul3A_394 : vector<16xf32>
        %get3A_396 = arith.index_cast %add3A_384 : i32 to index
        %get3A_397 = arith.constant 32 : index
        %get3A_398 = tpu.vector_load %arg8[%get3A_396, %get3A_397] {strides = array<i32>} : memref<336x128xf32, #tpu.memory_space<vmem>>, vector<1x16xf32>,
        %get3A_399 = vector.shape_cast %get3A_398 : vector<1x16xf32> to vector<16xf32>
        %mul3A_400 = arith.mulf %get3A_137, %get3A_399 : vector<16xf32>
        %add3A_401 = arith.addf %add3A_395, %mul3A_400 : vector<16xf32>
        %get3A_402 = arith.index_cast %add3A_384 : i32 to index
        %get3A_403 = arith.constant 48 : index
        %get3A_404 = tpu.vector_load %arg8[%get3A_402, %get3A_403] {strides = array<i32>} : memref<336x128xf32, #tpu.memory_space<vmem>>, vector<1x16xf32>,
        %get3A_405 = vector.shape_cast %get3A_404 : vector<1x16xf32> to vector<16xf32>
        %mul3A_406 = arith.mulf %get3A_141, %get3A_405 : vector<16xf32>
        %add3A_407 = arith.addf %add3A_401, %mul3A_406 : vector<16xf32>
        %get3A_408 = arith.index_cast %add3A_384 : i32 to index
        %get3A_409 = arith.constant 64 : index
        %get3A_410 = tpu.vector_load %arg8[%get3A_408, %get3A_409] {strides = array<i32>} : memref<336x128xf32, #tpu.memory_space<vmem>>, vector<1x16xf32>,
        %get3A_411 = vector.shape_cast %get3A_410 : vector<1x16xf32> to vector<16xf32>
        %mul3A_412 = arith.mulf %get3A_145, %get3A_411 : vector<16xf32>
        %add3A_413 = arith.addf %add3A_407, %mul3A_412 : vector<16xf32>
        %get3A_414 = arith.index_cast %add3A_384 : i32 to index
        %get3A_415 = arith.constant 80 : index
        %get3A_416 = tpu.vector_load %arg8[%get3A_414, %get3A_415] {strides = array<i32>} : memref<336x128xf32, #tpu.memory_space<vmem>>, vector<1x16xf32>,
        %get3A_417 = vector.shape_cast %get3A_416 : vector<1x16xf32> to vector<16xf32>
        %mul3A_418 = arith.mulf %get3A_149, %get3A_417 : vector<16xf32>
        %add3A_419 = arith.addf %add3A_413, %mul3A_418 : vector<16xf32>
        %get3A_420 = arith.index_cast %add3A_384 : i32 to index
        %get3A_421 = arith.constant 96 : index
        %get3A_422 = tpu.vector_load %arg8[%get3A_420, %get3A_421] {strides = array<i32>} : memref<336x128xf32, #tpu.memory_space<vmem>>, vector<1x16xf32>,
        %get3A_423 = vector.shape_cast %get3A_422 : vector<1x16xf32> to vector<16xf32>
        %mul3A_424 = arith.mulf %get3A_153, %get3A_423 : vector<16xf32>
        %add3A_425 = arith.addf %add3A_419, %mul3A_424 : vector<16xf32>
        %get3A_426 = arith.index_cast %add3A_384 : i32 to index
        %get3A_427 = arith.constant 112 : index
        %get3A_428 = tpu.vector_load %arg8[%get3A_426, %get3A_427] {strides = array<i32>} : memref<336x128xf32, #tpu.memory_space<vmem>>, vector<1x16xf32>,
        %get3A_429 = vector.shape_cast %get3A_428 : vector<1x16xf32> to vector<16xf32>
        %mul3A_430 = arith.mulf %get3A_157, %get3A_429 : vector<16xf32>
        %add3A_431 = arith.addf %add3A_425, %mul3A_430 : vector<16xf32>
        %xor3A_432 = arith.constant 8 : i32
        %xor3A_433 = vector.broadcast %xor3A_432 : i32 to vector<16xi32>
        %xor3A_434 = arith.xori %iota3A, %xor3A_433 : vector<16xi32>
        %lt3A_435 = arith.constant 0 : i32
        %lt3A_436 = vector.broadcast %lt3A_435 : i32 to vector<16xi32>
        %lt3A_437 = arith.cmpi slt, %xor3A_434, %lt3A_436 : vector<16xi32>
        %add3A_438 = arith.constant 16 : i32
        %add3A_439 = vector.broadcast %add3A_438 : i32 to vector<16xi32>
        %add3A_440 = arith.addi %xor3A_434, %add3A_439 : vector<16xi32>
        %select_n3A_441 = arith.select %lt3A_437, %add3A_440, %xor3A_434 : vector<16xi1>, vector<16xi32>
        %broadcast_in_dim3A_442 = vector.shape_cast %select_n3A_441 : vector<16xi32> to vector<16x1xi32>
        %gather3A_443 = vector.shape_cast %broadcast_in_dim3A_442 : vector<16x1xi32> to vector<16xi32>
        %gather3A_444 = tpu.dynamic_gather %add3A_431[%gather3A_443] in [0] : vector<16xf32>, vector<16xi32> -> vector<16xf32>
        %add3A_445 = arith.addf %add3A_431, %gather3A_444 : vector<16xf32>
        %xor3A_446 = arith.constant 4 : i32
        %xor3A_447 = vector.broadcast %xor3A_446 : i32 to vector<16xi32>
        %xor3A_448 = arith.xori %iota3A, %xor3A_447 : vector<16xi32>
        %lt3A_449 = arith.constant 0 : i32
        %lt3A_450 = vector.broadcast %lt3A_449 : i32 to vector<16xi32>
        %lt3A_451 = arith.cmpi slt, %xor3A_448, %lt3A_450 : vector<16xi32>
        %add3A_452 = arith.constant 16 : i32
        %add3A_453 = vector.broadcast %add3A_452 : i32 to vector<16xi32>
        %add3A_454 = arith.addi %xor3A_448, %add3A_453 : vector<16xi32>
        %select_n3A_455 = arith.select %lt3A_451, %add3A_454, %xor3A_448 : vector<16xi1>, vector<16xi32>
        %broadcast_in_dim3A_456 = vector.shape_cast %select_n3A_455 : vector<16xi32> to vector<16x1xi32>
        %gather3A_457 = vector.shape_cast %broadcast_in_dim3A_456 : vector<16x1xi32> to vector<16xi32>
        %gather3A_458 = tpu.dynamic_gather %add3A_445[%gather3A_457] in [0] : vector<16xf32>, vector<16xi32> -> vector<16xf32>
        %add3A_459 = arith.addf %add3A_445, %gather3A_458 : vector<16xf32>
        %xor3A_460 = arith.constant 2 : i32
        %xor3A_461 = vector.broadcast %xor3A_460 : i32 to vector<16xi32>
        %xor3A_462 = arith.xori %iota3A, %xor3A_461 : vector<16xi32>
        %lt3A_463 = arith.constant 0 : i32
        %lt3A_464 = vector.broadcast %lt3A_463 : i32 to vector<16xi32>
        %lt3A_465 = arith.cmpi slt, %xor3A_462, %lt3A_464 : vector<16xi32>
        %add3A_466 = arith.constant 16 : i32
        %add3A_467 = vector.broadcast %add3A_466 : i32 to vector<16xi32>
        %add3A_468 = arith.addi %xor3A_462, %add3A_467 : vector<16xi32>
        %select_n3A_469 = arith.select %lt3A_465, %add3A_468, %xor3A_462 : vector<16xi1>, vector<16xi32>
        %broadcast_in_dim3A_470 = vector.shape_cast %select_n3A_469 : vector<16xi32> to vector<16x1xi32>
        %gather3A_471 = vector.shape_cast %broadcast_in_dim3A_470 : vector<16x1xi32> to vector<16xi32>
        %gather3A_472 = tpu.dynamic_gather %add3A_459[%gather3A_471] in [0] : vector<16xf32>, vector<16xi32> -> vector<16xf32>
        %add3A_473 = arith.addf %add3A_459, %gather3A_472 : vector<16xf32>
        %xor3A_474 = arith.constant 1 : i32
        %xor3A_475 = vector.broadcast %xor3A_474 : i32 to vector<16xi32>
        %xor3A_476 = arith.xori %iota3A, %xor3A_475 : vector<16xi32>
        %lt3A_477 = arith.constant 0 : i32
        %lt3A_478 = vector.broadcast %lt3A_477 : i32 to vector<16xi32>
        %lt3A_479 = arith.cmpi slt, %xor3A_476, %lt3A_478 : vector<16xi32>
        %add3A_480 = arith.constant 16 : i32
        %add3A_481 = vector.broadcast %add3A_480 : i32 to vector<16xi32>
        %add3A_482 = arith.addi %xor3A_476, %add3A_481 : vector<16xi32>
        %select_n3A_483 = arith.select %lt3A_479, %add3A_482, %xor3A_476 : vector<16xi1>, vector<16xi32>
        %broadcast_in_dim3A_484 = vector.shape_cast %select_n3A_483 : vector<16xi32> to vector<16x1xi32>
        %gather3A_485 = vector.shape_cast %broadcast_in_dim3A_484 : vector<16x1xi32> to vector<16xi32>
        %gather3A_486 = tpu.dynamic_gather %add3A_473[%gather3A_485] in [0] : vector<16xf32>, vector<16xi32> -> vector<16xf32>
        %add3A_487 = arith.addf %add3A_473, %gather3A_486 : vector<16xf32>
        %eq3A_488 = arith.constant 2 : i32
        %eq3A_489 = vector.broadcast %eq3A_488 : i32 to vector<16xi32>
        %eq3A_490 = arith.cmpi eq, %iota3A, %eq3A_489 : vector<16xi32>
        %select_n3A_491 = arith.select %eq3A_490, %add3A_487, %select_n3A_380 : vector<16xi1>, vector<16xf32>
        %add3A_492 = arith.constant 1 : i32
        %add3A_493 = arith.addi %mul3A_126, %add3A_492 : i32
        %add3A_494 = arith.constant 3 : i32
        %add3A_495 = arith.addi %add3A_493, %add3A_494 : i32
        %get3A_496 = arith.index_cast %add3A_495 : i32 to index
        %get3A_497 = arith.constant 0 : index
        %get3A_498 = tpu.vector_load %arg8[%get3A_496, %get3A_497] {strides = array<i32>} : memref<336x128xf32, #tpu.memory_space<vmem>>, vector<1x16xf32>,
        %get3A_499 = vector.shape_cast %get3A_498 : vector<1x16xf32> to vector<16xf32>
        %mul3A_500 = arith.mulf %get3A_129, %get3A_499 : vector<16xf32>
        %get3A_501 = arith.index_cast %add3A_495 : i32 to index
        %get3A_502 = arith.constant 16 : index
        %get3A_503 = tpu.vector_load %arg8[%get3A_501, %get3A_502] {strides = array<i32>} : memref<336x128xf32, #tpu.memory_space<vmem>>, vector<1x16xf32>,
        %get3A_504 = vector.shape_cast %get3A_503 : vector<1x16xf32> to vector<16xf32>
        %mul3A_505 = arith.mulf %get3A_133, %get3A_504 : vector<16xf32>
        %add3A_506 = arith.addf %mul3A_500, %mul3A_505 : vector<16xf32>
        %get3A_507 = arith.index_cast %add3A_495 : i32 to index
        %get3A_508 = arith.constant 32 : index
        %get3A_509 = tpu.vector_load %arg8[%get3A_507, %get3A_508] {strides = array<i32>} : memref<336x128xf32, #tpu.memory_space<vmem>>, vector<1x16xf32>,
        %get3A_510 = vector.shape_cast %get3A_509 : vector<1x16xf32> to vector<16xf32>
        %mul3A_511 = arith.mulf %get3A_137, %get3A_510 : vector<16xf32>
        %add3A_512 = arith.addf %add3A_506, %mul3A_511 : vector<16xf32>
        %get3A_513 = arith.index_cast %add3A_495 : i32 to index
        %get3A_514 = arith.constant 48 : index
        %get3A_515 = tpu.vector_load %arg8[%get3A_513, %get3A_514] {strides = array<i32>} : memref<336x128xf32, #tpu.memory_space<vmem>>, vector<1x16xf32>,
        %get3A_516 = vector.shape_cast %get3A_515 : vector<1x16xf32> to vector<16xf32>
        %mul3A_517 = arith.mulf %get3A_141, %get3A_516 : vector<16xf32>
        %add3A_518 = arith.addf %add3A_512, %mul3A_517 : vector<16xf32>
        %get3A_519 = arith.index_cast %add3A_495 : i32 to index
        %get3A_520 = arith.constant 64 : index
        %get3A_521 = tpu.vector_load %arg8[%get3A_519, %get3A_520] {strides = array<i32>} : memref<336x128xf32, #tpu.memory_space<vmem>>, vector<1x16xf32>,
        %get3A_522 = vector.shape_cast %get3A_521 : vector<1x16xf32> to vector<16xf32>
        %mul3A_523 = arith.mulf %get3A_145, %get3A_522 : vector<16xf32>
        %add3A_524 = arith.addf %add3A_518, %mul3A_523 : vector<16xf32>
        %get3A_525 = arith.index_cast %add3A_495 : i32 to index
        %get3A_526 = arith.constant 80 : index
        %get3A_527 = tpu.vector_load %arg8[%get3A_525, %get3A_526] {strides = array<i32>} : memref<336x128xf32, #tpu.memory_space<vmem>>, vector<1x16xf32>,
        %get3A_528 = vector.shape_cast %get3A_527 : vector<1x16xf32> to vector<16xf32>
        %mul3A_529 = arith.mulf %get3A_149, %get3A_528 : vector<16xf32>
        %add3A_530 = arith.addf %add3A_524, %mul3A_529 : vector<16xf32>
        %get3A_531 = arith.index_cast %add3A_495 : i32 to index
        %get3A_532 = arith.constant 96 : index
        %get3A_533 = tpu.vector_load %arg8[%get3A_531, %get3A_532] {strides = array<i32>} : memref<336x128xf32, #tpu.memory_space<vmem>>, vector<1x16xf32>,
        %get3A_534 = vector.shape_cast %get3A_533 : vector<1x16xf32> to vector<16xf32>
        %mul3A_535 = arith.mulf %get3A_153, %get3A_534 : vector<16xf32>
        %add3A_536 = arith.addf %add3A_530, %mul3A_535 : vector<16xf32>
        %get3A_537 = arith.index_cast %add3A_495 : i32 to index
        %get3A_538 = arith.constant 112 : index
        %get3A_539 = tpu.vector_load %arg8[%get3A_537, %get3A_538] {strides = array<i32>} : memref<336x128xf32, #tpu.memory_space<vmem>>, vector<1x16xf32>,
        %get3A_540 = vector.shape_cast %get3A_539 : vector<1x16xf32> to vector<16xf32>
        %mul3A_541 = arith.mulf %get3A_157, %get3A_540 : vector<16xf32>
        %add3A_542 = arith.addf %add3A_536, %mul3A_541 : vector<16xf32>
        %xor3A_543 = arith.constant 8 : i32
        %xor3A_544 = vector.broadcast %xor3A_543 : i32 to vector<16xi32>
        %xor3A_545 = arith.xori %iota3A, %xor3A_544 : vector<16xi32>
        %lt3A_546 = arith.constant 0 : i32
        %lt3A_547 = vector.broadcast %lt3A_546 : i32 to vector<16xi32>
        %lt3A_548 = arith.cmpi slt, %xor3A_545, %lt3A_547 : vector<16xi32>
        %add3A_549 = arith.constant 16 : i32
        %add3A_550 = vector.broadcast %add3A_549 : i32 to vector<16xi32>
        %add3A_551 = arith.addi %xor3A_545, %add3A_550 : vector<16xi32>
        %select_n3A_552 = arith.select %lt3A_548, %add3A_551, %xor3A_545 : vector<16xi1>, vector<16xi32>
        %broadcast_in_dim3A_553 = vector.shape_cast %select_n3A_552 : vector<16xi32> to vector<16x1xi32>
        %gather3A_554 = vector.shape_cast %broadcast_in_dim3A_553 : vector<16x1xi32> to vector<16xi32>
        %gather3A_555 = tpu.dynamic_gather %add3A_542[%gather3A_554] in [0] : vector<16xf32>, vector<16xi32> -> vector<16xf32>
        %add3A_556 = arith.addf %add3A_542, %gather3A_555 : vector<16xf32>
        %xor3A_557 = arith.constant 4 : i32
        %xor3A_558 = vector.broadcast %xor3A_557 : i32 to vector<16xi32>
        %xor3A_559 = arith.xori %iota3A, %xor3A_558 : vector<16xi32>
        %lt3A_560 = arith.constant 0 : i32
        %lt3A_561 = vector.broadcast %lt3A_560 : i32 to vector<16xi32>
        %lt3A_562 = arith.cmpi slt, %xor3A_559, %lt3A_561 : vector<16xi32>
        %add3A_563 = arith.constant 16 : i32
        %add3A_564 = vector.broadcast %add3A_563 : i32 to vector<16xi32>
        %add3A_565 = arith.addi %xor3A_559, %add3A_564 : vector<16xi32>
        %select_n3A_566 = arith.select %lt3A_562, %add3A_565, %xor3A_559 : vector<16xi1>, vector<16xi32>
        %broadcast_in_dim3A_567 = vector.shape_cast %select_n3A_566 : vector<16xi32> to vector<16x1xi32>
        %gather3A_568 = vector.shape_cast %broadcast_in_dim3A_567 : vector<16x1xi32> to vector<16xi32>
        %gather3A_569 = tpu.dynamic_gather %add3A_556[%gather3A_568] in [0] : vector<16xf32>, vector<16xi32> -> vector<16xf32>
        %add3A_570 = arith.addf %add3A_556, %gather3A_569 : vector<16xf32>
        %xor3A_571 = arith.constant 2 : i32
        %xor3A_572 = vector.broadcast %xor3A_571 : i32 to vector<16xi32>
        %xor3A_573 = arith.xori %iota3A, %xor3A_572 : vector<16xi32>
        %lt3A_574 = arith.constant 0 : i32
        %lt3A_575 = vector.broadcast %lt3A_574 : i32 to vector<16xi32>
        %lt3A_576 = arith.cmpi slt, %xor3A_573, %lt3A_575 : vector<16xi32>
        %add3A_577 = arith.constant 16 : i32
        %add3A_578 = vector.broadcast %add3A_577 : i32 to vector<16xi32>
        %add3A_579 = arith.addi %xor3A_573, %add3A_578 : vector<16xi32>
        %select_n3A_580 = arith.select %lt3A_576, %add3A_579, %xor3A_573 : vector<16xi1>, vector<16xi32>
        %broadcast_in_dim3A_581 = vector.shape_cast %select_n3A_580 : vector<16xi32> to vector<16x1xi32>
        %gather3A_582 = vector.shape_cast %broadcast_in_dim3A_581 : vector<16x1xi32> to vector<16xi32>
        %gather3A_583 = tpu.dynamic_gather %add3A_570[%gather3A_582] in [0] : vector<16xf32>, vector<16xi32> -> vector<16xf32>
        %add3A_584 = arith.addf %add3A_570, %gather3A_583 : vector<16xf32>
        %xor3A_585 = arith.constant 1 : i32
        %xor3A_586 = vector.broadcast %xor3A_585 : i32 to vector<16xi32>
        %xor3A_587 = arith.xori %iota3A, %xor3A_586 : vector<16xi32>
        %lt3A_588 = arith.constant 0 : i32
        %lt3A_589 = vector.broadcast %lt3A_588 : i32 to vector<16xi32>
        %lt3A_590 = arith.cmpi slt, %xor3A_587, %lt3A_589 : vector<16xi32>
        %add3A_591 = arith.constant 16 : i32
        %add3A_592 = vector.broadcast %add3A_591 : i32 to vector<16xi32>
        %add3A_593 = arith.addi %xor3A_587, %add3A_592 : vector<16xi32>
        %select_n3A_594 = arith.select %lt3A_590, %add3A_593, %xor3A_587 : vector<16xi1>, vector<16xi32>
        %broadcast_in_dim3A_595 = vector.shape_cast %select_n3A_594 : vector<16xi32> to vector<16x1xi32>
        %gather3A_596 = vector.shape_cast %broadcast_in_dim3A_595 : vector<16x1xi32> to vector<16xi32>
        %gather3A_597 = tpu.dynamic_gather %add3A_584[%gather3A_596] in [0] : vector<16xf32>, vector<16xi32> -> vector<16xf32>
        %add3A_598 = arith.addf %add3A_584, %gather3A_597 : vector<16xf32>
        %eq3A_599 = arith.constant 3 : i32
        %eq3A_600 = vector.broadcast %eq3A_599 : i32 to vector<16xi32>
        %eq3A_601 = arith.cmpi eq, %iota3A, %eq3A_600 : vector<16xi32>
        %select_n3A_602 = arith.select %eq3A_601, %add3A_598, %select_n3A_491 : vector<16xi1>, vector<16xf32>
        %add3A_603 = arith.constant 1 : i32
        %add3A_604 = arith.addi %mul3A_126, %add3A_603 : i32
        %add3A_605 = arith.constant 4 : i32
        %add3A_606 = arith.addi %add3A_604, %add3A_605 : i32
        %get3A_607 = arith.index_cast %add3A_606 : i32 to index
        %get3A_608 = arith.constant 0 : index
        %get3A_609 = tpu.vector_load %arg8[%get3A_607, %get3A_608] {strides = array<i32>} : memref<336x128xf32, #tpu.memory_space<vmem>>, vector<1x16xf32>,
        %get3A_610 = vector.shape_cast %get3A_609 : vector<1x16xf32> to vector<16xf32>
        %mul3A_611 = arith.mulf %get3A_129, %get3A_610 : vector<16xf32>
        %get3A_612 = arith.index_cast %add3A_606 : i32 to index
        %get3A_613 = arith.constant 16 : index
        %get3A_614 = tpu.vector_load %arg8[%get3A_612, %get3A_613] {strides = array<i32>} : memref<336x128xf32, #tpu.memory_space<vmem>>, vector<1x16xf32>,
        %get3A_615 = vector.shape_cast %get3A_614 : vector<1x16xf32> to vector<16xf32>
        %mul3A_616 = arith.mulf %get3A_133, %get3A_615 : vector<16xf32>
        %add3A_617 = arith.addf %mul3A_611, %mul3A_616 : vector<16xf32>
        %get3A_618 = arith.index_cast %add3A_606 : i32 to index
        %get3A_619 = arith.constant 32 : index
        %get3A_620 = tpu.vector_load %arg8[%get3A_618, %get3A_619] {strides = array<i32>} : memref<336x128xf32, #tpu.memory_space<vmem>>, vector<1x16xf32>,
        %get3A_621 = vector.shape_cast %get3A_620 : vector<1x16xf32> to vector<16xf32>
        %mul3A_622 = arith.mulf %get3A_137, %get3A_621 : vector<16xf32>
        %add3A_623 = arith.addf %add3A_617, %mul3A_622 : vector<16xf32>
        %get3A_624 = arith.index_cast %add3A_606 : i32 to index
        %get3A_625 = arith.constant 48 : index
        %get3A_626 = tpu.vector_load %arg8[%get3A_624, %get3A_625] {strides = array<i32>} : memref<336x128xf32, #tpu.memory_space<vmem>>, vector<1x16xf32>,
        %get3A_627 = vector.shape_cast %get3A_626 : vector<1x16xf32> to vector<16xf32>
        %mul3A_628 = arith.mulf %get3A_141, %get3A_627 : vector<16xf32>
        %add3A_629 = arith.addf %add3A_623, %mul3A_628 : vector<16xf32>
        %get3A_630 = arith.index_cast %add3A_606 : i32 to index
        %get3A_631 = arith.constant 64 : index
        %get3A_632 = tpu.vector_load %arg8[%get3A_630, %get3A_631] {strides = array<i32>} : memref<336x128xf32, #tpu.memory_space<vmem>>, vector<1x16xf32>,
        %get3A_633 = vector.shape_cast %get3A_632 : vector<1x16xf32> to vector<16xf32>
        %mul3A_634 = arith.mulf %get3A_145, %get3A_633 : vector<16xf32>
        %add3A_635 = arith.addf %add3A_629, %mul3A_634 : vector<16xf32>
        %get3A_636 = arith.index_cast %add3A_606 : i32 to index
        %get3A_637 = arith.constant 80 : index
        %get3A_638 = tpu.vector_load %arg8[%get3A_636, %get3A_637] {strides = array<i32>} : memref<336x128xf32, #tpu.memory_space<vmem>>, vector<1x16xf32>,
        %get3A_639 = vector.shape_cast %get3A_638 : vector<1x16xf32> to vector<16xf32>
        %mul3A_640 = arith.mulf %get3A_149, %get3A_639 : vector<16xf32>
        %add3A_641 = arith.addf %add3A_635, %mul3A_640 : vector<16xf32>
        %get3A_642 = arith.index_cast %add3A_606 : i32 to index
        %get3A_643 = arith.constant 96 : index
        %get3A_644 = tpu.vector_load %arg8[%get3A_642, %get3A_643] {strides = array<i32>} : memref<336x128xf32, #tpu.memory_space<vmem>>, vector<1x16xf32>,
        %get3A_645 = vector.shape_cast %get3A_644 : vector<1x16xf32> to vector<16xf32>
        %mul3A_646 = arith.mulf %get3A_153, %get3A_645 : vector<16xf32>
        %add3A_647 = arith.addf %add3A_641, %mul3A_646 : vector<16xf32>
        %get3A_648 = arith.index_cast %add3A_606 : i32 to index
        %get3A_649 = arith.constant 112 : index
        %get3A_650 = tpu.vector_load %arg8[%get3A_648, %get3A_649] {strides = array<i32>} : memref<336x128xf32, #tpu.memory_space<vmem>>, vector<1x16xf32>,
        %get3A_651 = vector.shape_cast %get3A_650 : vector<1x16xf32> to vector<16xf32>
        %mul3A_652 = arith.mulf %get3A_157, %get3A_651 : vector<16xf32>
        %add3A_653 = arith.addf %add3A_647, %mul3A_652 : vector<16xf32>
        %xor3A_654 = arith.constant 8 : i32
        %xor3A_655 = vector.broadcast %xor3A_654 : i32 to vector<16xi32>
        %xor3A_656 = arith.xori %iota3A, %xor3A_655 : vector<16xi32>
        %lt3A_657 = arith.constant 0 : i32
        %lt3A_658 = vector.broadcast %lt3A_657 : i32 to vector<16xi32>
        %lt3A_659 = arith.cmpi slt, %xor3A_656, %lt3A_658 : vector<16xi32>
        %add3A_660 = arith.constant 16 : i32
        %add3A_661 = vector.broadcast %add3A_660 : i32 to vector<16xi32>
        %add3A_662 = arith.addi %xor3A_656, %add3A_661 : vector<16xi32>
        %select_n3A_663 = arith.select %lt3A_659, %add3A_662, %xor3A_656 : vector<16xi1>, vector<16xi32>
        %broadcast_in_dim3A_664 = vector.shape_cast %select_n3A_663 : vector<16xi32> to vector<16x1xi32>
        %gather3A_665 = vector.shape_cast %broadcast_in_dim3A_664 : vector<16x1xi32> to vector<16xi32>
        %gather3A_666 = tpu.dynamic_gather %add3A_653[%gather3A_665] in [0] : vector<16xf32>, vector<16xi32> -> vector<16xf32>
        %add3A_667 = arith.addf %add3A_653, %gather3A_666 : vector<16xf32>
        %xor3A_668 = arith.constant 4 : i32
        %xor3A_669 = vector.broadcast %xor3A_668 : i32 to vector<16xi32>
        %xor3A_670 = arith.xori %iota3A, %xor3A_669 : vector<16xi32>
        %lt3A_671 = arith.constant 0 : i32
        %lt3A_672 = vector.broadcast %lt3A_671 : i32 to vector<16xi32>
        %lt3A_673 = arith.cmpi slt, %xor3A_670, %lt3A_672 : vector<16xi32>
        %add3A_674 = arith.constant 16 : i32
        %add3A_675 = vector.broadcast %add3A_674 : i32 to vector<16xi32>
        %add3A_676 = arith.addi %xor3A_670, %add3A_675 : vector<16xi32>
        %select_n3A_677 = arith.select %lt3A_673, %add3A_676, %xor3A_670 : vector<16xi1>, vector<16xi32>
        %broadcast_in_dim3A_678 = vector.shape_cast %select_n3A_677 : vector<16xi32> to vector<16x1xi32>
        %gather3A_679 = vector.shape_cast %broadcast_in_dim3A_678 : vector<16x1xi32> to vector<16xi32>
        %gather3A_680 = tpu.dynamic_gather %add3A_667[%gather3A_679] in [0] : vector<16xf32>, vector<16xi32> -> vector<16xf32>
        %add3A_681 = arith.addf %add3A_667, %gather3A_680 : vector<16xf32>
        %xor3A_682 = arith.constant 2 : i32
        %xor3A_683 = vector.broadcast %xor3A_682 : i32 to vector<16xi32>
        %xor3A_684 = arith.xori %iota3A, %xor3A_683 : vector<16xi32>
        %lt3A_685 = arith.constant 0 : i32
        %lt3A_686 = vector.broadcast %lt3A_685 : i32 to vector<16xi32>
        %lt3A_687 = arith.cmpi slt, %xor3A_684, %lt3A_686 : vector<16xi32>
        %add3A_688 = arith.constant 16 : i32
        %add3A_689 = vector.broadcast %add3A_688 : i32 to vector<16xi32>
        %add3A_690 = arith.addi %xor3A_684, %add3A_689 : vector<16xi32>
        %select_n3A_691 = arith.select %lt3A_687, %add3A_690, %xor3A_684 : vector<16xi1>, vector<16xi32>
        %broadcast_in_dim3A_692 = vector.shape_cast %select_n3A_691 : vector<16xi32> to vector<16x1xi32>
        %gather3A_693 = vector.shape_cast %broadcast_in_dim3A_692 : vector<16x1xi32> to vector<16xi32>
        %gather3A_694 = tpu.dynamic_gather %add3A_681[%gather3A_693] in [0] : vector<16xf32>, vector<16xi32> -> vector<16xf32>
        %add3A_695 = arith.addf %add3A_681, %gather3A_694 : vector<16xf32>
        %xor3A_696 = arith.constant 1 : i32
        %xor3A_697 = vector.broadcast %xor3A_696 : i32 to vector<16xi32>
        %xor3A_698 = arith.xori %iota3A, %xor3A_697 : vector<16xi32>
        %lt3A_699 = arith.constant 0 : i32
        %lt3A_700 = vector.broadcast %lt3A_699 : i32 to vector<16xi32>
        %lt3A_701 = arith.cmpi slt, %xor3A_698, %lt3A_700 : vector<16xi32>
        %add3A_702 = arith.constant 16 : i32
        %add3A_703 = vector.broadcast %add3A_702 : i32 to vector<16xi32>
        %add3A_704 = arith.addi %xor3A_698, %add3A_703 : vector<16xi32>
        %select_n3A_705 = arith.select %lt3A_701, %add3A_704, %xor3A_698 : vector<16xi1>, vector<16xi32>
        %broadcast_in_dim3A_706 = vector.shape_cast %select_n3A_705 : vector<16xi32> to vector<16x1xi32>
        %gather3A_707 = vector.shape_cast %broadcast_in_dim3A_706 : vector<16x1xi32> to vector<16xi32>
        %gather3A_708 = tpu.dynamic_gather %add3A_695[%gather3A_707] in [0] : vector<16xf32>, vector<16xi32> -> vector<16xf32>
        %add3A_709 = arith.addf %add3A_695, %gather3A_708 : vector<16xf32>
        %eq3A_710 = arith.constant 4 : i32
        %eq3A_711 = vector.broadcast %eq3A_710 : i32 to vector<16xi32>
        %eq3A_712 = arith.cmpi eq, %iota3A, %eq3A_711 : vector<16xi32>
        %select_n3A_713 = arith.select %eq3A_712, %add3A_709, %select_n3A_602 : vector<16xi1>, vector<16xf32>
        %add3A_714 = arith.constant 1 : i32
        %add3A_715 = arith.addi %mul3A_126, %add3A_714 : i32
        %add3A_716 = arith.constant 5 : i32
        %add3A_717 = arith.addi %add3A_715, %add3A_716 : i32
        %get3A_718 = arith.index_cast %add3A_717 : i32 to index
        %get3A_719 = arith.constant 0 : index
        %get3A_720 = tpu.vector_load %arg8[%get3A_718, %get3A_719] {strides = array<i32>} : memref<336x128xf32, #tpu.memory_space<vmem>>, vector<1x16xf32>,
        %get3A_721 = vector.shape_cast %get3A_720 : vector<1x16xf32> to vector<16xf32>
        %mul3A_722 = arith.mulf %get3A_129, %get3A_721 : vector<16xf32>
        %get3A_723 = arith.index_cast %add3A_717 : i32 to index
        %get3A_724 = arith.constant 16 : index
        %get3A_725 = tpu.vector_load %arg8[%get3A_723, %get3A_724] {strides = array<i32>} : memref<336x128xf32, #tpu.memory_space<vmem>>, vector<1x16xf32>,
        %get3A_726 = vector.shape_cast %get3A_725 : vector<1x16xf32> to vector<16xf32>
        %mul3A_727 = arith.mulf %get3A_133, %get3A_726 : vector<16xf32>
        %add3A_728 = arith.addf %mul3A_722, %mul3A_727 : vector<16xf32>
        %get3A_729 = arith.index_cast %add3A_717 : i32 to index
        %get3A_730 = arith.constant 32 : index
        %get3A_731 = tpu.vector_load %arg8[%get3A_729, %get3A_730] {strides = array<i32>} : memref<336x128xf32, #tpu.memory_space<vmem>>, vector<1x16xf32>,
        %get3A_732 = vector.shape_cast %get3A_731 : vector<1x16xf32> to vector<16xf32>
        %mul3A_733 = arith.mulf %get3A_137, %get3A_732 : vector<16xf32>
        %add3A_734 = arith.addf %add3A_728, %mul3A_733 : vector<16xf32>
        %get3A_735 = arith.index_cast %add3A_717 : i32 to index
        %get3A_736 = arith.constant 48 : index
        %get3A_737 = tpu.vector_load %arg8[%get3A_735, %get3A_736] {strides = array<i32>} : memref<336x128xf32, #tpu.memory_space<vmem>>, vector<1x16xf32>,
        %get3A_738 = vector.shape_cast %get3A_737 : vector<1x16xf32> to vector<16xf32>
        %mul3A_739 = arith.mulf %get3A_141, %get3A_738 : vector<16xf32>
        %add3A_740 = arith.addf %add3A_734, %mul3A_739 : vector<16xf32>
        %get3A_741 = arith.index_cast %add3A_717 : i32 to index
        %get3A_742 = arith.constant 64 : index
        %get3A_743 = tpu.vector_load %arg8[%get3A_741, %get3A_742] {strides = array<i32>} : memref<336x128xf32, #tpu.memory_space<vmem>>, vector<1x16xf32>,
        %get3A_744 = vector.shape_cast %get3A_743 : vector<1x16xf32> to vector<16xf32>
        %mul3A_745 = arith.mulf %get3A_145, %get3A_744 : vector<16xf32>
        %add3A_746 = arith.addf %add3A_740, %mul3A_745 : vector<16xf32>
        %get3A_747 = arith.index_cast %add3A_717 : i32 to index
        %get3A_748 = arith.constant 80 : index
        %get3A_749 = tpu.vector_load %arg8[%get3A_747, %get3A_748] {strides = array<i32>} : memref<336x128xf32, #tpu.memory_space<vmem>>, vector<1x16xf32>,
        %get3A_750 = vector.shape_cast %get3A_749 : vector<1x16xf32> to vector<16xf32>
        %mul3A_751 = arith.mulf %get3A_149, %get3A_750 : vector<16xf32>
        %add3A_752 = arith.addf %add3A_746, %mul3A_751 : vector<16xf32>
        %get3A_753 = arith.index_cast %add3A_717 : i32 to index
        %get3A_754 = arith.constant 96 : index
        %get3A_755 = tpu.vector_load %arg8[%get3A_753, %get3A_754] {strides = array<i32>} : memref<336x128xf32, #tpu.memory_space<vmem>>, vector<1x16xf32>,
        %get3A_756 = vector.shape_cast %get3A_755 : vector<1x16xf32> to vector<16xf32>
        %mul3A_757 = arith.mulf %get3A_153, %get3A_756 : vector<16xf32>
        %add3A_758 = arith.addf %add3A_752, %mul3A_757 : vector<16xf32>
        %get3A_759 = arith.index_cast %add3A_717 : i32 to index
        %get3A_760 = arith.constant 112 : index
        %get3A_761 = tpu.vector_load %arg8[%get3A_759, %get3A_760] {strides = array<i32>} : memref<336x128xf32, #tpu.memory_space<vmem>>, vector<1x16xf32>,
        %get3A_762 = vector.shape_cast %get3A_761 : vector<1x16xf32> to vector<16xf32>
        %mul3A_763 = arith.mulf %get3A_157, %get3A_762 : vector<16xf32>
        %add3A_764 = arith.addf %add3A_758, %mul3A_763 : vector<16xf32>
        %xor3A_765 = arith.constant 8 : i32
        %xor3A_766 = vector.broadcast %xor3A_765 : i32 to vector<16xi32>
        %xor3A_767 = arith.xori %iota3A, %xor3A_766 : vector<16xi32>
        %lt3A_768 = arith.constant 0 : i32
        %lt3A_769 = vector.broadcast %lt3A_768 : i32 to vector<16xi32>
        %lt3A_770 = arith.cmpi slt, %xor3A_767, %lt3A_769 : vector<16xi32>
        %add3A_771 = arith.constant 16 : i32
        %add3A_772 = vector.broadcast %add3A_771 : i32 to vector<16xi32>
        %add3A_773 = arith.addi %xor3A_767, %add3A_772 : vector<16xi32>
        %select_n3A_774 = arith.select %lt3A_770, %add3A_773, %xor3A_767 : vector<16xi1>, vector<16xi32>
        %broadcast_in_dim3A_775 = vector.shape_cast %select_n3A_774 : vector<16xi32> to vector<16x1xi32>
        %gather3A_776 = vector.shape_cast %broadcast_in_dim3A_775 : vector<16x1xi32> to vector<16xi32>
        %gather3A_777 = tpu.dynamic_gather %add3A_764[%gather3A_776] in [0] : vector<16xf32>, vector<16xi32> -> vector<16xf32>
        %add3A_778 = arith.addf %add3A_764, %gather3A_777 : vector<16xf32>
        %xor3A_779 = arith.constant 4 : i32
        %xor3A_780 = vector.broadcast %xor3A_779 : i32 to vector<16xi32>
        %xor3A_781 = arith.xori %iota3A, %xor3A_780 : vector<16xi32>
        %lt3A_782 = arith.constant 0 : i32
        %lt3A_783 = vector.broadcast %lt3A_782 : i32 to vector<16xi32>
        %lt3A_784 = arith.cmpi slt, %xor3A_781, %lt3A_783 : vector<16xi32>
        %add3A_785 = arith.constant 16 : i32
        %add3A_786 = vector.broadcast %add3A_785 : i32 to vector<16xi32>
        %add3A_787 = arith.addi %xor3A_781, %add3A_786 : vector<16xi32>
        %select_n3A_788 = arith.select %lt3A_784, %add3A_787, %xor3A_781 : vector<16xi1>, vector<16xi32>
        %broadcast_in_dim3A_789 = vector.shape_cast %select_n3A_788 : vector<16xi32> to vector<16x1xi32>
        %gather3A_790 = vector.shape_cast %broadcast_in_dim3A_789 : vector<16x1xi32> to vector<16xi32>
        %gather3A_791 = tpu.dynamic_gather %add3A_778[%gather3A_790] in [0] : vector<16xf32>, vector<16xi32> -> vector<16xf32>
        %add3A_792 = arith.addf %add3A_778, %gather3A_791 : vector<16xf32>
        %xor3A_793 = arith.constant 2 : i32
        %xor3A_794 = vector.broadcast %xor3A_793 : i32 to vector<16xi32>
        %xor3A_795 = arith.xori %iota3A, %xor3A_794 : vector<16xi32>
        %lt3A_796 = arith.constant 0 : i32
        %lt3A_797 = vector.broadcast %lt3A_796 : i32 to vector<16xi32>
        %lt3A_798 = arith.cmpi slt, %xor3A_795, %lt3A_797 : vector<16xi32>
        %add3A_799 = arith.constant 16 : i32
        %add3A_800 = vector.broadcast %add3A_799 : i32 to vector<16xi32>
        %add3A_801 = arith.addi %xor3A_795, %add3A_800 : vector<16xi32>
        %select_n3A_802 = arith.select %lt3A_798, %add3A_801, %xor3A_795 : vector<16xi1>, vector<16xi32>
        %broadcast_in_dim3A_803 = vector.shape_cast %select_n3A_802 : vector<16xi32> to vector<16x1xi32>
        %gather3A_804 = vector.shape_cast %broadcast_in_dim3A_803 : vector<16x1xi32> to vector<16xi32>
        %gather3A_805 = tpu.dynamic_gather %add3A_792[%gather3A_804] in [0] : vector<16xf32>, vector<16xi32> -> vector<16xf32>
        %add3A_806 = arith.addf %add3A_792, %gather3A_805 : vector<16xf32>
        %xor3A_807 = arith.constant 1 : i32
        %xor3A_808 = vector.broadcast %xor3A_807 : i32 to vector<16xi32>
        %xor3A_809 = arith.xori %iota3A, %xor3A_808 : vector<16xi32>
        %lt3A_810 = arith.constant 0 : i32
        %lt3A_811 = vector.broadcast %lt3A_810 : i32 to vector<16xi32>
        %lt3A_812 = arith.cmpi slt, %xor3A_809, %lt3A_811 : vector<16xi32>
        %add3A_813 = arith.constant 16 : i32
        %add3A_814 = vector.broadcast %add3A_813 : i32 to vector<16xi32>
        %add3A_815 = arith.addi %xor3A_809, %add3A_814 : vector<16xi32>
        %select_n3A_816 = arith.select %lt3A_812, %add3A_815, %xor3A_809 : vector<16xi1>, vector<16xi32>
        %broadcast_in_dim3A_817 = vector.shape_cast %select_n3A_816 : vector<16xi32> to vector<16x1xi32>
        %gather3A_818 = vector.shape_cast %broadcast_in_dim3A_817 : vector<16x1xi32> to vector<16xi32>
        %gather3A_819 = tpu.dynamic_gather %add3A_806[%gather3A_818] in [0] : vector<16xf32>, vector<16xi32> -> vector<16xf32>
        %add3A_820 = arith.addf %add3A_806, %gather3A_819 : vector<16xf32>
        %eq3A_821 = arith.constant 5 : i32
        %eq3A_822 = vector.broadcast %eq3A_821 : i32 to vector<16xi32>
        %eq3A_823 = arith.cmpi eq, %iota3A, %eq3A_822 : vector<16xi32>
        %select_n3A_824 = arith.select %eq3A_823, %add3A_820, %select_n3A_713 : vector<16xi1>, vector<16xf32>
        %add3A_825 = arith.constant 1 : i32
        %add3A_826 = arith.addi %mul3A_126, %add3A_825 : i32
        %add3A_827 = arith.constant 6 : i32
        %add3A_828 = arith.addi %add3A_826, %add3A_827 : i32
        %get3A_829 = arith.index_cast %add3A_828 : i32 to index
        %get3A_830 = arith.constant 0 : index
        %get3A_831 = tpu.vector_load %arg8[%get3A_829, %get3A_830] {strides = array<i32>} : memref<336x128xf32, #tpu.memory_space<vmem>>, vector<1x16xf32>,
        %get3A_832 = vector.shape_cast %get3A_831 : vector<1x16xf32> to vector<16xf32>
        %mul3A_833 = arith.mulf %get3A_129, %get3A_832 : vector<16xf32>
        %get3A_834 = arith.index_cast %add3A_828 : i32 to index
        %get3A_835 = arith.constant 16 : index
        %get3A_836 = tpu.vector_load %arg8[%get3A_834, %get3A_835] {strides = array<i32>} : memref<336x128xf32, #tpu.memory_space<vmem>>, vector<1x16xf32>,
        %get3A_837 = vector.shape_cast %get3A_836 : vector<1x16xf32> to vector<16xf32>
        %mul3A_838 = arith.mulf %get3A_133, %get3A_837 : vector<16xf32>
        %add3A_839 = arith.addf %mul3A_833, %mul3A_838 : vector<16xf32>
        %get3A_840 = arith.index_cast %add3A_828 : i32 to index
        %get3A_841 = arith.constant 32 : index
        %get3A_842 = tpu.vector_load %arg8[%get3A_840, %get3A_841] {strides = array<i32>} : memref<336x128xf32, #tpu.memory_space<vmem>>, vector<1x16xf32>,
        %get3A_843 = vector.shape_cast %get3A_842 : vector<1x16xf32> to vector<16xf32>
        %mul3A_844 = arith.mulf %get3A_137, %get3A_843 : vector<16xf32>
        %add3A_845 = arith.addf %add3A_839, %mul3A_844 : vector<16xf32>
        %get3A_846 = arith.index_cast %add3A_828 : i32 to index
        %get3A_847 = arith.constant 48 : index
        %get3A_848 = tpu.vector_load %arg8[%get3A_846, %get3A_847] {strides = array<i32>} : memref<336x128xf32, #tpu.memory_space<vmem>>, vector<1x16xf32>,
        %get3A_849 = vector.shape_cast %get3A_848 : vector<1x16xf32> to vector<16xf32>
        %mul3A_850 = arith.mulf %get3A_141, %get3A_849 : vector<16xf32>
        %add3A_851 = arith.addf %add3A_845, %mul3A_850 : vector<16xf32>
        %get3A_852 = arith.index_cast %add3A_828 : i32 to index
        %get3A_853 = arith.constant 64 : index
        %get3A_854 = tpu.vector_load %arg8[%get3A_852, %get3A_853] {strides = array<i32>} : memref<336x128xf32, #tpu.memory_space<vmem>>, vector<1x16xf32>,
        %get3A_855 = vector.shape_cast %get3A_854 : vector<1x16xf32> to vector<16xf32>
        %mul3A_856 = arith.mulf %get3A_145, %get3A_855 : vector<16xf32>
        %add3A_857 = arith.addf %add3A_851, %mul3A_856 : vector<16xf32>
        %get3A_858 = arith.index_cast %add3A_828 : i32 to index
        %get3A_859 = arith.constant 80 : index
        %get3A_860 = tpu.vector_load %arg8[%get3A_858, %get3A_859] {strides = array<i32>} : memref<336x128xf32, #tpu.memory_space<vmem>>, vector<1x16xf32>,
        %get3A_861 = vector.shape_cast %get3A_860 : vector<1x16xf32> to vector<16xf32>
        %mul3A_862 = arith.mulf %get3A_149, %get3A_861 : vector<16xf32>
        %add3A_863 = arith.addf %add3A_857, %mul3A_862 : vector<16xf32>
        %get3A_864 = arith.index_cast %add3A_828 : i32 to index
        %get3A_865 = arith.constant 96 : index
        %get3A_866 = tpu.vector_load %arg8[%get3A_864, %get3A_865] {strides = array<i32>} : memref<336x128xf32, #tpu.memory_space<vmem>>, vector<1x16xf32>,
        %get3A_867 = vector.shape_cast %get3A_866 : vector<1x16xf32> to vector<16xf32>
        %mul3A_868 = arith.mulf %get3A_153, %get3A_867 : vector<16xf32>
        %add3A_869 = arith.addf %add3A_863, %mul3A_868 : vector<16xf32>
        %get3A_870 = arith.index_cast %add3A_828 : i32 to index
        %get3A_871 = arith.constant 112 : index
        %get3A_872 = tpu.vector_load %arg8[%get3A_870, %get3A_871] {strides = array<i32>} : memref<336x128xf32, #tpu.memory_space<vmem>>, vector<1x16xf32>,
        %get3A_873 = vector.shape_cast %get3A_872 : vector<1x16xf32> to vector<16xf32>
        %mul3A_874 = arith.mulf %get3A_157, %get3A_873 : vector<16xf32>
        %add3A_875 = arith.addf %add3A_869, %mul3A_874 : vector<16xf32>
        %xor3A_876 = arith.constant 8 : i32
        %xor3A_877 = vector.broadcast %xor3A_876 : i32 to vector<16xi32>
        %xor3A_878 = arith.xori %iota3A, %xor3A_877 : vector<16xi32>
        %lt3A_879 = arith.constant 0 : i32
        %lt3A_880 = vector.broadcast %lt3A_879 : i32 to vector<16xi32>
        %lt3A_881 = arith.cmpi slt, %xor3A_878, %lt3A_880 : vector<16xi32>
        %add3A_882 = arith.constant 16 : i32
        %add3A_883 = vector.broadcast %add3A_882 : i32 to vector<16xi32>
        %add3A_884 = arith.addi %xor3A_878, %add3A_883 : vector<16xi32>
        %select_n3A_885 = arith.select %lt3A_881, %add3A_884, %xor3A_878 : vector<16xi1>, vector<16xi32>
        %broadcast_in_dim3A_886 = vector.shape_cast %select_n3A_885 : vector<16xi32> to vector<16x1xi32>
        %gather3A_887 = vector.shape_cast %broadcast_in_dim3A_886 : vector<16x1xi32> to vector<16xi32>
        %gather3A_888 = tpu.dynamic_gather %add3A_875[%gather3A_887] in [0] : vector<16xf32>, vector<16xi32> -> vector<16xf32>
        %add3A_889 = arith.addf %add3A_875, %gather3A_888 : vector<16xf32>
        %xor3A_890 = arith.constant 4 : i32
        %xor3A_891 = vector.broadcast %xor3A_890 : i32 to vector<16xi32>
        %xor3A_892 = arith.xori %iota3A, %xor3A_891 : vector<16xi32>
        %lt3A_893 = arith.constant 0 : i32
        %lt3A_894 = vector.broadcast %lt3A_893 : i32 to vector<16xi32>
        %lt3A_895 = arith.cmpi slt, %xor3A_892, %lt3A_894 : vector<16xi32>
        %add3A_896 = arith.constant 16 : i32
        %add3A_897 = vector.broadcast %add3A_896 : i32 to vector<16xi32>
        %add3A_898 = arith.addi %xor3A_892, %add3A_897 : vector<16xi32>
        %select_n3A_899 = arith.select %lt3A_895, %add3A_898, %xor3A_892 : vector<16xi1>, vector<16xi32>
        %broadcast_in_dim3A_900 = vector.shape_cast %select_n3A_899 : vector<16xi32> to vector<16x1xi32>
        %gather3A_901 = vector.shape_cast %broadcast_in_dim3A_900 : vector<16x1xi32> to vector<16xi32>
        %gather3A_902 = tpu.dynamic_gather %add3A_889[%gather3A_901] in [0] : vector<16xf32>, vector<16xi32> -> vector<16xf32>
        %add3A_903 = arith.addf %add3A_889, %gather3A_902 : vector<16xf32>
        %xor3A_904 = arith.constant 2 : i32
        %xor3A_905 = vector.broadcast %xor3A_904 : i32 to vector<16xi32>
        %xor3A_906 = arith.xori %iota3A, %xor3A_905 : vector<16xi32>
        %lt3A_907 = arith.constant 0 : i32
        %lt3A_908 = vector.broadcast %lt3A_907 : i32 to vector<16xi32>
        %lt3A_909 = arith.cmpi slt, %xor3A_906, %lt3A_908 : vector<16xi32>
        %add3A_910 = arith.constant 16 : i32
        %add3A_911 = vector.broadcast %add3A_910 : i32 to vector<16xi32>
        %add3A_912 = arith.addi %xor3A_906, %add3A_911 : vector<16xi32>
        %select_n3A_913 = arith.select %lt3A_909, %add3A_912, %xor3A_906 : vector<16xi1>, vector<16xi32>
        %broadcast_in_dim3A_914 = vector.shape_cast %select_n3A_913 : vector<16xi32> to vector<16x1xi32>
        %gather3A_915 = vector.shape_cast %broadcast_in_dim3A_914 : vector<16x1xi32> to vector<16xi32>
        %gather3A_916 = tpu.dynamic_gather %add3A_903[%gather3A_915] in [0] : vector<16xf32>, vector<16xi32> -> vector<16xf32>
        %add3A_917 = arith.addf %add3A_903, %gather3A_916 : vector<16xf32>
        %xor3A_918 = arith.constant 1 : i32
        %xor3A_919 = vector.broadcast %xor3A_918 : i32 to vector<16xi32>
        %xor3A_920 = arith.xori %iota3A, %xor3A_919 : vector<16xi32>
        %lt3A_921 = arith.constant 0 : i32
        %lt3A_922 = vector.broadcast %lt3A_921 : i32 to vector<16xi32>
        %lt3A_923 = arith.cmpi slt, %xor3A_920, %lt3A_922 : vector<16xi32>
        %add3A_924 = arith.constant 16 : i32
        %add3A_925 = vector.broadcast %add3A_924 : i32 to vector<16xi32>
        %add3A_926 = arith.addi %xor3A_920, %add3A_925 : vector<16xi32>
        %select_n3A_927 = arith.select %lt3A_923, %add3A_926, %xor3A_920 : vector<16xi1>, vector<16xi32>
        %broadcast_in_dim3A_928 = vector.shape_cast %select_n3A_927 : vector<16xi32> to vector<16x1xi32>
        %gather3A_929 = vector.shape_cast %broadcast_in_dim3A_928 : vector<16x1xi32> to vector<16xi32>
        %gather3A_930 = tpu.dynamic_gather %add3A_917[%gather3A_929] in [0] : vector<16xf32>, vector<16xi32> -> vector<16xf32>
        %add3A_931 = arith.addf %add3A_917, %gather3A_930 : vector<16xf32>
        %eq3A_932 = arith.constant 6 : i32
        %eq3A_933 = vector.broadcast %eq3A_932 : i32 to vector<16xi32>
        %eq3A_934 = arith.cmpi eq, %iota3A, %eq3A_933 : vector<16xi32>
        %select_n3A_935 = arith.select %eq3A_934, %add3A_931, %select_n3A_824 : vector<16xi1>, vector<16xf32>
        %add3A_936 = arith.constant 1 : i32
        %add3A_937 = arith.addi %mul3A_126, %add3A_936 : i32
        %add3A_938 = arith.constant 7 : i32
        %add3A_939 = arith.addi %add3A_937, %add3A_938 : i32
        %get3A_940 = arith.index_cast %add3A_939 : i32 to index
        %get3A_941 = arith.constant 0 : index
        %get3A_942 = tpu.vector_load %arg8[%get3A_940, %get3A_941] {strides = array<i32>} : memref<336x128xf32, #tpu.memory_space<vmem>>, vector<1x16xf32>,
        %get3A_943 = vector.shape_cast %get3A_942 : vector<1x16xf32> to vector<16xf32>
        %mul3A_944 = arith.mulf %get3A_129, %get3A_943 : vector<16xf32>
        %get3A_945 = arith.index_cast %add3A_939 : i32 to index
        %get3A_946 = arith.constant 16 : index
        %get3A_947 = tpu.vector_load %arg8[%get3A_945, %get3A_946] {strides = array<i32>} : memref<336x128xf32, #tpu.memory_space<vmem>>, vector<1x16xf32>,
        %get3A_948 = vector.shape_cast %get3A_947 : vector<1x16xf32> to vector<16xf32>
        %mul3A_949 = arith.mulf %get3A_133, %get3A_948 : vector<16xf32>
        %add3A_950 = arith.addf %mul3A_944, %mul3A_949 : vector<16xf32>
        %get3A_951 = arith.index_cast %add3A_939 : i32 to index
        %get3A_952 = arith.constant 32 : index
        %get3A_953 = tpu.vector_load %arg8[%get3A_951, %get3A_952] {strides = array<i32>} : memref<336x128xf32, #tpu.memory_space<vmem>>, vector<1x16xf32>,
        %get3A_954 = vector.shape_cast %get3A_953 : vector<1x16xf32> to vector<16xf32>
        %mul3A_955 = arith.mulf %get3A_137, %get3A_954 : vector<16xf32>
        %add3A_956 = arith.addf %add3A_950, %mul3A_955 : vector<16xf32>
        %get3A_957 = arith.index_cast %add3A_939 : i32 to index
        %get3A_958 = arith.constant 48 : index
        %get3A_959 = tpu.vector_load %arg8[%get3A_957, %get3A_958] {strides = array<i32>} : memref<336x128xf32, #tpu.memory_space<vmem>>, vector<1x16xf32>,
        %get3A_960 = vector.shape_cast %get3A_959 : vector<1x16xf32> to vector<16xf32>
        %mul3A_961 = arith.mulf %get3A_141, %get3A_960 : vector<16xf32>
        %add3A_962 = arith.addf %add3A_956, %mul3A_961 : vector<16xf32>
        %get3A_963 = arith.index_cast %add3A_939 : i32 to index
        %get3A_964 = arith.constant 64 : index
        %get3A_965 = tpu.vector_load %arg8[%get3A_963, %get3A_964] {strides = array<i32>} : memref<336x128xf32, #tpu.memory_space<vmem>>, vector<1x16xf32>,
        %get3A_966 = vector.shape_cast %get3A_965 : vector<1x16xf32> to vector<16xf32>
        %mul3A_967 = arith.mulf %get3A_145, %get3A_966 : vector<16xf32>
        %add3A_968 = arith.addf %add3A_962, %mul3A_967 : vector<16xf32>
        %get3A_969 = arith.index_cast %add3A_939 : i32 to index
        %get3A_970 = arith.constant 80 : index
        %get3A_971 = tpu.vector_load %arg8[%get3A_969, %get3A_970] {strides = array<i32>} : memref<336x128xf32, #tpu.memory_space<vmem>>, vector<1x16xf32>,
        %get3A_972 = vector.shape_cast %get3A_971 : vector<1x16xf32> to vector<16xf32>
        %mul3A_973 = arith.mulf %get3A_149, %get3A_972 : vector<16xf32>
        %add3A_974 = arith.addf %add3A_968, %mul3A_973 : vector<16xf32>
        %get3A_975 = arith.index_cast %add3A_939 : i32 to index
        %get3A_976 = arith.constant 96 : index
        %get3A_977 = tpu.vector_load %arg8[%get3A_975, %get3A_976] {strides = array<i32>} : memref<336x128xf32, #tpu.memory_space<vmem>>, vector<1x16xf32>,
        %get3A_978 = vector.shape_cast %get3A_977 : vector<1x16xf32> to vector<16xf32>
        %mul3A_979 = arith.mulf %get3A_153, %get3A_978 : vector<16xf32>
        %add3A_980 = arith.addf %add3A_974, %mul3A_979 : vector<16xf32>
        %get3A_981 = arith.index_cast %add3A_939 : i32 to index
        %get3A_982 = arith.constant 112 : index
        %get3A_983 = tpu.vector_load %arg8[%get3A_981, %get3A_982] {strides = array<i32>} : memref<336x128xf32, #tpu.memory_space<vmem>>, vector<1x16xf32>,
        %get3A_984 = vector.shape_cast %get3A_983 : vector<1x16xf32> to vector<16xf32>
        %mul3A_985 = arith.mulf %get3A_157, %get3A_984 : vector<16xf32>
        %add3A_986 = arith.addf %add3A_980, %mul3A_985 : vector<16xf32>
        %xor3A_987 = arith.constant 8 : i32
        %xor3A_988 = vector.broadcast %xor3A_987 : i32 to vector<16xi32>
        %xor3A_989 = arith.xori %iota3A, %xor3A_988 : vector<16xi32>
        %lt3A_990 = arith.constant 0 : i32
        %lt3A_991 = vector.broadcast %lt3A_990 : i32 to vector<16xi32>
        %lt3A_992 = arith.cmpi slt, %xor3A_989, %lt3A_991 : vector<16xi32>
        %add3A_993 = arith.constant 16 : i32
        %add3A_994 = vector.broadcast %add3A_993 : i32 to vector<16xi32>
        %add3A_995 = arith.addi %xor3A_989, %add3A_994 : vector<16xi32>
        %select_n3A_996 = arith.select %lt3A_992, %add3A_995, %xor3A_989 : vector<16xi1>, vector<16xi32>
        %broadcast_in_dim3A_997 = vector.shape_cast %select_n3A_996 : vector<16xi32> to vector<16x1xi32>
        %gather3A_998 = vector.shape_cast %broadcast_in_dim3A_997 : vector<16x1xi32> to vector<16xi32>
        %gather3A_999 = tpu.dynamic_gather %add3A_986[%gather3A_998] in [0] : vector<16xf32>, vector<16xi32> -> vector<16xf32>
        %add3A_1000 = arith.addf %add3A_986, %gather3A_999 : vector<16xf32>
        %xor3A_1001 = arith.constant 4 : i32
        %xor3A_1002 = vector.broadcast %xor3A_1001 : i32 to vector<16xi32>
        %xor3A_1003 = arith.xori %iota3A, %xor3A_1002 : vector<16xi32>
        %lt3A_1004 = arith.constant 0 : i32
        %lt3A_1005 = vector.broadcast %lt3A_1004 : i32 to vector<16xi32>
        %lt3A_1006 = arith.cmpi slt, %xor3A_1003, %lt3A_1005 : vector<16xi32>
        %add3A_1007 = arith.constant 16 : i32
        %add3A_1008 = vector.broadcast %add3A_1007 : i32 to vector<16xi32>
        %add3A_1009 = arith.addi %xor3A_1003, %add3A_1008 : vector<16xi32>
        %select_n3A_1010 = arith.select %lt3A_1006, %add3A_1009, %xor3A_1003 : vector<16xi1>, vector<16xi32>
        %broadcast_in_dim3A_1011 = vector.shape_cast %select_n3A_1010 : vector<16xi32> to vector<16x1xi32>
        %gather3A_1012 = vector.shape_cast %broadcast_in_dim3A_1011 : vector<16x1xi32> to vector<16xi32>
        %gather3A_1013 = tpu.dynamic_gather %add3A_1000[%gather3A_1012] in [0] : vector<16xf32>, vector<16xi32> -> vector<16xf32>
        %add3A_1014 = arith.addf %add3A_1000, %gather3A_1013 : vector<16xf32>
        %xor3A_1015 = arith.constant 2 : i32
        %xor3A_1016 = vector.broadcast %xor3A_1015 : i32 to vector<16xi32>
        %xor3A_1017 = arith.xori %iota3A, %xor3A_1016 : vector<16xi32>
        %lt3A_1018 = arith.constant 0 : i32
        %lt3A_1019 = vector.broadcast %lt3A_1018 : i32 to vector<16xi32>
        %lt3A_1020 = arith.cmpi slt, %xor3A_1017, %lt3A_1019 : vector<16xi32>
        %add3A_1021 = arith.constant 16 : i32
        %add3A_1022 = vector.broadcast %add3A_1021 : i32 to vector<16xi32>
        %add3A_1023 = arith.addi %xor3A_1017, %add3A_1022 : vector<16xi32>
        %select_n3A_1024 = arith.select %lt3A_1020, %add3A_1023, %xor3A_1017 : vector<16xi1>, vector<16xi32>
        %broadcast_in_dim3A_1025 = vector.shape_cast %select_n3A_1024 : vector<16xi32> to vector<16x1xi32>
        %gather3A_1026 = vector.shape_cast %broadcast_in_dim3A_1025 : vector<16x1xi32> to vector<16xi32>
        %gather3A_1027 = tpu.dynamic_gather %add3A_1014[%gather3A_1026] in [0] : vector<16xf32>, vector<16xi32> -> vector<16xf32>
        %add3A_1028 = arith.addf %add3A_1014, %gather3A_1027 : vector<16xf32>
        %xor3A_1029 = arith.constant 1 : i32
        %xor3A_1030 = vector.broadcast %xor3A_1029 : i32 to vector<16xi32>
        %xor3A_1031 = arith.xori %iota3A, %xor3A_1030 : vector<16xi32>
        %lt3A_1032 = arith.constant 0 : i32
        %lt3A_1033 = vector.broadcast %lt3A_1032 : i32 to vector<16xi32>
        %lt3A_1034 = arith.cmpi slt, %xor3A_1031, %lt3A_1033 : vector<16xi32>
        %add3A_1035 = arith.constant 16 : i32
        %add3A_1036 = vector.broadcast %add3A_1035 : i32 to vector<16xi32>
        %add3A_1037 = arith.addi %xor3A_1031, %add3A_1036 : vector<16xi32>
        %select_n3A_1038 = arith.select %lt3A_1034, %add3A_1037, %xor3A_1031 : vector<16xi1>, vector<16xi32>
        %broadcast_in_dim3A_1039 = vector.shape_cast %select_n3A_1038 : vector<16xi32> to vector<16x1xi32>
        %gather3A_1040 = vector.shape_cast %broadcast_in_dim3A_1039 : vector<16x1xi32> to vector<16xi32>
        %gather3A_1041 = tpu.dynamic_gather %add3A_1028[%gather3A_1040] in [0] : vector<16xf32>, vector<16xi32> -> vector<16xf32>
        %add3A_1042 = arith.addf %add3A_1028, %gather3A_1041 : vector<16xf32>
        %eq3A_1043 = arith.constant 7 : i32
        %eq3A_1044 = vector.broadcast %eq3A_1043 : i32 to vector<16xi32>
        %eq3A_1045 = arith.cmpi eq, %iota3A, %eq3A_1044 : vector<16xi32>
        %select_n3A_1046 = arith.select %eq3A_1045, %add3A_1042, %select_n3A_935 : vector<16xi1>, vector<16xf32>
        %add3A_1047 = arith.constant 1 : i32
        %add3A_1048 = arith.addi %mul3A_126, %add3A_1047 : i32
        %add3A_1049 = arith.constant 8 : i32
        %add3A_1050 = arith.addi %add3A_1048, %add3A_1049 : i32
        %get3A_1051 = arith.index_cast %add3A_1050 : i32 to index
        %get3A_1052 = arith.constant 0 : index
        %get3A_1053 = tpu.vector_load %arg8[%get3A_1051, %get3A_1052] {strides = array<i32>} : memref<336x128xf32, #tpu.memory_space<vmem>>, vector<1x16xf32>,
        %get3A_1054 = vector.shape_cast %get3A_1053 : vector<1x16xf32> to vector<16xf32>
        %mul3A_1055 = arith.mulf %get3A_129, %get3A_1054 : vector<16xf32>
        %get3A_1056 = arith.index_cast %add3A_1050 : i32 to index
        %get3A_1057 = arith.constant 16 : index
        %get3A_1058 = tpu.vector_load %arg8[%get3A_1056, %get3A_1057] {strides = array<i32>} : memref<336x128xf32, #tpu.memory_space<vmem>>, vector<1x16xf32>,
        %get3A_1059 = vector.shape_cast %get3A_1058 : vector<1x16xf32> to vector<16xf32>
        %mul3A_1060 = arith.mulf %get3A_133, %get3A_1059 : vector<16xf32>
        %add3A_1061 = arith.addf %mul3A_1055, %mul3A_1060 : vector<16xf32>
        %get3A_1062 = arith.index_cast %add3A_1050 : i32 to index
        %get3A_1063 = arith.constant 32 : index
        %get3A_1064 = tpu.vector_load %arg8[%get3A_1062, %get3A_1063] {strides = array<i32>} : memref<336x128xf32, #tpu.memory_space<vmem>>, vector<1x16xf32>,
        %get3A_1065 = vector.shape_cast %get3A_1064 : vector<1x16xf32> to vector<16xf32>
        %mul3A_1066 = arith.mulf %get3A_137, %get3A_1065 : vector<16xf32>
        %add3A_1067 = arith.addf %add3A_1061, %mul3A_1066 : vector<16xf32>
        %get3A_1068 = arith.index_cast %add3A_1050 : i32 to index
        %get3A_1069 = arith.constant 48 : index
        %get3A_1070 = tpu.vector_load %arg8[%get3A_1068, %get3A_1069] {strides = array<i32>} : memref<336x128xf32, #tpu.memory_space<vmem>>, vector<1x16xf32>,
        %get3A_1071 = vector.shape_cast %get3A_1070 : vector<1x16xf32> to vector<16xf32>
        %mul3A_1072 = arith.mulf %get3A_141, %get3A_1071 : vector<16xf32>
        %add3A_1073 = arith.addf %add3A_1067, %mul3A_1072 : vector<16xf32>
        %get3A_1074 = arith.index_cast %add3A_1050 : i32 to index
        %get3A_1075 = arith.constant 64 : index
        %get3A_1076 = tpu.vector_load %arg8[%get3A_1074, %get3A_1075] {strides = array<i32>} : memref<336x128xf32, #tpu.memory_space<vmem>>, vector<1x16xf32>,
        %get3A_1077 = vector.shape_cast %get3A_1076 : vector<1x16xf32> to vector<16xf32>
        %mul3A_1078 = arith.mulf %get3A_145, %get3A_1077 : vector<16xf32>
        %add3A_1079 = arith.addf %add3A_1073, %mul3A_1078 : vector<16xf32>
        %get3A_1080 = arith.index_cast %add3A_1050 : i32 to index
        %get3A_1081 = arith.constant 80 : index
        %get3A_1082 = tpu.vector_load %arg8[%get3A_1080, %get3A_1081] {strides = array<i32>} : memref<336x128xf32, #tpu.memory_space<vmem>>, vector<1x16xf32>,
        %get3A_1083 = vector.shape_cast %get3A_1082 : vector<1x16xf32> to vector<16xf32>
        %mul3A_1084 = arith.mulf %get3A_149, %get3A_1083 : vector<16xf32>
        %add3A_1085 = arith.addf %add3A_1079, %mul3A_1084 : vector<16xf32>
        %get3A_1086 = arith.index_cast %add3A_1050 : i32 to index
        %get3A_1087 = arith.constant 96 : index
        %get3A_1088 = tpu.vector_load %arg8[%get3A_1086, %get3A_1087] {strides = array<i32>} : memref<336x128xf32, #tpu.memory_space<vmem>>, vector<1x16xf32>,
        %get3A_1089 = vector.shape_cast %get3A_1088 : vector<1x16xf32> to vector<16xf32>
        %mul3A_1090 = arith.mulf %get3A_153, %get3A_1089 : vector<16xf32>
        %add3A_1091 = arith.addf %add3A_1085, %mul3A_1090 : vector<16xf32>
        %get3A_1092 = arith.index_cast %add3A_1050 : i32 to index
        %get3A_1093 = arith.constant 112 : index
        %get3A_1094 = tpu.vector_load %arg8[%get3A_1092, %get3A_1093] {strides = array<i32>} : memref<336x128xf32, #tpu.memory_space<vmem>>, vector<1x16xf32>,
        %get3A_1095 = vector.shape_cast %get3A_1094 : vector<1x16xf32> to vector<16xf32>
        %mul3A_1096 = arith.mulf %get3A_157, %get3A_1095 : vector<16xf32>
        %add3A_1097 = arith.addf %add3A_1091, %mul3A_1096 : vector<16xf32>
        %xor3A_1098 = arith.constant 8 : i32
        %xor3A_1099 = vector.broadcast %xor3A_1098 : i32 to vector<16xi32>
        %xor3A_1100 = arith.xori %iota3A, %xor3A_1099 : vector<16xi32>
        %lt3A_1101 = arith.constant 0 : i32
        %lt3A_1102 = vector.broadcast %lt3A_1101 : i32 to vector<16xi32>
        %lt3A_1103 = arith.cmpi slt, %xor3A_1100, %lt3A_1102 : vector<16xi32>
        %add3A_1104 = arith.constant 16 : i32
        %add3A_1105 = vector.broadcast %add3A_1104 : i32 to vector<16xi32>
        %add3A_1106 = arith.addi %xor3A_1100, %add3A_1105 : vector<16xi32>
        %select_n3A_1107 = arith.select %lt3A_1103, %add3A_1106, %xor3A_1100 : vector<16xi1>, vector<16xi32>
        %broadcast_in_dim3A_1108 = vector.shape_cast %select_n3A_1107 : vector<16xi32> to vector<16x1xi32>
        %gather3A_1109 = vector.shape_cast %broadcast_in_dim3A_1108 : vector<16x1xi32> to vector<16xi32>
        %gather3A_1110 = tpu.dynamic_gather %add3A_1097[%gather3A_1109] in [0] : vector<16xf32>, vector<16xi32> -> vector<16xf32>
        %add3A_1111 = arith.addf %add3A_1097, %gather3A_1110 : vector<16xf32>
        %xor3A_1112 = arith.constant 4 : i32
        %xor3A_1113 = vector.broadcast %xor3A_1112 : i32 to vector<16xi32>
        %xor3A_1114 = arith.xori %iota3A, %xor3A_1113 : vector<16xi32>
        %lt3A_1115 = arith.constant 0 : i32
        %lt3A_1116 = vector.broadcast %lt3A_1115 : i32 to vector<16xi32>
        %lt3A_1117 = arith.cmpi slt, %xor3A_1114, %lt3A_1116 : vector<16xi32>
        %add3A_1118 = arith.constant 16 : i32
        %add3A_1119 = vector.broadcast %add3A_1118 : i32 to vector<16xi32>
        %add3A_1120 = arith.addi %xor3A_1114, %add3A_1119 : vector<16xi32>
        %select_n3A_1121 = arith.select %lt3A_1117, %add3A_1120, %xor3A_1114 : vector<16xi1>, vector<16xi32>
        %broadcast_in_dim3A_1122 = vector.shape_cast %select_n3A_1121 : vector<16xi32> to vector<16x1xi32>
        %gather3A_1123 = vector.shape_cast %broadcast_in_dim3A_1122 : vector<16x1xi32> to vector<16xi32>
        %gather3A_1124 = tpu.dynamic_gather %add3A_1111[%gather3A_1123] in [0] : vector<16xf32>, vector<16xi32> -> vector<16xf32>
        %add3A_1125 = arith.addf %add3A_1111, %gather3A_1124 : vector<16xf32>
        %xor3A_1126 = arith.constant 2 : i32
        %xor3A_1127 = vector.broadcast %xor3A_1126 : i32 to vector<16xi32>
        %xor3A_1128 = arith.xori %iota3A, %xor3A_1127 : vector<16xi32>
        %lt3A_1129 = arith.constant 0 : i32
        %lt3A_1130 = vector.broadcast %lt3A_1129 : i32 to vector<16xi32>
        %lt3A_1131 = arith.cmpi slt, %xor3A_1128, %lt3A_1130 : vector<16xi32>
        %add3A_1132 = arith.constant 16 : i32
        %add3A_1133 = vector.broadcast %add3A_1132 : i32 to vector<16xi32>
        %add3A_1134 = arith.addi %xor3A_1128, %add3A_1133 : vector<16xi32>
        %select_n3A_1135 = arith.select %lt3A_1131, %add3A_1134, %xor3A_1128 : vector<16xi1>, vector<16xi32>
        %broadcast_in_dim3A_1136 = vector.shape_cast %select_n3A_1135 : vector<16xi32> to vector<16x1xi32>
        %gather3A_1137 = vector.shape_cast %broadcast_in_dim3A_1136 : vector<16x1xi32> to vector<16xi32>
        %gather3A_1138 = tpu.dynamic_gather %add3A_1125[%gather3A_1137] in [0] : vector<16xf32>, vector<16xi32> -> vector<16xf32>
        %add3A_1139 = arith.addf %add3A_1125, %gather3A_1138 : vector<16xf32>
        %xor3A_1140 = arith.constant 1 : i32
        %xor3A_1141 = vector.broadcast %xor3A_1140 : i32 to vector<16xi32>
        %xor3A_1142 = arith.xori %iota3A, %xor3A_1141 : vector<16xi32>
        %lt3A_1143 = arith.constant 0 : i32
        %lt3A_1144 = vector.broadcast %lt3A_1143 : i32 to vector<16xi32>
        %lt3A_1145 = arith.cmpi slt, %xor3A_1142, %lt3A_1144 : vector<16xi32>
        %add3A_1146 = arith.constant 16 : i32
        %add3A_1147 = vector.broadcast %add3A_1146 : i32 to vector<16xi32>
        %add3A_1148 = arith.addi %xor3A_1142, %add3A_1147 : vector<16xi32>
        %select_n3A_1149 = arith.select %lt3A_1145, %add3A_1148, %xor3A_1142 : vector<16xi1>, vector<16xi32>
        %broadcast_in_dim3A_1150 = vector.shape_cast %select_n3A_1149 : vector<16xi32> to vector<16x1xi32>
        %gather3A_1151 = vector.shape_cast %broadcast_in_dim3A_1150 : vector<16x1xi32> to vector<16xi32>
        %gather3A_1152 = tpu.dynamic_gather %add3A_1139[%gather3A_1151] in [0] : vector<16xf32>, vector<16xi32> -> vector<16xf32>
        %add3A_1153 = arith.addf %add3A_1139, %gather3A_1152 : vector<16xf32>
        %eq3A_1154 = arith.constant 8 : i32
        %eq3A_1155 = vector.broadcast %eq3A_1154 : i32 to vector<16xi32>
        %eq3A_1156 = arith.cmpi eq, %iota3A, %eq3A_1155 : vector<16xi32>
        %select_n3A_1157 = arith.select %eq3A_1156, %add3A_1153, %select_n3A_1046 : vector<16xi1>, vector<16xf32>
        %add3A_1158 = arith.constant 1 : i32
        %add3A_1159 = arith.addi %mul3A_126, %add3A_1158 : i32
        %add3A_1160 = arith.constant 9 : i32
        %add3A_1161 = arith.addi %add3A_1159, %add3A_1160 : i32
        %get3A_1162 = arith.index_cast %add3A_1161 : i32 to index
        %get3A_1163 = arith.constant 0 : index
        %get3A_1164 = tpu.vector_load %arg8[%get3A_1162, %get3A_1163] {strides = array<i32>} : memref<336x128xf32, #tpu.memory_space<vmem>>, vector<1x16xf32>,
        %get3A_1165 = vector.shape_cast %get3A_1164 : vector<1x16xf32> to vector<16xf32>
        %mul3A_1166 = arith.mulf %get3A_129, %get3A_1165 : vector<16xf32>
        %get3A_1167 = arith.index_cast %add3A_1161 : i32 to index
        %get3A_1168 = arith.constant 16 : index
        %get3A_1169 = tpu.vector_load %arg8[%get3A_1167, %get3A_1168] {strides = array<i32>} : memref<336x128xf32, #tpu.memory_space<vmem>>, vector<1x16xf32>,
        %get3A_1170 = vector.shape_cast %get3A_1169 : vector<1x16xf32> to vector<16xf32>
        %mul3A_1171 = arith.mulf %get3A_133, %get3A_1170 : vector<16xf32>
        %add3A_1172 = arith.addf %mul3A_1166, %mul3A_1171 : vector<16xf32>
        %get3A_1173 = arith.index_cast %add3A_1161 : i32 to index
        %get3A_1174 = arith.constant 32 : index
        %get3A_1175 = tpu.vector_load %arg8[%get3A_1173, %get3A_1174] {strides = array<i32>} : memref<336x128xf32, #tpu.memory_space<vmem>>, vector<1x16xf32>,
        %get3A_1176 = vector.shape_cast %get3A_1175 : vector<1x16xf32> to vector<16xf32>
        %mul3A_1177 = arith.mulf %get3A_137, %get3A_1176 : vector<16xf32>
        %add3A_1178 = arith.addf %add3A_1172, %mul3A_1177 : vector<16xf32>
        %get3A_1179 = arith.index_cast %add3A_1161 : i32 to index
        %get3A_1180 = arith.constant 48 : index
        %get3A_1181 = tpu.vector_load %arg8[%get3A_1179, %get3A_1180] {strides = array<i32>} : memref<336x128xf32, #tpu.memory_space<vmem>>, vector<1x16xf32>,
        %get3A_1182 = vector.shape_cast %get3A_1181 : vector<1x16xf32> to vector<16xf32>
        %mul3A_1183 = arith.mulf %get3A_141, %get3A_1182 : vector<16xf32>
        %add3A_1184 = arith.addf %add3A_1178, %mul3A_1183 : vector<16xf32>
        %get3A_1185 = arith.index_cast %add3A_1161 : i32 to index
        %get3A_1186 = arith.constant 64 : index
        %get3A_1187 = tpu.vector_load %arg8[%get3A_1185, %get3A_1186] {strides = array<i32>} : memref<336x128xf32, #tpu.memory_space<vmem>>, vector<1x16xf32>,
        %get3A_1188 = vector.shape_cast %get3A_1187 : vector<1x16xf32> to vector<16xf32>
        %mul3A_1189 = arith.mulf %get3A_145, %get3A_1188 : vector<16xf32>
        %add3A_1190 = arith.addf %add3A_1184, %mul3A_1189 : vector<16xf32>
        %get3A_1191 = arith.index_cast %add3A_1161 : i32 to index
        %get3A_1192 = arith.constant 80 : index
        %get3A_1193 = tpu.vector_load %arg8[%get3A_1191, %get3A_1192] {strides = array<i32>} : memref<336x128xf32, #tpu.memory_space<vmem>>, vector<1x16xf32>,
        %get3A_1194 = vector.shape_cast %get3A_1193 : vector<1x16xf32> to vector<16xf32>
        %mul3A_1195 = arith.mulf %get3A_149, %get3A_1194 : vector<16xf32>
        %add3A_1196 = arith.addf %add3A_1190, %mul3A_1195 : vector<16xf32>
        %get3A_1197 = arith.index_cast %add3A_1161 : i32 to index
        %get3A_1198 = arith.constant 96 : index
        %get3A_1199 = tpu.vector_load %arg8[%get3A_1197, %get3A_1198] {strides = array<i32>} : memref<336x128xf32, #tpu.memory_space<vmem>>, vector<1x16xf32>,
        %get3A_1200 = vector.shape_cast %get3A_1199 : vector<1x16xf32> to vector<16xf32>
        %mul3A_1201 = arith.mulf %get3A_153, %get3A_1200 : vector<16xf32>
        %add3A_1202 = arith.addf %add3A_1196, %mul3A_1201 : vector<16xf32>
        %get3A_1203 = arith.index_cast %add3A_1161 : i32 to index
        %get3A_1204 = arith.constant 112 : index
        %get3A_1205 = tpu.vector_load %arg8[%get3A_1203, %get3A_1204] {strides = array<i32>} : memref<336x128xf32, #tpu.memory_space<vmem>>, vector<1x16xf32>,
        %get3A_1206 = vector.shape_cast %get3A_1205 : vector<1x16xf32> to vector<16xf32>
        %mul3A_1207 = arith.mulf %get3A_157, %get3A_1206 : vector<16xf32>
        %add3A_1208 = arith.addf %add3A_1202, %mul3A_1207 : vector<16xf32>
        %xor3A_1209 = arith.constant 8 : i32
        %xor3A_1210 = vector.broadcast %xor3A_1209 : i32 to vector<16xi32>
        %xor3A_1211 = arith.xori %iota3A, %xor3A_1210 : vector<16xi32>
        %lt3A_1212 = arith.constant 0 : i32
        %lt3A_1213 = vector.broadcast %lt3A_1212 : i32 to vector<16xi32>
        %lt3A_1214 = arith.cmpi slt, %xor3A_1211, %lt3A_1213 : vector<16xi32>
        %add3A_1215 = arith.constant 16 : i32
        %add3A_1216 = vector.broadcast %add3A_1215 : i32 to vector<16xi32>
        %add3A_1217 = arith.addi %xor3A_1211, %add3A_1216 : vector<16xi32>
        %select_n3A_1218 = arith.select %lt3A_1214, %add3A_1217, %xor3A_1211 : vector<16xi1>, vector<16xi32>
        %broadcast_in_dim3A_1219 = vector.shape_cast %select_n3A_1218 : vector<16xi32> to vector<16x1xi32>
        %gather3A_1220 = vector.shape_cast %broadcast_in_dim3A_1219 : vector<16x1xi32> to vector<16xi32>
        %gather3A_1221 = tpu.dynamic_gather %add3A_1208[%gather3A_1220] in [0] : vector<16xf32>, vector<16xi32> -> vector<16xf32>
        %add3A_1222 = arith.addf %add3A_1208, %gather3A_1221 : vector<16xf32>
        %xor3A_1223 = arith.constant 4 : i32
        %xor3A_1224 = vector.broadcast %xor3A_1223 : i32 to vector<16xi32>
        %xor3A_1225 = arith.xori %iota3A, %xor3A_1224 : vector<16xi32>
        %lt3A_1226 = arith.constant 0 : i32
        %lt3A_1227 = vector.broadcast %lt3A_1226 : i32 to vector<16xi32>
        %lt3A_1228 = arith.cmpi slt, %xor3A_1225, %lt3A_1227 : vector<16xi32>
        %add3A_1229 = arith.constant 16 : i32
        %add3A_1230 = vector.broadcast %add3A_1229 : i32 to vector<16xi32>
        %add3A_1231 = arith.addi %xor3A_1225, %add3A_1230 : vector<16xi32>
        %select_n3A_1232 = arith.select %lt3A_1228, %add3A_1231, %xor3A_1225 : vector<16xi1>, vector<16xi32>
        %broadcast_in_dim3A_1233 = vector.shape_cast %select_n3A_1232 : vector<16xi32> to vector<16x1xi32>
        %gather3A_1234 = vector.shape_cast %broadcast_in_dim3A_1233 : vector<16x1xi32> to vector<16xi32>
        %gather3A_1235 = tpu.dynamic_gather %add3A_1222[%gather3A_1234] in [0] : vector<16xf32>, vector<16xi32> -> vector<16xf32>
        %add3A_1236 = arith.addf %add3A_1222, %gather3A_1235 : vector<16xf32>
        %xor3A_1237 = arith.constant 2 : i32
        %xor3A_1238 = vector.broadcast %xor3A_1237 : i32 to vector<16xi32>
        %xor3A_1239 = arith.xori %iota3A, %xor3A_1238 : vector<16xi32>
        %lt3A_1240 = arith.constant 0 : i32
        %lt3A_1241 = vector.broadcast %lt3A_1240 : i32 to vector<16xi32>
        %lt3A_1242 = arith.cmpi slt, %xor3A_1239, %lt3A_1241 : vector<16xi32>
        %add3A_1243 = arith.constant 16 : i32
        %add3A_1244 = vector.broadcast %add3A_1243 : i32 to vector<16xi32>
        %add3A_1245 = arith.addi %xor3A_1239, %add3A_1244 : vector<16xi32>
        %select_n3A_1246 = arith.select %lt3A_1242, %add3A_1245, %xor3A_1239 : vector<16xi1>, vector<16xi32>
        %broadcast_in_dim3A_1247 = vector.shape_cast %select_n3A_1246 : vector<16xi32> to vector<16x1xi32>
        %gather3A_1248 = vector.shape_cast %broadcast_in_dim3A_1247 : vector<16x1xi32> to vector<16xi32>
        %gather3A_1249 = tpu.dynamic_gather %add3A_1236[%gather3A_1248] in [0] : vector<16xf32>, vector<16xi32> -> vector<16xf32>
        %add3A_1250 = arith.addf %add3A_1236, %gather3A_1249 : vector<16xf32>
        %xor3A_1251 = arith.constant 1 : i32
        %xor3A_1252 = vector.broadcast %xor3A_1251 : i32 to vector<16xi32>
        %xor3A_1253 = arith.xori %iota3A, %xor3A_1252 : vector<16xi32>
        %lt3A_1254 = arith.constant 0 : i32
        %lt3A_1255 = vector.broadcast %lt3A_1254 : i32 to vector<16xi32>
        %lt3A_1256 = arith.cmpi slt, %xor3A_1253, %lt3A_1255 : vector<16xi32>
        %add3A_1257 = arith.constant 16 : i32
        %add3A_1258 = vector.broadcast %add3A_1257 : i32 to vector<16xi32>
        %add3A_1259 = arith.addi %xor3A_1253, %add3A_1258 : vector<16xi32>
        %select_n3A_1260 = arith.select %lt3A_1256, %add3A_1259, %xor3A_1253 : vector<16xi1>, vector<16xi32>
        %broadcast_in_dim3A_1261 = vector.shape_cast %select_n3A_1260 : vector<16xi32> to vector<16x1xi32>
        %gather3A_1262 = vector.shape_cast %broadcast_in_dim3A_1261 : vector<16x1xi32> to vector<16xi32>
        %gather3A_1263 = tpu.dynamic_gather %add3A_1250[%gather3A_1262] in [0] : vector<16xf32>, vector<16xi32> -> vector<16xf32>
        %add3A_1264 = arith.addf %add3A_1250, %gather3A_1263 : vector<16xf32>
        %eq3A_1265 = arith.constant 9 : i32
        %eq3A_1266 = vector.broadcast %eq3A_1265 : i32 to vector<16xi32>
        %eq3A_1267 = arith.cmpi eq, %iota3A, %eq3A_1266 : vector<16xi32>
        %select_n3A_1268 = arith.select %eq3A_1267, %add3A_1264, %select_n3A_1157 : vector<16xi1>, vector<16xf32>
        %add3A_1269 = arith.constant 1 : i32
        %add3A_1270 = arith.addi %mul3A_126, %add3A_1269 : i32
        %add3A_1271 = arith.constant 10 : i32
        %add3A_1272 = arith.addi %add3A_1270, %add3A_1271 : i32
        %get3A_1273 = arith.index_cast %add3A_1272 : i32 to index
        %get3A_1274 = arith.constant 0 : index
        %get3A_1275 = tpu.vector_load %arg8[%get3A_1273, %get3A_1274] {strides = array<i32>} : memref<336x128xf32, #tpu.memory_space<vmem>>, vector<1x16xf32>,
        %get3A_1276 = vector.shape_cast %get3A_1275 : vector<1x16xf32> to vector<16xf32>
        %mul3A_1277 = arith.mulf %get3A_129, %get3A_1276 : vector<16xf32>
        %get3A_1278 = arith.index_cast %add3A_1272 : i32 to index
        %get3A_1279 = arith.constant 16 : index
        %get3A_1280 = tpu.vector_load %arg8[%get3A_1278, %get3A_1279] {strides = array<i32>} : memref<336x128xf32, #tpu.memory_space<vmem>>, vector<1x16xf32>,
        %get3A_1281 = vector.shape_cast %get3A_1280 : vector<1x16xf32> to vector<16xf32>
        %mul3A_1282 = arith.mulf %get3A_133, %get3A_1281 : vector<16xf32>
        %add3A_1283 = arith.addf %mul3A_1277, %mul3A_1282 : vector<16xf32>
        %get3A_1284 = arith.index_cast %add3A_1272 : i32 to index
        %get3A_1285 = arith.constant 32 : index
        %get3A_1286 = tpu.vector_load %arg8[%get3A_1284, %get3A_1285] {strides = array<i32>} : memref<336x128xf32, #tpu.memory_space<vmem>>, vector<1x16xf32>,
        %get3A_1287 = vector.shape_cast %get3A_1286 : vector<1x16xf32> to vector<16xf32>
        %mul3A_1288 = arith.mulf %get3A_137, %get3A_1287 : vector<16xf32>
        %add3A_1289 = arith.addf %add3A_1283, %mul3A_1288 : vector<16xf32>
        %get3A_1290 = arith.index_cast %add3A_1272 : i32 to index
        %get3A_1291 = arith.constant 48 : index
        %get3A_1292 = tpu.vector_load %arg8[%get3A_1290, %get3A_1291] {strides = array<i32>} : memref<336x128xf32, #tpu.memory_space<vmem>>, vector<1x16xf32>,
        %get3A_1293 = vector.shape_cast %get3A_1292 : vector<1x16xf32> to vector<16xf32>
        %mul3A_1294 = arith.mulf %get3A_141, %get3A_1293 : vector<16xf32>
        %add3A_1295 = arith.addf %add3A_1289, %mul3A_1294 : vector<16xf32>
        %get3A_1296 = arith.index_cast %add3A_1272 : i32 to index
        %get3A_1297 = arith.constant 64 : index
        %get3A_1298 = tpu.vector_load %arg8[%get3A_1296, %get3A_1297] {strides = array<i32>} : memref<336x128xf32, #tpu.memory_space<vmem>>, vector<1x16xf32>,
        %get3A_1299 = vector.shape_cast %get3A_1298 : vector<1x16xf32> to vector<16xf32>
        %mul3A_1300 = arith.mulf %get3A_145, %get3A_1299 : vector<16xf32>
        %add3A_1301 = arith.addf %add3A_1295, %mul3A_1300 : vector<16xf32>
        %get3A_1302 = arith.index_cast %add3A_1272 : i32 to index
        %get3A_1303 = arith.constant 80 : index
        %get3A_1304 = tpu.vector_load %arg8[%get3A_1302, %get3A_1303] {strides = array<i32>} : memref<336x128xf32, #tpu.memory_space<vmem>>, vector<1x16xf32>,
        %get3A_1305 = vector.shape_cast %get3A_1304 : vector<1x16xf32> to vector<16xf32>
        %mul3A_1306 = arith.mulf %get3A_149, %get3A_1305 : vector<16xf32>
        %add3A_1307 = arith.addf %add3A_1301, %mul3A_1306 : vector<16xf32>
        %get3A_1308 = arith.index_cast %add3A_1272 : i32 to index
        %get3A_1309 = arith.constant 96 : index
        %get3A_1310 = tpu.vector_load %arg8[%get3A_1308, %get3A_1309] {strides = array<i32>} : memref<336x128xf32, #tpu.memory_space<vmem>>, vector<1x16xf32>,
        %get3A_1311 = vector.shape_cast %get3A_1310 : vector<1x16xf32> to vector<16xf32>
        %mul3A_1312 = arith.mulf %get3A_153, %get3A_1311 : vector<16xf32>
        %add3A_1313 = arith.addf %add3A_1307, %mul3A_1312 : vector<16xf32>
        %get3A_1314 = arith.index_cast %add3A_1272 : i32 to index
        %get3A_1315 = arith.constant 112 : index
        %get3A_1316 = tpu.vector_load %arg8[%get3A_1314, %get3A_1315] {strides = array<i32>} : memref<336x128xf32, #tpu.memory_space<vmem>>, vector<1x16xf32>,
        %get3A_1317 = vector.shape_cast %get3A_1316 : vector<1x16xf32> to vector<16xf32>
        %mul3A_1318 = arith.mulf %get3A_157, %get3A_1317 : vector<16xf32>
        %add3A_1319 = arith.addf %add3A_1313, %mul3A_1318 : vector<16xf32>
        %xor3A_1320 = arith.constant 8 : i32
        %xor3A_1321 = vector.broadcast %xor3A_1320 : i32 to vector<16xi32>
        %xor3A_1322 = arith.xori %iota3A, %xor3A_1321 : vector<16xi32>
        %lt3A_1323 = arith.constant 0 : i32
        %lt3A_1324 = vector.broadcast %lt3A_1323 : i32 to vector<16xi32>
        %lt3A_1325 = arith.cmpi slt, %xor3A_1322, %lt3A_1324 : vector<16xi32>
        %add3A_1326 = arith.constant 16 : i32
        %add3A_1327 = vector.broadcast %add3A_1326 : i32 to vector<16xi32>
        %add3A_1328 = arith.addi %xor3A_1322, %add3A_1327 : vector<16xi32>
        %select_n3A_1329 = arith.select %lt3A_1325, %add3A_1328, %xor3A_1322 : vector<16xi1>, vector<16xi32>
        %broadcast_in_dim3A_1330 = vector.shape_cast %select_n3A_1329 : vector<16xi32> to vector<16x1xi32>
        %gather3A_1331 = vector.shape_cast %broadcast_in_dim3A_1330 : vector<16x1xi32> to vector<16xi32>
        %gather3A_1332 = tpu.dynamic_gather %add3A_1319[%gather3A_1331] in [0] : vector<16xf32>, vector<16xi32> -> vector<16xf32>
        %add3A_1333 = arith.addf %add3A_1319, %gather3A_1332 : vector<16xf32>
        %xor3A_1334 = arith.constant 4 : i32
        %xor3A_1335 = vector.broadcast %xor3A_1334 : i32 to vector<16xi32>
        %xor3A_1336 = arith.xori %iota3A, %xor3A_1335 : vector<16xi32>
        %lt3A_1337 = arith.constant 0 : i32
        %lt3A_1338 = vector.broadcast %lt3A_1337 : i32 to vector<16xi32>
        %lt3A_1339 = arith.cmpi slt, %xor3A_1336, %lt3A_1338 : vector<16xi32>
        %add3A_1340 = arith.constant 16 : i32
        %add3A_1341 = vector.broadcast %add3A_1340 : i32 to vector<16xi32>
        %add3A_1342 = arith.addi %xor3A_1336, %add3A_1341 : vector<16xi32>
        %select_n3A_1343 = arith.select %lt3A_1339, %add3A_1342, %xor3A_1336 : vector<16xi1>, vector<16xi32>
        %broadcast_in_dim3A_1344 = vector.shape_cast %select_n3A_1343 : vector<16xi32> to vector<16x1xi32>
        %gather3A_1345 = vector.shape_cast %broadcast_in_dim3A_1344 : vector<16x1xi32> to vector<16xi32>
        %gather3A_1346 = tpu.dynamic_gather %add3A_1333[%gather3A_1345] in [0] : vector<16xf32>, vector<16xi32> -> vector<16xf32>
        %add3A_1347 = arith.addf %add3A_1333, %gather3A_1346 : vector<16xf32>
        %xor3A_1348 = arith.constant 2 : i32
        %xor3A_1349 = vector.broadcast %xor3A_1348 : i32 to vector<16xi32>
        %xor3A_1350 = arith.xori %iota3A, %xor3A_1349 : vector<16xi32>
        %lt3A_1351 = arith.constant 0 : i32
        %lt3A_1352 = vector.broadcast %lt3A_1351 : i32 to vector<16xi32>
        %lt3A_1353 = arith.cmpi slt, %xor3A_1350, %lt3A_1352 : vector<16xi32>
        %add3A_1354 = arith.constant 16 : i32
        %add3A_1355 = vector.broadcast %add3A_1354 : i32 to vector<16xi32>
        %add3A_1356 = arith.addi %xor3A_1350, %add3A_1355 : vector<16xi32>
        %select_n3A_1357 = arith.select %lt3A_1353, %add3A_1356, %xor3A_1350 : vector<16xi1>, vector<16xi32>
        %broadcast_in_dim3A_1358 = vector.shape_cast %select_n3A_1357 : vector<16xi32> to vector<16x1xi32>
        %gather3A_1359 = vector.shape_cast %broadcast_in_dim3A_1358 : vector<16x1xi32> to vector<16xi32>
        %gather3A_1360 = tpu.dynamic_gather %add3A_1347[%gather3A_1359] in [0] : vector<16xf32>, vector<16xi32> -> vector<16xf32>
        %add3A_1361 = arith.addf %add3A_1347, %gather3A_1360 : vector<16xf32>
        %xor3A_1362 = arith.constant 1 : i32
        %xor3A_1363 = vector.broadcast %xor3A_1362 : i32 to vector<16xi32>
        %xor3A_1364 = arith.xori %iota3A, %xor3A_1363 : vector<16xi32>
        %lt3A_1365 = arith.constant 0 : i32
        %lt3A_1366 = vector.broadcast %lt3A_1365 : i32 to vector<16xi32>
        %lt3A_1367 = arith.cmpi slt, %xor3A_1364, %lt3A_1366 : vector<16xi32>
        %add3A_1368 = arith.constant 16 : i32
        %add3A_1369 = vector.broadcast %add3A_1368 : i32 to vector<16xi32>
        %add3A_1370 = arith.addi %xor3A_1364, %add3A_1369 : vector<16xi32>
        %select_n3A_1371 = arith.select %lt3A_1367, %add3A_1370, %xor3A_1364 : vector<16xi1>, vector<16xi32>
        %broadcast_in_dim3A_1372 = vector.shape_cast %select_n3A_1371 : vector<16xi32> to vector<16x1xi32>
        %gather3A_1373 = vector.shape_cast %broadcast_in_dim3A_1372 : vector<16x1xi32> to vector<16xi32>
        %gather3A_1374 = tpu.dynamic_gather %add3A_1361[%gather3A_1373] in [0] : vector<16xf32>, vector<16xi32> -> vector<16xf32>
        %add3A_1375 = arith.addf %add3A_1361, %gather3A_1374 : vector<16xf32>
        %eq3A_1376 = arith.constant 10 : i32
        %eq3A_1377 = vector.broadcast %eq3A_1376 : i32 to vector<16xi32>
        %eq3A_1378 = arith.cmpi eq, %iota3A, %eq3A_1377 : vector<16xi32>
        %select_n3A_1379 = arith.select %eq3A_1378, %add3A_1375, %select_n3A_1268 : vector<16xi1>, vector<16xf32>
        %add3A_1380 = arith.constant 1 : i32
        %add3A_1381 = arith.addi %mul3A_126, %add3A_1380 : i32
        %add3A_1382 = arith.constant 11 : i32
        %add3A_1383 = arith.addi %add3A_1381, %add3A_1382 : i32
        %get3A_1384 = arith.index_cast %add3A_1383 : i32 to index
        %get3A_1385 = arith.constant 0 : index
        %get3A_1386 = tpu.vector_load %arg8[%get3A_1384, %get3A_1385] {strides = array<i32>} : memref<336x128xf32, #tpu.memory_space<vmem>>, vector<1x16xf32>,
        %get3A_1387 = vector.shape_cast %get3A_1386 : vector<1x16xf32> to vector<16xf32>
        %mul3A_1388 = arith.mulf %get3A_129, %get3A_1387 : vector<16xf32>
        %get3A_1389 = arith.index_cast %add3A_1383 : i32 to index
        %get3A_1390 = arith.constant 16 : index
        %get3A_1391 = tpu.vector_load %arg8[%get3A_1389, %get3A_1390] {strides = array<i32>} : memref<336x128xf32, #tpu.memory_space<vmem>>, vector<1x16xf32>,
        %get3A_1392 = vector.shape_cast %get3A_1391 : vector<1x16xf32> to vector<16xf32>
        %mul3A_1393 = arith.mulf %get3A_133, %get3A_1392 : vector<16xf32>
        %add3A_1394 = arith.addf %mul3A_1388, %mul3A_1393 : vector<16xf32>
        %get3A_1395 = arith.index_cast %add3A_1383 : i32 to index
        %get3A_1396 = arith.constant 32 : index
        %get3A_1397 = tpu.vector_load %arg8[%get3A_1395, %get3A_1396] {strides = array<i32>} : memref<336x128xf32, #tpu.memory_space<vmem>>, vector<1x16xf32>,
        %get3A_1398 = vector.shape_cast %get3A_1397 : vector<1x16xf32> to vector<16xf32>
        %mul3A_1399 = arith.mulf %get3A_137, %get3A_1398 : vector<16xf32>
        %add3A_1400 = arith.addf %add3A_1394, %mul3A_1399 : vector<16xf32>
        %get3A_1401 = arith.index_cast %add3A_1383 : i32 to index
        %get3A_1402 = arith.constant 48 : index
        %get3A_1403 = tpu.vector_load %arg8[%get3A_1401, %get3A_1402] {strides = array<i32>} : memref<336x128xf32, #tpu.memory_space<vmem>>, vector<1x16xf32>,
        %get3A_1404 = vector.shape_cast %get3A_1403 : vector<1x16xf32> to vector<16xf32>
        %mul3A_1405 = arith.mulf %get3A_141, %get3A_1404 : vector<16xf32>
        %add3A_1406 = arith.addf %add3A_1400, %mul3A_1405 : vector<16xf32>
        %get3A_1407 = arith.index_cast %add3A_1383 : i32 to index
        %get3A_1408 = arith.constant 64 : index
        %get3A_1409 = tpu.vector_load %arg8[%get3A_1407, %get3A_1408] {strides = array<i32>} : memref<336x128xf32, #tpu.memory_space<vmem>>, vector<1x16xf32>,
        %get3A_1410 = vector.shape_cast %get3A_1409 : vector<1x16xf32> to vector<16xf32>
        %mul3A_1411 = arith.mulf %get3A_145, %get3A_1410 : vector<16xf32>
        %add3A_1412 = arith.addf %add3A_1406, %mul3A_1411 : vector<16xf32>
        %get3A_1413 = arith.index_cast %add3A_1383 : i32 to index
        %get3A_1414 = arith.constant 80 : index
        %get3A_1415 = tpu.vector_load %arg8[%get3A_1413, %get3A_1414] {strides = array<i32>} : memref<336x128xf32, #tpu.memory_space<vmem>>, vector<1x16xf32>,
        %get3A_1416 = vector.shape_cast %get3A_1415 : vector<1x16xf32> to vector<16xf32>
        %mul3A_1417 = arith.mulf %get3A_149, %get3A_1416 : vector<16xf32>
        %add3A_1418 = arith.addf %add3A_1412, %mul3A_1417 : vector<16xf32>
        %get3A_1419 = arith.index_cast %add3A_1383 : i32 to index
        %get3A_1420 = arith.constant 96 : index
        %get3A_1421 = tpu.vector_load %arg8[%get3A_1419, %get3A_1420] {strides = array<i32>} : memref<336x128xf32, #tpu.memory_space<vmem>>, vector<1x16xf32>,
        %get3A_1422 = vector.shape_cast %get3A_1421 : vector<1x16xf32> to vector<16xf32>
        %mul3A_1423 = arith.mulf %get3A_153, %get3A_1422 : vector<16xf32>
        %add3A_1424 = arith.addf %add3A_1418, %mul3A_1423 : vector<16xf32>
        %get3A_1425 = arith.index_cast %add3A_1383 : i32 to index
        %get3A_1426 = arith.constant 112 : index
        %get3A_1427 = tpu.vector_load %arg8[%get3A_1425, %get3A_1426] {strides = array<i32>} : memref<336x128xf32, #tpu.memory_space<vmem>>, vector<1x16xf32>,
        %get3A_1428 = vector.shape_cast %get3A_1427 : vector<1x16xf32> to vector<16xf32>
        %mul3A_1429 = arith.mulf %get3A_157, %get3A_1428 : vector<16xf32>
        %add3A_1430 = arith.addf %add3A_1424, %mul3A_1429 : vector<16xf32>
        %xor3A_1431 = arith.constant 8 : i32
        %xor3A_1432 = vector.broadcast %xor3A_1431 : i32 to vector<16xi32>
        %xor3A_1433 = arith.xori %iota3A, %xor3A_1432 : vector<16xi32>
        %lt3A_1434 = arith.constant 0 : i32
        %lt3A_1435 = vector.broadcast %lt3A_1434 : i32 to vector<16xi32>
        %lt3A_1436 = arith.cmpi slt, %xor3A_1433, %lt3A_1435 : vector<16xi32>
        %add3A_1437 = arith.constant 16 : i32
        %add3A_1438 = vector.broadcast %add3A_1437 : i32 to vector<16xi32>
        %add3A_1439 = arith.addi %xor3A_1433, %add3A_1438 : vector<16xi32>
        %select_n3A_1440 = arith.select %lt3A_1436, %add3A_1439, %xor3A_1433 : vector<16xi1>, vector<16xi32>
        %broadcast_in_dim3A_1441 = vector.shape_cast %select_n3A_1440 : vector<16xi32> to vector<16x1xi32>
        %gather3A_1442 = vector.shape_cast %broadcast_in_dim3A_1441 : vector<16x1xi32> to vector<16xi32>
        %gather3A_1443 = tpu.dynamic_gather %add3A_1430[%gather3A_1442] in [0] : vector<16xf32>, vector<16xi32> -> vector<16xf32>
        %add3A_1444 = arith.addf %add3A_1430, %gather3A_1443 : vector<16xf32>
        %xor3A_1445 = arith.constant 4 : i32
        %xor3A_1446 = vector.broadcast %xor3A_1445 : i32 to vector<16xi32>
        %xor3A_1447 = arith.xori %iota3A, %xor3A_1446 : vector<16xi32>
        %lt3A_1448 = arith.constant 0 : i32
        %lt3A_1449 = vector.broadcast %lt3A_1448 : i32 to vector<16xi32>
        %lt3A_1450 = arith.cmpi slt, %xor3A_1447, %lt3A_1449 : vector<16xi32>
        %add3A_1451 = arith.constant 16 : i32
        %add3A_1452 = vector.broadcast %add3A_1451 : i32 to vector<16xi32>
        %add3A_1453 = arith.addi %xor3A_1447, %add3A_1452 : vector<16xi32>
        %select_n3A_1454 = arith.select %lt3A_1450, %add3A_1453, %xor3A_1447 : vector<16xi1>, vector<16xi32>
        %broadcast_in_dim3A_1455 = vector.shape_cast %select_n3A_1454 : vector<16xi32> to vector<16x1xi32>
        %gather3A_1456 = vector.shape_cast %broadcast_in_dim3A_1455 : vector<16x1xi32> to vector<16xi32>
        %gather3A_1457 = tpu.dynamic_gather %add3A_1444[%gather3A_1456] in [0] : vector<16xf32>, vector<16xi32> -> vector<16xf32>
        %add3A_1458 = arith.addf %add3A_1444, %gather3A_1457 : vector<16xf32>
        %xor3A_1459 = arith.constant 2 : i32
        %xor3A_1460 = vector.broadcast %xor3A_1459 : i32 to vector<16xi32>
        %xor3A_1461 = arith.xori %iota3A, %xor3A_1460 : vector<16xi32>
        %lt3A_1462 = arith.constant 0 : i32
        %lt3A_1463 = vector.broadcast %lt3A_1462 : i32 to vector<16xi32>
        %lt3A_1464 = arith.cmpi slt, %xor3A_1461, %lt3A_1463 : vector<16xi32>
        %add3A_1465 = arith.constant 16 : i32
        %add3A_1466 = vector.broadcast %add3A_1465 : i32 to vector<16xi32>
        %add3A_1467 = arith.addi %xor3A_1461, %add3A_1466 : vector<16xi32>
        %select_n3A_1468 = arith.select %lt3A_1464, %add3A_1467, %xor3A_1461 : vector<16xi1>, vector<16xi32>
        %broadcast_in_dim3A_1469 = vector.shape_cast %select_n3A_1468 : vector<16xi32> to vector<16x1xi32>
        %gather3A_1470 = vector.shape_cast %broadcast_in_dim3A_1469 : vector<16x1xi32> to vector<16xi32>
        %gather3A_1471 = tpu.dynamic_gather %add3A_1458[%gather3A_1470] in [0] : vector<16xf32>, vector<16xi32> -> vector<16xf32>
        %add3A_1472 = arith.addf %add3A_1458, %gather3A_1471 : vector<16xf32>
        %xor3A_1473 = arith.constant 1 : i32
        %xor3A_1474 = vector.broadcast %xor3A_1473 : i32 to vector<16xi32>
        %xor3A_1475 = arith.xori %iota3A, %xor3A_1474 : vector<16xi32>
        %lt3A_1476 = arith.constant 0 : i32
        %lt3A_1477 = vector.broadcast %lt3A_1476 : i32 to vector<16xi32>
        %lt3A_1478 = arith.cmpi slt, %xor3A_1475, %lt3A_1477 : vector<16xi32>
        %add3A_1479 = arith.constant 16 : i32
        %add3A_1480 = vector.broadcast %add3A_1479 : i32 to vector<16xi32>
        %add3A_1481 = arith.addi %xor3A_1475, %add3A_1480 : vector<16xi32>
        %select_n3A_1482 = arith.select %lt3A_1478, %add3A_1481, %xor3A_1475 : vector<16xi1>, vector<16xi32>
        %broadcast_in_dim3A_1483 = vector.shape_cast %select_n3A_1482 : vector<16xi32> to vector<16x1xi32>
        %gather3A_1484 = vector.shape_cast %broadcast_in_dim3A_1483 : vector<16x1xi32> to vector<16xi32>
        %gather3A_1485 = tpu.dynamic_gather %add3A_1472[%gather3A_1484] in [0] : vector<16xf32>, vector<16xi32> -> vector<16xf32>
        %add3A_1486 = arith.addf %add3A_1472, %gather3A_1485 : vector<16xf32>
        %eq3A_1487 = arith.constant 11 : i32
        %eq3A_1488 = vector.broadcast %eq3A_1487 : i32 to vector<16xi32>
        %eq3A_1489 = arith.cmpi eq, %iota3A, %eq3A_1488 : vector<16xi32>
        %select_n3A_1490 = arith.select %eq3A_1489, %add3A_1486, %select_n3A_1379 : vector<16xi1>, vector<16xf32>
        %add3A_1491 = arith.constant 1 : i32
        %add3A_1492 = arith.addi %mul3A_126, %add3A_1491 : i32
        %add3A_1493 = arith.constant 12 : i32
        %add3A_1494 = arith.addi %add3A_1492, %add3A_1493 : i32
        %get3A_1495 = arith.index_cast %add3A_1494 : i32 to index
        %get3A_1496 = arith.constant 0 : index
        %get3A_1497 = tpu.vector_load %arg8[%get3A_1495, %get3A_1496] {strides = array<i32>} : memref<336x128xf32, #tpu.memory_space<vmem>>, vector<1x16xf32>,
        %get3A_1498 = vector.shape_cast %get3A_1497 : vector<1x16xf32> to vector<16xf32>
        %mul3A_1499 = arith.mulf %get3A_129, %get3A_1498 : vector<16xf32>
        %get3A_1500 = arith.index_cast %add3A_1494 : i32 to index
        %get3A_1501 = arith.constant 16 : index
        %get3A_1502 = tpu.vector_load %arg8[%get3A_1500, %get3A_1501] {strides = array<i32>} : memref<336x128xf32, #tpu.memory_space<vmem>>, vector<1x16xf32>,
        %get3A_1503 = vector.shape_cast %get3A_1502 : vector<1x16xf32> to vector<16xf32>
        %mul3A_1504 = arith.mulf %get3A_133, %get3A_1503 : vector<16xf32>
        %add3A_1505 = arith.addf %mul3A_1499, %mul3A_1504 : vector<16xf32>
        %get3A_1506 = arith.index_cast %add3A_1494 : i32 to index
        %get3A_1507 = arith.constant 32 : index
        %get3A_1508 = tpu.vector_load %arg8[%get3A_1506, %get3A_1507] {strides = array<i32>} : memref<336x128xf32, #tpu.memory_space<vmem>>, vector<1x16xf32>,
        %get3A_1509 = vector.shape_cast %get3A_1508 : vector<1x16xf32> to vector<16xf32>
        %mul3A_1510 = arith.mulf %get3A_137, %get3A_1509 : vector<16xf32>
        %add3A_1511 = arith.addf %add3A_1505, %mul3A_1510 : vector<16xf32>
        %get3A_1512 = arith.index_cast %add3A_1494 : i32 to index
        %get3A_1513 = arith.constant 48 : index
        %get3A_1514 = tpu.vector_load %arg8[%get3A_1512, %get3A_1513] {strides = array<i32>} : memref<336x128xf32, #tpu.memory_space<vmem>>, vector<1x16xf32>,
        %get3A_1515 = vector.shape_cast %get3A_1514 : vector<1x16xf32> to vector<16xf32>
        %mul3A_1516 = arith.mulf %get3A_141, %get3A_1515 : vector<16xf32>
        %add3A_1517 = arith.addf %add3A_1511, %mul3A_1516 : vector<16xf32>
        %get3A_1518 = arith.index_cast %add3A_1494 : i32 to index
        %get3A_1519 = arith.constant 64 : index
        %get3A_1520 = tpu.vector_load %arg8[%get3A_1518, %get3A_1519] {strides = array<i32>} : memref<336x128xf32, #tpu.memory_space<vmem>>, vector<1x16xf32>,
        %get3A_1521 = vector.shape_cast %get3A_1520 : vector<1x16xf32> to vector<16xf32>
        %mul3A_1522 = arith.mulf %get3A_145, %get3A_1521 : vector<16xf32>
        %add3A_1523 = arith.addf %add3A_1517, %mul3A_1522 : vector<16xf32>
        %get3A_1524 = arith.index_cast %add3A_1494 : i32 to index
        %get3A_1525 = arith.constant 80 : index
        %get3A_1526 = tpu.vector_load %arg8[%get3A_1524, %get3A_1525] {strides = array<i32>} : memref<336x128xf32, #tpu.memory_space<vmem>>, vector<1x16xf32>,
        %get3A_1527 = vector.shape_cast %get3A_1526 : vector<1x16xf32> to vector<16xf32>
        %mul3A_1528 = arith.mulf %get3A_149, %get3A_1527 : vector<16xf32>
        %add3A_1529 = arith.addf %add3A_1523, %mul3A_1528 : vector<16xf32>
        %get3A_1530 = arith.index_cast %add3A_1494 : i32 to index
        %get3A_1531 = arith.constant 96 : index
        %get3A_1532 = tpu.vector_load %arg8[%get3A_1530, %get3A_1531] {strides = array<i32>} : memref<336x128xf32, #tpu.memory_space<vmem>>, vector<1x16xf32>,
        %get3A_1533 = vector.shape_cast %get3A_1532 : vector<1x16xf32> to vector<16xf32>
        %mul3A_1534 = arith.mulf %get3A_153, %get3A_1533 : vector<16xf32>
        %add3A_1535 = arith.addf %add3A_1529, %mul3A_1534 : vector<16xf32>
        %get3A_1536 = arith.index_cast %add3A_1494 : i32 to index
        %get3A_1537 = arith.constant 112 : index
        %get3A_1538 = tpu.vector_load %arg8[%get3A_1536, %get3A_1537] {strides = array<i32>} : memref<336x128xf32, #tpu.memory_space<vmem>>, vector<1x16xf32>,
        %get3A_1539 = vector.shape_cast %get3A_1538 : vector<1x16xf32> to vector<16xf32>
        %mul3A_1540 = arith.mulf %get3A_157, %get3A_1539 : vector<16xf32>
        %add3A_1541 = arith.addf %add3A_1535, %mul3A_1540 : vector<16xf32>
        %xor3A_1542 = arith.constant 8 : i32
        %xor3A_1543 = vector.broadcast %xor3A_1542 : i32 to vector<16xi32>
        %xor3A_1544 = arith.xori %iota3A, %xor3A_1543 : vector<16xi32>
        %lt3A_1545 = arith.constant 0 : i32
        %lt3A_1546 = vector.broadcast %lt3A_1545 : i32 to vector<16xi32>
        %lt3A_1547 = arith.cmpi slt, %xor3A_1544, %lt3A_1546 : vector<16xi32>
        %add3A_1548 = arith.constant 16 : i32
        %add3A_1549 = vector.broadcast %add3A_1548 : i32 to vector<16xi32>
        %add3A_1550 = arith.addi %xor3A_1544, %add3A_1549 : vector<16xi32>
        %select_n3A_1551 = arith.select %lt3A_1547, %add3A_1550, %xor3A_1544 : vector<16xi1>, vector<16xi32>
        %broadcast_in_dim3A_1552 = vector.shape_cast %select_n3A_1551 : vector<16xi32> to vector<16x1xi32>
        %gather3A_1553 = vector.shape_cast %broadcast_in_dim3A_1552 : vector<16x1xi32> to vector<16xi32>
        %gather3A_1554 = tpu.dynamic_gather %add3A_1541[%gather3A_1553] in [0] : vector<16xf32>, vector<16xi32> -> vector<16xf32>
        %add3A_1555 = arith.addf %add3A_1541, %gather3A_1554 : vector<16xf32>
        %xor3A_1556 = arith.constant 4 : i32
        %xor3A_1557 = vector.broadcast %xor3A_1556 : i32 to vector<16xi32>
        %xor3A_1558 = arith.xori %iota3A, %xor3A_1557 : vector<16xi32>
        %lt3A_1559 = arith.constant 0 : i32
        %lt3A_1560 = vector.broadcast %lt3A_1559 : i32 to vector<16xi32>
        %lt3A_1561 = arith.cmpi slt, %xor3A_1558, %lt3A_1560 : vector<16xi32>
        %add3A_1562 = arith.constant 16 : i32
        %add3A_1563 = vector.broadcast %add3A_1562 : i32 to vector<16xi32>
        %add3A_1564 = arith.addi %xor3A_1558, %add3A_1563 : vector<16xi32>
        %select_n3A_1565 = arith.select %lt3A_1561, %add3A_1564, %xor3A_1558 : vector<16xi1>, vector<16xi32>
        %broadcast_in_dim3A_1566 = vector.shape_cast %select_n3A_1565 : vector<16xi32> to vector<16x1xi32>
        %gather3A_1567 = vector.shape_cast %broadcast_in_dim3A_1566 : vector<16x1xi32> to vector<16xi32>
        %gather3A_1568 = tpu.dynamic_gather %add3A_1555[%gather3A_1567] in [0] : vector<16xf32>, vector<16xi32> -> vector<16xf32>
        %add3A_1569 = arith.addf %add3A_1555, %gather3A_1568 : vector<16xf32>
        %xor3A_1570 = arith.constant 2 : i32
        %xor3A_1571 = vector.broadcast %xor3A_1570 : i32 to vector<16xi32>
        %xor3A_1572 = arith.xori %iota3A, %xor3A_1571 : vector<16xi32>
        %lt3A_1573 = arith.constant 0 : i32
        %lt3A_1574 = vector.broadcast %lt3A_1573 : i32 to vector<16xi32>
        %lt3A_1575 = arith.cmpi slt, %xor3A_1572, %lt3A_1574 : vector<16xi32>
        %add3A_1576 = arith.constant 16 : i32
        %add3A_1577 = vector.broadcast %add3A_1576 : i32 to vector<16xi32>
        %add3A_1578 = arith.addi %xor3A_1572, %add3A_1577 : vector<16xi32>
        %select_n3A_1579 = arith.select %lt3A_1575, %add3A_1578, %xor3A_1572 : vector<16xi1>, vector<16xi32>
        %broadcast_in_dim3A_1580 = vector.shape_cast %select_n3A_1579 : vector<16xi32> to vector<16x1xi32>
        %gather3A_1581 = vector.shape_cast %broadcast_in_dim3A_1580 : vector<16x1xi32> to vector<16xi32>
        %gather3A_1582 = tpu.dynamic_gather %add3A_1569[%gather3A_1581] in [0] : vector<16xf32>, vector<16xi32> -> vector<16xf32>
        %add3A_1583 = arith.addf %add3A_1569, %gather3A_1582 : vector<16xf32>
        %xor3A_1584 = arith.constant 1 : i32
        %xor3A_1585 = vector.broadcast %xor3A_1584 : i32 to vector<16xi32>
        %xor3A_1586 = arith.xori %iota3A, %xor3A_1585 : vector<16xi32>
        %lt3A_1587 = arith.constant 0 : i32
        %lt3A_1588 = vector.broadcast %lt3A_1587 : i32 to vector<16xi32>
        %lt3A_1589 = arith.cmpi slt, %xor3A_1586, %lt3A_1588 : vector<16xi32>
        %add3A_1590 = arith.constant 16 : i32
        %add3A_1591 = vector.broadcast %add3A_1590 : i32 to vector<16xi32>
        %add3A_1592 = arith.addi %xor3A_1586, %add3A_1591 : vector<16xi32>
        %select_n3A_1593 = arith.select %lt3A_1589, %add3A_1592, %xor3A_1586 : vector<16xi1>, vector<16xi32>
        %broadcast_in_dim3A_1594 = vector.shape_cast %select_n3A_1593 : vector<16xi32> to vector<16x1xi32>
        %gather3A_1595 = vector.shape_cast %broadcast_in_dim3A_1594 : vector<16x1xi32> to vector<16xi32>
        %gather3A_1596 = tpu.dynamic_gather %add3A_1583[%gather3A_1595] in [0] : vector<16xf32>, vector<16xi32> -> vector<16xf32>
        %add3A_1597 = arith.addf %add3A_1583, %gather3A_1596 : vector<16xf32>
        %eq3A_1598 = arith.constant 12 : i32
        %eq3A_1599 = vector.broadcast %eq3A_1598 : i32 to vector<16xi32>
        %eq3A_1600 = arith.cmpi eq, %iota3A, %eq3A_1599 : vector<16xi32>
        %select_n3A_1601 = arith.select %eq3A_1600, %add3A_1597, %select_n3A_1490 : vector<16xi1>, vector<16xf32>
        %add3A_1602 = arith.constant 1 : i32
        %add3A_1603 = arith.addi %mul3A_126, %add3A_1602 : i32
        %add3A_1604 = arith.constant 13 : i32
        %add3A_1605 = arith.addi %add3A_1603, %add3A_1604 : i32
        %get3A_1606 = arith.index_cast %add3A_1605 : i32 to index
        %get3A_1607 = arith.constant 0 : index
        %get3A_1608 = tpu.vector_load %arg8[%get3A_1606, %get3A_1607] {strides = array<i32>} : memref<336x128xf32, #tpu.memory_space<vmem>>, vector<1x16xf32>,
        %get3A_1609 = vector.shape_cast %get3A_1608 : vector<1x16xf32> to vector<16xf32>
        %mul3A_1610 = arith.mulf %get3A_129, %get3A_1609 : vector<16xf32>
        %get3A_1611 = arith.index_cast %add3A_1605 : i32 to index
        %get3A_1612 = arith.constant 16 : index
        %get3A_1613 = tpu.vector_load %arg8[%get3A_1611, %get3A_1612] {strides = array<i32>} : memref<336x128xf32, #tpu.memory_space<vmem>>, vector<1x16xf32>,
        %get3A_1614 = vector.shape_cast %get3A_1613 : vector<1x16xf32> to vector<16xf32>
        %mul3A_1615 = arith.mulf %get3A_133, %get3A_1614 : vector<16xf32>
        %add3A_1616 = arith.addf %mul3A_1610, %mul3A_1615 : vector<16xf32>
        %get3A_1617 = arith.index_cast %add3A_1605 : i32 to index
        %get3A_1618 = arith.constant 32 : index
        %get3A_1619 = tpu.vector_load %arg8[%get3A_1617, %get3A_1618] {strides = array<i32>} : memref<336x128xf32, #tpu.memory_space<vmem>>, vector<1x16xf32>,
        %get3A_1620 = vector.shape_cast %get3A_1619 : vector<1x16xf32> to vector<16xf32>
        %mul3A_1621 = arith.mulf %get3A_137, %get3A_1620 : vector<16xf32>
        %add3A_1622 = arith.addf %add3A_1616, %mul3A_1621 : vector<16xf32>
        %get3A_1623 = arith.index_cast %add3A_1605 : i32 to index
        %get3A_1624 = arith.constant 48 : index
        %get3A_1625 = tpu.vector_load %arg8[%get3A_1623, %get3A_1624] {strides = array<i32>} : memref<336x128xf32, #tpu.memory_space<vmem>>, vector<1x16xf32>,
        %get3A_1626 = vector.shape_cast %get3A_1625 : vector<1x16xf32> to vector<16xf32>
        %mul3A_1627 = arith.mulf %get3A_141, %get3A_1626 : vector<16xf32>
        %add3A_1628 = arith.addf %add3A_1622, %mul3A_1627 : vector<16xf32>
        %get3A_1629 = arith.index_cast %add3A_1605 : i32 to index
        %get3A_1630 = arith.constant 64 : index
        %get3A_1631 = tpu.vector_load %arg8[%get3A_1629, %get3A_1630] {strides = array<i32>} : memref<336x128xf32, #tpu.memory_space<vmem>>, vector<1x16xf32>,
        %get3A_1632 = vector.shape_cast %get3A_1631 : vector<1x16xf32> to vector<16xf32>
        %mul3A_1633 = arith.mulf %get3A_145, %get3A_1632 : vector<16xf32>
        %add3A_1634 = arith.addf %add3A_1628, %mul3A_1633 : vector<16xf32>
        %get3A_1635 = arith.index_cast %add3A_1605 : i32 to index
        %get3A_1636 = arith.constant 80 : index
        %get3A_1637 = tpu.vector_load %arg8[%get3A_1635, %get3A_1636] {strides = array<i32>} : memref<336x128xf32, #tpu.memory_space<vmem>>, vector<1x16xf32>,
        %get3A_1638 = vector.shape_cast %get3A_1637 : vector<1x16xf32> to vector<16xf32>
        %mul3A_1639 = arith.mulf %get3A_149, %get3A_1638 : vector<16xf32>
        %add3A_1640 = arith.addf %add3A_1634, %mul3A_1639 : vector<16xf32>
        %get3A_1641 = arith.index_cast %add3A_1605 : i32 to index
        %get3A_1642 = arith.constant 96 : index
        %get3A_1643 = tpu.vector_load %arg8[%get3A_1641, %get3A_1642] {strides = array<i32>} : memref<336x128xf32, #tpu.memory_space<vmem>>, vector<1x16xf32>,
        %get3A_1644 = vector.shape_cast %get3A_1643 : vector<1x16xf32> to vector<16xf32>
        %mul3A_1645 = arith.mulf %get3A_153, %get3A_1644 : vector<16xf32>
        %add3A_1646 = arith.addf %add3A_1640, %mul3A_1645 : vector<16xf32>
        %get3A_1647 = arith.index_cast %add3A_1605 : i32 to index
        %get3A_1648 = arith.constant 112 : index
        %get3A_1649 = tpu.vector_load %arg8[%get3A_1647, %get3A_1648] {strides = array<i32>} : memref<336x128xf32, #tpu.memory_space<vmem>>, vector<1x16xf32>,
        %get3A_1650 = vector.shape_cast %get3A_1649 : vector<1x16xf32> to vector<16xf32>
        %mul3A_1651 = arith.mulf %get3A_157, %get3A_1650 : vector<16xf32>
        %add3A_1652 = arith.addf %add3A_1646, %mul3A_1651 : vector<16xf32>
        %xor3A_1653 = arith.constant 8 : i32
        %xor3A_1654 = vector.broadcast %xor3A_1653 : i32 to vector<16xi32>
        %xor3A_1655 = arith.xori %iota3A, %xor3A_1654 : vector<16xi32>
        %lt3A_1656 = arith.constant 0 : i32
        %lt3A_1657 = vector.broadcast %lt3A_1656 : i32 to vector<16xi32>
        %lt3A_1658 = arith.cmpi slt, %xor3A_1655, %lt3A_1657 : vector<16xi32>
        %add3A_1659 = arith.constant 16 : i32
        %add3A_1660 = vector.broadcast %add3A_1659 : i32 to vector<16xi32>
        %add3A_1661 = arith.addi %xor3A_1655, %add3A_1660 : vector<16xi32>
        %select_n3A_1662 = arith.select %lt3A_1658, %add3A_1661, %xor3A_1655 : vector<16xi1>, vector<16xi32>
        %broadcast_in_dim3A_1663 = vector.shape_cast %select_n3A_1662 : vector<16xi32> to vector<16x1xi32>
        %gather3A_1664 = vector.shape_cast %broadcast_in_dim3A_1663 : vector<16x1xi32> to vector<16xi32>
        %gather3A_1665 = tpu.dynamic_gather %add3A_1652[%gather3A_1664] in [0] : vector<16xf32>, vector<16xi32> -> vector<16xf32>
        %add3A_1666 = arith.addf %add3A_1652, %gather3A_1665 : vector<16xf32>
        %xor3A_1667 = arith.constant 4 : i32
        %xor3A_1668 = vector.broadcast %xor3A_1667 : i32 to vector<16xi32>
        %xor3A_1669 = arith.xori %iota3A, %xor3A_1668 : vector<16xi32>
        %lt3A_1670 = arith.constant 0 : i32
        %lt3A_1671 = vector.broadcast %lt3A_1670 : i32 to vector<16xi32>
        %lt3A_1672 = arith.cmpi slt, %xor3A_1669, %lt3A_1671 : vector<16xi32>
        %add3A_1673 = arith.constant 16 : i32
        %add3A_1674 = vector.broadcast %add3A_1673 : i32 to vector<16xi32>
        %add3A_1675 = arith.addi %xor3A_1669, %add3A_1674 : vector<16xi32>
        %select_n3A_1676 = arith.select %lt3A_1672, %add3A_1675, %xor3A_1669 : vector<16xi1>, vector<16xi32>
        %broadcast_in_dim3A_1677 = vector.shape_cast %select_n3A_1676 : vector<16xi32> to vector<16x1xi32>
        %gather3A_1678 = vector.shape_cast %broadcast_in_dim3A_1677 : vector<16x1xi32> to vector<16xi32>
        %gather3A_1679 = tpu.dynamic_gather %add3A_1666[%gather3A_1678] in [0] : vector<16xf32>, vector<16xi32> -> vector<16xf32>
        %add3A_1680 = arith.addf %add3A_1666, %gather3A_1679 : vector<16xf32>
        %xor3A_1681 = arith.constant 2 : i32
        %xor3A_1682 = vector.broadcast %xor3A_1681 : i32 to vector<16xi32>
        %xor3A_1683 = arith.xori %iota3A, %xor3A_1682 : vector<16xi32>
        %lt3A_1684 = arith.constant 0 : i32
        %lt3A_1685 = vector.broadcast %lt3A_1684 : i32 to vector<16xi32>
        %lt3A_1686 = arith.cmpi slt, %xor3A_1683, %lt3A_1685 : vector<16xi32>
        %add3A_1687 = arith.constant 16 : i32
        %add3A_1688 = vector.broadcast %add3A_1687 : i32 to vector<16xi32>
        %add3A_1689 = arith.addi %xor3A_1683, %add3A_1688 : vector<16xi32>
        %select_n3A_1690 = arith.select %lt3A_1686, %add3A_1689, %xor3A_1683 : vector<16xi1>, vector<16xi32>
        %broadcast_in_dim3A_1691 = vector.shape_cast %select_n3A_1690 : vector<16xi32> to vector<16x1xi32>
        %gather3A_1692 = vector.shape_cast %broadcast_in_dim3A_1691 : vector<16x1xi32> to vector<16xi32>
        %gather3A_1693 = tpu.dynamic_gather %add3A_1680[%gather3A_1692] in [0] : vector<16xf32>, vector<16xi32> -> vector<16xf32>
        %add3A_1694 = arith.addf %add3A_1680, %gather3A_1693 : vector<16xf32>
        %xor3A_1695 = arith.constant 1 : i32
        %xor3A_1696 = vector.broadcast %xor3A_1695 : i32 to vector<16xi32>
        %xor3A_1697 = arith.xori %iota3A, %xor3A_1696 : vector<16xi32>
        %lt3A_1698 = arith.constant 0 : i32
        %lt3A_1699 = vector.broadcast %lt3A_1698 : i32 to vector<16xi32>
        %lt3A_1700 = arith.cmpi slt, %xor3A_1697, %lt3A_1699 : vector<16xi32>
        %add3A_1701 = arith.constant 16 : i32
        %add3A_1702 = vector.broadcast %add3A_1701 : i32 to vector<16xi32>
        %add3A_1703 = arith.addi %xor3A_1697, %add3A_1702 : vector<16xi32>
        %select_n3A_1704 = arith.select %lt3A_1700, %add3A_1703, %xor3A_1697 : vector<16xi1>, vector<16xi32>
        %broadcast_in_dim3A_1705 = vector.shape_cast %select_n3A_1704 : vector<16xi32> to vector<16x1xi32>
        %gather3A_1706 = vector.shape_cast %broadcast_in_dim3A_1705 : vector<16x1xi32> to vector<16xi32>
        %gather3A_1707 = tpu.dynamic_gather %add3A_1694[%gather3A_1706] in [0] : vector<16xf32>, vector<16xi32> -> vector<16xf32>
        %add3A_1708 = arith.addf %add3A_1694, %gather3A_1707 : vector<16xf32>
        %eq3A_1709 = arith.constant 13 : i32
        %eq3A_1710 = vector.broadcast %eq3A_1709 : i32 to vector<16xi32>
        %eq3A_1711 = arith.cmpi eq, %iota3A, %eq3A_1710 : vector<16xi32>
        %select_n3A_1712 = arith.select %eq3A_1711, %add3A_1708, %select_n3A_1601 : vector<16xi1>, vector<16xf32>
        %add3A_1713 = arith.constant 1 : i32
        %add3A_1714 = arith.addi %mul3A_126, %add3A_1713 : i32
        %add3A_1715 = arith.constant 14 : i32
        %add3A_1716 = arith.addi %add3A_1714, %add3A_1715 : i32
        %get3A_1717 = arith.index_cast %add3A_1716 : i32 to index
        %get3A_1718 = arith.constant 0 : index
        %get3A_1719 = tpu.vector_load %arg8[%get3A_1717, %get3A_1718] {strides = array<i32>} : memref<336x128xf32, #tpu.memory_space<vmem>>, vector<1x16xf32>,
        %get3A_1720 = vector.shape_cast %get3A_1719 : vector<1x16xf32> to vector<16xf32>
        %mul3A_1721 = arith.mulf %get3A_129, %get3A_1720 : vector<16xf32>
        %get3A_1722 = arith.index_cast %add3A_1716 : i32 to index
        %get3A_1723 = arith.constant 16 : index
        %get3A_1724 = tpu.vector_load %arg8[%get3A_1722, %get3A_1723] {strides = array<i32>} : memref<336x128xf32, #tpu.memory_space<vmem>>, vector<1x16xf32>,
        %get3A_1725 = vector.shape_cast %get3A_1724 : vector<1x16xf32> to vector<16xf32>
        %mul3A_1726 = arith.mulf %get3A_133, %get3A_1725 : vector<16xf32>
        %add3A_1727 = arith.addf %mul3A_1721, %mul3A_1726 : vector<16xf32>
        %get3A_1728 = arith.index_cast %add3A_1716 : i32 to index
        %get3A_1729 = arith.constant 32 : index
        %get3A_1730 = tpu.vector_load %arg8[%get3A_1728, %get3A_1729] {strides = array<i32>} : memref<336x128xf32, #tpu.memory_space<vmem>>, vector<1x16xf32>,
        %get3A_1731 = vector.shape_cast %get3A_1730 : vector<1x16xf32> to vector<16xf32>
        %mul3A_1732 = arith.mulf %get3A_137, %get3A_1731 : vector<16xf32>
        %add3A_1733 = arith.addf %add3A_1727, %mul3A_1732 : vector<16xf32>
        %get3A_1734 = arith.index_cast %add3A_1716 : i32 to index
        %get3A_1735 = arith.constant 48 : index
        %get3A_1736 = tpu.vector_load %arg8[%get3A_1734, %get3A_1735] {strides = array<i32>} : memref<336x128xf32, #tpu.memory_space<vmem>>, vector<1x16xf32>,
        %get3A_1737 = vector.shape_cast %get3A_1736 : vector<1x16xf32> to vector<16xf32>
        %mul3A_1738 = arith.mulf %get3A_141, %get3A_1737 : vector<16xf32>
        %add3A_1739 = arith.addf %add3A_1733, %mul3A_1738 : vector<16xf32>
        %get3A_1740 = arith.index_cast %add3A_1716 : i32 to index
        %get3A_1741 = arith.constant 64 : index
        %get3A_1742 = tpu.vector_load %arg8[%get3A_1740, %get3A_1741] {strides = array<i32>} : memref<336x128xf32, #tpu.memory_space<vmem>>, vector<1x16xf32>,
        %get3A_1743 = vector.shape_cast %get3A_1742 : vector<1x16xf32> to vector<16xf32>
        %mul3A_1744 = arith.mulf %get3A_145, %get3A_1743 : vector<16xf32>
        %add3A_1745 = arith.addf %add3A_1739, %mul3A_1744 : vector<16xf32>
        %get3A_1746 = arith.index_cast %add3A_1716 : i32 to index
        %get3A_1747 = arith.constant 80 : index
        %get3A_1748 = tpu.vector_load %arg8[%get3A_1746, %get3A_1747] {strides = array<i32>} : memref<336x128xf32, #tpu.memory_space<vmem>>, vector<1x16xf32>,
        %get3A_1749 = vector.shape_cast %get3A_1748 : vector<1x16xf32> to vector<16xf32>
        %mul3A_1750 = arith.mulf %get3A_149, %get3A_1749 : vector<16xf32>
        %add3A_1751 = arith.addf %add3A_1745, %mul3A_1750 : vector<16xf32>
        %get3A_1752 = arith.index_cast %add3A_1716 : i32 to index
        %get3A_1753 = arith.constant 96 : index
        %get3A_1754 = tpu.vector_load %arg8[%get3A_1752, %get3A_1753] {strides = array<i32>} : memref<336x128xf32, #tpu.memory_space<vmem>>, vector<1x16xf32>,
        %get3A_1755 = vector.shape_cast %get3A_1754 : vector<1x16xf32> to vector<16xf32>
        %mul3A_1756 = arith.mulf %get3A_153, %get3A_1755 : vector<16xf32>
        %add3A_1757 = arith.addf %add3A_1751, %mul3A_1756 : vector<16xf32>
        %get3A_1758 = arith.index_cast %add3A_1716 : i32 to index
        %get3A_1759 = arith.constant 112 : index
        %get3A_1760 = tpu.vector_load %arg8[%get3A_1758, %get3A_1759] {strides = array<i32>} : memref<336x128xf32, #tpu.memory_space<vmem>>, vector<1x16xf32>,
        %get3A_1761 = vector.shape_cast %get3A_1760 : vector<1x16xf32> to vector<16xf32>
        %mul3A_1762 = arith.mulf %get3A_157, %get3A_1761 : vector<16xf32>
        %add3A_1763 = arith.addf %add3A_1757, %mul3A_1762 : vector<16xf32>
        %xor3A_1764 = arith.constant 8 : i32
        %xor3A_1765 = vector.broadcast %xor3A_1764 : i32 to vector<16xi32>
        %xor3A_1766 = arith.xori %iota3A, %xor3A_1765 : vector<16xi32>
        %lt3A_1767 = arith.constant 0 : i32
        %lt3A_1768 = vector.broadcast %lt3A_1767 : i32 to vector<16xi32>
        %lt3A_1769 = arith.cmpi slt, %xor3A_1766, %lt3A_1768 : vector<16xi32>
        %add3A_1770 = arith.constant 16 : i32
        %add3A_1771 = vector.broadcast %add3A_1770 : i32 to vector<16xi32>
        %add3A_1772 = arith.addi %xor3A_1766, %add3A_1771 : vector<16xi32>
        %select_n3A_1773 = arith.select %lt3A_1769, %add3A_1772, %xor3A_1766 : vector<16xi1>, vector<16xi32>
        %broadcast_in_dim3A_1774 = vector.shape_cast %select_n3A_1773 : vector<16xi32> to vector<16x1xi32>
        %gather3A_1775 = vector.shape_cast %broadcast_in_dim3A_1774 : vector<16x1xi32> to vector<16xi32>
        %gather3A_1776 = tpu.dynamic_gather %add3A_1763[%gather3A_1775] in [0] : vector<16xf32>, vector<16xi32> -> vector<16xf32>
        %add3A_1777 = arith.addf %add3A_1763, %gather3A_1776 : vector<16xf32>
        %xor3A_1778 = arith.constant 4 : i32
        %xor3A_1779 = vector.broadcast %xor3A_1778 : i32 to vector<16xi32>
        %xor3A_1780 = arith.xori %iota3A, %xor3A_1779 : vector<16xi32>
        %lt3A_1781 = arith.constant 0 : i32
        %lt3A_1782 = vector.broadcast %lt3A_1781 : i32 to vector<16xi32>
        %lt3A_1783 = arith.cmpi slt, %xor3A_1780, %lt3A_1782 : vector<16xi32>
        %add3A_1784 = arith.constant 16 : i32
        %add3A_1785 = vector.broadcast %add3A_1784 : i32 to vector<16xi32>
        %add3A_1786 = arith.addi %xor3A_1780, %add3A_1785 : vector<16xi32>
        %select_n3A_1787 = arith.select %lt3A_1783, %add3A_1786, %xor3A_1780 : vector<16xi1>, vector<16xi32>
        %broadcast_in_dim3A_1788 = vector.shape_cast %select_n3A_1787 : vector<16xi32> to vector<16x1xi32>
        %gather3A_1789 = vector.shape_cast %broadcast_in_dim3A_1788 : vector<16x1xi32> to vector<16xi32>
        %gather3A_1790 = tpu.dynamic_gather %add3A_1777[%gather3A_1789] in [0] : vector<16xf32>, vector<16xi32> -> vector<16xf32>
        %add3A_1791 = arith.addf %add3A_1777, %gather3A_1790 : vector<16xf32>
        %xor3A_1792 = arith.constant 2 : i32
        %xor3A_1793 = vector.broadcast %xor3A_1792 : i32 to vector<16xi32>
        %xor3A_1794 = arith.xori %iota3A, %xor3A_1793 : vector<16xi32>
        %lt3A_1795 = arith.constant 0 : i32
        %lt3A_1796 = vector.broadcast %lt3A_1795 : i32 to vector<16xi32>
        %lt3A_1797 = arith.cmpi slt, %xor3A_1794, %lt3A_1796 : vector<16xi32>
        %add3A_1798 = arith.constant 16 : i32
        %add3A_1799 = vector.broadcast %add3A_1798 : i32 to vector<16xi32>
        %add3A_1800 = arith.addi %xor3A_1794, %add3A_1799 : vector<16xi32>
        %select_n3A_1801 = arith.select %lt3A_1797, %add3A_1800, %xor3A_1794 : vector<16xi1>, vector<16xi32>
        %broadcast_in_dim3A_1802 = vector.shape_cast %select_n3A_1801 : vector<16xi32> to vector<16x1xi32>
        %gather3A_1803 = vector.shape_cast %broadcast_in_dim3A_1802 : vector<16x1xi32> to vector<16xi32>
        %gather3A_1804 = tpu.dynamic_gather %add3A_1791[%gather3A_1803] in [0] : vector<16xf32>, vector<16xi32> -> vector<16xf32>
        %add3A_1805 = arith.addf %add3A_1791, %gather3A_1804 : vector<16xf32>
        %xor3A_1806 = arith.constant 1 : i32
        %xor3A_1807 = vector.broadcast %xor3A_1806 : i32 to vector<16xi32>
        %xor3A_1808 = arith.xori %iota3A, %xor3A_1807 : vector<16xi32>
        %lt3A_1809 = arith.constant 0 : i32
        %lt3A_1810 = vector.broadcast %lt3A_1809 : i32 to vector<16xi32>
        %lt3A_1811 = arith.cmpi slt, %xor3A_1808, %lt3A_1810 : vector<16xi32>
        %add3A_1812 = arith.constant 16 : i32
        %add3A_1813 = vector.broadcast %add3A_1812 : i32 to vector<16xi32>
        %add3A_1814 = arith.addi %xor3A_1808, %add3A_1813 : vector<16xi32>
        %select_n3A_1815 = arith.select %lt3A_1811, %add3A_1814, %xor3A_1808 : vector<16xi1>, vector<16xi32>
        %broadcast_in_dim3A_1816 = vector.shape_cast %select_n3A_1815 : vector<16xi32> to vector<16x1xi32>
        %gather3A_1817 = vector.shape_cast %broadcast_in_dim3A_1816 : vector<16x1xi32> to vector<16xi32>
        %gather3A_1818 = tpu.dynamic_gather %add3A_1805[%gather3A_1817] in [0] : vector<16xf32>, vector<16xi32> -> vector<16xf32>
        %add3A_1819 = arith.addf %add3A_1805, %gather3A_1818 : vector<16xf32>
        %eq3A_1820 = arith.constant 14 : i32
        %eq3A_1821 = vector.broadcast %eq3A_1820 : i32 to vector<16xi32>
        %eq3A_1822 = arith.cmpi eq, %iota3A, %eq3A_1821 : vector<16xi32>
        %select_n3A_1823 = arith.select %eq3A_1822, %add3A_1819, %select_n3A_1712 : vector<16xi1>, vector<16xf32>
        %add3A_1824 = arith.constant 1 : i32
        %add3A_1825 = arith.addi %mul3A_126, %add3A_1824 : i32
        %add3A_1826 = arith.constant 15 : i32
        %add3A_1827 = arith.addi %add3A_1825, %add3A_1826 : i32
        %get3A_1828 = arith.index_cast %add3A_1827 : i32 to index
        %get3A_1829 = arith.constant 0 : index
        %get3A_1830 = tpu.vector_load %arg8[%get3A_1828, %get3A_1829] {strides = array<i32>} : memref<336x128xf32, #tpu.memory_space<vmem>>, vector<1x16xf32>,
        %get3A_1831 = vector.shape_cast %get3A_1830 : vector<1x16xf32> to vector<16xf32>
        %mul3A_1832 = arith.mulf %get3A_129, %get3A_1831 : vector<16xf32>
        %get3A_1833 = arith.index_cast %add3A_1827 : i32 to index
        %get3A_1834 = arith.constant 16 : index
        %get3A_1835 = tpu.vector_load %arg8[%get3A_1833, %get3A_1834] {strides = array<i32>} : memref<336x128xf32, #tpu.memory_space<vmem>>, vector<1x16xf32>,
        %get3A_1836 = vector.shape_cast %get3A_1835 : vector<1x16xf32> to vector<16xf32>
        %mul3A_1837 = arith.mulf %get3A_133, %get3A_1836 : vector<16xf32>
        %add3A_1838 = arith.addf %mul3A_1832, %mul3A_1837 : vector<16xf32>
        %get3A_1839 = arith.index_cast %add3A_1827 : i32 to index
        %get3A_1840 = arith.constant 32 : index
        %get3A_1841 = tpu.vector_load %arg8[%get3A_1839, %get3A_1840] {strides = array<i32>} : memref<336x128xf32, #tpu.memory_space<vmem>>, vector<1x16xf32>,
        %get3A_1842 = vector.shape_cast %get3A_1841 : vector<1x16xf32> to vector<16xf32>
        %mul3A_1843 = arith.mulf %get3A_137, %get3A_1842 : vector<16xf32>
        %add3A_1844 = arith.addf %add3A_1838, %mul3A_1843 : vector<16xf32>
        %get3A_1845 = arith.index_cast %add3A_1827 : i32 to index
        %get3A_1846 = arith.constant 48 : index
        %get3A_1847 = tpu.vector_load %arg8[%get3A_1845, %get3A_1846] {strides = array<i32>} : memref<336x128xf32, #tpu.memory_space<vmem>>, vector<1x16xf32>,
        %get3A_1848 = vector.shape_cast %get3A_1847 : vector<1x16xf32> to vector<16xf32>
        %mul3A_1849 = arith.mulf %get3A_141, %get3A_1848 : vector<16xf32>
        %add3A_1850 = arith.addf %add3A_1844, %mul3A_1849 : vector<16xf32>
        %get3A_1851 = arith.index_cast %add3A_1827 : i32 to index
        %get3A_1852 = arith.constant 64 : index
        %get3A_1853 = tpu.vector_load %arg8[%get3A_1851, %get3A_1852] {strides = array<i32>} : memref<336x128xf32, #tpu.memory_space<vmem>>, vector<1x16xf32>,
        %get3A_1854 = vector.shape_cast %get3A_1853 : vector<1x16xf32> to vector<16xf32>
        %mul3A_1855 = arith.mulf %get3A_145, %get3A_1854 : vector<16xf32>
        %add3A_1856 = arith.addf %add3A_1850, %mul3A_1855 : vector<16xf32>
        %get3A_1857 = arith.index_cast %add3A_1827 : i32 to index
        %get3A_1858 = arith.constant 80 : index
        %get3A_1859 = tpu.vector_load %arg8[%get3A_1857, %get3A_1858] {strides = array<i32>} : memref<336x128xf32, #tpu.memory_space<vmem>>, vector<1x16xf32>,
        %get3A_1860 = vector.shape_cast %get3A_1859 : vector<1x16xf32> to vector<16xf32>
        %mul3A_1861 = arith.mulf %get3A_149, %get3A_1860 : vector<16xf32>
        %add3A_1862 = arith.addf %add3A_1856, %mul3A_1861 : vector<16xf32>
        %get3A_1863 = arith.index_cast %add3A_1827 : i32 to index
        %get3A_1864 = arith.constant 96 : index
        %get3A_1865 = tpu.vector_load %arg8[%get3A_1863, %get3A_1864] {strides = array<i32>} : memref<336x128xf32, #tpu.memory_space<vmem>>, vector<1x16xf32>,
        %get3A_1866 = vector.shape_cast %get3A_1865 : vector<1x16xf32> to vector<16xf32>
        %mul3A_1867 = arith.mulf %get3A_153, %get3A_1866 : vector<16xf32>
        %add3A_1868 = arith.addf %add3A_1862, %mul3A_1867 : vector<16xf32>
        %get3A_1869 = arith.index_cast %add3A_1827 : i32 to index
        %get3A_1870 = arith.constant 112 : index
        %get3A_1871 = tpu.vector_load %arg8[%get3A_1869, %get3A_1870] {strides = array<i32>} : memref<336x128xf32, #tpu.memory_space<vmem>>, vector<1x16xf32>,
        %get3A_1872 = vector.shape_cast %get3A_1871 : vector<1x16xf32> to vector<16xf32>
        %mul3A_1873 = arith.mulf %get3A_157, %get3A_1872 : vector<16xf32>
        %add3A_1874 = arith.addf %add3A_1868, %mul3A_1873 : vector<16xf32>
        %xor3A_1875 = arith.constant 8 : i32
        %xor3A_1876 = vector.broadcast %xor3A_1875 : i32 to vector<16xi32>
        %xor3A_1877 = arith.xori %iota3A, %xor3A_1876 : vector<16xi32>
        %lt3A_1878 = arith.constant 0 : i32
        %lt3A_1879 = vector.broadcast %lt3A_1878 : i32 to vector<16xi32>
        %lt3A_1880 = arith.cmpi slt, %xor3A_1877, %lt3A_1879 : vector<16xi32>
        %add3A_1881 = arith.constant 16 : i32
        %add3A_1882 = vector.broadcast %add3A_1881 : i32 to vector<16xi32>
        %add3A_1883 = arith.addi %xor3A_1877, %add3A_1882 : vector<16xi32>
        %select_n3A_1884 = arith.select %lt3A_1880, %add3A_1883, %xor3A_1877 : vector<16xi1>, vector<16xi32>
        %broadcast_in_dim3A_1885 = vector.shape_cast %select_n3A_1884 : vector<16xi32> to vector<16x1xi32>
        %gather3A_1886 = vector.shape_cast %broadcast_in_dim3A_1885 : vector<16x1xi32> to vector<16xi32>
        %gather3A_1887 = tpu.dynamic_gather %add3A_1874[%gather3A_1886] in [0] : vector<16xf32>, vector<16xi32> -> vector<16xf32>
        %add3A_1888 = arith.addf %add3A_1874, %gather3A_1887 : vector<16xf32>
        %xor3A_1889 = arith.constant 4 : i32
        %xor3A_1890 = vector.broadcast %xor3A_1889 : i32 to vector<16xi32>
        %xor3A_1891 = arith.xori %iota3A, %xor3A_1890 : vector<16xi32>
        %lt3A_1892 = arith.constant 0 : i32
        %lt3A_1893 = vector.broadcast %lt3A_1892 : i32 to vector<16xi32>
        %lt3A_1894 = arith.cmpi slt, %xor3A_1891, %lt3A_1893 : vector<16xi32>
        %add3A_1895 = arith.constant 16 : i32
        %add3A_1896 = vector.broadcast %add3A_1895 : i32 to vector<16xi32>
        %add3A_1897 = arith.addi %xor3A_1891, %add3A_1896 : vector<16xi32>
        %select_n3A_1898 = arith.select %lt3A_1894, %add3A_1897, %xor3A_1891 : vector<16xi1>, vector<16xi32>
        %broadcast_in_dim3A_1899 = vector.shape_cast %select_n3A_1898 : vector<16xi32> to vector<16x1xi32>
        %gather3A_1900 = vector.shape_cast %broadcast_in_dim3A_1899 : vector<16x1xi32> to vector<16xi32>
        %gather3A_1901 = tpu.dynamic_gather %add3A_1888[%gather3A_1900] in [0] : vector<16xf32>, vector<16xi32> -> vector<16xf32>
        %add3A_1902 = arith.addf %add3A_1888, %gather3A_1901 : vector<16xf32>
        %xor3A_1903 = arith.constant 2 : i32
        %xor3A_1904 = vector.broadcast %xor3A_1903 : i32 to vector<16xi32>
        %xor3A_1905 = arith.xori %iota3A, %xor3A_1904 : vector<16xi32>
        %lt3A_1906 = arith.constant 0 : i32
        %lt3A_1907 = vector.broadcast %lt3A_1906 : i32 to vector<16xi32>
        %lt3A_1908 = arith.cmpi slt, %xor3A_1905, %lt3A_1907 : vector<16xi32>
        %add3A_1909 = arith.constant 16 : i32
        %add3A_1910 = vector.broadcast %add3A_1909 : i32 to vector<16xi32>
        %add3A_1911 = arith.addi %xor3A_1905, %add3A_1910 : vector<16xi32>
        %select_n3A_1912 = arith.select %lt3A_1908, %add3A_1911, %xor3A_1905 : vector<16xi1>, vector<16xi32>
        %broadcast_in_dim3A_1913 = vector.shape_cast %select_n3A_1912 : vector<16xi32> to vector<16x1xi32>
        %gather3A_1914 = vector.shape_cast %broadcast_in_dim3A_1913 : vector<16x1xi32> to vector<16xi32>
        %gather3A_1915 = tpu.dynamic_gather %add3A_1902[%gather3A_1914] in [0] : vector<16xf32>, vector<16xi32> -> vector<16xf32>
        %add3A_1916 = arith.addf %add3A_1902, %gather3A_1915 : vector<16xf32>
        %xor3A_1917 = arith.constant 1 : i32
        %xor3A_1918 = vector.broadcast %xor3A_1917 : i32 to vector<16xi32>
        %xor3A_1919 = arith.xori %iota3A, %xor3A_1918 : vector<16xi32>
        %lt3A_1920 = arith.constant 0 : i32
        %lt3A_1921 = vector.broadcast %lt3A_1920 : i32 to vector<16xi32>
        %lt3A_1922 = arith.cmpi slt, %xor3A_1919, %lt3A_1921 : vector<16xi32>
        %add3A_1923 = arith.constant 16 : i32
        %add3A_1924 = vector.broadcast %add3A_1923 : i32 to vector<16xi32>
        %add3A_1925 = arith.addi %xor3A_1919, %add3A_1924 : vector<16xi32>
        %select_n3A_1926 = arith.select %lt3A_1922, %add3A_1925, %xor3A_1919 : vector<16xi1>, vector<16xi32>
        %broadcast_in_dim3A_1927 = vector.shape_cast %select_n3A_1926 : vector<16xi32> to vector<16x1xi32>
        %gather3A_1928 = vector.shape_cast %broadcast_in_dim3A_1927 : vector<16x1xi32> to vector<16xi32>
        %gather3A_1929 = tpu.dynamic_gather %add3A_1916[%gather3A_1928] in [0] : vector<16xf32>, vector<16xi32> -> vector<16xf32>
        %add3A_1930 = arith.addf %add3A_1916, %gather3A_1929 : vector<16xf32>
        %eq3A_1931 = arith.constant 15 : i32
        %eq3A_1932 = vector.broadcast %eq3A_1931 : i32 to vector<16xi32>
        %eq3A_1933 = arith.cmpi eq, %iota3A, %eq3A_1932 : vector<16xi32>
        %select_n3A_1934 = arith.select %eq3A_1933, %add3A_1930, %select_n3A_1823 : vector<16xi1>, vector<16xf32>
        %add3A_1935 = arith.constant 1 : i32
        %add3A_1936 = arith.addi %mul3A_126, %add3A_1935 : i32
        %add3A_1937 = arith.constant 16 : i32
        %add3A_1938 = arith.addi %add3A_1936, %add3A_1937 : i32
        %get3A_1939 = arith.index_cast %add3A_1938 : i32 to index
        %get3A_1940 = arith.constant 0 : index
        %get3A_1941 = tpu.vector_load %arg8[%get3A_1939, %get3A_1940] {strides = array<i32>} : memref<336x128xf32, #tpu.memory_space<vmem>>, vector<1x16xf32>,
        %get3A_1942 = vector.shape_cast %get3A_1941 : vector<1x16xf32> to vector<16xf32>
        %mul3A_1943 = arith.mulf %get3A_129, %get3A_1942 : vector<16xf32>
        %get3A_1944 = arith.index_cast %add3A_1938 : i32 to index
        %get3A_1945 = arith.constant 16 : index
        %get3A_1946 = tpu.vector_load %arg8[%get3A_1944, %get3A_1945] {strides = array<i32>} : memref<336x128xf32, #tpu.memory_space<vmem>>, vector<1x16xf32>,
        %get3A_1947 = vector.shape_cast %get3A_1946 : vector<1x16xf32> to vector<16xf32>
        %mul3A_1948 = arith.mulf %get3A_133, %get3A_1947 : vector<16xf32>
        %add3A_1949 = arith.addf %mul3A_1943, %mul3A_1948 : vector<16xf32>
        %get3A_1950 = arith.index_cast %add3A_1938 : i32 to index
        %get3A_1951 = arith.constant 32 : index
        %get3A_1952 = tpu.vector_load %arg8[%get3A_1950, %get3A_1951] {strides = array<i32>} : memref<336x128xf32, #tpu.memory_space<vmem>>, vector<1x16xf32>,
        %get3A_1953 = vector.shape_cast %get3A_1952 : vector<1x16xf32> to vector<16xf32>
        %mul3A_1954 = arith.mulf %get3A_137, %get3A_1953 : vector<16xf32>
        %add3A_1955 = arith.addf %add3A_1949, %mul3A_1954 : vector<16xf32>
        %get3A_1956 = arith.index_cast %add3A_1938 : i32 to index
        %get3A_1957 = arith.constant 48 : index
        %get3A_1958 = tpu.vector_load %arg8[%get3A_1956, %get3A_1957] {strides = array<i32>} : memref<336x128xf32, #tpu.memory_space<vmem>>, vector<1x16xf32>,
        %get3A_1959 = vector.shape_cast %get3A_1958 : vector<1x16xf32> to vector<16xf32>
        %mul3A_1960 = arith.mulf %get3A_141, %get3A_1959 : vector<16xf32>
        %add3A_1961 = arith.addf %add3A_1955, %mul3A_1960 : vector<16xf32>
        %get3A_1962 = arith.index_cast %add3A_1938 : i32 to index
        %get3A_1963 = arith.constant 64 : index
        %get3A_1964 = tpu.vector_load %arg8[%get3A_1962, %get3A_1963] {strides = array<i32>} : memref<336x128xf32, #tpu.memory_space<vmem>>, vector<1x16xf32>,
        %get3A_1965 = vector.shape_cast %get3A_1964 : vector<1x16xf32> to vector<16xf32>
        %mul3A_1966 = arith.mulf %get3A_145, %get3A_1965 : vector<16xf32>
        %add3A_1967 = arith.addf %add3A_1961, %mul3A_1966 : vector<16xf32>
        %get3A_1968 = arith.index_cast %add3A_1938 : i32 to index
        %get3A_1969 = arith.constant 80 : index
        %get3A_1970 = tpu.vector_load %arg8[%get3A_1968, %get3A_1969] {strides = array<i32>} : memref<336x128xf32, #tpu.memory_space<vmem>>, vector<1x16xf32>,
        %get3A_1971 = vector.shape_cast %get3A_1970 : vector<1x16xf32> to vector<16xf32>
        %mul3A_1972 = arith.mulf %get3A_149, %get3A_1971 : vector<16xf32>
        %add3A_1973 = arith.addf %add3A_1967, %mul3A_1972 : vector<16xf32>
        %get3A_1974 = arith.index_cast %add3A_1938 : i32 to index
        %get3A_1975 = arith.constant 96 : index
        %get3A_1976 = tpu.vector_load %arg8[%get3A_1974, %get3A_1975] {strides = array<i32>} : memref<336x128xf32, #tpu.memory_space<vmem>>, vector<1x16xf32>,
        %get3A_1977 = vector.shape_cast %get3A_1976 : vector<1x16xf32> to vector<16xf32>
        %mul3A_1978 = arith.mulf %get3A_153, %get3A_1977 : vector<16xf32>
        %add3A_1979 = arith.addf %add3A_1973, %mul3A_1978 : vector<16xf32>
        %get3A_1980 = arith.index_cast %add3A_1938 : i32 to index
        %get3A_1981 = arith.constant 112 : index
        %get3A_1982 = tpu.vector_load %arg8[%get3A_1980, %get3A_1981] {strides = array<i32>} : memref<336x128xf32, #tpu.memory_space<vmem>>, vector<1x16xf32>,
        %get3A_1983 = vector.shape_cast %get3A_1982 : vector<1x16xf32> to vector<16xf32>
        %mul3A_1984 = arith.mulf %get3A_157, %get3A_1983 : vector<16xf32>
        %add3A_1985 = arith.addf %add3A_1979, %mul3A_1984 : vector<16xf32>
        %xor3A_1986 = arith.constant 8 : i32
        %xor3A_1987 = vector.broadcast %xor3A_1986 : i32 to vector<16xi32>
        %xor3A_1988 = arith.xori %iota3A, %xor3A_1987 : vector<16xi32>
        %lt3A_1989 = arith.constant 0 : i32
        %lt3A_1990 = vector.broadcast %lt3A_1989 : i32 to vector<16xi32>
        %lt3A_1991 = arith.cmpi slt, %xor3A_1988, %lt3A_1990 : vector<16xi32>
        %add3A_1992 = arith.constant 16 : i32
        %add3A_1993 = vector.broadcast %add3A_1992 : i32 to vector<16xi32>
        %add3A_1994 = arith.addi %xor3A_1988, %add3A_1993 : vector<16xi32>
        %select_n3A_1995 = arith.select %lt3A_1991, %add3A_1994, %xor3A_1988 : vector<16xi1>, vector<16xi32>
        %broadcast_in_dim3A_1996 = vector.shape_cast %select_n3A_1995 : vector<16xi32> to vector<16x1xi32>
        %gather3A_1997 = vector.shape_cast %broadcast_in_dim3A_1996 : vector<16x1xi32> to vector<16xi32>
        %gather3A_1998 = tpu.dynamic_gather %add3A_1985[%gather3A_1997] in [0] : vector<16xf32>, vector<16xi32> -> vector<16xf32>
        %add3A_1999 = arith.addf %add3A_1985, %gather3A_1998 : vector<16xf32>
        %xor3A_2000 = arith.constant 4 : i32
        %xor3A_2001 = vector.broadcast %xor3A_2000 : i32 to vector<16xi32>
        %xor3A_2002 = arith.xori %iota3A, %xor3A_2001 : vector<16xi32>
        %lt3A_2003 = arith.constant 0 : i32
        %lt3A_2004 = vector.broadcast %lt3A_2003 : i32 to vector<16xi32>
        %lt3A_2005 = arith.cmpi slt, %xor3A_2002, %lt3A_2004 : vector<16xi32>
        %add3A_2006 = arith.constant 16 : i32
        %add3A_2007 = vector.broadcast %add3A_2006 : i32 to vector<16xi32>
        %add3A_2008 = arith.addi %xor3A_2002, %add3A_2007 : vector<16xi32>
        %select_n3A_2009 = arith.select %lt3A_2005, %add3A_2008, %xor3A_2002 : vector<16xi1>, vector<16xi32>
        %broadcast_in_dim3A_2010 = vector.shape_cast %select_n3A_2009 : vector<16xi32> to vector<16x1xi32>
        %gather3A_2011 = vector.shape_cast %broadcast_in_dim3A_2010 : vector<16x1xi32> to vector<16xi32>
        %gather3A_2012 = tpu.dynamic_gather %add3A_1999[%gather3A_2011] in [0] : vector<16xf32>, vector<16xi32> -> vector<16xf32>
        %add3A_2013 = arith.addf %add3A_1999, %gather3A_2012 : vector<16xf32>
        %xor3A_2014 = arith.constant 2 : i32
        %xor3A_2015 = vector.broadcast %xor3A_2014 : i32 to vector<16xi32>
        %xor3A_2016 = arith.xori %iota3A, %xor3A_2015 : vector<16xi32>
        %lt3A_2017 = arith.constant 0 : i32
        %lt3A_2018 = vector.broadcast %lt3A_2017 : i32 to vector<16xi32>
        %lt3A_2019 = arith.cmpi slt, %xor3A_2016, %lt3A_2018 : vector<16xi32>
        %add3A_2020 = arith.constant 16 : i32
        %add3A_2021 = vector.broadcast %add3A_2020 : i32 to vector<16xi32>
        %add3A_2022 = arith.addi %xor3A_2016, %add3A_2021 : vector<16xi32>
        %select_n3A_2023 = arith.select %lt3A_2019, %add3A_2022, %xor3A_2016 : vector<16xi1>, vector<16xi32>
        %broadcast_in_dim3A_2024 = vector.shape_cast %select_n3A_2023 : vector<16xi32> to vector<16x1xi32>
        %gather3A_2025 = vector.shape_cast %broadcast_in_dim3A_2024 : vector<16x1xi32> to vector<16xi32>
        %gather3A_2026 = tpu.dynamic_gather %add3A_2013[%gather3A_2025] in [0] : vector<16xf32>, vector<16xi32> -> vector<16xf32>
        %add3A_2027 = arith.addf %add3A_2013, %gather3A_2026 : vector<16xf32>
        %xor3A_2028 = arith.constant 1 : i32
        %xor3A_2029 = vector.broadcast %xor3A_2028 : i32 to vector<16xi32>
        %xor3A_2030 = arith.xori %iota3A, %xor3A_2029 : vector<16xi32>
        %lt3A_2031 = arith.constant 0 : i32
        %lt3A_2032 = vector.broadcast %lt3A_2031 : i32 to vector<16xi32>
        %lt3A_2033 = arith.cmpi slt, %xor3A_2030, %lt3A_2032 : vector<16xi32>
        %add3A_2034 = arith.constant 16 : i32
        %add3A_2035 = vector.broadcast %add3A_2034 : i32 to vector<16xi32>
        %add3A_2036 = arith.addi %xor3A_2030, %add3A_2035 : vector<16xi32>
        %select_n3A_2037 = arith.select %lt3A_2033, %add3A_2036, %xor3A_2030 : vector<16xi1>, vector<16xi32>
        %broadcast_in_dim3A_2038 = vector.shape_cast %select_n3A_2037 : vector<16xi32> to vector<16x1xi32>
        %gather3A_2039 = vector.shape_cast %broadcast_in_dim3A_2038 : vector<16x1xi32> to vector<16xi32>
        %gather3A_2040 = tpu.dynamic_gather %add3A_2027[%gather3A_2039] in [0] : vector<16xf32>, vector<16xi32> -> vector<16xf32>
        %add3A_2041 = arith.addf %add3A_2027, %gather3A_2040 : vector<16xf32>
        %eq3A_2042 = arith.constant 0 : i32
        %eq3A_2043 = vector.broadcast %eq3A_2042 : i32 to vector<16xi32>
        %eq3A_2044 = arith.cmpi eq, %iota3A, %eq3A_2043 : vector<16xi32>
        %select_n3A_2045 = arith.select %eq3A_2044, %add3A_2041, %broadcast_in_dim3A_160 : vector<16xi1>, vector<16xf32>
        %add3A_2046 = arith.constant 1 : i32
        %add3A_2047 = arith.addi %mul3A_126, %add3A_2046 : i32
        %add3A_2048 = arith.constant 17 : i32
        %add3A_2049 = arith.addi %add3A_2047, %add3A_2048 : i32
        %get3A_2050 = arith.index_cast %add3A_2049 : i32 to index
        %get3A_2051 = arith.constant 0 : index
        %get3A_2052 = tpu.vector_load %arg8[%get3A_2050, %get3A_2051] {strides = array<i32>} : memref<336x128xf32, #tpu.memory_space<vmem>>, vector<1x16xf32>,
        %get3A_2053 = vector.shape_cast %get3A_2052 : vector<1x16xf32> to vector<16xf32>
        %mul3A_2054 = arith.mulf %get3A_129, %get3A_2053 : vector<16xf32>
        %get3A_2055 = arith.index_cast %add3A_2049 : i32 to index
        %get3A_2056 = arith.constant 16 : index
        %get3A_2057 = tpu.vector_load %arg8[%get3A_2055, %get3A_2056] {strides = array<i32>} : memref<336x128xf32, #tpu.memory_space<vmem>>, vector<1x16xf32>,
        %get3A_2058 = vector.shape_cast %get3A_2057 : vector<1x16xf32> to vector<16xf32>
        %mul3A_2059 = arith.mulf %get3A_133, %get3A_2058 : vector<16xf32>
        %add3A_2060 = arith.addf %mul3A_2054, %mul3A_2059 : vector<16xf32>
        %get3A_2061 = arith.index_cast %add3A_2049 : i32 to index
        %get3A_2062 = arith.constant 32 : index
        %get3A_2063 = tpu.vector_load %arg8[%get3A_2061, %get3A_2062] {strides = array<i32>} : memref<336x128xf32, #tpu.memory_space<vmem>>, vector<1x16xf32>,
        %get3A_2064 = vector.shape_cast %get3A_2063 : vector<1x16xf32> to vector<16xf32>
        %mul3A_2065 = arith.mulf %get3A_137, %get3A_2064 : vector<16xf32>
        %add3A_2066 = arith.addf %add3A_2060, %mul3A_2065 : vector<16xf32>
        %get3A_2067 = arith.index_cast %add3A_2049 : i32 to index
        %get3A_2068 = arith.constant 48 : index
        %get3A_2069 = tpu.vector_load %arg8[%get3A_2067, %get3A_2068] {strides = array<i32>} : memref<336x128xf32, #tpu.memory_space<vmem>>, vector<1x16xf32>,
        %get3A_2070 = vector.shape_cast %get3A_2069 : vector<1x16xf32> to vector<16xf32>
        %mul3A_2071 = arith.mulf %get3A_141, %get3A_2070 : vector<16xf32>
        %add3A_2072 = arith.addf %add3A_2066, %mul3A_2071 : vector<16xf32>
        %get3A_2073 = arith.index_cast %add3A_2049 : i32 to index
        %get3A_2074 = arith.constant 64 : index
        %get3A_2075 = tpu.vector_load %arg8[%get3A_2073, %get3A_2074] {strides = array<i32>} : memref<336x128xf32, #tpu.memory_space<vmem>>, vector<1x16xf32>,
        %get3A_2076 = vector.shape_cast %get3A_2075 : vector<1x16xf32> to vector<16xf32>
        %mul3A_2077 = arith.mulf %get3A_145, %get3A_2076 : vector<16xf32>
        %add3A_2078 = arith.addf %add3A_2072, %mul3A_2077 : vector<16xf32>
        %get3A_2079 = arith.index_cast %add3A_2049 : i32 to index
        %get3A_2080 = arith.constant 80 : index
        %get3A_2081 = tpu.vector_load %arg8[%get3A_2079, %get3A_2080] {strides = array<i32>} : memref<336x128xf32, #tpu.memory_space<vmem>>, vector<1x16xf32>,
        %get3A_2082 = vector.shape_cast %get3A_2081 : vector<1x16xf32> to vector<16xf32>
        %mul3A_2083 = arith.mulf %get3A_149, %get3A_2082 : vector<16xf32>
        %add3A_2084 = arith.addf %add3A_2078, %mul3A_2083 : vector<16xf32>
        %get3A_2085 = arith.index_cast %add3A_2049 : i32 to index
        %get3A_2086 = arith.constant 96 : index
        %get3A_2087 = tpu.vector_load %arg8[%get3A_2085, %get3A_2086] {strides = array<i32>} : memref<336x128xf32, #tpu.memory_space<vmem>>, vector<1x16xf32>,
        %get3A_2088 = vector.shape_cast %get3A_2087 : vector<1x16xf32> to vector<16xf32>
        %mul3A_2089 = arith.mulf %get3A_153, %get3A_2088 : vector<16xf32>
        %add3A_2090 = arith.addf %add3A_2084, %mul3A_2089 : vector<16xf32>
        %get3A_2091 = arith.index_cast %add3A_2049 : i32 to index
        %get3A_2092 = arith.constant 112 : index
        %get3A_2093 = tpu.vector_load %arg8[%get3A_2091, %get3A_2092] {strides = array<i32>} : memref<336x128xf32, #tpu.memory_space<vmem>>, vector<1x16xf32>,
        %get3A_2094 = vector.shape_cast %get3A_2093 : vector<1x16xf32> to vector<16xf32>
        %mul3A_2095 = arith.mulf %get3A_157, %get3A_2094 : vector<16xf32>
        %add3A_2096 = arith.addf %add3A_2090, %mul3A_2095 : vector<16xf32>
        %xor3A_2097 = arith.constant 8 : i32
        %xor3A_2098 = vector.broadcast %xor3A_2097 : i32 to vector<16xi32>
        %xor3A_2099 = arith.xori %iota3A, %xor3A_2098 : vector<16xi32>
        %lt3A_2100 = arith.constant 0 : i32
        %lt3A_2101 = vector.broadcast %lt3A_2100 : i32 to vector<16xi32>
        %lt3A_2102 = arith.cmpi slt, %xor3A_2099, %lt3A_2101 : vector<16xi32>
        %add3A_2103 = arith.constant 16 : i32
        %add3A_2104 = vector.broadcast %add3A_2103 : i32 to vector<16xi32>
        %add3A_2105 = arith.addi %xor3A_2099, %add3A_2104 : vector<16xi32>
        %select_n3A_2106 = arith.select %lt3A_2102, %add3A_2105, %xor3A_2099 : vector<16xi1>, vector<16xi32>
        %broadcast_in_dim3A_2107 = vector.shape_cast %select_n3A_2106 : vector<16xi32> to vector<16x1xi32>
        %gather3A_2108 = vector.shape_cast %broadcast_in_dim3A_2107 : vector<16x1xi32> to vector<16xi32>
        %gather3A_2109 = tpu.dynamic_gather %add3A_2096[%gather3A_2108] in [0] : vector<16xf32>, vector<16xi32> -> vector<16xf32>
        %add3A_2110 = arith.addf %add3A_2096, %gather3A_2109 : vector<16xf32>
        %xor3A_2111 = arith.constant 4 : i32
        %xor3A_2112 = vector.broadcast %xor3A_2111 : i32 to vector<16xi32>
        %xor3A_2113 = arith.xori %iota3A, %xor3A_2112 : vector<16xi32>
        %lt3A_2114 = arith.constant 0 : i32
        %lt3A_2115 = vector.broadcast %lt3A_2114 : i32 to vector<16xi32>
        %lt3A_2116 = arith.cmpi slt, %xor3A_2113, %lt3A_2115 : vector<16xi32>
        %add3A_2117 = arith.constant 16 : i32
        %add3A_2118 = vector.broadcast %add3A_2117 : i32 to vector<16xi32>
        %add3A_2119 = arith.addi %xor3A_2113, %add3A_2118 : vector<16xi32>
        %select_n3A_2120 = arith.select %lt3A_2116, %add3A_2119, %xor3A_2113 : vector<16xi1>, vector<16xi32>
        %broadcast_in_dim3A_2121 = vector.shape_cast %select_n3A_2120 : vector<16xi32> to vector<16x1xi32>
        %gather3A_2122 = vector.shape_cast %broadcast_in_dim3A_2121 : vector<16x1xi32> to vector<16xi32>
        %gather3A_2123 = tpu.dynamic_gather %add3A_2110[%gather3A_2122] in [0] : vector<16xf32>, vector<16xi32> -> vector<16xf32>
        %add3A_2124 = arith.addf %add3A_2110, %gather3A_2123 : vector<16xf32>
        %xor3A_2125 = arith.constant 2 : i32
        %xor3A_2126 = vector.broadcast %xor3A_2125 : i32 to vector<16xi32>
        %xor3A_2127 = arith.xori %iota3A, %xor3A_2126 : vector<16xi32>
        %lt3A_2128 = arith.constant 0 : i32
        %lt3A_2129 = vector.broadcast %lt3A_2128 : i32 to vector<16xi32>
        %lt3A_2130 = arith.cmpi slt, %xor3A_2127, %lt3A_2129 : vector<16xi32>
        %add3A_2131 = arith.constant 16 : i32
        %add3A_2132 = vector.broadcast %add3A_2131 : i32 to vector<16xi32>
        %add3A_2133 = arith.addi %xor3A_2127, %add3A_2132 : vector<16xi32>
        %select_n3A_2134 = arith.select %lt3A_2130, %add3A_2133, %xor3A_2127 : vector<16xi1>, vector<16xi32>
        %broadcast_in_dim3A_2135 = vector.shape_cast %select_n3A_2134 : vector<16xi32> to vector<16x1xi32>
        %gather3A_2136 = vector.shape_cast %broadcast_in_dim3A_2135 : vector<16x1xi32> to vector<16xi32>
        %gather3A_2137 = tpu.dynamic_gather %add3A_2124[%gather3A_2136] in [0] : vector<16xf32>, vector<16xi32> -> vector<16xf32>
        %add3A_2138 = arith.addf %add3A_2124, %gather3A_2137 : vector<16xf32>
        %xor3A_2139 = arith.constant 1 : i32
        %xor3A_2140 = vector.broadcast %xor3A_2139 : i32 to vector<16xi32>
        %xor3A_2141 = arith.xori %iota3A, %xor3A_2140 : vector<16xi32>
        %lt3A_2142 = arith.constant 0 : i32
        %lt3A_2143 = vector.broadcast %lt3A_2142 : i32 to vector<16xi32>
        %lt3A_2144 = arith.cmpi slt, %xor3A_2141, %lt3A_2143 : vector<16xi32>
        %add3A_2145 = arith.constant 16 : i32
        %add3A_2146 = vector.broadcast %add3A_2145 : i32 to vector<16xi32>
        %add3A_2147 = arith.addi %xor3A_2141, %add3A_2146 : vector<16xi32>
        %select_n3A_2148 = arith.select %lt3A_2144, %add3A_2147, %xor3A_2141 : vector<16xi1>, vector<16xi32>
        %broadcast_in_dim3A_2149 = vector.shape_cast %select_n3A_2148 : vector<16xi32> to vector<16x1xi32>
        %gather3A_2150 = vector.shape_cast %broadcast_in_dim3A_2149 : vector<16x1xi32> to vector<16xi32>
        %gather3A_2151 = tpu.dynamic_gather %add3A_2138[%gather3A_2150] in [0] : vector<16xf32>, vector<16xi32> -> vector<16xf32>
        %add3A_2152 = arith.addf %add3A_2138, %gather3A_2151 : vector<16xf32>
        %eq3A_2153 = arith.constant 1 : i32
        %eq3A_2154 = vector.broadcast %eq3A_2153 : i32 to vector<16xi32>
        %eq3A_2155 = arith.cmpi eq, %iota3A, %eq3A_2154 : vector<16xi32>
        %select_n3A_2156 = arith.select %eq3A_2155, %add3A_2152, %select_n3A_2045 : vector<16xi1>, vector<16xf32>
        %add3A_2157 = arith.constant 1 : i32
        %add3A_2158 = arith.addi %mul3A_126, %add3A_2157 : i32
        %add3A_2159 = arith.constant 18 : i32
        %add3A_2160 = arith.addi %add3A_2158, %add3A_2159 : i32
        %get3A_2161 = arith.index_cast %add3A_2160 : i32 to index
        %get3A_2162 = arith.constant 0 : index
        %get3A_2163 = tpu.vector_load %arg8[%get3A_2161, %get3A_2162] {strides = array<i32>} : memref<336x128xf32, #tpu.memory_space<vmem>>, vector<1x16xf32>,
        %get3A_2164 = vector.shape_cast %get3A_2163 : vector<1x16xf32> to vector<16xf32>
        %mul3A_2165 = arith.mulf %get3A_129, %get3A_2164 : vector<16xf32>
        %get3A_2166 = arith.index_cast %add3A_2160 : i32 to index
        %get3A_2167 = arith.constant 16 : index
        %get3A_2168 = tpu.vector_load %arg8[%get3A_2166, %get3A_2167] {strides = array<i32>} : memref<336x128xf32, #tpu.memory_space<vmem>>, vector<1x16xf32>,
        %get3A_2169 = vector.shape_cast %get3A_2168 : vector<1x16xf32> to vector<16xf32>
        %mul3A_2170 = arith.mulf %get3A_133, %get3A_2169 : vector<16xf32>
        %add3A_2171 = arith.addf %mul3A_2165, %mul3A_2170 : vector<16xf32>
        %get3A_2172 = arith.index_cast %add3A_2160 : i32 to index
        %get3A_2173 = arith.constant 32 : index
        %get3A_2174 = tpu.vector_load %arg8[%get3A_2172, %get3A_2173] {strides = array<i32>} : memref<336x128xf32, #tpu.memory_space<vmem>>, vector<1x16xf32>,
        %get3A_2175 = vector.shape_cast %get3A_2174 : vector<1x16xf32> to vector<16xf32>
        %mul3A_2176 = arith.mulf %get3A_137, %get3A_2175 : vector<16xf32>
        %add3A_2177 = arith.addf %add3A_2171, %mul3A_2176 : vector<16xf32>
        %get3A_2178 = arith.index_cast %add3A_2160 : i32 to index
        %get3A_2179 = arith.constant 48 : index
        %get3A_2180 = tpu.vector_load %arg8[%get3A_2178, %get3A_2179] {strides = array<i32>} : memref<336x128xf32, #tpu.memory_space<vmem>>, vector<1x16xf32>,
        %get3A_2181 = vector.shape_cast %get3A_2180 : vector<1x16xf32> to vector<16xf32>
        %mul3A_2182 = arith.mulf %get3A_141, %get3A_2181 : vector<16xf32>
        %add3A_2183 = arith.addf %add3A_2177, %mul3A_2182 : vector<16xf32>
        %get3A_2184 = arith.index_cast %add3A_2160 : i32 to index
        %get3A_2185 = arith.constant 64 : index
        %get3A_2186 = tpu.vector_load %arg8[%get3A_2184, %get3A_2185] {strides = array<i32>} : memref<336x128xf32, #tpu.memory_space<vmem>>, vector<1x16xf32>,
        %get3A_2187 = vector.shape_cast %get3A_2186 : vector<1x16xf32> to vector<16xf32>
        %mul3A_2188 = arith.mulf %get3A_145, %get3A_2187 : vector<16xf32>
        %add3A_2189 = arith.addf %add3A_2183, %mul3A_2188 : vector<16xf32>
        %get3A_2190 = arith.index_cast %add3A_2160 : i32 to index
        %get3A_2191 = arith.constant 80 : index
        %get3A_2192 = tpu.vector_load %arg8[%get3A_2190, %get3A_2191] {strides = array<i32>} : memref<336x128xf32, #tpu.memory_space<vmem>>, vector<1x16xf32>,
        %get3A_2193 = vector.shape_cast %get3A_2192 : vector<1x16xf32> to vector<16xf32>
        %mul3A_2194 = arith.mulf %get3A_149, %get3A_2193 : vector<16xf32>
        %add3A_2195 = arith.addf %add3A_2189, %mul3A_2194 : vector<16xf32>
        %get3A_2196 = arith.index_cast %add3A_2160 : i32 to index
        %get3A_2197 = arith.constant 96 : index
        %get3A_2198 = tpu.vector_load %arg8[%get3A_2196, %get3A_2197] {strides = array<i32>} : memref<336x128xf32, #tpu.memory_space<vmem>>, vector<1x16xf32>,
        %get3A_2199 = vector.shape_cast %get3A_2198 : vector<1x16xf32> to vector<16xf32>
        %mul3A_2200 = arith.mulf %get3A_153, %get3A_2199 : vector<16xf32>
        %add3A_2201 = arith.addf %add3A_2195, %mul3A_2200 : vector<16xf32>
        %get3A_2202 = arith.index_cast %add3A_2160 : i32 to index
        %get3A_2203 = arith.constant 112 : index
        %get3A_2204 = tpu.vector_load %arg8[%get3A_2202, %get3A_2203] {strides = array<i32>} : memref<336x128xf32, #tpu.memory_space<vmem>>, vector<1x16xf32>,
        %get3A_2205 = vector.shape_cast %get3A_2204 : vector<1x16xf32> to vector<16xf32>
        %mul3A_2206 = arith.mulf %get3A_157, %get3A_2205 : vector<16xf32>
        %add3A_2207 = arith.addf %add3A_2201, %mul3A_2206 : vector<16xf32>
        %xor3A_2208 = arith.constant 8 : i32
        %xor3A_2209 = vector.broadcast %xor3A_2208 : i32 to vector<16xi32>
        %xor3A_2210 = arith.xori %iota3A, %xor3A_2209 : vector<16xi32>
        %lt3A_2211 = arith.constant 0 : i32
        %lt3A_2212 = vector.broadcast %lt3A_2211 : i32 to vector<16xi32>
        %lt3A_2213 = arith.cmpi slt, %xor3A_2210, %lt3A_2212 : vector<16xi32>
        %add3A_2214 = arith.constant 16 : i32
        %add3A_2215 = vector.broadcast %add3A_2214 : i32 to vector<16xi32>
        %add3A_2216 = arith.addi %xor3A_2210, %add3A_2215 : vector<16xi32>
        %select_n3A_2217 = arith.select %lt3A_2213, %add3A_2216, %xor3A_2210 : vector<16xi1>, vector<16xi32>
        %broadcast_in_dim3A_2218 = vector.shape_cast %select_n3A_2217 : vector<16xi32> to vector<16x1xi32>
        %gather3A_2219 = vector.shape_cast %broadcast_in_dim3A_2218 : vector<16x1xi32> to vector<16xi32>
        %gather3A_2220 = tpu.dynamic_gather %add3A_2207[%gather3A_2219] in [0] : vector<16xf32>, vector<16xi32> -> vector<16xf32>
        %add3A_2221 = arith.addf %add3A_2207, %gather3A_2220 : vector<16xf32>
        %xor3A_2222 = arith.constant 4 : i32
        %xor3A_2223 = vector.broadcast %xor3A_2222 : i32 to vector<16xi32>
        %xor3A_2224 = arith.xori %iota3A, %xor3A_2223 : vector<16xi32>
        %lt3A_2225 = arith.constant 0 : i32
        %lt3A_2226 = vector.broadcast %lt3A_2225 : i32 to vector<16xi32>
        %lt3A_2227 = arith.cmpi slt, %xor3A_2224, %lt3A_2226 : vector<16xi32>
        %add3A_2228 = arith.constant 16 : i32
        %add3A_2229 = vector.broadcast %add3A_2228 : i32 to vector<16xi32>
        %add3A_2230 = arith.addi %xor3A_2224, %add3A_2229 : vector<16xi32>
        %select_n3A_2231 = arith.select %lt3A_2227, %add3A_2230, %xor3A_2224 : vector<16xi1>, vector<16xi32>
        %broadcast_in_dim3A_2232 = vector.shape_cast %select_n3A_2231 : vector<16xi32> to vector<16x1xi32>
        %gather3A_2233 = vector.shape_cast %broadcast_in_dim3A_2232 : vector<16x1xi32> to vector<16xi32>
        %gather3A_2234 = tpu.dynamic_gather %add3A_2221[%gather3A_2233] in [0] : vector<16xf32>, vector<16xi32> -> vector<16xf32>
        %add3A_2235 = arith.addf %add3A_2221, %gather3A_2234 : vector<16xf32>
        %xor3A_2236 = arith.constant 2 : i32
        %xor3A_2237 = vector.broadcast %xor3A_2236 : i32 to vector<16xi32>
        %xor3A_2238 = arith.xori %iota3A, %xor3A_2237 : vector<16xi32>
        %lt3A_2239 = arith.constant 0 : i32
        %lt3A_2240 = vector.broadcast %lt3A_2239 : i32 to vector<16xi32>
        %lt3A_2241 = arith.cmpi slt, %xor3A_2238, %lt3A_2240 : vector<16xi32>
        %add3A_2242 = arith.constant 16 : i32
        %add3A_2243 = vector.broadcast %add3A_2242 : i32 to vector<16xi32>
        %add3A_2244 = arith.addi %xor3A_2238, %add3A_2243 : vector<16xi32>
        %select_n3A_2245 = arith.select %lt3A_2241, %add3A_2244, %xor3A_2238 : vector<16xi1>, vector<16xi32>
        %broadcast_in_dim3A_2246 = vector.shape_cast %select_n3A_2245 : vector<16xi32> to vector<16x1xi32>
        %gather3A_2247 = vector.shape_cast %broadcast_in_dim3A_2246 : vector<16x1xi32> to vector<16xi32>
        %gather3A_2248 = tpu.dynamic_gather %add3A_2235[%gather3A_2247] in [0] : vector<16xf32>, vector<16xi32> -> vector<16xf32>
        %add3A_2249 = arith.addf %add3A_2235, %gather3A_2248 : vector<16xf32>
        %xor3A_2250 = arith.constant 1 : i32
        %xor3A_2251 = vector.broadcast %xor3A_2250 : i32 to vector<16xi32>
        %xor3A_2252 = arith.xori %iota3A, %xor3A_2251 : vector<16xi32>
        %lt3A_2253 = arith.constant 0 : i32
        %lt3A_2254 = vector.broadcast %lt3A_2253 : i32 to vector<16xi32>
        %lt3A_2255 = arith.cmpi slt, %xor3A_2252, %lt3A_2254 : vector<16xi32>
        %add3A_2256 = arith.constant 16 : i32
        %add3A_2257 = vector.broadcast %add3A_2256 : i32 to vector<16xi32>
        %add3A_2258 = arith.addi %xor3A_2252, %add3A_2257 : vector<16xi32>
        %select_n3A_2259 = arith.select %lt3A_2255, %add3A_2258, %xor3A_2252 : vector<16xi1>, vector<16xi32>
        %broadcast_in_dim3A_2260 = vector.shape_cast %select_n3A_2259 : vector<16xi32> to vector<16x1xi32>
        %gather3A_2261 = vector.shape_cast %broadcast_in_dim3A_2260 : vector<16x1xi32> to vector<16xi32>
        %gather3A_2262 = tpu.dynamic_gather %add3A_2249[%gather3A_2261] in [0] : vector<16xf32>, vector<16xi32> -> vector<16xf32>
        %add3A_2263 = arith.addf %add3A_2249, %gather3A_2262 : vector<16xf32>
        %eq3A_2264 = arith.constant 2 : i32
        %eq3A_2265 = vector.broadcast %eq3A_2264 : i32 to vector<16xi32>
        %eq3A_2266 = arith.cmpi eq, %iota3A, %eq3A_2265 : vector<16xi32>
        %select_n3A_2267 = arith.select %eq3A_2266, %add3A_2263, %select_n3A_2156 : vector<16xi1>, vector<16xf32>
        %add3A_2268 = arith.constant 1 : i32
        %add3A_2269 = arith.addi %mul3A_126, %add3A_2268 : i32
        %add3A_2270 = arith.constant 19 : i32
        %add3A_2271 = arith.addi %add3A_2269, %add3A_2270 : i32
        %get3A_2272 = arith.index_cast %add3A_2271 : i32 to index
        %get3A_2273 = arith.constant 0 : index
        %get3A_2274 = tpu.vector_load %arg8[%get3A_2272, %get3A_2273] {strides = array<i32>} : memref<336x128xf32, #tpu.memory_space<vmem>>, vector<1x16xf32>,
        %get3A_2275 = vector.shape_cast %get3A_2274 : vector<1x16xf32> to vector<16xf32>
        %mul3A_2276 = arith.mulf %get3A_129, %get3A_2275 : vector<16xf32>
        %get3A_2277 = arith.index_cast %add3A_2271 : i32 to index
        %get3A_2278 = arith.constant 16 : index
        %get3A_2279 = tpu.vector_load %arg8[%get3A_2277, %get3A_2278] {strides = array<i32>} : memref<336x128xf32, #tpu.memory_space<vmem>>, vector<1x16xf32>,
        %get3A_2280 = vector.shape_cast %get3A_2279 : vector<1x16xf32> to vector<16xf32>
        %mul3A_2281 = arith.mulf %get3A_133, %get3A_2280 : vector<16xf32>
        %add3A_2282 = arith.addf %mul3A_2276, %mul3A_2281 : vector<16xf32>
        %get3A_2283 = arith.index_cast %add3A_2271 : i32 to index
        %get3A_2284 = arith.constant 32 : index
        %get3A_2285 = tpu.vector_load %arg8[%get3A_2283, %get3A_2284] {strides = array<i32>} : memref<336x128xf32, #tpu.memory_space<vmem>>, vector<1x16xf32>,
        %get3A_2286 = vector.shape_cast %get3A_2285 : vector<1x16xf32> to vector<16xf32>
        %mul3A_2287 = arith.mulf %get3A_137, %get3A_2286 : vector<16xf32>
        %add3A_2288 = arith.addf %add3A_2282, %mul3A_2287 : vector<16xf32>
        %get3A_2289 = arith.index_cast %add3A_2271 : i32 to index
        %get3A_2290 = arith.constant 48 : index
        %get3A_2291 = tpu.vector_load %arg8[%get3A_2289, %get3A_2290] {strides = array<i32>} : memref<336x128xf32, #tpu.memory_space<vmem>>, vector<1x16xf32>,
        %get3A_2292 = vector.shape_cast %get3A_2291 : vector<1x16xf32> to vector<16xf32>
        %mul3A_2293 = arith.mulf %get3A_141, %get3A_2292 : vector<16xf32>
        %add3A_2294 = arith.addf %add3A_2288, %mul3A_2293 : vector<16xf32>
        %get3A_2295 = arith.index_cast %add3A_2271 : i32 to index
        %get3A_2296 = arith.constant 64 : index
        %get3A_2297 = tpu.vector_load %arg8[%get3A_2295, %get3A_2296] {strides = array<i32>} : memref<336x128xf32, #tpu.memory_space<vmem>>, vector<1x16xf32>,
        %get3A_2298 = vector.shape_cast %get3A_2297 : vector<1x16xf32> to vector<16xf32>
        %mul3A_2299 = arith.mulf %get3A_145, %get3A_2298 : vector<16xf32>
        %add3A_2300 = arith.addf %add3A_2294, %mul3A_2299 : vector<16xf32>
        %get3A_2301 = arith.index_cast %add3A_2271 : i32 to index
        %get3A_2302 = arith.constant 80 : index
        %get3A_2303 = tpu.vector_load %arg8[%get3A_2301, %get3A_2302] {strides = array<i32>} : memref<336x128xf32, #tpu.memory_space<vmem>>, vector<1x16xf32>,
        %get3A_2304 = vector.shape_cast %get3A_2303 : vector<1x16xf32> to vector<16xf32>
        %mul3A_2305 = arith.mulf %get3A_149, %get3A_2304 : vector<16xf32>
        %add3A_2306 = arith.addf %add3A_2300, %mul3A_2305 : vector<16xf32>
        %get3A_2307 = arith.index_cast %add3A_2271 : i32 to index
        %get3A_2308 = arith.constant 96 : index
        %get3A_2309 = tpu.vector_load %arg8[%get3A_2307, %get3A_2308] {strides = array<i32>} : memref<336x128xf32, #tpu.memory_space<vmem>>, vector<1x16xf32>,
        %get3A_2310 = vector.shape_cast %get3A_2309 : vector<1x16xf32> to vector<16xf32>
        %mul3A_2311 = arith.mulf %get3A_153, %get3A_2310 : vector<16xf32>
        %add3A_2312 = arith.addf %add3A_2306, %mul3A_2311 : vector<16xf32>
        %get3A_2313 = arith.index_cast %add3A_2271 : i32 to index
        %get3A_2314 = arith.constant 112 : index
        %get3A_2315 = tpu.vector_load %arg8[%get3A_2313, %get3A_2314] {strides = array<i32>} : memref<336x128xf32, #tpu.memory_space<vmem>>, vector<1x16xf32>,
        %get3A_2316 = vector.shape_cast %get3A_2315 : vector<1x16xf32> to vector<16xf32>
        %mul3A_2317 = arith.mulf %get3A_157, %get3A_2316 : vector<16xf32>
        %add3A_2318 = arith.addf %add3A_2312, %mul3A_2317 : vector<16xf32>
        %xor3A_2319 = arith.constant 8 : i32
        %xor3A_2320 = vector.broadcast %xor3A_2319 : i32 to vector<16xi32>
        %xor3A_2321 = arith.xori %iota3A, %xor3A_2320 : vector<16xi32>
        %lt3A_2322 = arith.constant 0 : i32
        %lt3A_2323 = vector.broadcast %lt3A_2322 : i32 to vector<16xi32>
        %lt3A_2324 = arith.cmpi slt, %xor3A_2321, %lt3A_2323 : vector<16xi32>
        %add3A_2325 = arith.constant 16 : i32
        %add3A_2326 = vector.broadcast %add3A_2325 : i32 to vector<16xi32>
        %add3A_2327 = arith.addi %xor3A_2321, %add3A_2326 : vector<16xi32>
        %select_n3A_2328 = arith.select %lt3A_2324, %add3A_2327, %xor3A_2321 : vector<16xi1>, vector<16xi32>
        %broadcast_in_dim3A_2329 = vector.shape_cast %select_n3A_2328 : vector<16xi32> to vector<16x1xi32>
        %gather3A_2330 = vector.shape_cast %broadcast_in_dim3A_2329 : vector<16x1xi32> to vector<16xi32>
        %gather3A_2331 = tpu.dynamic_gather %add3A_2318[%gather3A_2330] in [0] : vector<16xf32>, vector<16xi32> -> vector<16xf32>
        %add3A_2332 = arith.addf %add3A_2318, %gather3A_2331 : vector<16xf32>
        %xor3A_2333 = arith.constant 4 : i32
        %xor3A_2334 = vector.broadcast %xor3A_2333 : i32 to vector<16xi32>
        %xor3A_2335 = arith.xori %iota3A, %xor3A_2334 : vector<16xi32>
        %lt3A_2336 = arith.constant 0 : i32
        %lt3A_2337 = vector.broadcast %lt3A_2336 : i32 to vector<16xi32>
        %lt3A_2338 = arith.cmpi slt, %xor3A_2335, %lt3A_2337 : vector<16xi32>
        %add3A_2339 = arith.constant 16 : i32
        %add3A_2340 = vector.broadcast %add3A_2339 : i32 to vector<16xi32>
        %add3A_2341 = arith.addi %xor3A_2335, %add3A_2340 : vector<16xi32>
        %select_n3A_2342 = arith.select %lt3A_2338, %add3A_2341, %xor3A_2335 : vector<16xi1>, vector<16xi32>
        %broadcast_in_dim3A_2343 = vector.shape_cast %select_n3A_2342 : vector<16xi32> to vector<16x1xi32>
        %gather3A_2344 = vector.shape_cast %broadcast_in_dim3A_2343 : vector<16x1xi32> to vector<16xi32>
        %gather3A_2345 = tpu.dynamic_gather %add3A_2332[%gather3A_2344] in [0] : vector<16xf32>, vector<16xi32> -> vector<16xf32>
        %add3A_2346 = arith.addf %add3A_2332, %gather3A_2345 : vector<16xf32>
        %xor3A_2347 = arith.constant 2 : i32
        %xor3A_2348 = vector.broadcast %xor3A_2347 : i32 to vector<16xi32>
        %xor3A_2349 = arith.xori %iota3A, %xor3A_2348 : vector<16xi32>
        %lt3A_2350 = arith.constant 0 : i32
        %lt3A_2351 = vector.broadcast %lt3A_2350 : i32 to vector<16xi32>
        %lt3A_2352 = arith.cmpi slt, %xor3A_2349, %lt3A_2351 : vector<16xi32>
        %add3A_2353 = arith.constant 16 : i32
        %add3A_2354 = vector.broadcast %add3A_2353 : i32 to vector<16xi32>
        %add3A_2355 = arith.addi %xor3A_2349, %add3A_2354 : vector<16xi32>
        %select_n3A_2356 = arith.select %lt3A_2352, %add3A_2355, %xor3A_2349 : vector<16xi1>, vector<16xi32>
        %broadcast_in_dim3A_2357 = vector.shape_cast %select_n3A_2356 : vector<16xi32> to vector<16x1xi32>
        %gather3A_2358 = vector.shape_cast %broadcast_in_dim3A_2357 : vector<16x1xi32> to vector<16xi32>
        %gather3A_2359 = tpu.dynamic_gather %add3A_2346[%gather3A_2358] in [0] : vector<16xf32>, vector<16xi32> -> vector<16xf32>
        %add3A_2360 = arith.addf %add3A_2346, %gather3A_2359 : vector<16xf32>
        %xor3A_2361 = arith.constant 1 : i32
        %xor3A_2362 = vector.broadcast %xor3A_2361 : i32 to vector<16xi32>
        %xor3A_2363 = arith.xori %iota3A, %xor3A_2362 : vector<16xi32>
        %lt3A_2364 = arith.constant 0 : i32
        %lt3A_2365 = vector.broadcast %lt3A_2364 : i32 to vector<16xi32>
        %lt3A_2366 = arith.cmpi slt, %xor3A_2363, %lt3A_2365 : vector<16xi32>
        %add3A_2367 = arith.constant 16 : i32
        %add3A_2368 = vector.broadcast %add3A_2367 : i32 to vector<16xi32>
        %add3A_2369 = arith.addi %xor3A_2363, %add3A_2368 : vector<16xi32>
        %select_n3A_2370 = arith.select %lt3A_2366, %add3A_2369, %xor3A_2363 : vector<16xi1>, vector<16xi32>
        %broadcast_in_dim3A_2371 = vector.shape_cast %select_n3A_2370 : vector<16xi32> to vector<16x1xi32>
        %gather3A_2372 = vector.shape_cast %broadcast_in_dim3A_2371 : vector<16x1xi32> to vector<16xi32>
        %gather3A_2373 = tpu.dynamic_gather %add3A_2360[%gather3A_2372] in [0] : vector<16xf32>, vector<16xi32> -> vector<16xf32>
        %add3A_2374 = arith.addf %add3A_2360, %gather3A_2373 : vector<16xf32>
        %eq3A_2375 = arith.constant 3 : i32
        %eq3A_2376 = vector.broadcast %eq3A_2375 : i32 to vector<16xi32>
        %eq3A_2377 = arith.cmpi eq, %iota3A, %eq3A_2376 : vector<16xi32>
        %select_n3A_2378 = arith.select %eq3A_2377, %add3A_2374, %select_n3A_2267 : vector<16xi1>, vector<16xf32>
        %mul3A_2379 = arith.constant 20 : i32
        %mul3A_2380 = arith.muli %scan3A_124, %mul3A_2379 : i32
        %swap3A = arith.index_cast %mul3A_2380 : i32 to index
        %swap3A_2381 = tpu.vector_load %arg10[%swap3A] {strides = array<i32>} : memref<336xf32, #tpu.memory_space<vmem>>, vector<16xf32>,
        %swap3A_2382 = vector.shape_cast %swap3A_2381 : vector<16xf32> to vector<16xf32>
        %swap3A_2383 = vector.shape_cast %select_n3A_1934 : vector<16xf32> to vector<16xf32>
        tpu.vector_store %arg10[%swap3A], %swap3A_2383 {strides = array<i32>} : memref<336xf32, #tpu.memory_space<vmem>>, vector<16xf32>,
        %mul3A_2384 = arith.constant 20 : i32
        %mul3A_2385 = arith.muli %scan3A_124, %mul3A_2384 : i32
        %add3A_2386 = arith.constant 16 : i32
        %add3A_2387 = arith.addi %mul3A_2385, %add3A_2386 : i32
        %swap3A_2388 = arith.index_cast %add3A_2387 : i32 to index
        %swap3A_2389 = tpu.vector_load %arg10[%swap3A_2388] {strides = array<i32>} : memref<336xf32, #tpu.memory_space<vmem>>, vector<16xf32>,
        %swap3A_2390 = vector.shape_cast %swap3A_2389 : vector<16xf32> to vector<16xf32>
        %swap3A_2391 = vector.shape_cast %select_n3A_2378 : vector<16xf32> to vector<16xf32>
        tpu.vector_store %arg10[%swap3A_2388], %swap3A_2391 {strides = array<i32>} : memref<336xf32, #tpu.memory_space<vmem>>, vector<16xf32>,
      }
      %scan3A_76 = arith.constant 16 : i32
      %mul3A_77 = arith.constant 16 : i32
      %mul3A_78 = arith.muli %add3A_55, %mul3A_77 : i32
      %add3A_79 = arith.addi %mul3A_2, %mul3A_78 : i32
      %mul3A_80 = arith.constant 20 : i32
      %mul3A_81 = arith.muli %add3A_79, %mul3A_80 : i32
      %dma_start3A_82 = arith.constant 0 : i32
      %dma_start3A_83 = tpu.memref_slice %arg10[%dma_start3A_82] : memref<336xf32, #tpu.memory_space<vmem>> -> memref<320xf32, #tpu.memory_space<vmem>>
      %dma_start3A_84 = tpu.memref_slice %arg5[%mul3A_81] : memref<655360xf32, #tpu.memory_space<hbm>> -> memref<320xf32, #tpu.memory_space<hbm>>
      %dma_start3A_85 = tpu.memref_slice %arg5[%mul3A_81] : memref<655360xf32, #tpu.memory_space<hbm>> -> memref<320xf32, #tpu.memory_space<hbm>>
      %dma_start3A_86 = arith.constant 0 : i32
      %dma_start3A_87 = tpu.memref_slice %arg10[%dma_start3A_86] : memref<336xf32, #tpu.memory_space<vmem>> -> memref<320xf32, #tpu.memory_space<vmem>>
      tpu.enqueue_dma source(%dma_start3A_87 : memref<320xf32, #tpu.memory_space<vmem>>) target(%dma_start3A_85 : memref<320xf32, #tpu.memory_space<hbm>>) target_semaphore(%arg14 : memref<!tpu.dma_semaphore, #tpu.memory_space<semaphore_mem>>)
      %mul3A_88 = arith.constant 2 : i32
      %mul3A_89 = arith.muli %scan3A_51, %mul3A_88 : i32
      %add3A_90 = arith.constant 1 : i32
      %add3A_91 = arith.addi %mul3A_89, %add3A_90 : i32
      %add3A_92 = arith.constant 1 : i32
      %add3A_93 = arith.addi %add3A_91, %add3A_92 : i32
      %lt3A_94 = arith.constant 64 : i32
      %lt3A_95 = arith.cmpi slt, %add3A_93, %lt3A_94 : i32
      %convert_element_type3A_96 = arith.extui %lt3A_95 : i1 to i32
      %cond3A_97 = arith.constant 0 : i32
      %cond3A_98 = arith.cmpi ne, %convert_element_type3A_96, %cond3A_97 : i32
      scf.if %cond3A_98 {
        %add3A_124 = arith.constant 1 : i32
        %add3A_125 = arith.addi %add3A_91, %add3A_124 : i32
        %mul3A_126 = arith.constant 16 : i32
        %mul3A_127 = arith.muli %add3A_125, %mul3A_126 : i32
        %add3A_128 = arith.addi %mul3A_13, %mul3A_127 : i32
        %mul3A_129 = arith.constant 21 : i32
        %mul3A_130 = arith.muli %add3A_128, %mul3A_129 : i32
        %lt3A_131 = arith.constant 16 : i32
        %lt3A_132 = arith.cmpi slt, %add3A, %lt3A_131 : i32
        %convert_element_type3A_133 = arith.extui %lt3A_132 : i1 to i32
        %cond3A_134 = arith.constant 0 : i32
        %cond3A_135 = arith.cmpi ne, %convert_element_type3A_133, %cond3A_134 : i32
        scf.if %cond3A_135 {
          "tpu.region"() ({
            %run_scoped3A = tpu.sem_alloc : memref<!tpu.dma_semaphore, #tpu.memory_space<semaphore_mem>>
            %dma_start3A_144 = tpu.memref_slice %arg3[%mul3A_130] : memref<344064xi32, #tpu.memory_space<hbm>> -> memref<336xi32, #tpu.memory_space<hbm>>
            %dma_start3A_145 = tpu.memref_slice %arg3[%mul3A_130] : memref<344064xi32, #tpu.memory_space<hbm>> -> memref<336xi32, #tpu.memory_space<hbm>>
            tpu.enqueue_dma source(%dma_start3A_145 : memref<336xi32, #tpu.memory_space<hbm>>) target(%arg6 : memref<336xi32, #tpu.memory_space<vmem>>) target_semaphore(%run_scoped3A : memref<!tpu.dma_semaphore, #tpu.memory_space<semaphore_mem>>)
            %dma_wait3A_146 = tpu.memref_slice %arg3[%mul3A_130] : memref<344064xi32, #tpu.memory_space<hbm>> -> memref<336xi32, #tpu.memory_space<hbm>>
            %dma_wait3A_147 = tpu.memref_slice %arg3[%mul3A_130] : memref<344064xi32, #tpu.memory_space<hbm>> -> memref<336xi32, #tpu.memory_space<hbm>>
            tpu.wait_dma2 semaphore(%run_scoped3A : memref<!tpu.dma_semaphore, #tpu.memory_space<semaphore_mem>>) src(%dma_wait3A_147 : memref<336xi32, #tpu.memory_space<hbm>>) dst(%arg6 : memref<336xi32, #tpu.memory_space<vmem>>)
            tpu.yield
          }) : () -> ()
        } else {
        }
        %ge3A_136 = arith.constant 16 : i32
        %ge3A_137 = arith.cmpi sge, %add3A, %ge3A_136 : i32
        %convert_element_type3A_138 = arith.extui %ge3A_137 : i1 to i32
        %cond3A_139 = arith.constant 0 : i32
        %cond3A_140 = arith.cmpi ne, %convert_element_type3A_138, %cond3A_139 : i32
        scf.if %cond3A_140 {
          "tpu.region"() ({
            %run_scoped3A = tpu.sem_alloc : memref<!tpu.dma_semaphore, #tpu.memory_space<semaphore_mem>>
            %dma_start3A_144 = tpu.memref_slice %arg4[%mul3A_130] : memref<344064xi32, #tpu.memory_space<hbm>> -> memref<336xi32, #tpu.memory_space<hbm>>
            %dma_start3A_145 = tpu.memref_slice %arg4[%mul3A_130] : memref<344064xi32, #tpu.memory_space<hbm>> -> memref<336xi32, #tpu.memory_space<hbm>>
            tpu.enqueue_dma source(%dma_start3A_145 : memref<336xi32, #tpu.memory_space<hbm>>) target(%arg6 : memref<336xi32, #tpu.memory_space<vmem>>) target_semaphore(%run_scoped3A : memref<!tpu.dma_semaphore, #tpu.memory_space<semaphore_mem>>)
            %dma_wait3A_146 = tpu.memref_slice %arg4[%mul3A_130] : memref<344064xi32, #tpu.memory_space<hbm>> -> memref<336xi32, #tpu.memory_space<hbm>>
            %dma_wait3A_147 = tpu.memref_slice %arg4[%mul3A_130] : memref<344064xi32, #tpu.memory_space<hbm>> -> memref<336xi32, #tpu.memory_space<hbm>>
            tpu.wait_dma2 semaphore(%run_scoped3A : memref<!tpu.dma_semaphore, #tpu.memory_space<semaphore_mem>>) src(%dma_wait3A_147 : memref<336xi32, #tpu.memory_space<hbm>>) dst(%arg6 : memref<336xi32, #tpu.memory_space<vmem>>)
            tpu.yield
          }) : () -> ()
        } else {
        }
        %dma_start3A_141 = arith.constant 0 : i32
        %dma_start3A_142 = arith.constant 0 : i32
        %dma_start3A_143 = tpu.memref_slice %arg2[%dma_start3A_141, %dma_start3A_142] : memref<100000x128xf32, #tpu.memory_space<hbm>> -> memref<100000x128xf32, #tpu.memory_space<hbm>>
        tpu.enqueue_indirect_dma source(%dma_start3A_143 : memref<100000x128xf32, #tpu.memory_space<hbm>>) target(%arg8 : memref<336x128xf32, #tpu.memory_space<vmem>>) offsets(%arg6 : memref<336xi32, #tpu.memory_space<vmem>>) semaphore(%arg12 : memref<!tpu.dma_semaphore, #tpu.memory_space<semaphore_mem>>)
      } else {
      }
      %dma_wait3A_99 = arith.constant 0 : i32
      %dma_wait3A_100 = arith.constant 0 : i32
      %dma_wait3A_101 = tpu.memref_slice %arg2[%dma_wait3A_99, %dma_wait3A_100] : memref<100000x128xf32, #tpu.memory_space<hbm>> -> memref<100000x128xf32, #tpu.memory_space<hbm>>
      tpu.wait_indirect_dma semaphore(%arg13 : memref<!tpu.dma_semaphore, #tpu.memory_space<semaphore_mem>>) src(%dma_wait3A_101 : memref<100000x128xf32, #tpu.memory_space<hbm>>) dst(%arg9 : memref<336x128xf32, #tpu.memory_space<vmem>>)
      %ge3A_102 = arith.constant 2 : i32
      %ge3A_103 = arith.cmpi sge, %add3A_91, %ge3A_102 : i32
      %convert_element_type3A_104 = arith.extui %ge3A_103 : i1 to i32
      %cond3A_105 = arith.constant 0 : i32
      %cond3A_106 = arith.cmpi ne, %convert_element_type3A_104, %cond3A_105 : i32
      scf.if %cond3A_106 {
        %mul3A_124 = arith.constant 16 : i32
        %mul3A_125 = arith.muli %add3A_91, %mul3A_124 : i32
        %add3A_126 = arith.addi %mul3A_2, %mul3A_125 : i32
        %mul3A_127 = arith.constant 20 : i32
        %mul3A_128 = arith.muli %add3A_126, %mul3A_127 : i32
        %dma_wait3A_129 = arith.constant 0 : i32
        %dma_wait3A_130 = tpu.memref_slice %arg11[%dma_wait3A_129] : memref<336xf32, #tpu.memory_space<vmem>> -> memref<320xf32, #tpu.memory_space<vmem>>
        %dma_wait3A_131 = tpu.memref_slice %arg5[%mul3A_128] : memref<655360xf32, #tpu.memory_space<hbm>> -> memref<320xf32, #tpu.memory_space<hbm>>
        %dma_wait3A_132 = tpu.memref_slice %arg5[%mul3A_128] : memref<655360xf32, #tpu.memory_space<hbm>> -> memref<320xf32, #tpu.memory_space<hbm>>
        %dma_wait3A_133 = arith.constant 0 : i32
        %dma_wait3A_134 = tpu.memref_slice %arg11[%dma_wait3A_133] : memref<336xf32, #tpu.memory_space<vmem>> -> memref<320xf32, #tpu.memory_space<vmem>>
        tpu.wait_dma2 semaphore(%arg15 : memref<!tpu.dma_semaphore, #tpu.memory_space<semaphore_mem>>) src(%dma_wait3A_134 : memref<320xf32, #tpu.memory_space<vmem>>) dst(%dma_wait3A_132 : memref<320xf32, #tpu.memory_space<hbm>>)
      } else {
      }
      %scan3A_107 = arith.constant 0 : i32
      %scan3A_108 = arith.constant 0 : i32
      %scan3A_109 = arith.constant 16 : i32
      %scan3A_110 = arith.addi %scan3A_108, %scan3A_109 : i32
      %scan3A_111 = arith.constant 1 : i32
      scf.for %scan3A_124 = %scan3A_108 to %scan3A_110 step %scan3A_111  : i32 {
        %mul3A_125 = arith.constant 21 : i32
        %mul3A_126 = arith.muli %scan3A_124, %mul3A_125 : i32
        %get3A = arith.index_cast %mul3A_126 : i32 to index
        %get3A_127 = arith.constant 0 : index
        %get3A_128 = tpu.vector_load %arg9[%get3A, %get3A_127] {strides = array<i32>} : memref<336x128xf32, #tpu.memory_space<vmem>>, vector<1x16xf32>,
        %get3A_129 = vector.shape_cast %get3A_128 : vector<1x16xf32> to vector<16xf32>
        %get3A_130 = arith.index_cast %mul3A_126 : i32 to index
        %get3A_131 = arith.constant 16 : index
        %get3A_132 = tpu.vector_load %arg9[%get3A_130, %get3A_131] {strides = array<i32>} : memref<336x128xf32, #tpu.memory_space<vmem>>, vector<1x16xf32>,
        %get3A_133 = vector.shape_cast %get3A_132 : vector<1x16xf32> to vector<16xf32>
        %get3A_134 = arith.index_cast %mul3A_126 : i32 to index
        %get3A_135 = arith.constant 32 : index
        %get3A_136 = tpu.vector_load %arg9[%get3A_134, %get3A_135] {strides = array<i32>} : memref<336x128xf32, #tpu.memory_space<vmem>>, vector<1x16xf32>,
        %get3A_137 = vector.shape_cast %get3A_136 : vector<1x16xf32> to vector<16xf32>
        %get3A_138 = arith.index_cast %mul3A_126 : i32 to index
        %get3A_139 = arith.constant 48 : index
        %get3A_140 = tpu.vector_load %arg9[%get3A_138, %get3A_139] {strides = array<i32>} : memref<336x128xf32, #tpu.memory_space<vmem>>, vector<1x16xf32>,
        %get3A_141 = vector.shape_cast %get3A_140 : vector<1x16xf32> to vector<16xf32>
        %get3A_142 = arith.index_cast %mul3A_126 : i32 to index
        %get3A_143 = arith.constant 64 : index
        %get3A_144 = tpu.vector_load %arg9[%get3A_142, %get3A_143] {strides = array<i32>} : memref<336x128xf32, #tpu.memory_space<vmem>>, vector<1x16xf32>,
        %get3A_145 = vector.shape_cast %get3A_144 : vector<1x16xf32> to vector<16xf32>
        %get3A_146 = arith.index_cast %mul3A_126 : i32 to index
        %get3A_147 = arith.constant 80 : index
        %get3A_148 = tpu.vector_load %arg9[%get3A_146, %get3A_147] {strides = array<i32>} : memref<336x128xf32, #tpu.memory_space<vmem>>, vector<1x16xf32>,
        %get3A_149 = vector.shape_cast %get3A_148 : vector<1x16xf32> to vector<16xf32>
        %get3A_150 = arith.index_cast %mul3A_126 : i32 to index
        %get3A_151 = arith.constant 96 : index
        %get3A_152 = tpu.vector_load %arg9[%get3A_150, %get3A_151] {strides = array<i32>} : memref<336x128xf32, #tpu.memory_space<vmem>>, vector<1x16xf32>,
        %get3A_153 = vector.shape_cast %get3A_152 : vector<1x16xf32> to vector<16xf32>
        %get3A_154 = arith.index_cast %mul3A_126 : i32 to index
        %get3A_155 = arith.constant 112 : index
        %get3A_156 = tpu.vector_load %arg9[%get3A_154, %get3A_155] {strides = array<i32>} : memref<336x128xf32, #tpu.memory_space<vmem>>, vector<1x16xf32>,
        %get3A_157 = vector.shape_cast %get3A_156 : vector<1x16xf32> to vector<16xf32>
        %broadcast_in_dim3A = arith.constant 0.000000e+00 : f32
        %broadcast_in_dim3A_158 = vector.broadcast %broadcast_in_dim3A : f32 to vector<16xf32>
        %broadcast_in_dim3A_159 = arith.constant 0.000000e+00 : f32
        %broadcast_in_dim3A_160 = vector.broadcast %broadcast_in_dim3A_159 : f32 to vector<16xf32>
        %add3A_161 = arith.constant 1 : i32
        %add3A_162 = arith.addi %mul3A_126, %add3A_161 : i32
        %add3A_163 = arith.constant 0 : i32
        %add3A_164 = arith.addi %add3A_162, %add3A_163 : i32
        %get3A_165 = arith.index_cast %add3A_164 : i32 to index
        %get3A_166 = arith.constant 0 : index
        %get3A_167 = tpu.vector_load %arg9[%get3A_165, %get3A_166] {strides = array<i32>} : memref<336x128xf32, #tpu.memory_space<vmem>>, vector<1x16xf32>,
        %get3A_168 = vector.shape_cast %get3A_167 : vector<1x16xf32> to vector<16xf32>
        %mul3A_169 = arith.mulf %get3A_129, %get3A_168 : vector<16xf32>
        %get3A_170 = arith.index_cast %add3A_164 : i32 to index
        %get3A_171 = arith.constant 16 : index
        %get3A_172 = tpu.vector_load %arg9[%get3A_170, %get3A_171] {strides = array<i32>} : memref<336x128xf32, #tpu.memory_space<vmem>>, vector<1x16xf32>,
        %get3A_173 = vector.shape_cast %get3A_172 : vector<1x16xf32> to vector<16xf32>
        %mul3A_174 = arith.mulf %get3A_133, %get3A_173 : vector<16xf32>
        %add3A_175 = arith.addf %mul3A_169, %mul3A_174 : vector<16xf32>
        %get3A_176 = arith.index_cast %add3A_164 : i32 to index
        %get3A_177 = arith.constant 32 : index
        %get3A_178 = tpu.vector_load %arg9[%get3A_176, %get3A_177] {strides = array<i32>} : memref<336x128xf32, #tpu.memory_space<vmem>>, vector<1x16xf32>,
        %get3A_179 = vector.shape_cast %get3A_178 : vector<1x16xf32> to vector<16xf32>
        %mul3A_180 = arith.mulf %get3A_137, %get3A_179 : vector<16xf32>
        %add3A_181 = arith.addf %add3A_175, %mul3A_180 : vector<16xf32>
        %get3A_182 = arith.index_cast %add3A_164 : i32 to index
        %get3A_183 = arith.constant 48 : index
        %get3A_184 = tpu.vector_load %arg9[%get3A_182, %get3A_183] {strides = array<i32>} : memref<336x128xf32, #tpu.memory_space<vmem>>, vector<1x16xf32>,
        %get3A_185 = vector.shape_cast %get3A_184 : vector<1x16xf32> to vector<16xf32>
        %mul3A_186 = arith.mulf %get3A_141, %get3A_185 : vector<16xf32>
        %add3A_187 = arith.addf %add3A_181, %mul3A_186 : vector<16xf32>
        %get3A_188 = arith.index_cast %add3A_164 : i32 to index
        %get3A_189 = arith.constant 64 : index
        %get3A_190 = tpu.vector_load %arg9[%get3A_188, %get3A_189] {strides = array<i32>} : memref<336x128xf32, #tpu.memory_space<vmem>>, vector<1x16xf32>,
        %get3A_191 = vector.shape_cast %get3A_190 : vector<1x16xf32> to vector<16xf32>
        %mul3A_192 = arith.mulf %get3A_145, %get3A_191 : vector<16xf32>
        %add3A_193 = arith.addf %add3A_187, %mul3A_192 : vector<16xf32>
        %get3A_194 = arith.index_cast %add3A_164 : i32 to index
        %get3A_195 = arith.constant 80 : index
        %get3A_196 = tpu.vector_load %arg9[%get3A_194, %get3A_195] {strides = array<i32>} : memref<336x128xf32, #tpu.memory_space<vmem>>, vector<1x16xf32>,
        %get3A_197 = vector.shape_cast %get3A_196 : vector<1x16xf32> to vector<16xf32>
        %mul3A_198 = arith.mulf %get3A_149, %get3A_197 : vector<16xf32>
        %add3A_199 = arith.addf %add3A_193, %mul3A_198 : vector<16xf32>
        %get3A_200 = arith.index_cast %add3A_164 : i32 to index
        %get3A_201 = arith.constant 96 : index
        %get3A_202 = tpu.vector_load %arg9[%get3A_200, %get3A_201] {strides = array<i32>} : memref<336x128xf32, #tpu.memory_space<vmem>>, vector<1x16xf32>,
        %get3A_203 = vector.shape_cast %get3A_202 : vector<1x16xf32> to vector<16xf32>
        %mul3A_204 = arith.mulf %get3A_153, %get3A_203 : vector<16xf32>
        %add3A_205 = arith.addf %add3A_199, %mul3A_204 : vector<16xf32>
        %get3A_206 = arith.index_cast %add3A_164 : i32 to index
        %get3A_207 = arith.constant 112 : index
        %get3A_208 = tpu.vector_load %arg9[%get3A_206, %get3A_207] {strides = array<i32>} : memref<336x128xf32, #tpu.memory_space<vmem>>, vector<1x16xf32>,
        %get3A_209 = vector.shape_cast %get3A_208 : vector<1x16xf32> to vector<16xf32>
        %mul3A_210 = arith.mulf %get3A_157, %get3A_209 : vector<16xf32>
        %add3A_211 = arith.addf %add3A_205, %mul3A_210 : vector<16xf32>
        %xor3A = arith.constant 8 : i32
        %xor3A_212 = vector.broadcast %xor3A : i32 to vector<16xi32>
        %xor3A_213 = arith.xori %iota3A, %xor3A_212 : vector<16xi32>
        %lt3A_214 = arith.constant 0 : i32
        %lt3A_215 = vector.broadcast %lt3A_214 : i32 to vector<16xi32>
        %lt3A_216 = arith.cmpi slt, %xor3A_213, %lt3A_215 : vector<16xi32>
        %add3A_217 = arith.constant 16 : i32
        %add3A_218 = vector.broadcast %add3A_217 : i32 to vector<16xi32>
        %add3A_219 = arith.addi %xor3A_213, %add3A_218 : vector<16xi32>
        %select_n3A_220 = arith.select %lt3A_216, %add3A_219, %xor3A_213 : vector<16xi1>, vector<16xi32>
        %broadcast_in_dim3A_221 = vector.shape_cast %select_n3A_220 : vector<16xi32> to vector<16x1xi32>
        %gather3A = vector.shape_cast %broadcast_in_dim3A_221 : vector<16x1xi32> to vector<16xi32>
        %gather3A_222 = tpu.dynamic_gather %add3A_211[%gather3A] in [0] : vector<16xf32>, vector<16xi32> -> vector<16xf32>
        %add3A_223 = arith.addf %add3A_211, %gather3A_222 : vector<16xf32>
        %xor3A_224 = arith.constant 4 : i32
        %xor3A_225 = vector.broadcast %xor3A_224 : i32 to vector<16xi32>
        %xor3A_226 = arith.xori %iota3A, %xor3A_225 : vector<16xi32>
        %lt3A_227 = arith.constant 0 : i32
        %lt3A_228 = vector.broadcast %lt3A_227 : i32 to vector<16xi32>
        %lt3A_229 = arith.cmpi slt, %xor3A_226, %lt3A_228 : vector<16xi32>
        %add3A_230 = arith.constant 16 : i32
        %add3A_231 = vector.broadcast %add3A_230 : i32 to vector<16xi32>
        %add3A_232 = arith.addi %xor3A_226, %add3A_231 : vector<16xi32>
        %select_n3A_233 = arith.select %lt3A_229, %add3A_232, %xor3A_226 : vector<16xi1>, vector<16xi32>
        %broadcast_in_dim3A_234 = vector.shape_cast %select_n3A_233 : vector<16xi32> to vector<16x1xi32>
        %gather3A_235 = vector.shape_cast %broadcast_in_dim3A_234 : vector<16x1xi32> to vector<16xi32>
        %gather3A_236 = tpu.dynamic_gather %add3A_223[%gather3A_235] in [0] : vector<16xf32>, vector<16xi32> -> vector<16xf32>
        %add3A_237 = arith.addf %add3A_223, %gather3A_236 : vector<16xf32>
        %xor3A_238 = arith.constant 2 : i32
        %xor3A_239 = vector.broadcast %xor3A_238 : i32 to vector<16xi32>
        %xor3A_240 = arith.xori %iota3A, %xor3A_239 : vector<16xi32>
        %lt3A_241 = arith.constant 0 : i32
        %lt3A_242 = vector.broadcast %lt3A_241 : i32 to vector<16xi32>
        %lt3A_243 = arith.cmpi slt, %xor3A_240, %lt3A_242 : vector<16xi32>
        %add3A_244 = arith.constant 16 : i32
        %add3A_245 = vector.broadcast %add3A_244 : i32 to vector<16xi32>
        %add3A_246 = arith.addi %xor3A_240, %add3A_245 : vector<16xi32>
        %select_n3A_247 = arith.select %lt3A_243, %add3A_246, %xor3A_240 : vector<16xi1>, vector<16xi32>
        %broadcast_in_dim3A_248 = vector.shape_cast %select_n3A_247 : vector<16xi32> to vector<16x1xi32>
        %gather3A_249 = vector.shape_cast %broadcast_in_dim3A_248 : vector<16x1xi32> to vector<16xi32>
        %gather3A_250 = tpu.dynamic_gather %add3A_237[%gather3A_249] in [0] : vector<16xf32>, vector<16xi32> -> vector<16xf32>
        %add3A_251 = arith.addf %add3A_237, %gather3A_250 : vector<16xf32>
        %xor3A_252 = arith.constant 1 : i32
        %xor3A_253 = vector.broadcast %xor3A_252 : i32 to vector<16xi32>
        %xor3A_254 = arith.xori %iota3A, %xor3A_253 : vector<16xi32>
        %lt3A_255 = arith.constant 0 : i32
        %lt3A_256 = vector.broadcast %lt3A_255 : i32 to vector<16xi32>
        %lt3A_257 = arith.cmpi slt, %xor3A_254, %lt3A_256 : vector<16xi32>
        %add3A_258 = arith.constant 16 : i32
        %add3A_259 = vector.broadcast %add3A_258 : i32 to vector<16xi32>
        %add3A_260 = arith.addi %xor3A_254, %add3A_259 : vector<16xi32>
        %select_n3A_261 = arith.select %lt3A_257, %add3A_260, %xor3A_254 : vector<16xi1>, vector<16xi32>
        %broadcast_in_dim3A_262 = vector.shape_cast %select_n3A_261 : vector<16xi32> to vector<16x1xi32>
        %gather3A_263 = vector.shape_cast %broadcast_in_dim3A_262 : vector<16x1xi32> to vector<16xi32>
        %gather3A_264 = tpu.dynamic_gather %add3A_251[%gather3A_263] in [0] : vector<16xf32>, vector<16xi32> -> vector<16xf32>
        %add3A_265 = arith.addf %add3A_251, %gather3A_264 : vector<16xf32>
        %eq3A_266 = arith.constant 0 : i32
        %eq3A_267 = vector.broadcast %eq3A_266 : i32 to vector<16xi32>
        %eq3A_268 = arith.cmpi eq, %iota3A, %eq3A_267 : vector<16xi32>
        %select_n3A_269 = arith.select %eq3A_268, %add3A_265, %broadcast_in_dim3A_158 : vector<16xi1>, vector<16xf32>
        %add3A_270 = arith.constant 1 : i32
        %add3A_271 = arith.addi %mul3A_126, %add3A_270 : i32
        %add3A_272 = arith.constant 1 : i32
        %add3A_273 = arith.addi %add3A_271, %add3A_272 : i32
        %get3A_274 = arith.index_cast %add3A_273 : i32 to index
        %get3A_275 = arith.constant 0 : index
        %get3A_276 = tpu.vector_load %arg9[%get3A_274, %get3A_275] {strides = array<i32>} : memref<336x128xf32, #tpu.memory_space<vmem>>, vector<1x16xf32>,
        %get3A_277 = vector.shape_cast %get3A_276 : vector<1x16xf32> to vector<16xf32>
        %mul3A_278 = arith.mulf %get3A_129, %get3A_277 : vector<16xf32>
        %get3A_279 = arith.index_cast %add3A_273 : i32 to index
        %get3A_280 = arith.constant 16 : index
        %get3A_281 = tpu.vector_load %arg9[%get3A_279, %get3A_280] {strides = array<i32>} : memref<336x128xf32, #tpu.memory_space<vmem>>, vector<1x16xf32>,
        %get3A_282 = vector.shape_cast %get3A_281 : vector<1x16xf32> to vector<16xf32>
        %mul3A_283 = arith.mulf %get3A_133, %get3A_282 : vector<16xf32>
        %add3A_284 = arith.addf %mul3A_278, %mul3A_283 : vector<16xf32>
        %get3A_285 = arith.index_cast %add3A_273 : i32 to index
        %get3A_286 = arith.constant 32 : index
        %get3A_287 = tpu.vector_load %arg9[%get3A_285, %get3A_286] {strides = array<i32>} : memref<336x128xf32, #tpu.memory_space<vmem>>, vector<1x16xf32>,
        %get3A_288 = vector.shape_cast %get3A_287 : vector<1x16xf32> to vector<16xf32>
        %mul3A_289 = arith.mulf %get3A_137, %get3A_288 : vector<16xf32>
        %add3A_290 = arith.addf %add3A_284, %mul3A_289 : vector<16xf32>
        %get3A_291 = arith.index_cast %add3A_273 : i32 to index
        %get3A_292 = arith.constant 48 : index
        %get3A_293 = tpu.vector_load %arg9[%get3A_291, %get3A_292] {strides = array<i32>} : memref<336x128xf32, #tpu.memory_space<vmem>>, vector<1x16xf32>,
        %get3A_294 = vector.shape_cast %get3A_293 : vector<1x16xf32> to vector<16xf32>
        %mul3A_295 = arith.mulf %get3A_141, %get3A_294 : vector<16xf32>
        %add3A_296 = arith.addf %add3A_290, %mul3A_295 : vector<16xf32>
        %get3A_297 = arith.index_cast %add3A_273 : i32 to index
        %get3A_298 = arith.constant 64 : index
        %get3A_299 = tpu.vector_load %arg9[%get3A_297, %get3A_298] {strides = array<i32>} : memref<336x128xf32, #tpu.memory_space<vmem>>, vector<1x16xf32>,
        %get3A_300 = vector.shape_cast %get3A_299 : vector<1x16xf32> to vector<16xf32>
        %mul3A_301 = arith.mulf %get3A_145, %get3A_300 : vector<16xf32>
        %add3A_302 = arith.addf %add3A_296, %mul3A_301 : vector<16xf32>
        %get3A_303 = arith.index_cast %add3A_273 : i32 to index
        %get3A_304 = arith.constant 80 : index
        %get3A_305 = tpu.vector_load %arg9[%get3A_303, %get3A_304] {strides = array<i32>} : memref<336x128xf32, #tpu.memory_space<vmem>>, vector<1x16xf32>,
        %get3A_306 = vector.shape_cast %get3A_305 : vector<1x16xf32> to vector<16xf32>
        %mul3A_307 = arith.mulf %get3A_149, %get3A_306 : vector<16xf32>
        %add3A_308 = arith.addf %add3A_302, %mul3A_307 : vector<16xf32>
        %get3A_309 = arith.index_cast %add3A_273 : i32 to index
        %get3A_310 = arith.constant 96 : index
        %get3A_311 = tpu.vector_load %arg9[%get3A_309, %get3A_310] {strides = array<i32>} : memref<336x128xf32, #tpu.memory_space<vmem>>, vector<1x16xf32>,
        %get3A_312 = vector.shape_cast %get3A_311 : vector<1x16xf32> to vector<16xf32>
        %mul3A_313 = arith.mulf %get3A_153, %get3A_312 : vector<16xf32>
        %add3A_314 = arith.addf %add3A_308, %mul3A_313 : vector<16xf32>
        %get3A_315 = arith.index_cast %add3A_273 : i32 to index
        %get3A_316 = arith.constant 112 : index
        %get3A_317 = tpu.vector_load %arg9[%get3A_315, %get3A_316] {strides = array<i32>} : memref<336x128xf32, #tpu.memory_space<vmem>>, vector<1x16xf32>,
        %get3A_318 = vector.shape_cast %get3A_317 : vector<1x16xf32> to vector<16xf32>
        %mul3A_319 = arith.mulf %get3A_157, %get3A_318 : vector<16xf32>
        %add3A_320 = arith.addf %add3A_314, %mul3A_319 : vector<16xf32>
        %xor3A_321 = arith.constant 8 : i32
        %xor3A_322 = vector.broadcast %xor3A_321 : i32 to vector<16xi32>
        %xor3A_323 = arith.xori %iota3A, %xor3A_322 : vector<16xi32>
        %lt3A_324 = arith.constant 0 : i32
        %lt3A_325 = vector.broadcast %lt3A_324 : i32 to vector<16xi32>
        %lt3A_326 = arith.cmpi slt, %xor3A_323, %lt3A_325 : vector<16xi32>
        %add3A_327 = arith.constant 16 : i32
        %add3A_328 = vector.broadcast %add3A_327 : i32 to vector<16xi32>
        %add3A_329 = arith.addi %xor3A_323, %add3A_328 : vector<16xi32>
        %select_n3A_330 = arith.select %lt3A_326, %add3A_329, %xor3A_323 : vector<16xi1>, vector<16xi32>
        %broadcast_in_dim3A_331 = vector.shape_cast %select_n3A_330 : vector<16xi32> to vector<16x1xi32>
        %gather3A_332 = vector.shape_cast %broadcast_in_dim3A_331 : vector<16x1xi32> to vector<16xi32>
        %gather3A_333 = tpu.dynamic_gather %add3A_320[%gather3A_332] in [0] : vector<16xf32>, vector<16xi32> -> vector<16xf32>
        %add3A_334 = arith.addf %add3A_320, %gather3A_333 : vector<16xf32>
        %xor3A_335 = arith.constant 4 : i32
        %xor3A_336 = vector.broadcast %xor3A_335 : i32 to vector<16xi32>
        %xor3A_337 = arith.xori %iota3A, %xor3A_336 : vector<16xi32>
        %lt3A_338 = arith.constant 0 : i32
        %lt3A_339 = vector.broadcast %lt3A_338 : i32 to vector<16xi32>
        %lt3A_340 = arith.cmpi slt, %xor3A_337, %lt3A_339 : vector<16xi32>
        %add3A_341 = arith.constant 16 : i32
        %add3A_342 = vector.broadcast %add3A_341 : i32 to vector<16xi32>
        %add3A_343 = arith.addi %xor3A_337, %add3A_342 : vector<16xi32>
        %select_n3A_344 = arith.select %lt3A_340, %add3A_343, %xor3A_337 : vector<16xi1>, vector<16xi32>
        %broadcast_in_dim3A_345 = vector.shape_cast %select_n3A_344 : vector<16xi32> to vector<16x1xi32>
        %gather3A_346 = vector.shape_cast %broadcast_in_dim3A_345 : vector<16x1xi32> to vector<16xi32>
        %gather3A_347 = tpu.dynamic_gather %add3A_334[%gather3A_346] in [0] : vector<16xf32>, vector<16xi32> -> vector<16xf32>
        %add3A_348 = arith.addf %add3A_334, %gather3A_347 : vector<16xf32>
        %xor3A_349 = arith.constant 2 : i32
        %xor3A_350 = vector.broadcast %xor3A_349 : i32 to vector<16xi32>
        %xor3A_351 = arith.xori %iota3A, %xor3A_350 : vector<16xi32>
        %lt3A_352 = arith.constant 0 : i32
        %lt3A_353 = vector.broadcast %lt3A_352 : i32 to vector<16xi32>
        %lt3A_354 = arith.cmpi slt, %xor3A_351, %lt3A_353 : vector<16xi32>
        %add3A_355 = arith.constant 16 : i32
        %add3A_356 = vector.broadcast %add3A_355 : i32 to vector<16xi32>
        %add3A_357 = arith.addi %xor3A_351, %add3A_356 : vector<16xi32>
        %select_n3A_358 = arith.select %lt3A_354, %add3A_357, %xor3A_351 : vector<16xi1>, vector<16xi32>
        %broadcast_in_dim3A_359 = vector.shape_cast %select_n3A_358 : vector<16xi32> to vector<16x1xi32>
        %gather3A_360 = vector.shape_cast %broadcast_in_dim3A_359 : vector<16x1xi32> to vector<16xi32>
        %gather3A_361 = tpu.dynamic_gather %add3A_348[%gather3A_360] in [0] : vector<16xf32>, vector<16xi32> -> vector<16xf32>
        %add3A_362 = arith.addf %add3A_348, %gather3A_361 : vector<16xf32>
        %xor3A_363 = arith.constant 1 : i32
        %xor3A_364 = vector.broadcast %xor3A_363 : i32 to vector<16xi32>
        %xor3A_365 = arith.xori %iota3A, %xor3A_364 : vector<16xi32>
        %lt3A_366 = arith.constant 0 : i32
        %lt3A_367 = vector.broadcast %lt3A_366 : i32 to vector<16xi32>
        %lt3A_368 = arith.cmpi slt, %xor3A_365, %lt3A_367 : vector<16xi32>
        %add3A_369 = arith.constant 16 : i32
        %add3A_370 = vector.broadcast %add3A_369 : i32 to vector<16xi32>
        %add3A_371 = arith.addi %xor3A_365, %add3A_370 : vector<16xi32>
        %select_n3A_372 = arith.select %lt3A_368, %add3A_371, %xor3A_365 : vector<16xi1>, vector<16xi32>
        %broadcast_in_dim3A_373 = vector.shape_cast %select_n3A_372 : vector<16xi32> to vector<16x1xi32>
        %gather3A_374 = vector.shape_cast %broadcast_in_dim3A_373 : vector<16x1xi32> to vector<16xi32>
        %gather3A_375 = tpu.dynamic_gather %add3A_362[%gather3A_374] in [0] : vector<16xf32>, vector<16xi32> -> vector<16xf32>
        %add3A_376 = arith.addf %add3A_362, %gather3A_375 : vector<16xf32>
        %eq3A_377 = arith.constant 1 : i32
        %eq3A_378 = vector.broadcast %eq3A_377 : i32 to vector<16xi32>
        %eq3A_379 = arith.cmpi eq, %iota3A, %eq3A_378 : vector<16xi32>
        %select_n3A_380 = arith.select %eq3A_379, %add3A_376, %select_n3A_269 : vector<16xi1>, vector<16xf32>
        %add3A_381 = arith.constant 1 : i32
        %add3A_382 = arith.addi %mul3A_126, %add3A_381 : i32
        %add3A_383 = arith.constant 2 : i32
        %add3A_384 = arith.addi %add3A_382, %add3A_383 : i32
        %get3A_385 = arith.index_cast %add3A_384 : i32 to index
        %get3A_386 = arith.constant 0 : index
        %get3A_387 = tpu.vector_load %arg9[%get3A_385, %get3A_386] {strides = array<i32>} : memref<336x128xf32, #tpu.memory_space<vmem>>, vector<1x16xf32>,
        %get3A_388 = vector.shape_cast %get3A_387 : vector<1x16xf32> to vector<16xf32>
        %mul3A_389 = arith.mulf %get3A_129, %get3A_388 : vector<16xf32>
        %get3A_390 = arith.index_cast %add3A_384 : i32 to index
        %get3A_391 = arith.constant 16 : index
        %get3A_392 = tpu.vector_load %arg9[%get3A_390, %get3A_391] {strides = array<i32>} : memref<336x128xf32, #tpu.memory_space<vmem>>, vector<1x16xf32>,
        %get3A_393 = vector.shape_cast %get3A_392 : vector<1x16xf32> to vector<16xf32>
        %mul3A_394 = arith.mulf %get3A_133, %get3A_393 : vector<16xf32>
        %add3A_395 = arith.addf %mul3A_389, %mul3A_394 : vector<16xf32>
        %get3A_396 = arith.index_cast %add3A_384 : i32 to index
        %get3A_397 = arith.constant 32 : index
        %get3A_398 = tpu.vector_load %arg9[%get3A_396, %get3A_397] {strides = array<i32>} : memref<336x128xf32, #tpu.memory_space<vmem>>, vector<1x16xf32>,
        %get3A_399 = vector.shape_cast %get3A_398 : vector<1x16xf32> to vector<16xf32>
        %mul3A_400 = arith.mulf %get3A_137, %get3A_399 : vector<16xf32>
        %add3A_401 = arith.addf %add3A_395, %mul3A_400 : vector<16xf32>
        %get3A_402 = arith.index_cast %add3A_384 : i32 to index
        %get3A_403 = arith.constant 48 : index
        %get3A_404 = tpu.vector_load %arg9[%get3A_402, %get3A_403] {strides = array<i32>} : memref<336x128xf32, #tpu.memory_space<vmem>>, vector<1x16xf32>,
        %get3A_405 = vector.shape_cast %get3A_404 : vector<1x16xf32> to vector<16xf32>
        %mul3A_406 = arith.mulf %get3A_141, %get3A_405 : vector<16xf32>
        %add3A_407 = arith.addf %add3A_401, %mul3A_406 : vector<16xf32>
        %get3A_408 = arith.index_cast %add3A_384 : i32 to index
        %get3A_409 = arith.constant 64 : index
        %get3A_410 = tpu.vector_load %arg9[%get3A_408, %get3A_409] {strides = array<i32>} : memref<336x128xf32, #tpu.memory_space<vmem>>, vector<1x16xf32>,
        %get3A_411 = vector.shape_cast %get3A_410 : vector<1x16xf32> to vector<16xf32>
        %mul3A_412 = arith.mulf %get3A_145, %get3A_411 : vector<16xf32>
        %add3A_413 = arith.addf %add3A_407, %mul3A_412 : vector<16xf32>
        %get3A_414 = arith.index_cast %add3A_384 : i32 to index
        %get3A_415 = arith.constant 80 : index
        %get3A_416 = tpu.vector_load %arg9[%get3A_414, %get3A_415] {strides = array<i32>} : memref<336x128xf32, #tpu.memory_space<vmem>>, vector<1x16xf32>,
        %get3A_417 = vector.shape_cast %get3A_416 : vector<1x16xf32> to vector<16xf32>
        %mul3A_418 = arith.mulf %get3A_149, %get3A_417 : vector<16xf32>
        %add3A_419 = arith.addf %add3A_413, %mul3A_418 : vector<16xf32>
        %get3A_420 = arith.index_cast %add3A_384 : i32 to index
        %get3A_421 = arith.constant 96 : index
        %get3A_422 = tpu.vector_load %arg9[%get3A_420, %get3A_421] {strides = array<i32>} : memref<336x128xf32, #tpu.memory_space<vmem>>, vector<1x16xf32>,
        %get3A_423 = vector.shape_cast %get3A_422 : vector<1x16xf32> to vector<16xf32>
        %mul3A_424 = arith.mulf %get3A_153, %get3A_423 : vector<16xf32>
        %add3A_425 = arith.addf %add3A_419, %mul3A_424 : vector<16xf32>
        %get3A_426 = arith.index_cast %add3A_384 : i32 to index
        %get3A_427 = arith.constant 112 : index
        %get3A_428 = tpu.vector_load %arg9[%get3A_426, %get3A_427] {strides = array<i32>} : memref<336x128xf32, #tpu.memory_space<vmem>>, vector<1x16xf32>,
        %get3A_429 = vector.shape_cast %get3A_428 : vector<1x16xf32> to vector<16xf32>
        %mul3A_430 = arith.mulf %get3A_157, %get3A_429 : vector<16xf32>
        %add3A_431 = arith.addf %add3A_425, %mul3A_430 : vector<16xf32>
        %xor3A_432 = arith.constant 8 : i32
        %xor3A_433 = vector.broadcast %xor3A_432 : i32 to vector<16xi32>
        %xor3A_434 = arith.xori %iota3A, %xor3A_433 : vector<16xi32>
        %lt3A_435 = arith.constant 0 : i32
        %lt3A_436 = vector.broadcast %lt3A_435 : i32 to vector<16xi32>
        %lt3A_437 = arith.cmpi slt, %xor3A_434, %lt3A_436 : vector<16xi32>
        %add3A_438 = arith.constant 16 : i32
        %add3A_439 = vector.broadcast %add3A_438 : i32 to vector<16xi32>
        %add3A_440 = arith.addi %xor3A_434, %add3A_439 : vector<16xi32>
        %select_n3A_441 = arith.select %lt3A_437, %add3A_440, %xor3A_434 : vector<16xi1>, vector<16xi32>
        %broadcast_in_dim3A_442 = vector.shape_cast %select_n3A_441 : vector<16xi32> to vector<16x1xi32>
        %gather3A_443 = vector.shape_cast %broadcast_in_dim3A_442 : vector<16x1xi32> to vector<16xi32>
        %gather3A_444 = tpu.dynamic_gather %add3A_431[%gather3A_443] in [0] : vector<16xf32>, vector<16xi32> -> vector<16xf32>
        %add3A_445 = arith.addf %add3A_431, %gather3A_444 : vector<16xf32>
        %xor3A_446 = arith.constant 4 : i32
        %xor3A_447 = vector.broadcast %xor3A_446 : i32 to vector<16xi32>
        %xor3A_448 = arith.xori %iota3A, %xor3A_447 : vector<16xi32>
        %lt3A_449 = arith.constant 0 : i32
        %lt3A_450 = vector.broadcast %lt3A_449 : i32 to vector<16xi32>
        %lt3A_451 = arith.cmpi slt, %xor3A_448, %lt3A_450 : vector<16xi32>
        %add3A_452 = arith.constant 16 : i32
        %add3A_453 = vector.broadcast %add3A_452 : i32 to vector<16xi32>
        %add3A_454 = arith.addi %xor3A_448, %add3A_453 : vector<16xi32>
        %select_n3A_455 = arith.select %lt3A_451, %add3A_454, %xor3A_448 : vector<16xi1>, vector<16xi32>
        %broadcast_in_dim3A_456 = vector.shape_cast %select_n3A_455 : vector<16xi32> to vector<16x1xi32>
        %gather3A_457 = vector.shape_cast %broadcast_in_dim3A_456 : vector<16x1xi32> to vector<16xi32>
        %gather3A_458 = tpu.dynamic_gather %add3A_445[%gather3A_457] in [0] : vector<16xf32>, vector<16xi32> -> vector<16xf32>
        %add3A_459 = arith.addf %add3A_445, %gather3A_458 : vector<16xf32>
        %xor3A_460 = arith.constant 2 : i32
        %xor3A_461 = vector.broadcast %xor3A_460 : i32 to vector<16xi32>
        %xor3A_462 = arith.xori %iota3A, %xor3A_461 : vector<16xi32>
        %lt3A_463 = arith.constant 0 : i32
        %lt3A_464 = vector.broadcast %lt3A_463 : i32 to vector<16xi32>
        %lt3A_465 = arith.cmpi slt, %xor3A_462, %lt3A_464 : vector<16xi32>
        %add3A_466 = arith.constant 16 : i32
        %add3A_467 = vector.broadcast %add3A_466 : i32 to vector<16xi32>
        %add3A_468 = arith.addi %xor3A_462, %add3A_467 : vector<16xi32>
        %select_n3A_469 = arith.select %lt3A_465, %add3A_468, %xor3A_462 : vector<16xi1>, vector<16xi32>
        %broadcast_in_dim3A_470 = vector.shape_cast %select_n3A_469 : vector<16xi32> to vector<16x1xi32>
        %gather3A_471 = vector.shape_cast %broadcast_in_dim3A_470 : vector<16x1xi32> to vector<16xi32>
        %gather3A_472 = tpu.dynamic_gather %add3A_459[%gather3A_471] in [0] : vector<16xf32>, vector<16xi32> -> vector<16xf32>
        %add3A_473 = arith.addf %add3A_459, %gather3A_472 : vector<16xf32>
        %xor3A_474 = arith.constant 1 : i32
        %xor3A_475 = vector.broadcast %xor3A_474 : i32 to vector<16xi32>
        %xor3A_476 = arith.xori %iota3A, %xor3A_475 : vector<16xi32>
        %lt3A_477 = arith.constant 0 : i32
        %lt3A_478 = vector.broadcast %lt3A_477 : i32 to vector<16xi32>
        %lt3A_479 = arith.cmpi slt, %xor3A_476, %lt3A_478 : vector<16xi32>
        %add3A_480 = arith.constant 16 : i32
        %add3A_481 = vector.broadcast %add3A_480 : i32 to vector<16xi32>
        %add3A_482 = arith.addi %xor3A_476, %add3A_481 : vector<16xi32>
        %select_n3A_483 = arith.select %lt3A_479, %add3A_482, %xor3A_476 : vector<16xi1>, vector<16xi32>
        %broadcast_in_dim3A_484 = vector.shape_cast %select_n3A_483 : vector<16xi32> to vector<16x1xi32>
        %gather3A_485 = vector.shape_cast %broadcast_in_dim3A_484 : vector<16x1xi32> to vector<16xi32>
        %gather3A_486 = tpu.dynamic_gather %add3A_473[%gather3A_485] in [0] : vector<16xf32>, vector<16xi32> -> vector<16xf32>
        %add3A_487 = arith.addf %add3A_473, %gather3A_486 : vector<16xf32>
        %eq3A_488 = arith.constant 2 : i32
        %eq3A_489 = vector.broadcast %eq3A_488 : i32 to vector<16xi32>
        %eq3A_490 = arith.cmpi eq, %iota3A, %eq3A_489 : vector<16xi32>
        %select_n3A_491 = arith.select %eq3A_490, %add3A_487, %select_n3A_380 : vector<16xi1>, vector<16xf32>
        %add3A_492 = arith.constant 1 : i32
        %add3A_493 = arith.addi %mul3A_126, %add3A_492 : i32
        %add3A_494 = arith.constant 3 : i32
        %add3A_495 = arith.addi %add3A_493, %add3A_494 : i32
        %get3A_496 = arith.index_cast %add3A_495 : i32 to index
        %get3A_497 = arith.constant 0 : index
        %get3A_498 = tpu.vector_load %arg9[%get3A_496, %get3A_497] {strides = array<i32>} : memref<336x128xf32, #tpu.memory_space<vmem>>, vector<1x16xf32>,
        %get3A_499 = vector.shape_cast %get3A_498 : vector<1x16xf32> to vector<16xf32>
        %mul3A_500 = arith.mulf %get3A_129, %get3A_499 : vector<16xf32>
        %get3A_501 = arith.index_cast %add3A_495 : i32 to index
        %get3A_502 = arith.constant 16 : index
        %get3A_503 = tpu.vector_load %arg9[%get3A_501, %get3A_502] {strides = array<i32>} : memref<336x128xf32, #tpu.memory_space<vmem>>, vector<1x16xf32>,
        %get3A_504 = vector.shape_cast %get3A_503 : vector<1x16xf32> to vector<16xf32>
        %mul3A_505 = arith.mulf %get3A_133, %get3A_504 : vector<16xf32>
        %add3A_506 = arith.addf %mul3A_500, %mul3A_505 : vector<16xf32>
        %get3A_507 = arith.index_cast %add3A_495 : i32 to index
        %get3A_508 = arith.constant 32 : index
        %get3A_509 = tpu.vector_load %arg9[%get3A_507, %get3A_508] {strides = array<i32>} : memref<336x128xf32, #tpu.memory_space<vmem>>, vector<1x16xf32>,
        %get3A_510 = vector.shape_cast %get3A_509 : vector<1x16xf32> to vector<16xf32>
        %mul3A_511 = arith.mulf %get3A_137, %get3A_510 : vector<16xf32>
        %add3A_512 = arith.addf %add3A_506, %mul3A_511 : vector<16xf32>
        %get3A_513 = arith.index_cast %add3A_495 : i32 to index
        %get3A_514 = arith.constant 48 : index
        %get3A_515 = tpu.vector_load %arg9[%get3A_513, %get3A_514] {strides = array<i32>} : memref<336x128xf32, #tpu.memory_space<vmem>>, vector<1x16xf32>,
        %get3A_516 = vector.shape_cast %get3A_515 : vector<1x16xf32> to vector<16xf32>
        %mul3A_517 = arith.mulf %get3A_141, %get3A_516 : vector<16xf32>
        %add3A_518 = arith.addf %add3A_512, %mul3A_517 : vector<16xf32>
        %get3A_519 = arith.index_cast %add3A_495 : i32 to index
        %get3A_520 = arith.constant 64 : index
        %get3A_521 = tpu.vector_load %arg9[%get3A_519, %get3A_520] {strides = array<i32>} : memref<336x128xf32, #tpu.memory_space<vmem>>, vector<1x16xf32>,
        %get3A_522 = vector.shape_cast %get3A_521 : vector<1x16xf32> to vector<16xf32>
        %mul3A_523 = arith.mulf %get3A_145, %get3A_522 : vector<16xf32>
        %add3A_524 = arith.addf %add3A_518, %mul3A_523 : vector<16xf32>
        %get3A_525 = arith.index_cast %add3A_495 : i32 to index
        %get3A_526 = arith.constant 80 : index
        %get3A_527 = tpu.vector_load %arg9[%get3A_525, %get3A_526] {strides = array<i32>} : memref<336x128xf32, #tpu.memory_space<vmem>>, vector<1x16xf32>,
        %get3A_528 = vector.shape_cast %get3A_527 : vector<1x16xf32> to vector<16xf32>
        %mul3A_529 = arith.mulf %get3A_149, %get3A_528 : vector<16xf32>
        %add3A_530 = arith.addf %add3A_524, %mul3A_529 : vector<16xf32>
        %get3A_531 = arith.index_cast %add3A_495 : i32 to index
        %get3A_532 = arith.constant 96 : index
        %get3A_533 = tpu.vector_load %arg9[%get3A_531, %get3A_532] {strides = array<i32>} : memref<336x128xf32, #tpu.memory_space<vmem>>, vector<1x16xf32>,
        %get3A_534 = vector.shape_cast %get3A_533 : vector<1x16xf32> to vector<16xf32>
        %mul3A_535 = arith.mulf %get3A_153, %get3A_534 : vector<16xf32>
        %add3A_536 = arith.addf %add3A_530, %mul3A_535 : vector<16xf32>
        %get3A_537 = arith.index_cast %add3A_495 : i32 to index
        %get3A_538 = arith.constant 112 : index
        %get3A_539 = tpu.vector_load %arg9[%get3A_537, %get3A_538] {strides = array<i32>} : memref<336x128xf32, #tpu.memory_space<vmem>>, vector<1x16xf32>,
        %get3A_540 = vector.shape_cast %get3A_539 : vector<1x16xf32> to vector<16xf32>
        %mul3A_541 = arith.mulf %get3A_157, %get3A_540 : vector<16xf32>
        %add3A_542 = arith.addf %add3A_536, %mul3A_541 : vector<16xf32>
        %xor3A_543 = arith.constant 8 : i32
        %xor3A_544 = vector.broadcast %xor3A_543 : i32 to vector<16xi32>
        %xor3A_545 = arith.xori %iota3A, %xor3A_544 : vector<16xi32>
        %lt3A_546 = arith.constant 0 : i32
        %lt3A_547 = vector.broadcast %lt3A_546 : i32 to vector<16xi32>
        %lt3A_548 = arith.cmpi slt, %xor3A_545, %lt3A_547 : vector<16xi32>
        %add3A_549 = arith.constant 16 : i32
        %add3A_550 = vector.broadcast %add3A_549 : i32 to vector<16xi32>
        %add3A_551 = arith.addi %xor3A_545, %add3A_550 : vector<16xi32>
        %select_n3A_552 = arith.select %lt3A_548, %add3A_551, %xor3A_545 : vector<16xi1>, vector<16xi32>
        %broadcast_in_dim3A_553 = vector.shape_cast %select_n3A_552 : vector<16xi32> to vector<16x1xi32>
        %gather3A_554 = vector.shape_cast %broadcast_in_dim3A_553 : vector<16x1xi32> to vector<16xi32>
        %gather3A_555 = tpu.dynamic_gather %add3A_542[%gather3A_554] in [0] : vector<16xf32>, vector<16xi32> -> vector<16xf32>
        %add3A_556 = arith.addf %add3A_542, %gather3A_555 : vector<16xf32>
        %xor3A_557 = arith.constant 4 : i32
        %xor3A_558 = vector.broadcast %xor3A_557 : i32 to vector<16xi32>
        %xor3A_559 = arith.xori %iota3A, %xor3A_558 : vector<16xi32>
        %lt3A_560 = arith.constant 0 : i32
        %lt3A_561 = vector.broadcast %lt3A_560 : i32 to vector<16xi32>
        %lt3A_562 = arith.cmpi slt, %xor3A_559, %lt3A_561 : vector<16xi32>
        %add3A_563 = arith.constant 16 : i32
        %add3A_564 = vector.broadcast %add3A_563 : i32 to vector<16xi32>
        %add3A_565 = arith.addi %xor3A_559, %add3A_564 : vector<16xi32>
        %select_n3A_566 = arith.select %lt3A_562, %add3A_565, %xor3A_559 : vector<16xi1>, vector<16xi32>
        %broadcast_in_dim3A_567 = vector.shape_cast %select_n3A_566 : vector<16xi32> to vector<16x1xi32>
        %gather3A_568 = vector.shape_cast %broadcast_in_dim3A_567 : vector<16x1xi32> to vector<16xi32>
        %gather3A_569 = tpu.dynamic_gather %add3A_556[%gather3A_568] in [0] : vector<16xf32>, vector<16xi32> -> vector<16xf32>
        %add3A_570 = arith.addf %add3A_556, %gather3A_569 : vector<16xf32>
        %xor3A_571 = arith.constant 2 : i32
        %xor3A_572 = vector.broadcast %xor3A_571 : i32 to vector<16xi32>
        %xor3A_573 = arith.xori %iota3A, %xor3A_572 : vector<16xi32>
        %lt3A_574 = arith.constant 0 : i32
        %lt3A_575 = vector.broadcast %lt3A_574 : i32 to vector<16xi32>
        %lt3A_576 = arith.cmpi slt, %xor3A_573, %lt3A_575 : vector<16xi32>
        %add3A_577 = arith.constant 16 : i32
        %add3A_578 = vector.broadcast %add3A_577 : i32 to vector<16xi32>
        %add3A_579 = arith.addi %xor3A_573, %add3A_578 : vector<16xi32>
        %select_n3A_580 = arith.select %lt3A_576, %add3A_579, %xor3A_573 : vector<16xi1>, vector<16xi32>
        %broadcast_in_dim3A_581 = vector.shape_cast %select_n3A_580 : vector<16xi32> to vector<16x1xi32>
        %gather3A_582 = vector.shape_cast %broadcast_in_dim3A_581 : vector<16x1xi32> to vector<16xi32>
        %gather3A_583 = tpu.dynamic_gather %add3A_570[%gather3A_582] in [0] : vector<16xf32>, vector<16xi32> -> vector<16xf32>
        %add3A_584 = arith.addf %add3A_570, %gather3A_583 : vector<16xf32>
        %xor3A_585 = arith.constant 1 : i32
        %xor3A_586 = vector.broadcast %xor3A_585 : i32 to vector<16xi32>
        %xor3A_587 = arith.xori %iota3A, %xor3A_586 : vector<16xi32>
        %lt3A_588 = arith.constant 0 : i32
        %lt3A_589 = vector.broadcast %lt3A_588 : i32 to vector<16xi32>
        %lt3A_590 = arith.cmpi slt, %xor3A_587, %lt3A_589 : vector<16xi32>
        %add3A_591 = arith.constant 16 : i32
        %add3A_592 = vector.broadcast %add3A_591 : i32 to vector<16xi32>
        %add3A_593 = arith.addi %xor3A_587, %add3A_592 : vector<16xi32>
        %select_n3A_594 = arith.select %lt3A_590, %add3A_593, %xor3A_587 : vector<16xi1>, vector<16xi32>
        %broadcast_in_dim3A_595 = vector.shape_cast %select_n3A_594 : vector<16xi32> to vector<16x1xi32>
        %gather3A_596 = vector.shape_cast %broadcast_in_dim3A_595 : vector<16x1xi32> to vector<16xi32>
        %gather3A_597 = tpu.dynamic_gather %add3A_584[%gather3A_596] in [0] : vector<16xf32>, vector<16xi32> -> vector<16xf32>
        %add3A_598 = arith.addf %add3A_584, %gather3A_597 : vector<16xf32>
        %eq3A_599 = arith.constant 3 : i32
        %eq3A_600 = vector.broadcast %eq3A_599 : i32 to vector<16xi32>
        %eq3A_601 = arith.cmpi eq, %iota3A, %eq3A_600 : vector<16xi32>
        %select_n3A_602 = arith.select %eq3A_601, %add3A_598, %select_n3A_491 : vector<16xi1>, vector<16xf32>
        %add3A_603 = arith.constant 1 : i32
        %add3A_604 = arith.addi %mul3A_126, %add3A_603 : i32
        %add3A_605 = arith.constant 4 : i32
        %add3A_606 = arith.addi %add3A_604, %add3A_605 : i32
        %get3A_607 = arith.index_cast %add3A_606 : i32 to index
        %get3A_608 = arith.constant 0 : index
        %get3A_609 = tpu.vector_load %arg9[%get3A_607, %get3A_608] {strides = array<i32>} : memref<336x128xf32, #tpu.memory_space<vmem>>, vector<1x16xf32>,
        %get3A_610 = vector.shape_cast %get3A_609 : vector<1x16xf32> to vector<16xf32>
        %mul3A_611 = arith.mulf %get3A_129, %get3A_610 : vector<16xf32>
        %get3A_612 = arith.index_cast %add3A_606 : i32 to index
        %get3A_613 = arith.constant 16 : index
        %get3A_614 = tpu.vector_load %arg9[%get3A_612, %get3A_613] {strides = array<i32>} : memref<336x128xf32, #tpu.memory_space<vmem>>, vector<1x16xf32>,
        %get3A_615 = vector.shape_cast %get3A_614 : vector<1x16xf32> to vector<16xf32>
        %mul3A_616 = arith.mulf %get3A_133, %get3A_615 : vector<16xf32>
        %add3A_617 = arith.addf %mul3A_611, %mul3A_616 : vector<16xf32>
        %get3A_618 = arith.index_cast %add3A_606 : i32 to index
        %get3A_619 = arith.constant 32 : index
        %get3A_620 = tpu.vector_load %arg9[%get3A_618, %get3A_619] {strides = array<i32>} : memref<336x128xf32, #tpu.memory_space<vmem>>, vector<1x16xf32>,
        %get3A_621 = vector.shape_cast %get3A_620 : vector<1x16xf32> to vector<16xf32>
        %mul3A_622 = arith.mulf %get3A_137, %get3A_621 : vector<16xf32>
        %add3A_623 = arith.addf %add3A_617, %mul3A_622 : vector<16xf32>
        %get3A_624 = arith.index_cast %add3A_606 : i32 to index
        %get3A_625 = arith.constant 48 : index
        %get3A_626 = tpu.vector_load %arg9[%get3A_624, %get3A_625] {strides = array<i32>} : memref<336x128xf32, #tpu.memory_space<vmem>>, vector<1x16xf32>,
        %get3A_627 = vector.shape_cast %get3A_626 : vector<1x16xf32> to vector<16xf32>
        %mul3A_628 = arith.mulf %get3A_141, %get3A_627 : vector<16xf32>
        %add3A_629 = arith.addf %add3A_623, %mul3A_628 : vector<16xf32>
        %get3A_630 = arith.index_cast %add3A_606 : i32 to index
        %get3A_631 = arith.constant 64 : index
        %get3A_632 = tpu.vector_load %arg9[%get3A_630, %get3A_631] {strides = array<i32>} : memref<336x128xf32, #tpu.memory_space<vmem>>, vector<1x16xf32>,
        %get3A_633 = vector.shape_cast %get3A_632 : vector<1x16xf32> to vector<16xf32>
        %mul3A_634 = arith.mulf %get3A_145, %get3A_633 : vector<16xf32>
        %add3A_635 = arith.addf %add3A_629, %mul3A_634 : vector<16xf32>
        %get3A_636 = arith.index_cast %add3A_606 : i32 to index
        %get3A_637 = arith.constant 80 : index
        %get3A_638 = tpu.vector_load %arg9[%get3A_636, %get3A_637] {strides = array<i32>} : memref<336x128xf32, #tpu.memory_space<vmem>>, vector<1x16xf32>,
        %get3A_639 = vector.shape_cast %get3A_638 : vector<1x16xf32> to vector<16xf32>
        %mul3A_640 = arith.mulf %get3A_149, %get3A_639 : vector<16xf32>
        %add3A_641 = arith.addf %add3A_635, %mul3A_640 : vector<16xf32>
        %get3A_642 = arith.index_cast %add3A_606 : i32 to index
        %get3A_643 = arith.constant 96 : index
        %get3A_644 = tpu.vector_load %arg9[%get3A_642, %get3A_643] {strides = array<i32>} : memref<336x128xf32, #tpu.memory_space<vmem>>, vector<1x16xf32>,
        %get3A_645 = vector.shape_cast %get3A_644 : vector<1x16xf32> to vector<16xf32>
        %mul3A_646 = arith.mulf %get3A_153, %get3A_645 : vector<16xf32>
        %add3A_647 = arith.addf %add3A_641, %mul3A_646 : vector<16xf32>
        %get3A_648 = arith.index_cast %add3A_606 : i32 to index
        %get3A_649 = arith.constant 112 : index
        %get3A_650 = tpu.vector_load %arg9[%get3A_648, %get3A_649] {strides = array<i32>} : memref<336x128xf32, #tpu.memory_space<vmem>>, vector<1x16xf32>,
        %get3A_651 = vector.shape_cast %get3A_650 : vector<1x16xf32> to vector<16xf32>
        %mul3A_652 = arith.mulf %get3A_157, %get3A_651 : vector<16xf32>
        %add3A_653 = arith.addf %add3A_647, %mul3A_652 : vector<16xf32>
        %xor3A_654 = arith.constant 8 : i32
        %xor3A_655 = vector.broadcast %xor3A_654 : i32 to vector<16xi32>
        %xor3A_656 = arith.xori %iota3A, %xor3A_655 : vector<16xi32>
        %lt3A_657 = arith.constant 0 : i32
        %lt3A_658 = vector.broadcast %lt3A_657 : i32 to vector<16xi32>
        %lt3A_659 = arith.cmpi slt, %xor3A_656, %lt3A_658 : vector<16xi32>
        %add3A_660 = arith.constant 16 : i32
        %add3A_661 = vector.broadcast %add3A_660 : i32 to vector<16xi32>
        %add3A_662 = arith.addi %xor3A_656, %add3A_661 : vector<16xi32>
        %select_n3A_663 = arith.select %lt3A_659, %add3A_662, %xor3A_656 : vector<16xi1>, vector<16xi32>
        %broadcast_in_dim3A_664 = vector.shape_cast %select_n3A_663 : vector<16xi32> to vector<16x1xi32>
        %gather3A_665 = vector.shape_cast %broadcast_in_dim3A_664 : vector<16x1xi32> to vector<16xi32>
        %gather3A_666 = tpu.dynamic_gather %add3A_653[%gather3A_665] in [0] : vector<16xf32>, vector<16xi32> -> vector<16xf32>
        %add3A_667 = arith.addf %add3A_653, %gather3A_666 : vector<16xf32>
        %xor3A_668 = arith.constant 4 : i32
        %xor3A_669 = vector.broadcast %xor3A_668 : i32 to vector<16xi32>
        %xor3A_670 = arith.xori %iota3A, %xor3A_669 : vector<16xi32>
        %lt3A_671 = arith.constant 0 : i32
        %lt3A_672 = vector.broadcast %lt3A_671 : i32 to vector<16xi32>
        %lt3A_673 = arith.cmpi slt, %xor3A_670, %lt3A_672 : vector<16xi32>
        %add3A_674 = arith.constant 16 : i32
        %add3A_675 = vector.broadcast %add3A_674 : i32 to vector<16xi32>
        %add3A_676 = arith.addi %xor3A_670, %add3A_675 : vector<16xi32>
        %select_n3A_677 = arith.select %lt3A_673, %add3A_676, %xor3A_670 : vector<16xi1>, vector<16xi32>
        %broadcast_in_dim3A_678 = vector.shape_cast %select_n3A_677 : vector<16xi32> to vector<16x1xi32>
        %gather3A_679 = vector.shape_cast %broadcast_in_dim3A_678 : vector<16x1xi32> to vector<16xi32>
        %gather3A_680 = tpu.dynamic_gather %add3A_667[%gather3A_679] in [0] : vector<16xf32>, vector<16xi32> -> vector<16xf32>
        %add3A_681 = arith.addf %add3A_667, %gather3A_680 : vector<16xf32>
        %xor3A_682 = arith.constant 2 : i32
        %xor3A_683 = vector.broadcast %xor3A_682 : i32 to vector<16xi32>
        %xor3A_684 = arith.xori %iota3A, %xor3A_683 : vector<16xi32>
        %lt3A_685 = arith.constant 0 : i32
        %lt3A_686 = vector.broadcast %lt3A_685 : i32 to vector<16xi32>
        %lt3A_687 = arith.cmpi slt, %xor3A_684, %lt3A_686 : vector<16xi32>
        %add3A_688 = arith.constant 16 : i32
        %add3A_689 = vector.broadcast %add3A_688 : i32 to vector<16xi32>
        %add3A_690 = arith.addi %xor3A_684, %add3A_689 : vector<16xi32>
        %select_n3A_691 = arith.select %lt3A_687, %add3A_690, %xor3A_684 : vector<16xi1>, vector<16xi32>
        %broadcast_in_dim3A_692 = vector.shape_cast %select_n3A_691 : vector<16xi32> to vector<16x1xi32>
        %gather3A_693 = vector.shape_cast %broadcast_in_dim3A_692 : vector<16x1xi32> to vector<16xi32>
        %gather3A_694 = tpu.dynamic_gather %add3A_681[%gather3A_693] in [0] : vector<16xf32>, vector<16xi32> -> vector<16xf32>
        %add3A_695 = arith.addf %add3A_681, %gather3A_694 : vector<16xf32>
        %xor3A_696 = arith.constant 1 : i32
        %xor3A_697 = vector.broadcast %xor3A_696 : i32 to vector<16xi32>
        %xor3A_698 = arith.xori %iota3A, %xor3A_697 : vector<16xi32>
        %lt3A_699 = arith.constant 0 : i32
        %lt3A_700 = vector.broadcast %lt3A_699 : i32 to vector<16xi32>
        %lt3A_701 = arith.cmpi slt, %xor3A_698, %lt3A_700 : vector<16xi32>
        %add3A_702 = arith.constant 16 : i32
        %add3A_703 = vector.broadcast %add3A_702 : i32 to vector<16xi32>
        %add3A_704 = arith.addi %xor3A_698, %add3A_703 : vector<16xi32>
        %select_n3A_705 = arith.select %lt3A_701, %add3A_704, %xor3A_698 : vector<16xi1>, vector<16xi32>
        %broadcast_in_dim3A_706 = vector.shape_cast %select_n3A_705 : vector<16xi32> to vector<16x1xi32>
        %gather3A_707 = vector.shape_cast %broadcast_in_dim3A_706 : vector<16x1xi32> to vector<16xi32>
        %gather3A_708 = tpu.dynamic_gather %add3A_695[%gather3A_707] in [0] : vector<16xf32>, vector<16xi32> -> vector<16xf32>
        %add3A_709 = arith.addf %add3A_695, %gather3A_708 : vector<16xf32>
        %eq3A_710 = arith.constant 4 : i32
        %eq3A_711 = vector.broadcast %eq3A_710 : i32 to vector<16xi32>
        %eq3A_712 = arith.cmpi eq, %iota3A, %eq3A_711 : vector<16xi32>
        %select_n3A_713 = arith.select %eq3A_712, %add3A_709, %select_n3A_602 : vector<16xi1>, vector<16xf32>
        %add3A_714 = arith.constant 1 : i32
        %add3A_715 = arith.addi %mul3A_126, %add3A_714 : i32
        %add3A_716 = arith.constant 5 : i32
        %add3A_717 = arith.addi %add3A_715, %add3A_716 : i32
        %get3A_718 = arith.index_cast %add3A_717 : i32 to index
        %get3A_719 = arith.constant 0 : index
        %get3A_720 = tpu.vector_load %arg9[%get3A_718, %get3A_719] {strides = array<i32>} : memref<336x128xf32, #tpu.memory_space<vmem>>, vector<1x16xf32>,
        %get3A_721 = vector.shape_cast %get3A_720 : vector<1x16xf32> to vector<16xf32>
        %mul3A_722 = arith.mulf %get3A_129, %get3A_721 : vector<16xf32>
        %get3A_723 = arith.index_cast %add3A_717 : i32 to index
        %get3A_724 = arith.constant 16 : index
        %get3A_725 = tpu.vector_load %arg9[%get3A_723, %get3A_724] {strides = array<i32>} : memref<336x128xf32, #tpu.memory_space<vmem>>, vector<1x16xf32>,
        %get3A_726 = vector.shape_cast %get3A_725 : vector<1x16xf32> to vector<16xf32>
        %mul3A_727 = arith.mulf %get3A_133, %get3A_726 : vector<16xf32>
        %add3A_728 = arith.addf %mul3A_722, %mul3A_727 : vector<16xf32>
        %get3A_729 = arith.index_cast %add3A_717 : i32 to index
        %get3A_730 = arith.constant 32 : index
        %get3A_731 = tpu.vector_load %arg9[%get3A_729, %get3A_730] {strides = array<i32>} : memref<336x128xf32, #tpu.memory_space<vmem>>, vector<1x16xf32>,
        %get3A_732 = vector.shape_cast %get3A_731 : vector<1x16xf32> to vector<16xf32>
        %mul3A_733 = arith.mulf %get3A_137, %get3A_732 : vector<16xf32>
        %add3A_734 = arith.addf %add3A_728, %mul3A_733 : vector<16xf32>
        %get3A_735 = arith.index_cast %add3A_717 : i32 to index
        %get3A_736 = arith.constant 48 : index
        %get3A_737 = tpu.vector_load %arg9[%get3A_735, %get3A_736] {strides = array<i32>} : memref<336x128xf32, #tpu.memory_space<vmem>>, vector<1x16xf32>,
        %get3A_738 = vector.shape_cast %get3A_737 : vector<1x16xf32> to vector<16xf32>
        %mul3A_739 = arith.mulf %get3A_141, %get3A_738 : vector<16xf32>
        %add3A_740 = arith.addf %add3A_734, %mul3A_739 : vector<16xf32>
        %get3A_741 = arith.index_cast %add3A_717 : i32 to index
        %get3A_742 = arith.constant 64 : index
        %get3A_743 = tpu.vector_load %arg9[%get3A_741, %get3A_742] {strides = array<i32>} : memref<336x128xf32, #tpu.memory_space<vmem>>, vector<1x16xf32>,
        %get3A_744 = vector.shape_cast %get3A_743 : vector<1x16xf32> to vector<16xf32>
        %mul3A_745 = arith.mulf %get3A_145, %get3A_744 : vector<16xf32>
        %add3A_746 = arith.addf %add3A_740, %mul3A_745 : vector<16xf32>
        %get3A_747 = arith.index_cast %add3A_717 : i32 to index
        %get3A_748 = arith.constant 80 : index
        %get3A_749 = tpu.vector_load %arg9[%get3A_747, %get3A_748] {strides = array<i32>} : memref<336x128xf32, #tpu.memory_space<vmem>>, vector<1x16xf32>,
        %get3A_750 = vector.shape_cast %get3A_749 : vector<1x16xf32> to vector<16xf32>
        %mul3A_751 = arith.mulf %get3A_149, %get3A_750 : vector<16xf32>
        %add3A_752 = arith.addf %add3A_746, %mul3A_751 : vector<16xf32>
        %get3A_753 = arith.index_cast %add3A_717 : i32 to index
        %get3A_754 = arith.constant 96 : index
        %get3A_755 = tpu.vector_load %arg9[%get3A_753, %get3A_754] {strides = array<i32>} : memref<336x128xf32, #tpu.memory_space<vmem>>, vector<1x16xf32>,
        %get3A_756 = vector.shape_cast %get3A_755 : vector<1x16xf32> to vector<16xf32>
        %mul3A_757 = arith.mulf %get3A_153, %get3A_756 : vector<16xf32>
        %add3A_758 = arith.addf %add3A_752, %mul3A_757 : vector<16xf32>
        %get3A_759 = arith.index_cast %add3A_717 : i32 to index
        %get3A_760 = arith.constant 112 : index
        %get3A_761 = tpu.vector_load %arg9[%get3A_759, %get3A_760] {strides = array<i32>} : memref<336x128xf32, #tpu.memory_space<vmem>>, vector<1x16xf32>,
        %get3A_762 = vector.shape_cast %get3A_761 : vector<1x16xf32> to vector<16xf32>
        %mul3A_763 = arith.mulf %get3A_157, %get3A_762 : vector<16xf32>
        %add3A_764 = arith.addf %add3A_758, %mul3A_763 : vector<16xf32>
        %xor3A_765 = arith.constant 8 : i32
        %xor3A_766 = vector.broadcast %xor3A_765 : i32 to vector<16xi32>
        %xor3A_767 = arith.xori %iota3A, %xor3A_766 : vector<16xi32>
        %lt3A_768 = arith.constant 0 : i32
        %lt3A_769 = vector.broadcast %lt3A_768 : i32 to vector<16xi32>
        %lt3A_770 = arith.cmpi slt, %xor3A_767, %lt3A_769 : vector<16xi32>
        %add3A_771 = arith.constant 16 : i32
        %add3A_772 = vector.broadcast %add3A_771 : i32 to vector<16xi32>
        %add3A_773 = arith.addi %xor3A_767, %add3A_772 : vector<16xi32>
        %select_n3A_774 = arith.select %lt3A_770, %add3A_773, %xor3A_767 : vector<16xi1>, vector<16xi32>
        %broadcast_in_dim3A_775 = vector.shape_cast %select_n3A_774 : vector<16xi32> to vector<16x1xi32>
        %gather3A_776 = vector.shape_cast %broadcast_in_dim3A_775 : vector<16x1xi32> to vector<16xi32>
        %gather3A_777 = tpu.dynamic_gather %add3A_764[%gather3A_776] in [0] : vector<16xf32>, vector<16xi32> -> vector<16xf32>
        %add3A_778 = arith.addf %add3A_764, %gather3A_777 : vector<16xf32>
        %xor3A_779 = arith.constant 4 : i32
        %xor3A_780 = vector.broadcast %xor3A_779 : i32 to vector<16xi32>
        %xor3A_781 = arith.xori %iota3A, %xor3A_780 : vector<16xi32>
        %lt3A_782 = arith.constant 0 : i32
        %lt3A_783 = vector.broadcast %lt3A_782 : i32 to vector<16xi32>
        %lt3A_784 = arith.cmpi slt, %xor3A_781, %lt3A_783 : vector<16xi32>
        %add3A_785 = arith.constant 16 : i32
        %add3A_786 = vector.broadcast %add3A_785 : i32 to vector<16xi32>
        %add3A_787 = arith.addi %xor3A_781, %add3A_786 : vector<16xi32>
        %select_n3A_788 = arith.select %lt3A_784, %add3A_787, %xor3A_781 : vector<16xi1>, vector<16xi32>
        %broadcast_in_dim3A_789 = vector.shape_cast %select_n3A_788 : vector<16xi32> to vector<16x1xi32>
        %gather3A_790 = vector.shape_cast %broadcast_in_dim3A_789 : vector<16x1xi32> to vector<16xi32>
        %gather3A_791 = tpu.dynamic_gather %add3A_778[%gather3A_790] in [0] : vector<16xf32>, vector<16xi32> -> vector<16xf32>
        %add3A_792 = arith.addf %add3A_778, %gather3A_791 : vector<16xf32>
        %xor3A_793 = arith.constant 2 : i32
        %xor3A_794 = vector.broadcast %xor3A_793 : i32 to vector<16xi32>
        %xor3A_795 = arith.xori %iota3A, %xor3A_794 : vector<16xi32>
        %lt3A_796 = arith.constant 0 : i32
        %lt3A_797 = vector.broadcast %lt3A_796 : i32 to vector<16xi32>
        %lt3A_798 = arith.cmpi slt, %xor3A_795, %lt3A_797 : vector<16xi32>
        %add3A_799 = arith.constant 16 : i32
        %add3A_800 = vector.broadcast %add3A_799 : i32 to vector<16xi32>
        %add3A_801 = arith.addi %xor3A_795, %add3A_800 : vector<16xi32>
        %select_n3A_802 = arith.select %lt3A_798, %add3A_801, %xor3A_795 : vector<16xi1>, vector<16xi32>
        %broadcast_in_dim3A_803 = vector.shape_cast %select_n3A_802 : vector<16xi32> to vector<16x1xi32>
        %gather3A_804 = vector.shape_cast %broadcast_in_dim3A_803 : vector<16x1xi32> to vector<16xi32>
        %gather3A_805 = tpu.dynamic_gather %add3A_792[%gather3A_804] in [0] : vector<16xf32>, vector<16xi32> -> vector<16xf32>
        %add3A_806 = arith.addf %add3A_792, %gather3A_805 : vector<16xf32>
        %xor3A_807 = arith.constant 1 : i32
        %xor3A_808 = vector.broadcast %xor3A_807 : i32 to vector<16xi32>
        %xor3A_809 = arith.xori %iota3A, %xor3A_808 : vector<16xi32>
        %lt3A_810 = arith.constant 0 : i32
        %lt3A_811 = vector.broadcast %lt3A_810 : i32 to vector<16xi32>
        %lt3A_812 = arith.cmpi slt, %xor3A_809, %lt3A_811 : vector<16xi32>
        %add3A_813 = arith.constant 16 : i32
        %add3A_814 = vector.broadcast %add3A_813 : i32 to vector<16xi32>
        %add3A_815 = arith.addi %xor3A_809, %add3A_814 : vector<16xi32>
        %select_n3A_816 = arith.select %lt3A_812, %add3A_815, %xor3A_809 : vector<16xi1>, vector<16xi32>
        %broadcast_in_dim3A_817 = vector.shape_cast %select_n3A_816 : vector<16xi32> to vector<16x1xi32>
        %gather3A_818 = vector.shape_cast %broadcast_in_dim3A_817 : vector<16x1xi32> to vector<16xi32>
        %gather3A_819 = tpu.dynamic_gather %add3A_806[%gather3A_818] in [0] : vector<16xf32>, vector<16xi32> -> vector<16xf32>
        %add3A_820 = arith.addf %add3A_806, %gather3A_819 : vector<16xf32>
        %eq3A_821 = arith.constant 5 : i32
        %eq3A_822 = vector.broadcast %eq3A_821 : i32 to vector<16xi32>
        %eq3A_823 = arith.cmpi eq, %iota3A, %eq3A_822 : vector<16xi32>
        %select_n3A_824 = arith.select %eq3A_823, %add3A_820, %select_n3A_713 : vector<16xi1>, vector<16xf32>
        %add3A_825 = arith.constant 1 : i32
        %add3A_826 = arith.addi %mul3A_126, %add3A_825 : i32
        %add3A_827 = arith.constant 6 : i32
        %add3A_828 = arith.addi %add3A_826, %add3A_827 : i32
        %get3A_829 = arith.index_cast %add3A_828 : i32 to index
        %get3A_830 = arith.constant 0 : index
        %get3A_831 = tpu.vector_load %arg9[%get3A_829, %get3A_830] {strides = array<i32>} : memref<336x128xf32, #tpu.memory_space<vmem>>, vector<1x16xf32>,
        %get3A_832 = vector.shape_cast %get3A_831 : vector<1x16xf32> to vector<16xf32>
        %mul3A_833 = arith.mulf %get3A_129, %get3A_832 : vector<16xf32>
        %get3A_834 = arith.index_cast %add3A_828 : i32 to index
        %get3A_835 = arith.constant 16 : index
        %get3A_836 = tpu.vector_load %arg9[%get3A_834, %get3A_835] {strides = array<i32>} : memref<336x128xf32, #tpu.memory_space<vmem>>, vector<1x16xf32>,
        %get3A_837 = vector.shape_cast %get3A_836 : vector<1x16xf32> to vector<16xf32>
        %mul3A_838 = arith.mulf %get3A_133, %get3A_837 : vector<16xf32>
        %add3A_839 = arith.addf %mul3A_833, %mul3A_838 : vector<16xf32>
        %get3A_840 = arith.index_cast %add3A_828 : i32 to index
        %get3A_841 = arith.constant 32 : index
        %get3A_842 = tpu.vector_load %arg9[%get3A_840, %get3A_841] {strides = array<i32>} : memref<336x128xf32, #tpu.memory_space<vmem>>, vector<1x16xf32>,
        %get3A_843 = vector.shape_cast %get3A_842 : vector<1x16xf32> to vector<16xf32>
        %mul3A_844 = arith.mulf %get3A_137, %get3A_843 : vector<16xf32>
        %add3A_845 = arith.addf %add3A_839, %mul3A_844 : vector<16xf32>
        %get3A_846 = arith.index_cast %add3A_828 : i32 to index
        %get3A_847 = arith.constant 48 : index
        %get3A_848 = tpu.vector_load %arg9[%get3A_846, %get3A_847] {strides = array<i32>} : memref<336x128xf32, #tpu.memory_space<vmem>>, vector<1x16xf32>,
        %get3A_849 = vector.shape_cast %get3A_848 : vector<1x16xf32> to vector<16xf32>
        %mul3A_850 = arith.mulf %get3A_141, %get3A_849 : vector<16xf32>
        %add3A_851 = arith.addf %add3A_845, %mul3A_850 : vector<16xf32>
        %get3A_852 = arith.index_cast %add3A_828 : i32 to index
        %get3A_853 = arith.constant 64 : index
        %get3A_854 = tpu.vector_load %arg9[%get3A_852, %get3A_853] {strides = array<i32>} : memref<336x128xf32, #tpu.memory_space<vmem>>, vector<1x16xf32>,
        %get3A_855 = vector.shape_cast %get3A_854 : vector<1x16xf32> to vector<16xf32>
        %mul3A_856 = arith.mulf %get3A_145, %get3A_855 : vector<16xf32>
        %add3A_857 = arith.addf %add3A_851, %mul3A_856 : vector<16xf32>
        %get3A_858 = arith.index_cast %add3A_828 : i32 to index
        %get3A_859 = arith.constant 80 : index
        %get3A_860 = tpu.vector_load %arg9[%get3A_858, %get3A_859] {strides = array<i32>} : memref<336x128xf32, #tpu.memory_space<vmem>>, vector<1x16xf32>,
        %get3A_861 = vector.shape_cast %get3A_860 : vector<1x16xf32> to vector<16xf32>
        %mul3A_862 = arith.mulf %get3A_149, %get3A_861 : vector<16xf32>
        %add3A_863 = arith.addf %add3A_857, %mul3A_862 : vector<16xf32>
        %get3A_864 = arith.index_cast %add3A_828 : i32 to index
        %get3A_865 = arith.constant 96 : index
        %get3A_866 = tpu.vector_load %arg9[%get3A_864, %get3A_865] {strides = array<i32>} : memref<336x128xf32, #tpu.memory_space<vmem>>, vector<1x16xf32>,
        %get3A_867 = vector.shape_cast %get3A_866 : vector<1x16xf32> to vector<16xf32>
        %mul3A_868 = arith.mulf %get3A_153, %get3A_867 : vector<16xf32>
        %add3A_869 = arith.addf %add3A_863, %mul3A_868 : vector<16xf32>
        %get3A_870 = arith.index_cast %add3A_828 : i32 to index
        %get3A_871 = arith.constant 112 : index
        %get3A_872 = tpu.vector_load %arg9[%get3A_870, %get3A_871] {strides = array<i32>} : memref<336x128xf32, #tpu.memory_space<vmem>>, vector<1x16xf32>,
        %get3A_873 = vector.shape_cast %get3A_872 : vector<1x16xf32> to vector<16xf32>
        %mul3A_874 = arith.mulf %get3A_157, %get3A_873 : vector<16xf32>
        %add3A_875 = arith.addf %add3A_869, %mul3A_874 : vector<16xf32>
        %xor3A_876 = arith.constant 8 : i32
        %xor3A_877 = vector.broadcast %xor3A_876 : i32 to vector<16xi32>
        %xor3A_878 = arith.xori %iota3A, %xor3A_877 : vector<16xi32>
        %lt3A_879 = arith.constant 0 : i32
        %lt3A_880 = vector.broadcast %lt3A_879 : i32 to vector<16xi32>
        %lt3A_881 = arith.cmpi slt, %xor3A_878, %lt3A_880 : vector<16xi32>
        %add3A_882 = arith.constant 16 : i32
        %add3A_883 = vector.broadcast %add3A_882 : i32 to vector<16xi32>
        %add3A_884 = arith.addi %xor3A_878, %add3A_883 : vector<16xi32>
        %select_n3A_885 = arith.select %lt3A_881, %add3A_884, %xor3A_878 : vector<16xi1>, vector<16xi32>
        %broadcast_in_dim3A_886 = vector.shape_cast %select_n3A_885 : vector<16xi32> to vector<16x1xi32>
        %gather3A_887 = vector.shape_cast %broadcast_in_dim3A_886 : vector<16x1xi32> to vector<16xi32>
        %gather3A_888 = tpu.dynamic_gather %add3A_875[%gather3A_887] in [0] : vector<16xf32>, vector<16xi32> -> vector<16xf32>
        %add3A_889 = arith.addf %add3A_875, %gather3A_888 : vector<16xf32>
        %xor3A_890 = arith.constant 4 : i32
        %xor3A_891 = vector.broadcast %xor3A_890 : i32 to vector<16xi32>
        %xor3A_892 = arith.xori %iota3A, %xor3A_891 : vector<16xi32>
        %lt3A_893 = arith.constant 0 : i32
        %lt3A_894 = vector.broadcast %lt3A_893 : i32 to vector<16xi32>
        %lt3A_895 = arith.cmpi slt, %xor3A_892, %lt3A_894 : vector<16xi32>
        %add3A_896 = arith.constant 16 : i32
        %add3A_897 = vector.broadcast %add3A_896 : i32 to vector<16xi32>
        %add3A_898 = arith.addi %xor3A_892, %add3A_897 : vector<16xi32>
        %select_n3A_899 = arith.select %lt3A_895, %add3A_898, %xor3A_892 : vector<16xi1>, vector<16xi32>
        %broadcast_in_dim3A_900 = vector.shape_cast %select_n3A_899 : vector<16xi32> to vector<16x1xi32>
        %gather3A_901 = vector.shape_cast %broadcast_in_dim3A_900 : vector<16x1xi32> to vector<16xi32>
        %gather3A_902 = tpu.dynamic_gather %add3A_889[%gather3A_901] in [0] : vector<16xf32>, vector<16xi32> -> vector<16xf32>
        %add3A_903 = arith.addf %add3A_889, %gather3A_902 : vector<16xf32>
        %xor3A_904 = arith.constant 2 : i32
        %xor3A_905 = vector.broadcast %xor3A_904 : i32 to vector<16xi32>
        %xor3A_906 = arith.xori %iota3A, %xor3A_905 : vector<16xi32>
        %lt3A_907 = arith.constant 0 : i32
        %lt3A_908 = vector.broadcast %lt3A_907 : i32 to vector<16xi32>
        %lt3A_909 = arith.cmpi slt, %xor3A_906, %lt3A_908 : vector<16xi32>
        %add3A_910 = arith.constant 16 : i32
        %add3A_911 = vector.broadcast %add3A_910 : i32 to vector<16xi32>
        %add3A_912 = arith.addi %xor3A_906, %add3A_911 : vector<16xi32>
        %select_n3A_913 = arith.select %lt3A_909, %add3A_912, %xor3A_906 : vector<16xi1>, vector<16xi32>
        %broadcast_in_dim3A_914 = vector.shape_cast %select_n3A_913 : vector<16xi32> to vector<16x1xi32>
        %gather3A_915 = vector.shape_cast %broadcast_in_dim3A_914 : vector<16x1xi32> to vector<16xi32>
        %gather3A_916 = tpu.dynamic_gather %add3A_903[%gather3A_915] in [0] : vector<16xf32>, vector<16xi32> -> vector<16xf32>
        %add3A_917 = arith.addf %add3A_903, %gather3A_916 : vector<16xf32>
        %xor3A_918 = arith.constant 1 : i32
        %xor3A_919 = vector.broadcast %xor3A_918 : i32 to vector<16xi32>
        %xor3A_920 = arith.xori %iota3A, %xor3A_919 : vector<16xi32>
        %lt3A_921 = arith.constant 0 : i32
        %lt3A_922 = vector.broadcast %lt3A_921 : i32 to vector<16xi32>
        %lt3A_923 = arith.cmpi slt, %xor3A_920, %lt3A_922 : vector<16xi32>
        %add3A_924 = arith.constant 16 : i32
        %add3A_925 = vector.broadcast %add3A_924 : i32 to vector<16xi32>
        %add3A_926 = arith.addi %xor3A_920, %add3A_925 : vector<16xi32>
        %select_n3A_927 = arith.select %lt3A_923, %add3A_926, %xor3A_920 : vector<16xi1>, vector<16xi32>
        %broadcast_in_dim3A_928 = vector.shape_cast %select_n3A_927 : vector<16xi32> to vector<16x1xi32>
        %gather3A_929 = vector.shape_cast %broadcast_in_dim3A_928 : vector<16x1xi32> to vector<16xi32>
        %gather3A_930 = tpu.dynamic_gather %add3A_917[%gather3A_929] in [0] : vector<16xf32>, vector<16xi32> -> vector<16xf32>
        %add3A_931 = arith.addf %add3A_917, %gather3A_930 : vector<16xf32>
        %eq3A_932 = arith.constant 6 : i32
        %eq3A_933 = vector.broadcast %eq3A_932 : i32 to vector<16xi32>
        %eq3A_934 = arith.cmpi eq, %iota3A, %eq3A_933 : vector<16xi32>
        %select_n3A_935 = arith.select %eq3A_934, %add3A_931, %select_n3A_824 : vector<16xi1>, vector<16xf32>
        %add3A_936 = arith.constant 1 : i32
        %add3A_937 = arith.addi %mul3A_126, %add3A_936 : i32
        %add3A_938 = arith.constant 7 : i32
        %add3A_939 = arith.addi %add3A_937, %add3A_938 : i32
        %get3A_940 = arith.index_cast %add3A_939 : i32 to index
        %get3A_941 = arith.constant 0 : index
        %get3A_942 = tpu.vector_load %arg9[%get3A_940, %get3A_941] {strides = array<i32>} : memref<336x128xf32, #tpu.memory_space<vmem>>, vector<1x16xf32>,
        %get3A_943 = vector.shape_cast %get3A_942 : vector<1x16xf32> to vector<16xf32>
        %mul3A_944 = arith.mulf %get3A_129, %get3A_943 : vector<16xf32>
        %get3A_945 = arith.index_cast %add3A_939 : i32 to index
        %get3A_946 = arith.constant 16 : index
        %get3A_947 = tpu.vector_load %arg9[%get3A_945, %get3A_946] {strides = array<i32>} : memref<336x128xf32, #tpu.memory_space<vmem>>, vector<1x16xf32>,
        %get3A_948 = vector.shape_cast %get3A_947 : vector<1x16xf32> to vector<16xf32>
        %mul3A_949 = arith.mulf %get3A_133, %get3A_948 : vector<16xf32>
        %add3A_950 = arith.addf %mul3A_944, %mul3A_949 : vector<16xf32>
        %get3A_951 = arith.index_cast %add3A_939 : i32 to index
        %get3A_952 = arith.constant 32 : index
        %get3A_953 = tpu.vector_load %arg9[%get3A_951, %get3A_952] {strides = array<i32>} : memref<336x128xf32, #tpu.memory_space<vmem>>, vector<1x16xf32>,
        %get3A_954 = vector.shape_cast %get3A_953 : vector<1x16xf32> to vector<16xf32>
        %mul3A_955 = arith.mulf %get3A_137, %get3A_954 : vector<16xf32>
        %add3A_956 = arith.addf %add3A_950, %mul3A_955 : vector<16xf32>
        %get3A_957 = arith.index_cast %add3A_939 : i32 to index
        %get3A_958 = arith.constant 48 : index
        %get3A_959 = tpu.vector_load %arg9[%get3A_957, %get3A_958] {strides = array<i32>} : memref<336x128xf32, #tpu.memory_space<vmem>>, vector<1x16xf32>,
        %get3A_960 = vector.shape_cast %get3A_959 : vector<1x16xf32> to vector<16xf32>
        %mul3A_961 = arith.mulf %get3A_141, %get3A_960 : vector<16xf32>
        %add3A_962 = arith.addf %add3A_956, %mul3A_961 : vector<16xf32>
        %get3A_963 = arith.index_cast %add3A_939 : i32 to index
        %get3A_964 = arith.constant 64 : index
        %get3A_965 = tpu.vector_load %arg9[%get3A_963, %get3A_964] {strides = array<i32>} : memref<336x128xf32, #tpu.memory_space<vmem>>, vector<1x16xf32>,
        %get3A_966 = vector.shape_cast %get3A_965 : vector<1x16xf32> to vector<16xf32>
        %mul3A_967 = arith.mulf %get3A_145, %get3A_966 : vector<16xf32>
        %add3A_968 = arith.addf %add3A_962, %mul3A_967 : vector<16xf32>
        %get3A_969 = arith.index_cast %add3A_939 : i32 to index
        %get3A_970 = arith.constant 80 : index
        %get3A_971 = tpu.vector_load %arg9[%get3A_969, %get3A_970] {strides = array<i32>} : memref<336x128xf32, #tpu.memory_space<vmem>>, vector<1x16xf32>,
        %get3A_972 = vector.shape_cast %get3A_971 : vector<1x16xf32> to vector<16xf32>
        %mul3A_973 = arith.mulf %get3A_149, %get3A_972 : vector<16xf32>
        %add3A_974 = arith.addf %add3A_968, %mul3A_973 : vector<16xf32>
        %get3A_975 = arith.index_cast %add3A_939 : i32 to index
        %get3A_976 = arith.constant 96 : index
        %get3A_977 = tpu.vector_load %arg9[%get3A_975, %get3A_976] {strides = array<i32>} : memref<336x128xf32, #tpu.memory_space<vmem>>, vector<1x16xf32>,
        %get3A_978 = vector.shape_cast %get3A_977 : vector<1x16xf32> to vector<16xf32>
        %mul3A_979 = arith.mulf %get3A_153, %get3A_978 : vector<16xf32>
        %add3A_980 = arith.addf %add3A_974, %mul3A_979 : vector<16xf32>
        %get3A_981 = arith.index_cast %add3A_939 : i32 to index
        %get3A_982 = arith.constant 112 : index
        %get3A_983 = tpu.vector_load %arg9[%get3A_981, %get3A_982] {strides = array<i32>} : memref<336x128xf32, #tpu.memory_space<vmem>>, vector<1x16xf32>,
        %get3A_984 = vector.shape_cast %get3A_983 : vector<1x16xf32> to vector<16xf32>
        %mul3A_985 = arith.mulf %get3A_157, %get3A_984 : vector<16xf32>
        %add3A_986 = arith.addf %add3A_980, %mul3A_985 : vector<16xf32>
        %xor3A_987 = arith.constant 8 : i32
        %xor3A_988 = vector.broadcast %xor3A_987 : i32 to vector<16xi32>
        %xor3A_989 = arith.xori %iota3A, %xor3A_988 : vector<16xi32>
        %lt3A_990 = arith.constant 0 : i32
        %lt3A_991 = vector.broadcast %lt3A_990 : i32 to vector<16xi32>
        %lt3A_992 = arith.cmpi slt, %xor3A_989, %lt3A_991 : vector<16xi32>
        %add3A_993 = arith.constant 16 : i32
        %add3A_994 = vector.broadcast %add3A_993 : i32 to vector<16xi32>
        %add3A_995 = arith.addi %xor3A_989, %add3A_994 : vector<16xi32>
        %select_n3A_996 = arith.select %lt3A_992, %add3A_995, %xor3A_989 : vector<16xi1>, vector<16xi32>
        %broadcast_in_dim3A_997 = vector.shape_cast %select_n3A_996 : vector<16xi32> to vector<16x1xi32>
        %gather3A_998 = vector.shape_cast %broadcast_in_dim3A_997 : vector<16x1xi32> to vector<16xi32>
        %gather3A_999 = tpu.dynamic_gather %add3A_986[%gather3A_998] in [0] : vector<16xf32>, vector<16xi32> -> vector<16xf32>
        %add3A_1000 = arith.addf %add3A_986, %gather3A_999 : vector<16xf32>
        %xor3A_1001 = arith.constant 4 : i32
        %xor3A_1002 = vector.broadcast %xor3A_1001 : i32 to vector<16xi32>
        %xor3A_1003 = arith.xori %iota3A, %xor3A_1002 : vector<16xi32>
        %lt3A_1004 = arith.constant 0 : i32
        %lt3A_1005 = vector.broadcast %lt3A_1004 : i32 to vector<16xi32>
        %lt3A_1006 = arith.cmpi slt, %xor3A_1003, %lt3A_1005 : vector<16xi32>
        %add3A_1007 = arith.constant 16 : i32
        %add3A_1008 = vector.broadcast %add3A_1007 : i32 to vector<16xi32>
        %add3A_1009 = arith.addi %xor3A_1003, %add3A_1008 : vector<16xi32>
        %select_n3A_1010 = arith.select %lt3A_1006, %add3A_1009, %xor3A_1003 : vector<16xi1>, vector<16xi32>
        %broadcast_in_dim3A_1011 = vector.shape_cast %select_n3A_1010 : vector<16xi32> to vector<16x1xi32>
        %gather3A_1012 = vector.shape_cast %broadcast_in_dim3A_1011 : vector<16x1xi32> to vector<16xi32>
        %gather3A_1013 = tpu.dynamic_gather %add3A_1000[%gather3A_1012] in [0] : vector<16xf32>, vector<16xi32> -> vector<16xf32>
        %add3A_1014 = arith.addf %add3A_1000, %gather3A_1013 : vector<16xf32>
        %xor3A_1015 = arith.constant 2 : i32
        %xor3A_1016 = vector.broadcast %xor3A_1015 : i32 to vector<16xi32>
        %xor3A_1017 = arith.xori %iota3A, %xor3A_1016 : vector<16xi32>
        %lt3A_1018 = arith.constant 0 : i32
        %lt3A_1019 = vector.broadcast %lt3A_1018 : i32 to vector<16xi32>
        %lt3A_1020 = arith.cmpi slt, %xor3A_1017, %lt3A_1019 : vector<16xi32>
        %add3A_1021 = arith.constant 16 : i32
        %add3A_1022 = vector.broadcast %add3A_1021 : i32 to vector<16xi32>
        %add3A_1023 = arith.addi %xor3A_1017, %add3A_1022 : vector<16xi32>
        %select_n3A_1024 = arith.select %lt3A_1020, %add3A_1023, %xor3A_1017 : vector<16xi1>, vector<16xi32>
        %broadcast_in_dim3A_1025 = vector.shape_cast %select_n3A_1024 : vector<16xi32> to vector<16x1xi32>
        %gather3A_1026 = vector.shape_cast %broadcast_in_dim3A_1025 : vector<16x1xi32> to vector<16xi32>
        %gather3A_1027 = tpu.dynamic_gather %add3A_1014[%gather3A_1026] in [0] : vector<16xf32>, vector<16xi32> -> vector<16xf32>
        %add3A_1028 = arith.addf %add3A_1014, %gather3A_1027 : vector<16xf32>
        %xor3A_1029 = arith.constant 1 : i32
        %xor3A_1030 = vector.broadcast %xor3A_1029 : i32 to vector<16xi32>
        %xor3A_1031 = arith.xori %iota3A, %xor3A_1030 : vector<16xi32>
        %lt3A_1032 = arith.constant 0 : i32
        %lt3A_1033 = vector.broadcast %lt3A_1032 : i32 to vector<16xi32>
        %lt3A_1034 = arith.cmpi slt, %xor3A_1031, %lt3A_1033 : vector<16xi32>
        %add3A_1035 = arith.constant 16 : i32
        %add3A_1036 = vector.broadcast %add3A_1035 : i32 to vector<16xi32>
        %add3A_1037 = arith.addi %xor3A_1031, %add3A_1036 : vector<16xi32>
        %select_n3A_1038 = arith.select %lt3A_1034, %add3A_1037, %xor3A_1031 : vector<16xi1>, vector<16xi32>
        %broadcast_in_dim3A_1039 = vector.shape_cast %select_n3A_1038 : vector<16xi32> to vector<16x1xi32>
        %gather3A_1040 = vector.shape_cast %broadcast_in_dim3A_1039 : vector<16x1xi32> to vector<16xi32>
        %gather3A_1041 = tpu.dynamic_gather %add3A_1028[%gather3A_1040] in [0] : vector<16xf32>, vector<16xi32> -> vector<16xf32>
        %add3A_1042 = arith.addf %add3A_1028, %gather3A_1041 : vector<16xf32>
        %eq3A_1043 = arith.constant 7 : i32
        %eq3A_1044 = vector.broadcast %eq3A_1043 : i32 to vector<16xi32>
        %eq3A_1045 = arith.cmpi eq, %iota3A, %eq3A_1044 : vector<16xi32>
        %select_n3A_1046 = arith.select %eq3A_1045, %add3A_1042, %select_n3A_935 : vector<16xi1>, vector<16xf32>
        %add3A_1047 = arith.constant 1 : i32
        %add3A_1048 = arith.addi %mul3A_126, %add3A_1047 : i32
        %add3A_1049 = arith.constant 8 : i32
        %add3A_1050 = arith.addi %add3A_1048, %add3A_1049 : i32
        %get3A_1051 = arith.index_cast %add3A_1050 : i32 to index
        %get3A_1052 = arith.constant 0 : index
        %get3A_1053 = tpu.vector_load %arg9[%get3A_1051, %get3A_1052] {strides = array<i32>} : memref<336x128xf32, #tpu.memory_space<vmem>>, vector<1x16xf32>,
        %get3A_1054 = vector.shape_cast %get3A_1053 : vector<1x16xf32> to vector<16xf32>
        %mul3A_1055 = arith.mulf %get3A_129, %get3A_1054 : vector<16xf32>
        %get3A_1056 = arith.index_cast %add3A_1050 : i32 to index
        %get3A_1057 = arith.constant 16 : index
        %get3A_1058 = tpu.vector_load %arg9[%get3A_1056, %get3A_1057] {strides = array<i32>} : memref<336x128xf32, #tpu.memory_space<vmem>>, vector<1x16xf32>,
        %get3A_1059 = vector.shape_cast %get3A_1058 : vector<1x16xf32> to vector<16xf32>
        %mul3A_1060 = arith.mulf %get3A_133, %get3A_1059 : vector<16xf32>
        %add3A_1061 = arith.addf %mul3A_1055, %mul3A_1060 : vector<16xf32>
        %get3A_1062 = arith.index_cast %add3A_1050 : i32 to index
        %get3A_1063 = arith.constant 32 : index
        %get3A_1064 = tpu.vector_load %arg9[%get3A_1062, %get3A_1063] {strides = array<i32>} : memref<336x128xf32, #tpu.memory_space<vmem>>, vector<1x16xf32>,
        %get3A_1065 = vector.shape_cast %get3A_1064 : vector<1x16xf32> to vector<16xf32>
        %mul3A_1066 = arith.mulf %get3A_137, %get3A_1065 : vector<16xf32>
        %add3A_1067 = arith.addf %add3A_1061, %mul3A_1066 : vector<16xf32>
        %get3A_1068 = arith.index_cast %add3A_1050 : i32 to index
        %get3A_1069 = arith.constant 48 : index
        %get3A_1070 = tpu.vector_load %arg9[%get3A_1068, %get3A_1069] {strides = array<i32>} : memref<336x128xf32, #tpu.memory_space<vmem>>, vector<1x16xf32>,
        %get3A_1071 = vector.shape_cast %get3A_1070 : vector<1x16xf32> to vector<16xf32>
        %mul3A_1072 = arith.mulf %get3A_141, %get3A_1071 : vector<16xf32>
        %add3A_1073 = arith.addf %add3A_1067, %mul3A_1072 : vector<16xf32>
        %get3A_1074 = arith.index_cast %add3A_1050 : i32 to index
        %get3A_1075 = arith.constant 64 : index
        %get3A_1076 = tpu.vector_load %arg9[%get3A_1074, %get3A_1075] {strides = array<i32>} : memref<336x128xf32, #tpu.memory_space<vmem>>, vector<1x16xf32>,
        %get3A_1077 = vector.shape_cast %get3A_1076 : vector<1x16xf32> to vector<16xf32>
        %mul3A_1078 = arith.mulf %get3A_145, %get3A_1077 : vector<16xf32>
        %add3A_1079 = arith.addf %add3A_1073, %mul3A_1078 : vector<16xf32>
        %get3A_1080 = arith.index_cast %add3A_1050 : i32 to index
        %get3A_1081 = arith.constant 80 : index
        %get3A_1082 = tpu.vector_load %arg9[%get3A_1080, %get3A_1081] {strides = array<i32>} : memref<336x128xf32, #tpu.memory_space<vmem>>, vector<1x16xf32>,
        %get3A_1083 = vector.shape_cast %get3A_1082 : vector<1x16xf32> to vector<16xf32>
        %mul3A_1084 = arith.mulf %get3A_149, %get3A_1083 : vector<16xf32>
        %add3A_1085 = arith.addf %add3A_1079, %mul3A_1084 : vector<16xf32>
        %get3A_1086 = arith.index_cast %add3A_1050 : i32 to index
        %get3A_1087 = arith.constant 96 : index
        %get3A_1088 = tpu.vector_load %arg9[%get3A_1086, %get3A_1087] {strides = array<i32>} : memref<336x128xf32, #tpu.memory_space<vmem>>, vector<1x16xf32>,
        %get3A_1089 = vector.shape_cast %get3A_1088 : vector<1x16xf32> to vector<16xf32>
        %mul3A_1090 = arith.mulf %get3A_153, %get3A_1089 : vector<16xf32>
        %add3A_1091 = arith.addf %add3A_1085, %mul3A_1090 : vector<16xf32>
        %get3A_1092 = arith.index_cast %add3A_1050 : i32 to index
        %get3A_1093 = arith.constant 112 : index
        %get3A_1094 = tpu.vector_load %arg9[%get3A_1092, %get3A_1093] {strides = array<i32>} : memref<336x128xf32, #tpu.memory_space<vmem>>, vector<1x16xf32>,
        %get3A_1095 = vector.shape_cast %get3A_1094 : vector<1x16xf32> to vector<16xf32>
        %mul3A_1096 = arith.mulf %get3A_157, %get3A_1095 : vector<16xf32>
        %add3A_1097 = arith.addf %add3A_1091, %mul3A_1096 : vector<16xf32>
        %xor3A_1098 = arith.constant 8 : i32
        %xor3A_1099 = vector.broadcast %xor3A_1098 : i32 to vector<16xi32>
        %xor3A_1100 = arith.xori %iota3A, %xor3A_1099 : vector<16xi32>
        %lt3A_1101 = arith.constant 0 : i32
        %lt3A_1102 = vector.broadcast %lt3A_1101 : i32 to vector<16xi32>
        %lt3A_1103 = arith.cmpi slt, %xor3A_1100, %lt3A_1102 : vector<16xi32>
        %add3A_1104 = arith.constant 16 : i32
        %add3A_1105 = vector.broadcast %add3A_1104 : i32 to vector<16xi32>
        %add3A_1106 = arith.addi %xor3A_1100, %add3A_1105 : vector<16xi32>
        %select_n3A_1107 = arith.select %lt3A_1103, %add3A_1106, %xor3A_1100 : vector<16xi1>, vector<16xi32>
        %broadcast_in_dim3A_1108 = vector.shape_cast %select_n3A_1107 : vector<16xi32> to vector<16x1xi32>
        %gather3A_1109 = vector.shape_cast %broadcast_in_dim3A_1108 : vector<16x1xi32> to vector<16xi32>
        %gather3A_1110 = tpu.dynamic_gather %add3A_1097[%gather3A_1109] in [0] : vector<16xf32>, vector<16xi32> -> vector<16xf32>
        %add3A_1111 = arith.addf %add3A_1097, %gather3A_1110 : vector<16xf32>
        %xor3A_1112 = arith.constant 4 : i32
        %xor3A_1113 = vector.broadcast %xor3A_1112 : i32 to vector<16xi32>
        %xor3A_1114 = arith.xori %iota3A, %xor3A_1113 : vector<16xi32>
        %lt3A_1115 = arith.constant 0 : i32
        %lt3A_1116 = vector.broadcast %lt3A_1115 : i32 to vector<16xi32>
        %lt3A_1117 = arith.cmpi slt, %xor3A_1114, %lt3A_1116 : vector<16xi32>
        %add3A_1118 = arith.constant 16 : i32
        %add3A_1119 = vector.broadcast %add3A_1118 : i32 to vector<16xi32>
        %add3A_1120 = arith.addi %xor3A_1114, %add3A_1119 : vector<16xi32>
        %select_n3A_1121 = arith.select %lt3A_1117, %add3A_1120, %xor3A_1114 : vector<16xi1>, vector<16xi32>
        %broadcast_in_dim3A_1122 = vector.shape_cast %select_n3A_1121 : vector<16xi32> to vector<16x1xi32>
        %gather3A_1123 = vector.shape_cast %broadcast_in_dim3A_1122 : vector<16x1xi32> to vector<16xi32>
        %gather3A_1124 = tpu.dynamic_gather %add3A_1111[%gather3A_1123] in [0] : vector<16xf32>, vector<16xi32> -> vector<16xf32>
        %add3A_1125 = arith.addf %add3A_1111, %gather3A_1124 : vector<16xf32>
        %xor3A_1126 = arith.constant 2 : i32
        %xor3A_1127 = vector.broadcast %xor3A_1126 : i32 to vector<16xi32>
        %xor3A_1128 = arith.xori %iota3A, %xor3A_1127 : vector<16xi32>
        %lt3A_1129 = arith.constant 0 : i32
        %lt3A_1130 = vector.broadcast %lt3A_1129 : i32 to vector<16xi32>
        %lt3A_1131 = arith.cmpi slt, %xor3A_1128, %lt3A_1130 : vector<16xi32>
        %add3A_1132 = arith.constant 16 : i32
        %add3A_1133 = vector.broadcast %add3A_1132 : i32 to vector<16xi32>
        %add3A_1134 = arith.addi %xor3A_1128, %add3A_1133 : vector<16xi32>
        %select_n3A_1135 = arith.select %lt3A_1131, %add3A_1134, %xor3A_1128 : vector<16xi1>, vector<16xi32>
        %broadcast_in_dim3A_1136 = vector.shape_cast %select_n3A_1135 : vector<16xi32> to vector<16x1xi32>
        %gather3A_1137 = vector.shape_cast %broadcast_in_dim3A_1136 : vector<16x1xi32> to vector<16xi32>
        %gather3A_1138 = tpu.dynamic_gather %add3A_1125[%gather3A_1137] in [0] : vector<16xf32>, vector<16xi32> -> vector<16xf32>
        %add3A_1139 = arith.addf %add3A_1125, %gather3A_1138 : vector<16xf32>
        %xor3A_1140 = arith.constant 1 : i32
        %xor3A_1141 = vector.broadcast %xor3A_1140 : i32 to vector<16xi32>
        %xor3A_1142 = arith.xori %iota3A, %xor3A_1141 : vector<16xi32>
        %lt3A_1143 = arith.constant 0 : i32
        %lt3A_1144 = vector.broadcast %lt3A_1143 : i32 to vector<16xi32>
        %lt3A_1145 = arith.cmpi slt, %xor3A_1142, %lt3A_1144 : vector<16xi32>
        %add3A_1146 = arith.constant 16 : i32
        %add3A_1147 = vector.broadcast %add3A_1146 : i32 to vector<16xi32>
        %add3A_1148 = arith.addi %xor3A_1142, %add3A_1147 : vector<16xi32>
        %select_n3A_1149 = arith.select %lt3A_1145, %add3A_1148, %xor3A_1142 : vector<16xi1>, vector<16xi32>
        %broadcast_in_dim3A_1150 = vector.shape_cast %select_n3A_1149 : vector<16xi32> to vector<16x1xi32>
        %gather3A_1151 = vector.shape_cast %broadcast_in_dim3A_1150 : vector<16x1xi32> to vector<16xi32>
        %gather3A_1152 = tpu.dynamic_gather %add3A_1139[%gather3A_1151] in [0] : vector<16xf32>, vector<16xi32> -> vector<16xf32>
        %add3A_1153 = arith.addf %add3A_1139, %gather3A_1152 : vector<16xf32>
        %eq3A_1154 = arith.constant 8 : i32
        %eq3A_1155 = vector.broadcast %eq3A_1154 : i32 to vector<16xi32>
        %eq3A_1156 = arith.cmpi eq, %iota3A, %eq3A_1155 : vector<16xi32>
        %select_n3A_1157 = arith.select %eq3A_1156, %add3A_1153, %select_n3A_1046 : vector<16xi1>, vector<16xf32>
        %add3A_1158 = arith.constant 1 : i32
        %add3A_1159 = arith.addi %mul3A_126, %add3A_1158 : i32
        %add3A_1160 = arith.constant 9 : i32
        %add3A_1161 = arith.addi %add3A_1159, %add3A_1160 : i32
        %get3A_1162 = arith.index_cast %add3A_1161 : i32 to index
        %get3A_1163 = arith.constant 0 : index
        %get3A_1164 = tpu.vector_load %arg9[%get3A_1162, %get3A_1163] {strides = array<i32>} : memref<336x128xf32, #tpu.memory_space<vmem>>, vector<1x16xf32>,
        %get3A_1165 = vector.shape_cast %get3A_1164 : vector<1x16xf32> to vector<16xf32>
        %mul3A_1166 = arith.mulf %get3A_129, %get3A_1165 : vector<16xf32>
        %get3A_1167 = arith.index_cast %add3A_1161 : i32 to index
        %get3A_1168 = arith.constant 16 : index
        %get3A_1169 = tpu.vector_load %arg9[%get3A_1167, %get3A_1168] {strides = array<i32>} : memref<336x128xf32, #tpu.memory_space<vmem>>, vector<1x16xf32>,
        %get3A_1170 = vector.shape_cast %get3A_1169 : vector<1x16xf32> to vector<16xf32>
        %mul3A_1171 = arith.mulf %get3A_133, %get3A_1170 : vector<16xf32>
        %add3A_1172 = arith.addf %mul3A_1166, %mul3A_1171 : vector<16xf32>
        %get3A_1173 = arith.index_cast %add3A_1161 : i32 to index
        %get3A_1174 = arith.constant 32 : index
        %get3A_1175 = tpu.vector_load %arg9[%get3A_1173, %get3A_1174] {strides = array<i32>} : memref<336x128xf32, #tpu.memory_space<vmem>>, vector<1x16xf32>,
        %get3A_1176 = vector.shape_cast %get3A_1175 : vector<1x16xf32> to vector<16xf32>
        %mul3A_1177 = arith.mulf %get3A_137, %get3A_1176 : vector<16xf32>
        %add3A_1178 = arith.addf %add3A_1172, %mul3A_1177 : vector<16xf32>
        %get3A_1179 = arith.index_cast %add3A_1161 : i32 to index
        %get3A_1180 = arith.constant 48 : index
        %get3A_1181 = tpu.vector_load %arg9[%get3A_1179, %get3A_1180] {strides = array<i32>} : memref<336x128xf32, #tpu.memory_space<vmem>>, vector<1x16xf32>,
        %get3A_1182 = vector.shape_cast %get3A_1181 : vector<1x16xf32> to vector<16xf32>
        %mul3A_1183 = arith.mulf %get3A_141, %get3A_1182 : vector<16xf32>
        %add3A_1184 = arith.addf %add3A_1178, %mul3A_1183 : vector<16xf32>
        %get3A_1185 = arith.index_cast %add3A_1161 : i32 to index
        %get3A_1186 = arith.constant 64 : index
        %get3A_1187 = tpu.vector_load %arg9[%get3A_1185, %get3A_1186] {strides = array<i32>} : memref<336x128xf32, #tpu.memory_space<vmem>>, vector<1x16xf32>,
        %get3A_1188 = vector.shape_cast %get3A_1187 : vector<1x16xf32> to vector<16xf32>
        %mul3A_1189 = arith.mulf %get3A_145, %get3A_1188 : vector<16xf32>
        %add3A_1190 = arith.addf %add3A_1184, %mul3A_1189 : vector<16xf32>
        %get3A_1191 = arith.index_cast %add3A_1161 : i32 to index
        %get3A_1192 = arith.constant 80 : index
        %get3A_1193 = tpu.vector_load %arg9[%get3A_1191, %get3A_1192] {strides = array<i32>} : memref<336x128xf32, #tpu.memory_space<vmem>>, vector<1x16xf32>,
        %get3A_1194 = vector.shape_cast %get3A_1193 : vector<1x16xf32> to vector<16xf32>
        %mul3A_1195 = arith.mulf %get3A_149, %get3A_1194 : vector<16xf32>
        %add3A_1196 = arith.addf %add3A_1190, %mul3A_1195 : vector<16xf32>
        %get3A_1197 = arith.index_cast %add3A_1161 : i32 to index
        %get3A_1198 = arith.constant 96 : index
        %get3A_1199 = tpu.vector_load %arg9[%get3A_1197, %get3A_1198] {strides = array<i32>} : memref<336x128xf32, #tpu.memory_space<vmem>>, vector<1x16xf32>,
        %get3A_1200 = vector.shape_cast %get3A_1199 : vector<1x16xf32> to vector<16xf32>
        %mul3A_1201 = arith.mulf %get3A_153, %get3A_1200 : vector<16xf32>
        %add3A_1202 = arith.addf %add3A_1196, %mul3A_1201 : vector<16xf32>
        %get3A_1203 = arith.index_cast %add3A_1161 : i32 to index
        %get3A_1204 = arith.constant 112 : index
        %get3A_1205 = tpu.vector_load %arg9[%get3A_1203, %get3A_1204] {strides = array<i32>} : memref<336x128xf32, #tpu.memory_space<vmem>>, vector<1x16xf32>,
        %get3A_1206 = vector.shape_cast %get3A_1205 : vector<1x16xf32> to vector<16xf32>
        %mul3A_1207 = arith.mulf %get3A_157, %get3A_1206 : vector<16xf32>
        %add3A_1208 = arith.addf %add3A_1202, %mul3A_1207 : vector<16xf32>
        %xor3A_1209 = arith.constant 8 : i32
        %xor3A_1210 = vector.broadcast %xor3A_1209 : i32 to vector<16xi32>
        %xor3A_1211 = arith.xori %iota3A, %xor3A_1210 : vector<16xi32>
        %lt3A_1212 = arith.constant 0 : i32
        %lt3A_1213 = vector.broadcast %lt3A_1212 : i32 to vector<16xi32>
        %lt3A_1214 = arith.cmpi slt, %xor3A_1211, %lt3A_1213 : vector<16xi32>
        %add3A_1215 = arith.constant 16 : i32
        %add3A_1216 = vector.broadcast %add3A_1215 : i32 to vector<16xi32>
        %add3A_1217 = arith.addi %xor3A_1211, %add3A_1216 : vector<16xi32>
        %select_n3A_1218 = arith.select %lt3A_1214, %add3A_1217, %xor3A_1211 : vector<16xi1>, vector<16xi32>
        %broadcast_in_dim3A_1219 = vector.shape_cast %select_n3A_1218 : vector<16xi32> to vector<16x1xi32>
        %gather3A_1220 = vector.shape_cast %broadcast_in_dim3A_1219 : vector<16x1xi32> to vector<16xi32>
        %gather3A_1221 = tpu.dynamic_gather %add3A_1208[%gather3A_1220] in [0] : vector<16xf32>, vector<16xi32> -> vector<16xf32>
        %add3A_1222 = arith.addf %add3A_1208, %gather3A_1221 : vector<16xf32>
        %xor3A_1223 = arith.constant 4 : i32
        %xor3A_1224 = vector.broadcast %xor3A_1223 : i32 to vector<16xi32>
        %xor3A_1225 = arith.xori %iota3A, %xor3A_1224 : vector<16xi32>
        %lt3A_1226 = arith.constant 0 : i32
        %lt3A_1227 = vector.broadcast %lt3A_1226 : i32 to vector<16xi32>
        %lt3A_1228 = arith.cmpi slt, %xor3A_1225, %lt3A_1227 : vector<16xi32>
        %add3A_1229 = arith.constant 16 : i32
        %add3A_1230 = vector.broadcast %add3A_1229 : i32 to vector<16xi32>
        %add3A_1231 = arith.addi %xor3A_1225, %add3A_1230 : vector<16xi32>
        %select_n3A_1232 = arith.select %lt3A_1228, %add3A_1231, %xor3A_1225 : vector<16xi1>, vector<16xi32>
        %broadcast_in_dim3A_1233 = vector.shape_cast %select_n3A_1232 : vector<16xi32> to vector<16x1xi32>
        %gather3A_1234 = vector.shape_cast %broadcast_in_dim3A_1233 : vector<16x1xi32> to vector<16xi32>
        %gather3A_1235 = tpu.dynamic_gather %add3A_1222[%gather3A_1234] in [0] : vector<16xf32>, vector<16xi32> -> vector<16xf32>
        %add3A_1236 = arith.addf %add3A_1222, %gather3A_1235 : vector<16xf32>
        %xor3A_1237 = arith.constant 2 : i32
        %xor3A_1238 = vector.broadcast %xor3A_1237 : i32 to vector<16xi32>
        %xor3A_1239 = arith.xori %iota3A, %xor3A_1238 : vector<16xi32>
        %lt3A_1240 = arith.constant 0 : i32
        %lt3A_1241 = vector.broadcast %lt3A_1240 : i32 to vector<16xi32>
        %lt3A_1242 = arith.cmpi slt, %xor3A_1239, %lt3A_1241 : vector<16xi32>
        %add3A_1243 = arith.constant 16 : i32
        %add3A_1244 = vector.broadcast %add3A_1243 : i32 to vector<16xi32>
        %add3A_1245 = arith.addi %xor3A_1239, %add3A_1244 : vector<16xi32>
        %select_n3A_1246 = arith.select %lt3A_1242, %add3A_1245, %xor3A_1239 : vector<16xi1>, vector<16xi32>
        %broadcast_in_dim3A_1247 = vector.shape_cast %select_n3A_1246 : vector<16xi32> to vector<16x1xi32>
        %gather3A_1248 = vector.shape_cast %broadcast_in_dim3A_1247 : vector<16x1xi32> to vector<16xi32>
        %gather3A_1249 = tpu.dynamic_gather %add3A_1236[%gather3A_1248] in [0] : vector<16xf32>, vector<16xi32> -> vector<16xf32>
        %add3A_1250 = arith.addf %add3A_1236, %gather3A_1249 : vector<16xf32>
        %xor3A_1251 = arith.constant 1 : i32
        %xor3A_1252 = vector.broadcast %xor3A_1251 : i32 to vector<16xi32>
        %xor3A_1253 = arith.xori %iota3A, %xor3A_1252 : vector<16xi32>
        %lt3A_1254 = arith.constant 0 : i32
        %lt3A_1255 = vector.broadcast %lt3A_1254 : i32 to vector<16xi32>
        %lt3A_1256 = arith.cmpi slt, %xor3A_1253, %lt3A_1255 : vector<16xi32>
        %add3A_1257 = arith.constant 16 : i32
        %add3A_1258 = vector.broadcast %add3A_1257 : i32 to vector<16xi32>
        %add3A_1259 = arith.addi %xor3A_1253, %add3A_1258 : vector<16xi32>
        %select_n3A_1260 = arith.select %lt3A_1256, %add3A_1259, %xor3A_1253 : vector<16xi1>, vector<16xi32>
        %broadcast_in_dim3A_1261 = vector.shape_cast %select_n3A_1260 : vector<16xi32> to vector<16x1xi32>
        %gather3A_1262 = vector.shape_cast %broadcast_in_dim3A_1261 : vector<16x1xi32> to vector<16xi32>
        %gather3A_1263 = tpu.dynamic_gather %add3A_1250[%gather3A_1262] in [0] : vector<16xf32>, vector<16xi32> -> vector<16xf32>
        %add3A_1264 = arith.addf %add3A_1250, %gather3A_1263 : vector<16xf32>
        %eq3A_1265 = arith.constant 9 : i32
        %eq3A_1266 = vector.broadcast %eq3A_1265 : i32 to vector<16xi32>
        %eq3A_1267 = arith.cmpi eq, %iota3A, %eq3A_1266 : vector<16xi32>
        %select_n3A_1268 = arith.select %eq3A_1267, %add3A_1264, %select_n3A_1157 : vector<16xi1>, vector<16xf32>
        %add3A_1269 = arith.constant 1 : i32
        %add3A_1270 = arith.addi %mul3A_126, %add3A_1269 : i32
        %add3A_1271 = arith.constant 10 : i32
        %add3A_1272 = arith.addi %add3A_1270, %add3A_1271 : i32
        %get3A_1273 = arith.index_cast %add3A_1272 : i32 to index
        %get3A_1274 = arith.constant 0 : index
        %get3A_1275 = tpu.vector_load %arg9[%get3A_1273, %get3A_1274] {strides = array<i32>} : memref<336x128xf32, #tpu.memory_space<vmem>>, vector<1x16xf32>,
        %get3A_1276 = vector.shape_cast %get3A_1275 : vector<1x16xf32> to vector<16xf32>
        %mul3A_1277 = arith.mulf %get3A_129, %get3A_1276 : vector<16xf32>
        %get3A_1278 = arith.index_cast %add3A_1272 : i32 to index
        %get3A_1279 = arith.constant 16 : index
        %get3A_1280 = tpu.vector_load %arg9[%get3A_1278, %get3A_1279] {strides = array<i32>} : memref<336x128xf32, #tpu.memory_space<vmem>>, vector<1x16xf32>,
        %get3A_1281 = vector.shape_cast %get3A_1280 : vector<1x16xf32> to vector<16xf32>
        %mul3A_1282 = arith.mulf %get3A_133, %get3A_1281 : vector<16xf32>
        %add3A_1283 = arith.addf %mul3A_1277, %mul3A_1282 : vector<16xf32>
        %get3A_1284 = arith.index_cast %add3A_1272 : i32 to index
        %get3A_1285 = arith.constant 32 : index
        %get3A_1286 = tpu.vector_load %arg9[%get3A_1284, %get3A_1285] {strides = array<i32>} : memref<336x128xf32, #tpu.memory_space<vmem>>, vector<1x16xf32>,
        %get3A_1287 = vector.shape_cast %get3A_1286 : vector<1x16xf32> to vector<16xf32>
        %mul3A_1288 = arith.mulf %get3A_137, %get3A_1287 : vector<16xf32>
        %add3A_1289 = arith.addf %add3A_1283, %mul3A_1288 : vector<16xf32>
        %get3A_1290 = arith.index_cast %add3A_1272 : i32 to index
        %get3A_1291 = arith.constant 48 : index
        %get3A_1292 = tpu.vector_load %arg9[%get3A_1290, %get3A_1291] {strides = array<i32>} : memref<336x128xf32, #tpu.memory_space<vmem>>, vector<1x16xf32>,
        %get3A_1293 = vector.shape_cast %get3A_1292 : vector<1x16xf32> to vector<16xf32>
        %mul3A_1294 = arith.mulf %get3A_141, %get3A_1293 : vector<16xf32>
        %add3A_1295 = arith.addf %add3A_1289, %mul3A_1294 : vector<16xf32>
        %get3A_1296 = arith.index_cast %add3A_1272 : i32 to index
        %get3A_1297 = arith.constant 64 : index
        %get3A_1298 = tpu.vector_load %arg9[%get3A_1296, %get3A_1297] {strides = array<i32>} : memref<336x128xf32, #tpu.memory_space<vmem>>, vector<1x16xf32>,
        %get3A_1299 = vector.shape_cast %get3A_1298 : vector<1x16xf32> to vector<16xf32>
        %mul3A_1300 = arith.mulf %get3A_145, %get3A_1299 : vector<16xf32>
        %add3A_1301 = arith.addf %add3A_1295, %mul3A_1300 : vector<16xf32>
        %get3A_1302 = arith.index_cast %add3A_1272 : i32 to index
        %get3A_1303 = arith.constant 80 : index
        %get3A_1304 = tpu.vector_load %arg9[%get3A_1302, %get3A_1303] {strides = array<i32>} : memref<336x128xf32, #tpu.memory_space<vmem>>, vector<1x16xf32>,
        %get3A_1305 = vector.shape_cast %get3A_1304 : vector<1x16xf32> to vector<16xf32>
        %mul3A_1306 = arith.mulf %get3A_149, %get3A_1305 : vector<16xf32>
        %add3A_1307 = arith.addf %add3A_1301, %mul3A_1306 : vector<16xf32>
        %get3A_1308 = arith.index_cast %add3A_1272 : i32 to index
        %get3A_1309 = arith.constant 96 : index
        %get3A_1310 = tpu.vector_load %arg9[%get3A_1308, %get3A_1309] {strides = array<i32>} : memref<336x128xf32, #tpu.memory_space<vmem>>, vector<1x16xf32>,
        %get3A_1311 = vector.shape_cast %get3A_1310 : vector<1x16xf32> to vector<16xf32>
        %mul3A_1312 = arith.mulf %get3A_153, %get3A_1311 : vector<16xf32>
        %add3A_1313 = arith.addf %add3A_1307, %mul3A_1312 : vector<16xf32>
        %get3A_1314 = arith.index_cast %add3A_1272 : i32 to index
        %get3A_1315 = arith.constant 112 : index
        %get3A_1316 = tpu.vector_load %arg9[%get3A_1314, %get3A_1315] {strides = array<i32>} : memref<336x128xf32, #tpu.memory_space<vmem>>, vector<1x16xf32>,
        %get3A_1317 = vector.shape_cast %get3A_1316 : vector<1x16xf32> to vector<16xf32>
        %mul3A_1318 = arith.mulf %get3A_157, %get3A_1317 : vector<16xf32>
        %add3A_1319 = arith.addf %add3A_1313, %mul3A_1318 : vector<16xf32>
        %xor3A_1320 = arith.constant 8 : i32
        %xor3A_1321 = vector.broadcast %xor3A_1320 : i32 to vector<16xi32>
        %xor3A_1322 = arith.xori %iota3A, %xor3A_1321 : vector<16xi32>
        %lt3A_1323 = arith.constant 0 : i32
        %lt3A_1324 = vector.broadcast %lt3A_1323 : i32 to vector<16xi32>
        %lt3A_1325 = arith.cmpi slt, %xor3A_1322, %lt3A_1324 : vector<16xi32>
        %add3A_1326 = arith.constant 16 : i32
        %add3A_1327 = vector.broadcast %add3A_1326 : i32 to vector<16xi32>
        %add3A_1328 = arith.addi %xor3A_1322, %add3A_1327 : vector<16xi32>
        %select_n3A_1329 = arith.select %lt3A_1325, %add3A_1328, %xor3A_1322 : vector<16xi1>, vector<16xi32>
        %broadcast_in_dim3A_1330 = vector.shape_cast %select_n3A_1329 : vector<16xi32> to vector<16x1xi32>
        %gather3A_1331 = vector.shape_cast %broadcast_in_dim3A_1330 : vector<16x1xi32> to vector<16xi32>
        %gather3A_1332 = tpu.dynamic_gather %add3A_1319[%gather3A_1331] in [0] : vector<16xf32>, vector<16xi32> -> vector<16xf32>
        %add3A_1333 = arith.addf %add3A_1319, %gather3A_1332 : vector<16xf32>
        %xor3A_1334 = arith.constant 4 : i32
        %xor3A_1335 = vector.broadcast %xor3A_1334 : i32 to vector<16xi32>
        %xor3A_1336 = arith.xori %iota3A, %xor3A_1335 : vector<16xi32>
        %lt3A_1337 = arith.constant 0 : i32
        %lt3A_1338 = vector.broadcast %lt3A_1337 : i32 to vector<16xi32>
        %lt3A_1339 = arith.cmpi slt, %xor3A_1336, %lt3A_1338 : vector<16xi32>
        %add3A_1340 = arith.constant 16 : i32
        %add3A_1341 = vector.broadcast %add3A_1340 : i32 to vector<16xi32>
        %add3A_1342 = arith.addi %xor3A_1336, %add3A_1341 : vector<16xi32>
        %select_n3A_1343 = arith.select %lt3A_1339, %add3A_1342, %xor3A_1336 : vector<16xi1>, vector<16xi32>
        %broadcast_in_dim3A_1344 = vector.shape_cast %select_n3A_1343 : vector<16xi32> to vector<16x1xi32>
        %gather3A_1345 = vector.shape_cast %broadcast_in_dim3A_1344 : vector<16x1xi32> to vector<16xi32>
        %gather3A_1346 = tpu.dynamic_gather %add3A_1333[%gather3A_1345] in [0] : vector<16xf32>, vector<16xi32> -> vector<16xf32>
        %add3A_1347 = arith.addf %add3A_1333, %gather3A_1346 : vector<16xf32>
        %xor3A_1348 = arith.constant 2 : i32
        %xor3A_1349 = vector.broadcast %xor3A_1348 : i32 to vector<16xi32>
        %xor3A_1350 = arith.xori %iota3A, %xor3A_1349 : vector<16xi32>
        %lt3A_1351 = arith.constant 0 : i32
        %lt3A_1352 = vector.broadcast %lt3A_1351 : i32 to vector<16xi32>
        %lt3A_1353 = arith.cmpi slt, %xor3A_1350, %lt3A_1352 : vector<16xi32>
        %add3A_1354 = arith.constant 16 : i32
        %add3A_1355 = vector.broadcast %add3A_1354 : i32 to vector<16xi32>
        %add3A_1356 = arith.addi %xor3A_1350, %add3A_1355 : vector<16xi32>
        %select_n3A_1357 = arith.select %lt3A_1353, %add3A_1356, %xor3A_1350 : vector<16xi1>, vector<16xi32>
        %broadcast_in_dim3A_1358 = vector.shape_cast %select_n3A_1357 : vector<16xi32> to vector<16x1xi32>
        %gather3A_1359 = vector.shape_cast %broadcast_in_dim3A_1358 : vector<16x1xi32> to vector<16xi32>
        %gather3A_1360 = tpu.dynamic_gather %add3A_1347[%gather3A_1359] in [0] : vector<16xf32>, vector<16xi32> -> vector<16xf32>
        %add3A_1361 = arith.addf %add3A_1347, %gather3A_1360 : vector<16xf32>
        %xor3A_1362 = arith.constant 1 : i32
        %xor3A_1363 = vector.broadcast %xor3A_1362 : i32 to vector<16xi32>
        %xor3A_1364 = arith.xori %iota3A, %xor3A_1363 : vector<16xi32>
        %lt3A_1365 = arith.constant 0 : i32
        %lt3A_1366 = vector.broadcast %lt3A_1365 : i32 to vector<16xi32>
        %lt3A_1367 = arith.cmpi slt, %xor3A_1364, %lt3A_1366 : vector<16xi32>
        %add3A_1368 = arith.constant 16 : i32
        %add3A_1369 = vector.broadcast %add3A_1368 : i32 to vector<16xi32>
        %add3A_1370 = arith.addi %xor3A_1364, %add3A_1369 : vector<16xi32>
        %select_n3A_1371 = arith.select %lt3A_1367, %add3A_1370, %xor3A_1364 : vector<16xi1>, vector<16xi32>
        %broadcast_in_dim3A_1372 = vector.shape_cast %select_n3A_1371 : vector<16xi32> to vector<16x1xi32>
        %gather3A_1373 = vector.shape_cast %broadcast_in_dim3A_1372 : vector<16x1xi32> to vector<16xi32>
        %gather3A_1374 = tpu.dynamic_gather %add3A_1361[%gather3A_1373] in [0] : vector<16xf32>, vector<16xi32> -> vector<16xf32>
        %add3A_1375 = arith.addf %add3A_1361, %gather3A_1374 : vector<16xf32>
        %eq3A_1376 = arith.constant 10 : i32
        %eq3A_1377 = vector.broadcast %eq3A_1376 : i32 to vector<16xi32>
        %eq3A_1378 = arith.cmpi eq, %iota3A, %eq3A_1377 : vector<16xi32>
        %select_n3A_1379 = arith.select %eq3A_1378, %add3A_1375, %select_n3A_1268 : vector<16xi1>, vector<16xf32>
        %add3A_1380 = arith.constant 1 : i32
        %add3A_1381 = arith.addi %mul3A_126, %add3A_1380 : i32
        %add3A_1382 = arith.constant 11 : i32
        %add3A_1383 = arith.addi %add3A_1381, %add3A_1382 : i32
        %get3A_1384 = arith.index_cast %add3A_1383 : i32 to index
        %get3A_1385 = arith.constant 0 : index
        %get3A_1386 = tpu.vector_load %arg9[%get3A_1384, %get3A_1385] {strides = array<i32>} : memref<336x128xf32, #tpu.memory_space<vmem>>, vector<1x16xf32>,
        %get3A_1387 = vector.shape_cast %get3A_1386 : vector<1x16xf32> to vector<16xf32>
        %mul3A_1388 = arith.mulf %get3A_129, %get3A_1387 : vector<16xf32>
        %get3A_1389 = arith.index_cast %add3A_1383 : i32 to index
        %get3A_1390 = arith.constant 16 : index
        %get3A_1391 = tpu.vector_load %arg9[%get3A_1389, %get3A_1390] {strides = array<i32>} : memref<336x128xf32, #tpu.memory_space<vmem>>, vector<1x16xf32>,
        %get3A_1392 = vector.shape_cast %get3A_1391 : vector<1x16xf32> to vector<16xf32>
        %mul3A_1393 = arith.mulf %get3A_133, %get3A_1392 : vector<16xf32>
        %add3A_1394 = arith.addf %mul3A_1388, %mul3A_1393 : vector<16xf32>
        %get3A_1395 = arith.index_cast %add3A_1383 : i32 to index
        %get3A_1396 = arith.constant 32 : index
        %get3A_1397 = tpu.vector_load %arg9[%get3A_1395, %get3A_1396] {strides = array<i32>} : memref<336x128xf32, #tpu.memory_space<vmem>>, vector<1x16xf32>,
        %get3A_1398 = vector.shape_cast %get3A_1397 : vector<1x16xf32> to vector<16xf32>
        %mul3A_1399 = arith.mulf %get3A_137, %get3A_1398 : vector<16xf32>
        %add3A_1400 = arith.addf %add3A_1394, %mul3A_1399 : vector<16xf32>
        %get3A_1401 = arith.index_cast %add3A_1383 : i32 to index
        %get3A_1402 = arith.constant 48 : index
        %get3A_1403 = tpu.vector_load %arg9[%get3A_1401, %get3A_1402] {strides = array<i32>} : memref<336x128xf32, #tpu.memory_space<vmem>>, vector<1x16xf32>,
        %get3A_1404 = vector.shape_cast %get3A_1403 : vector<1x16xf32> to vector<16xf32>
        %mul3A_1405 = arith.mulf %get3A_141, %get3A_1404 : vector<16xf32>
        %add3A_1406 = arith.addf %add3A_1400, %mul3A_1405 : vector<16xf32>
        %get3A_1407 = arith.index_cast %add3A_1383 : i32 to index
        %get3A_1408 = arith.constant 64 : index
        %get3A_1409 = tpu.vector_load %arg9[%get3A_1407, %get3A_1408] {strides = array<i32>} : memref<336x128xf32, #tpu.memory_space<vmem>>, vector<1x16xf32>,
        %get3A_1410 = vector.shape_cast %get3A_1409 : vector<1x16xf32> to vector<16xf32>
        %mul3A_1411 = arith.mulf %get3A_145, %get3A_1410 : vector<16xf32>
        %add3A_1412 = arith.addf %add3A_1406, %mul3A_1411 : vector<16xf32>
        %get3A_1413 = arith.index_cast %add3A_1383 : i32 to index
        %get3A_1414 = arith.constant 80 : index
        %get3A_1415 = tpu.vector_load %arg9[%get3A_1413, %get3A_1414] {strides = array<i32>} : memref<336x128xf32, #tpu.memory_space<vmem>>, vector<1x16xf32>,
        %get3A_1416 = vector.shape_cast %get3A_1415 : vector<1x16xf32> to vector<16xf32>
        %mul3A_1417 = arith.mulf %get3A_149, %get3A_1416 : vector<16xf32>
        %add3A_1418 = arith.addf %add3A_1412, %mul3A_1417 : vector<16xf32>
        %get3A_1419 = arith.index_cast %add3A_1383 : i32 to index
        %get3A_1420 = arith.constant 96 : index
        %get3A_1421 = tpu.vector_load %arg9[%get3A_1419, %get3A_1420] {strides = array<i32>} : memref<336x128xf32, #tpu.memory_space<vmem>>, vector<1x16xf32>,
        %get3A_1422 = vector.shape_cast %get3A_1421 : vector<1x16xf32> to vector<16xf32>
        %mul3A_1423 = arith.mulf %get3A_153, %get3A_1422 : vector<16xf32>
        %add3A_1424 = arith.addf %add3A_1418, %mul3A_1423 : vector<16xf32>
        %get3A_1425 = arith.index_cast %add3A_1383 : i32 to index
        %get3A_1426 = arith.constant 112 : index
        %get3A_1427 = tpu.vector_load %arg9[%get3A_1425, %get3A_1426] {strides = array<i32>} : memref<336x128xf32, #tpu.memory_space<vmem>>, vector<1x16xf32>,
        %get3A_1428 = vector.shape_cast %get3A_1427 : vector<1x16xf32> to vector<16xf32>
        %mul3A_1429 = arith.mulf %get3A_157, %get3A_1428 : vector<16xf32>
        %add3A_1430 = arith.addf %add3A_1424, %mul3A_1429 : vector<16xf32>
        %xor3A_1431 = arith.constant 8 : i32
        %xor3A_1432 = vector.broadcast %xor3A_1431 : i32 to vector<16xi32>
        %xor3A_1433 = arith.xori %iota3A, %xor3A_1432 : vector<16xi32>
        %lt3A_1434 = arith.constant 0 : i32
        %lt3A_1435 = vector.broadcast %lt3A_1434 : i32 to vector<16xi32>
        %lt3A_1436 = arith.cmpi slt, %xor3A_1433, %lt3A_1435 : vector<16xi32>
        %add3A_1437 = arith.constant 16 : i32
        %add3A_1438 = vector.broadcast %add3A_1437 : i32 to vector<16xi32>
        %add3A_1439 = arith.addi %xor3A_1433, %add3A_1438 : vector<16xi32>
        %select_n3A_1440 = arith.select %lt3A_1436, %add3A_1439, %xor3A_1433 : vector<16xi1>, vector<16xi32>
        %broadcast_in_dim3A_1441 = vector.shape_cast %select_n3A_1440 : vector<16xi32> to vector<16x1xi32>
        %gather3A_1442 = vector.shape_cast %broadcast_in_dim3A_1441 : vector<16x1xi32> to vector<16xi32>
        %gather3A_1443 = tpu.dynamic_gather %add3A_1430[%gather3A_1442] in [0] : vector<16xf32>, vector<16xi32> -> vector<16xf32>
        %add3A_1444 = arith.addf %add3A_1430, %gather3A_1443 : vector<16xf32>
        %xor3A_1445 = arith.constant 4 : i32
        %xor3A_1446 = vector.broadcast %xor3A_1445 : i32 to vector<16xi32>
        %xor3A_1447 = arith.xori %iota3A, %xor3A_1446 : vector<16xi32>
        %lt3A_1448 = arith.constant 0 : i32
        %lt3A_1449 = vector.broadcast %lt3A_1448 : i32 to vector<16xi32>
        %lt3A_1450 = arith.cmpi slt, %xor3A_1447, %lt3A_1449 : vector<16xi32>
        %add3A_1451 = arith.constant 16 : i32
        %add3A_1452 = vector.broadcast %add3A_1451 : i32 to vector<16xi32>
        %add3A_1453 = arith.addi %xor3A_1447, %add3A_1452 : vector<16xi32>
        %select_n3A_1454 = arith.select %lt3A_1450, %add3A_1453, %xor3A_1447 : vector<16xi1>, vector<16xi32>
        %broadcast_in_dim3A_1455 = vector.shape_cast %select_n3A_1454 : vector<16xi32> to vector<16x1xi32>
        %gather3A_1456 = vector.shape_cast %broadcast_in_dim3A_1455 : vector<16x1xi32> to vector<16xi32>
        %gather3A_1457 = tpu.dynamic_gather %add3A_1444[%gather3A_1456] in [0] : vector<16xf32>, vector<16xi32> -> vector<16xf32>
        %add3A_1458 = arith.addf %add3A_1444, %gather3A_1457 : vector<16xf32>
        %xor3A_1459 = arith.constant 2 : i32
        %xor3A_1460 = vector.broadcast %xor3A_1459 : i32 to vector<16xi32>
        %xor3A_1461 = arith.xori %iota3A, %xor3A_1460 : vector<16xi32>
        %lt3A_1462 = arith.constant 0 : i32
        %lt3A_1463 = vector.broadcast %lt3A_1462 : i32 to vector<16xi32>
        %lt3A_1464 = arith.cmpi slt, %xor3A_1461, %lt3A_1463 : vector<16xi32>
        %add3A_1465 = arith.constant 16 : i32
        %add3A_1466 = vector.broadcast %add3A_1465 : i32 to vector<16xi32>
        %add3A_1467 = arith.addi %xor3A_1461, %add3A_1466 : vector<16xi32>
        %select_n3A_1468 = arith.select %lt3A_1464, %add3A_1467, %xor3A_1461 : vector<16xi1>, vector<16xi32>
        %broadcast_in_dim3A_1469 = vector.shape_cast %select_n3A_1468 : vector<16xi32> to vector<16x1xi32>
        %gather3A_1470 = vector.shape_cast %broadcast_in_dim3A_1469 : vector<16x1xi32> to vector<16xi32>
        %gather3A_1471 = tpu.dynamic_gather %add3A_1458[%gather3A_1470] in [0] : vector<16xf32>, vector<16xi32> -> vector<16xf32>
        %add3A_1472 = arith.addf %add3A_1458, %gather3A_1471 : vector<16xf32>
        %xor3A_1473 = arith.constant 1 : i32
        %xor3A_1474 = vector.broadcast %xor3A_1473 : i32 to vector<16xi32>
        %xor3A_1475 = arith.xori %iota3A, %xor3A_1474 : vector<16xi32>
        %lt3A_1476 = arith.constant 0 : i32
        %lt3A_1477 = vector.broadcast %lt3A_1476 : i32 to vector<16xi32>
        %lt3A_1478 = arith.cmpi slt, %xor3A_1475, %lt3A_1477 : vector<16xi32>
        %add3A_1479 = arith.constant 16 : i32
        %add3A_1480 = vector.broadcast %add3A_1479 : i32 to vector<16xi32>
        %add3A_1481 = arith.addi %xor3A_1475, %add3A_1480 : vector<16xi32>
        %select_n3A_1482 = arith.select %lt3A_1478, %add3A_1481, %xor3A_1475 : vector<16xi1>, vector<16xi32>
        %broadcast_in_dim3A_1483 = vector.shape_cast %select_n3A_1482 : vector<16xi32> to vector<16x1xi32>
        %gather3A_1484 = vector.shape_cast %broadcast_in_dim3A_1483 : vector<16x1xi32> to vector<16xi32>
        %gather3A_1485 = tpu.dynamic_gather %add3A_1472[%gather3A_1484] in [0] : vector<16xf32>, vector<16xi32> -> vector<16xf32>
        %add3A_1486 = arith.addf %add3A_1472, %gather3A_1485 : vector<16xf32>
        %eq3A_1487 = arith.constant 11 : i32
        %eq3A_1488 = vector.broadcast %eq3A_1487 : i32 to vector<16xi32>
        %eq3A_1489 = arith.cmpi eq, %iota3A, %eq3A_1488 : vector<16xi32>
        %select_n3A_1490 = arith.select %eq3A_1489, %add3A_1486, %select_n3A_1379 : vector<16xi1>, vector<16xf32>
        %add3A_1491 = arith.constant 1 : i32
        %add3A_1492 = arith.addi %mul3A_126, %add3A_1491 : i32
        %add3A_1493 = arith.constant 12 : i32
        %add3A_1494 = arith.addi %add3A_1492, %add3A_1493 : i32
        %get3A_1495 = arith.index_cast %add3A_1494 : i32 to index
        %get3A_1496 = arith.constant 0 : index
        %get3A_1497 = tpu.vector_load %arg9[%get3A_1495, %get3A_1496] {strides = array<i32>} : memref<336x128xf32, #tpu.memory_space<vmem>>, vector<1x16xf32>,
        %get3A_1498 = vector.shape_cast %get3A_1497 : vector<1x16xf32> to vector<16xf32>
        %mul3A_1499 = arith.mulf %get3A_129, %get3A_1498 : vector<16xf32>
        %get3A_1500 = arith.index_cast %add3A_1494 : i32 to index
        %get3A_1501 = arith.constant 16 : index
        %get3A_1502 = tpu.vector_load %arg9[%get3A_1500, %get3A_1501] {strides = array<i32>} : memref<336x128xf32, #tpu.memory_space<vmem>>, vector<1x16xf32>,
        %get3A_1503 = vector.shape_cast %get3A_1502 : vector<1x16xf32> to vector<16xf32>
        %mul3A_1504 = arith.mulf %get3A_133, %get3A_1503 : vector<16xf32>
        %add3A_1505 = arith.addf %mul3A_1499, %mul3A_1504 : vector<16xf32>
        %get3A_1506 = arith.index_cast %add3A_1494 : i32 to index
        %get3A_1507 = arith.constant 32 : index
        %get3A_1508 = tpu.vector_load %arg9[%get3A_1506, %get3A_1507] {strides = array<i32>} : memref<336x128xf32, #tpu.memory_space<vmem>>, vector<1x16xf32>,
        %get3A_1509 = vector.shape_cast %get3A_1508 : vector<1x16xf32> to vector<16xf32>
        %mul3A_1510 = arith.mulf %get3A_137, %get3A_1509 : vector<16xf32>
        %add3A_1511 = arith.addf %add3A_1505, %mul3A_1510 : vector<16xf32>
        %get3A_1512 = arith.index_cast %add3A_1494 : i32 to index
        %get3A_1513 = arith.constant 48 : index
        %get3A_1514 = tpu.vector_load %arg9[%get3A_1512, %get3A_1513] {strides = array<i32>} : memref<336x128xf32, #tpu.memory_space<vmem>>, vector<1x16xf32>,
        %get3A_1515 = vector.shape_cast %get3A_1514 : vector<1x16xf32> to vector<16xf32>
        %mul3A_1516 = arith.mulf %get3A_141, %get3A_1515 : vector<16xf32>
        %add3A_1517 = arith.addf %add3A_1511, %mul3A_1516 : vector<16xf32>
        %get3A_1518 = arith.index_cast %add3A_1494 : i32 to index
        %get3A_1519 = arith.constant 64 : index
        %get3A_1520 = tpu.vector_load %arg9[%get3A_1518, %get3A_1519] {strides = array<i32>} : memref<336x128xf32, #tpu.memory_space<vmem>>, vector<1x16xf32>,
        %get3A_1521 = vector.shape_cast %get3A_1520 : vector<1x16xf32> to vector<16xf32>
        %mul3A_1522 = arith.mulf %get3A_145, %get3A_1521 : vector<16xf32>
        %add3A_1523 = arith.addf %add3A_1517, %mul3A_1522 : vector<16xf32>
        %get3A_1524 = arith.index_cast %add3A_1494 : i32 to index
        %get3A_1525 = arith.constant 80 : index
        %get3A_1526 = tpu.vector_load %arg9[%get3A_1524, %get3A_1525] {strides = array<i32>} : memref<336x128xf32, #tpu.memory_space<vmem>>, vector<1x16xf32>,
        %get3A_1527 = vector.shape_cast %get3A_1526 : vector<1x16xf32> to vector<16xf32>
        %mul3A_1528 = arith.mulf %get3A_149, %get3A_1527 : vector<16xf32>
        %add3A_1529 = arith.addf %add3A_1523, %mul3A_1528 : vector<16xf32>
        %get3A_1530 = arith.index_cast %add3A_1494 : i32 to index
        %get3A_1531 = arith.constant 96 : index
        %get3A_1532 = tpu.vector_load %arg9[%get3A_1530, %get3A_1531] {strides = array<i32>} : memref<336x128xf32, #tpu.memory_space<vmem>>, vector<1x16xf32>,
        %get3A_1533 = vector.shape_cast %get3A_1532 : vector<1x16xf32> to vector<16xf32>
        %mul3A_1534 = arith.mulf %get3A_153, %get3A_1533 : vector<16xf32>
        %add3A_1535 = arith.addf %add3A_1529, %mul3A_1534 : vector<16xf32>
        %get3A_1536 = arith.index_cast %add3A_1494 : i32 to index
        %get3A_1537 = arith.constant 112 : index
        %get3A_1538 = tpu.vector_load %arg9[%get3A_1536, %get3A_1537] {strides = array<i32>} : memref<336x128xf32, #tpu.memory_space<vmem>>, vector<1x16xf32>,
        %get3A_1539 = vector.shape_cast %get3A_1538 : vector<1x16xf32> to vector<16xf32>
        %mul3A_1540 = arith.mulf %get3A_157, %get3A_1539 : vector<16xf32>
        %add3A_1541 = arith.addf %add3A_1535, %mul3A_1540 : vector<16xf32>
        %xor3A_1542 = arith.constant 8 : i32
        %xor3A_1543 = vector.broadcast %xor3A_1542 : i32 to vector<16xi32>
        %xor3A_1544 = arith.xori %iota3A, %xor3A_1543 : vector<16xi32>
        %lt3A_1545 = arith.constant 0 : i32
        %lt3A_1546 = vector.broadcast %lt3A_1545 : i32 to vector<16xi32>
        %lt3A_1547 = arith.cmpi slt, %xor3A_1544, %lt3A_1546 : vector<16xi32>
        %add3A_1548 = arith.constant 16 : i32
        %add3A_1549 = vector.broadcast %add3A_1548 : i32 to vector<16xi32>
        %add3A_1550 = arith.addi %xor3A_1544, %add3A_1549 : vector<16xi32>
        %select_n3A_1551 = arith.select %lt3A_1547, %add3A_1550, %xor3A_1544 : vector<16xi1>, vector<16xi32>
        %broadcast_in_dim3A_1552 = vector.shape_cast %select_n3A_1551 : vector<16xi32> to vector<16x1xi32>
        %gather3A_1553 = vector.shape_cast %broadcast_in_dim3A_1552 : vector<16x1xi32> to vector<16xi32>
        %gather3A_1554 = tpu.dynamic_gather %add3A_1541[%gather3A_1553] in [0] : vector<16xf32>, vector<16xi32> -> vector<16xf32>
        %add3A_1555 = arith.addf %add3A_1541, %gather3A_1554 : vector<16xf32>
        %xor3A_1556 = arith.constant 4 : i32
        %xor3A_1557 = vector.broadcast %xor3A_1556 : i32 to vector<16xi32>
        %xor3A_1558 = arith.xori %iota3A, %xor3A_1557 : vector<16xi32>
        %lt3A_1559 = arith.constant 0 : i32
        %lt3A_1560 = vector.broadcast %lt3A_1559 : i32 to vector<16xi32>
        %lt3A_1561 = arith.cmpi slt, %xor3A_1558, %lt3A_1560 : vector<16xi32>
        %add3A_1562 = arith.constant 16 : i32
        %add3A_1563 = vector.broadcast %add3A_1562 : i32 to vector<16xi32>
        %add3A_1564 = arith.addi %xor3A_1558, %add3A_1563 : vector<16xi32>
        %select_n3A_1565 = arith.select %lt3A_1561, %add3A_1564, %xor3A_1558 : vector<16xi1>, vector<16xi32>
        %broadcast_in_dim3A_1566 = vector.shape_cast %select_n3A_1565 : vector<16xi32> to vector<16x1xi32>
        %gather3A_1567 = vector.shape_cast %broadcast_in_dim3A_1566 : vector<16x1xi32> to vector<16xi32>
        %gather3A_1568 = tpu.dynamic_gather %add3A_1555[%gather3A_1567] in [0] : vector<16xf32>, vector<16xi32> -> vector<16xf32>
        %add3A_1569 = arith.addf %add3A_1555, %gather3A_1568 : vector<16xf32>
        %xor3A_1570 = arith.constant 2 : i32
        %xor3A_1571 = vector.broadcast %xor3A_1570 : i32 to vector<16xi32>
        %xor3A_1572 = arith.xori %iota3A, %xor3A_1571 : vector<16xi32>
        %lt3A_1573 = arith.constant 0 : i32
        %lt3A_1574 = vector.broadcast %lt3A_1573 : i32 to vector<16xi32>
        %lt3A_1575 = arith.cmpi slt, %xor3A_1572, %lt3A_1574 : vector<16xi32>
        %add3A_1576 = arith.constant 16 : i32
        %add3A_1577 = vector.broadcast %add3A_1576 : i32 to vector<16xi32>
        %add3A_1578 = arith.addi %xor3A_1572, %add3A_1577 : vector<16xi32>
        %select_n3A_1579 = arith.select %lt3A_1575, %add3A_1578, %xor3A_1572 : vector<16xi1>, vector<16xi32>
        %broadcast_in_dim3A_1580 = vector.shape_cast %select_n3A_1579 : vector<16xi32> to vector<16x1xi32>
        %gather3A_1581 = vector.shape_cast %broadcast_in_dim3A_1580 : vector<16x1xi32> to vector<16xi32>
        %gather3A_1582 = tpu.dynamic_gather %add3A_1569[%gather3A_1581] in [0] : vector<16xf32>, vector<16xi32> -> vector<16xf32>
        %add3A_1583 = arith.addf %add3A_1569, %gather3A_1582 : vector<16xf32>
        %xor3A_1584 = arith.constant 1 : i32
        %xor3A_1585 = vector.broadcast %xor3A_1584 : i32 to vector<16xi32>
        %xor3A_1586 = arith.xori %iota3A, %xor3A_1585 : vector<16xi32>
        %lt3A_1587 = arith.constant 0 : i32
        %lt3A_1588 = vector.broadcast %lt3A_1587 : i32 to vector<16xi32>
        %lt3A_1589 = arith.cmpi slt, %xor3A_1586, %lt3A_1588 : vector<16xi32>
        %add3A_1590 = arith.constant 16 : i32
        %add3A_1591 = vector.broadcast %add3A_1590 : i32 to vector<16xi32>
        %add3A_1592 = arith.addi %xor3A_1586, %add3A_1591 : vector<16xi32>
        %select_n3A_1593 = arith.select %lt3A_1589, %add3A_1592, %xor3A_1586 : vector<16xi1>, vector<16xi32>
        %broadcast_in_dim3A_1594 = vector.shape_cast %select_n3A_1593 : vector<16xi32> to vector<16x1xi32>
        %gather3A_1595 = vector.shape_cast %broadcast_in_dim3A_1594 : vector<16x1xi32> to vector<16xi32>
        %gather3A_1596 = tpu.dynamic_gather %add3A_1583[%gather3A_1595] in [0] : vector<16xf32>, vector<16xi32> -> vector<16xf32>
        %add3A_1597 = arith.addf %add3A_1583, %gather3A_1596 : vector<16xf32>
        %eq3A_1598 = arith.constant 12 : i32
        %eq3A_1599 = vector.broadcast %eq3A_1598 : i32 to vector<16xi32>
        %eq3A_1600 = arith.cmpi eq, %iota3A, %eq3A_1599 : vector<16xi32>
        %select_n3A_1601 = arith.select %eq3A_1600, %add3A_1597, %select_n3A_1490 : vector<16xi1>, vector<16xf32>
        %add3A_1602 = arith.constant 1 : i32
        %add3A_1603 = arith.addi %mul3A_126, %add3A_1602 : i32
        %add3A_1604 = arith.constant 13 : i32
        %add3A_1605 = arith.addi %add3A_1603, %add3A_1604 : i32
        %get3A_1606 = arith.index_cast %add3A_1605 : i32 to index
        %get3A_1607 = arith.constant 0 : index
        %get3A_1608 = tpu.vector_load %arg9[%get3A_1606, %get3A_1607] {strides = array<i32>} : memref<336x128xf32, #tpu.memory_space<vmem>>, vector<1x16xf32>,
        %get3A_1609 = vector.shape_cast %get3A_1608 : vector<1x16xf32> to vector<16xf32>
        %mul3A_1610 = arith.mulf %get3A_129, %get3A_1609 : vector<16xf32>
        %get3A_1611 = arith.index_cast %add3A_1605 : i32 to index
        %get3A_1612 = arith.constant 16 : index
        %get3A_1613 = tpu.vector_load %arg9[%get3A_1611, %get3A_1612] {strides = array<i32>} : memref<336x128xf32, #tpu.memory_space<vmem>>, vector<1x16xf32>,
        %get3A_1614 = vector.shape_cast %get3A_1613 : vector<1x16xf32> to vector<16xf32>
        %mul3A_1615 = arith.mulf %get3A_133, %get3A_1614 : vector<16xf32>
        %add3A_1616 = arith.addf %mul3A_1610, %mul3A_1615 : vector<16xf32>
        %get3A_1617 = arith.index_cast %add3A_1605 : i32 to index
        %get3A_1618 = arith.constant 32 : index
        %get3A_1619 = tpu.vector_load %arg9[%get3A_1617, %get3A_1618] {strides = array<i32>} : memref<336x128xf32, #tpu.memory_space<vmem>>, vector<1x16xf32>,
        %get3A_1620 = vector.shape_cast %get3A_1619 : vector<1x16xf32> to vector<16xf32>
        %mul3A_1621 = arith.mulf %get3A_137, %get3A_1620 : vector<16xf32>
        %add3A_1622 = arith.addf %add3A_1616, %mul3A_1621 : vector<16xf32>
        %get3A_1623 = arith.index_cast %add3A_1605 : i32 to index
        %get3A_1624 = arith.constant 48 : index
        %get3A_1625 = tpu.vector_load %arg9[%get3A_1623, %get3A_1624] {strides = array<i32>} : memref<336x128xf32, #tpu.memory_space<vmem>>, vector<1x16xf32>,
        %get3A_1626 = vector.shape_cast %get3A_1625 : vector<1x16xf32> to vector<16xf32>
        %mul3A_1627 = arith.mulf %get3A_141, %get3A_1626 : vector<16xf32>
        %add3A_1628 = arith.addf %add3A_1622, %mul3A_1627 : vector<16xf32>
        %get3A_1629 = arith.index_cast %add3A_1605 : i32 to index
        %get3A_1630 = arith.constant 64 : index
        %get3A_1631 = tpu.vector_load %arg9[%get3A_1629, %get3A_1630] {strides = array<i32>} : memref<336x128xf32, #tpu.memory_space<vmem>>, vector<1x16xf32>,
        %get3A_1632 = vector.shape_cast %get3A_1631 : vector<1x16xf32> to vector<16xf32>
        %mul3A_1633 = arith.mulf %get3A_145, %get3A_1632 : vector<16xf32>
        %add3A_1634 = arith.addf %add3A_1628, %mul3A_1633 : vector<16xf32>
        %get3A_1635 = arith.index_cast %add3A_1605 : i32 to index
        %get3A_1636 = arith.constant 80 : index
        %get3A_1637 = tpu.vector_load %arg9[%get3A_1635, %get3A_1636] {strides = array<i32>} : memref<336x128xf32, #tpu.memory_space<vmem>>, vector<1x16xf32>,
        %get3A_1638 = vector.shape_cast %get3A_1637 : vector<1x16xf32> to vector<16xf32>
        %mul3A_1639 = arith.mulf %get3A_149, %get3A_1638 : vector<16xf32>
        %add3A_1640 = arith.addf %add3A_1634, %mul3A_1639 : vector<16xf32>
        %get3A_1641 = arith.index_cast %add3A_1605 : i32 to index
        %get3A_1642 = arith.constant 96 : index
        %get3A_1643 = tpu.vector_load %arg9[%get3A_1641, %get3A_1642] {strides = array<i32>} : memref<336x128xf32, #tpu.memory_space<vmem>>, vector<1x16xf32>,
        %get3A_1644 = vector.shape_cast %get3A_1643 : vector<1x16xf32> to vector<16xf32>
        %mul3A_1645 = arith.mulf %get3A_153, %get3A_1644 : vector<16xf32>
        %add3A_1646 = arith.addf %add3A_1640, %mul3A_1645 : vector<16xf32>
        %get3A_1647 = arith.index_cast %add3A_1605 : i32 to index
        %get3A_1648 = arith.constant 112 : index
        %get3A_1649 = tpu.vector_load %arg9[%get3A_1647, %get3A_1648] {strides = array<i32>} : memref<336x128xf32, #tpu.memory_space<vmem>>, vector<1x16xf32>,
        %get3A_1650 = vector.shape_cast %get3A_1649 : vector<1x16xf32> to vector<16xf32>
        %mul3A_1651 = arith.mulf %get3A_157, %get3A_1650 : vector<16xf32>
        %add3A_1652 = arith.addf %add3A_1646, %mul3A_1651 : vector<16xf32>
        %xor3A_1653 = arith.constant 8 : i32
        %xor3A_1654 = vector.broadcast %xor3A_1653 : i32 to vector<16xi32>
        %xor3A_1655 = arith.xori %iota3A, %xor3A_1654 : vector<16xi32>
        %lt3A_1656 = arith.constant 0 : i32
        %lt3A_1657 = vector.broadcast %lt3A_1656 : i32 to vector<16xi32>
        %lt3A_1658 = arith.cmpi slt, %xor3A_1655, %lt3A_1657 : vector<16xi32>
        %add3A_1659 = arith.constant 16 : i32
        %add3A_1660 = vector.broadcast %add3A_1659 : i32 to vector<16xi32>
        %add3A_1661 = arith.addi %xor3A_1655, %add3A_1660 : vector<16xi32>
        %select_n3A_1662 = arith.select %lt3A_1658, %add3A_1661, %xor3A_1655 : vector<16xi1>, vector<16xi32>
        %broadcast_in_dim3A_1663 = vector.shape_cast %select_n3A_1662 : vector<16xi32> to vector<16x1xi32>
        %gather3A_1664 = vector.shape_cast %broadcast_in_dim3A_1663 : vector<16x1xi32> to vector<16xi32>
        %gather3A_1665 = tpu.dynamic_gather %add3A_1652[%gather3A_1664] in [0] : vector<16xf32>, vector<16xi32> -> vector<16xf32>
        %add3A_1666 = arith.addf %add3A_1652, %gather3A_1665 : vector<16xf32>
        %xor3A_1667 = arith.constant 4 : i32
        %xor3A_1668 = vector.broadcast %xor3A_1667 : i32 to vector<16xi32>
        %xor3A_1669 = arith.xori %iota3A, %xor3A_1668 : vector<16xi32>
        %lt3A_1670 = arith.constant 0 : i32
        %lt3A_1671 = vector.broadcast %lt3A_1670 : i32 to vector<16xi32>
        %lt3A_1672 = arith.cmpi slt, %xor3A_1669, %lt3A_1671 : vector<16xi32>
        %add3A_1673 = arith.constant 16 : i32
        %add3A_1674 = vector.broadcast %add3A_1673 : i32 to vector<16xi32>
        %add3A_1675 = arith.addi %xor3A_1669, %add3A_1674 : vector<16xi32>
        %select_n3A_1676 = arith.select %lt3A_1672, %add3A_1675, %xor3A_1669 : vector<16xi1>, vector<16xi32>
        %broadcast_in_dim3A_1677 = vector.shape_cast %select_n3A_1676 : vector<16xi32> to vector<16x1xi32>
        %gather3A_1678 = vector.shape_cast %broadcast_in_dim3A_1677 : vector<16x1xi32> to vector<16xi32>
        %gather3A_1679 = tpu.dynamic_gather %add3A_1666[%gather3A_1678] in [0] : vector<16xf32>, vector<16xi32> -> vector<16xf32>
        %add3A_1680 = arith.addf %add3A_1666, %gather3A_1679 : vector<16xf32>
        %xor3A_1681 = arith.constant 2 : i32
        %xor3A_1682 = vector.broadcast %xor3A_1681 : i32 to vector<16xi32>
        %xor3A_1683 = arith.xori %iota3A, %xor3A_1682 : vector<16xi32>
        %lt3A_1684 = arith.constant 0 : i32
        %lt3A_1685 = vector.broadcast %lt3A_1684 : i32 to vector<16xi32>
        %lt3A_1686 = arith.cmpi slt, %xor3A_1683, %lt3A_1685 : vector<16xi32>
        %add3A_1687 = arith.constant 16 : i32
        %add3A_1688 = vector.broadcast %add3A_1687 : i32 to vector<16xi32>
        %add3A_1689 = arith.addi %xor3A_1683, %add3A_1688 : vector<16xi32>
        %select_n3A_1690 = arith.select %lt3A_1686, %add3A_1689, %xor3A_1683 : vector<16xi1>, vector<16xi32>
        %broadcast_in_dim3A_1691 = vector.shape_cast %select_n3A_1690 : vector<16xi32> to vector<16x1xi32>
        %gather3A_1692 = vector.shape_cast %broadcast_in_dim3A_1691 : vector<16x1xi32> to vector<16xi32>
        %gather3A_1693 = tpu.dynamic_gather %add3A_1680[%gather3A_1692] in [0] : vector<16xf32>, vector<16xi32> -> vector<16xf32>
        %add3A_1694 = arith.addf %add3A_1680, %gather3A_1693 : vector<16xf32>
        %xor3A_1695 = arith.constant 1 : i32
        %xor3A_1696 = vector.broadcast %xor3A_1695 : i32 to vector<16xi32>
        %xor3A_1697 = arith.xori %iota3A, %xor3A_1696 : vector<16xi32>
        %lt3A_1698 = arith.constant 0 : i32
        %lt3A_1699 = vector.broadcast %lt3A_1698 : i32 to vector<16xi32>
        %lt3A_1700 = arith.cmpi slt, %xor3A_1697, %lt3A_1699 : vector<16xi32>
        %add3A_1701 = arith.constant 16 : i32
        %add3A_1702 = vector.broadcast %add3A_1701 : i32 to vector<16xi32>
        %add3A_1703 = arith.addi %xor3A_1697, %add3A_1702 : vector<16xi32>
        %select_n3A_1704 = arith.select %lt3A_1700, %add3A_1703, %xor3A_1697 : vector<16xi1>, vector<16xi32>
        %broadcast_in_dim3A_1705 = vector.shape_cast %select_n3A_1704 : vector<16xi32> to vector<16x1xi32>
        %gather3A_1706 = vector.shape_cast %broadcast_in_dim3A_1705 : vector<16x1xi32> to vector<16xi32>
        %gather3A_1707 = tpu.dynamic_gather %add3A_1694[%gather3A_1706] in [0] : vector<16xf32>, vector<16xi32> -> vector<16xf32>
        %add3A_1708 = arith.addf %add3A_1694, %gather3A_1707 : vector<16xf32>
        %eq3A_1709 = arith.constant 13 : i32
        %eq3A_1710 = vector.broadcast %eq3A_1709 : i32 to vector<16xi32>
        %eq3A_1711 = arith.cmpi eq, %iota3A, %eq3A_1710 : vector<16xi32>
        %select_n3A_1712 = arith.select %eq3A_1711, %add3A_1708, %select_n3A_1601 : vector<16xi1>, vector<16xf32>
        %add3A_1713 = arith.constant 1 : i32
        %add3A_1714 = arith.addi %mul3A_126, %add3A_1713 : i32
        %add3A_1715 = arith.constant 14 : i32
        %add3A_1716 = arith.addi %add3A_1714, %add3A_1715 : i32
        %get3A_1717 = arith.index_cast %add3A_1716 : i32 to index
        %get3A_1718 = arith.constant 0 : index
        %get3A_1719 = tpu.vector_load %arg9[%get3A_1717, %get3A_1718] {strides = array<i32>} : memref<336x128xf32, #tpu.memory_space<vmem>>, vector<1x16xf32>,
        %get3A_1720 = vector.shape_cast %get3A_1719 : vector<1x16xf32> to vector<16xf32>
        %mul3A_1721 = arith.mulf %get3A_129, %get3A_1720 : vector<16xf32>
        %get3A_1722 = arith.index_cast %add3A_1716 : i32 to index
        %get3A_1723 = arith.constant 16 : index
        %get3A_1724 = tpu.vector_load %arg9[%get3A_1722, %get3A_1723] {strides = array<i32>} : memref<336x128xf32, #tpu.memory_space<vmem>>, vector<1x16xf32>,
        %get3A_1725 = vector.shape_cast %get3A_1724 : vector<1x16xf32> to vector<16xf32>
        %mul3A_1726 = arith.mulf %get3A_133, %get3A_1725 : vector<16xf32>
        %add3A_1727 = arith.addf %mul3A_1721, %mul3A_1726 : vector<16xf32>
        %get3A_1728 = arith.index_cast %add3A_1716 : i32 to index
        %get3A_1729 = arith.constant 32 : index
        %get3A_1730 = tpu.vector_load %arg9[%get3A_1728, %get3A_1729] {strides = array<i32>} : memref<336x128xf32, #tpu.memory_space<vmem>>, vector<1x16xf32>,
        %get3A_1731 = vector.shape_cast %get3A_1730 : vector<1x16xf32> to vector<16xf32>
        %mul3A_1732 = arith.mulf %get3A_137, %get3A_1731 : vector<16xf32>
        %add3A_1733 = arith.addf %add3A_1727, %mul3A_1732 : vector<16xf32>
        %get3A_1734 = arith.index_cast %add3A_1716 : i32 to index
        %get3A_1735 = arith.constant 48 : index
        %get3A_1736 = tpu.vector_load %arg9[%get3A_1734, %get3A_1735] {strides = array<i32>} : memref<336x128xf32, #tpu.memory_space<vmem>>, vector<1x16xf32>,
        %get3A_1737 = vector.shape_cast %get3A_1736 : vector<1x16xf32> to vector<16xf32>
        %mul3A_1738 = arith.mulf %get3A_141, %get3A_1737 : vector<16xf32>
        %add3A_1739 = arith.addf %add3A_1733, %mul3A_1738 : vector<16xf32>
        %get3A_1740 = arith.index_cast %add3A_1716 : i32 to index
        %get3A_1741 = arith.constant 64 : index
        %get3A_1742 = tpu.vector_load %arg9[%get3A_1740, %get3A_1741] {strides = array<i32>} : memref<336x128xf32, #tpu.memory_space<vmem>>, vector<1x16xf32>,
        %get3A_1743 = vector.shape_cast %get3A_1742 : vector<1x16xf32> to vector<16xf32>
        %mul3A_1744 = arith.mulf %get3A_145, %get3A_1743 : vector<16xf32>
        %add3A_1745 = arith.addf %add3A_1739, %mul3A_1744 : vector<16xf32>
        %get3A_1746 = arith.index_cast %add3A_1716 : i32 to index
        %get3A_1747 = arith.constant 80 : index
        %get3A_1748 = tpu.vector_load %arg9[%get3A_1746, %get3A_1747] {strides = array<i32>} : memref<336x128xf32, #tpu.memory_space<vmem>>, vector<1x16xf32>,
        %get3A_1749 = vector.shape_cast %get3A_1748 : vector<1x16xf32> to vector<16xf32>
        %mul3A_1750 = arith.mulf %get3A_149, %get3A_1749 : vector<16xf32>
        %add3A_1751 = arith.addf %add3A_1745, %mul3A_1750 : vector<16xf32>
        %get3A_1752 = arith.index_cast %add3A_1716 : i32 to index
        %get3A_1753 = arith.constant 96 : index
        %get3A_1754 = tpu.vector_load %arg9[%get3A_1752, %get3A_1753] {strides = array<i32>} : memref<336x128xf32, #tpu.memory_space<vmem>>, vector<1x16xf32>,
        %get3A_1755 = vector.shape_cast %get3A_1754 : vector<1x16xf32> to vector<16xf32>
        %mul3A_1756 = arith.mulf %get3A_153, %get3A_1755 : vector<16xf32>
        %add3A_1757 = arith.addf %add3A_1751, %mul3A_1756 : vector<16xf32>
        %get3A_1758 = arith.index_cast %add3A_1716 : i32 to index
        %get3A_1759 = arith.constant 112 : index
        %get3A_1760 = tpu.vector_load %arg9[%get3A_1758, %get3A_1759] {strides = array<i32>} : memref<336x128xf32, #tpu.memory_space<vmem>>, vector<1x16xf32>,
        %get3A_1761 = vector.shape_cast %get3A_1760 : vector<1x16xf32> to vector<16xf32>
        %mul3A_1762 = arith.mulf %get3A_157, %get3A_1761 : vector<16xf32>
        %add3A_1763 = arith.addf %add3A_1757, %mul3A_1762 : vector<16xf32>
        %xor3A_1764 = arith.constant 8 : i32
        %xor3A_1765 = vector.broadcast %xor3A_1764 : i32 to vector<16xi32>
        %xor3A_1766 = arith.xori %iota3A, %xor3A_1765 : vector<16xi32>
        %lt3A_1767 = arith.constant 0 : i32
        %lt3A_1768 = vector.broadcast %lt3A_1767 : i32 to vector<16xi32>
        %lt3A_1769 = arith.cmpi slt, %xor3A_1766, %lt3A_1768 : vector<16xi32>
        %add3A_1770 = arith.constant 16 : i32
        %add3A_1771 = vector.broadcast %add3A_1770 : i32 to vector<16xi32>
        %add3A_1772 = arith.addi %xor3A_1766, %add3A_1771 : vector<16xi32>
        %select_n3A_1773 = arith.select %lt3A_1769, %add3A_1772, %xor3A_1766 : vector<16xi1>, vector<16xi32>
        %broadcast_in_dim3A_1774 = vector.shape_cast %select_n3A_1773 : vector<16xi32> to vector<16x1xi32>
        %gather3A_1775 = vector.shape_cast %broadcast_in_dim3A_1774 : vector<16x1xi32> to vector<16xi32>
        %gather3A_1776 = tpu.dynamic_gather %add3A_1763[%gather3A_1775] in [0] : vector<16xf32>, vector<16xi32> -> vector<16xf32>
        %add3A_1777 = arith.addf %add3A_1763, %gather3A_1776 : vector<16xf32>
        %xor3A_1778 = arith.constant 4 : i32
        %xor3A_1779 = vector.broadcast %xor3A_1778 : i32 to vector<16xi32>
        %xor3A_1780 = arith.xori %iota3A, %xor3A_1779 : vector<16xi32>
        %lt3A_1781 = arith.constant 0 : i32
        %lt3A_1782 = vector.broadcast %lt3A_1781 : i32 to vector<16xi32>
        %lt3A_1783 = arith.cmpi slt, %xor3A_1780, %lt3A_1782 : vector<16xi32>
        %add3A_1784 = arith.constant 16 : i32
        %add3A_1785 = vector.broadcast %add3A_1784 : i32 to vector<16xi32>
        %add3A_1786 = arith.addi %xor3A_1780, %add3A_1785 : vector<16xi32>
        %select_n3A_1787 = arith.select %lt3A_1783, %add3A_1786, %xor3A_1780 : vector<16xi1>, vector<16xi32>
        %broadcast_in_dim3A_1788 = vector.shape_cast %select_n3A_1787 : vector<16xi32> to vector<16x1xi32>
        %gather3A_1789 = vector.shape_cast %broadcast_in_dim3A_1788 : vector<16x1xi32> to vector<16xi32>
        %gather3A_1790 = tpu.dynamic_gather %add3A_1777[%gather3A_1789] in [0] : vector<16xf32>, vector<16xi32> -> vector<16xf32>
        %add3A_1791 = arith.addf %add3A_1777, %gather3A_1790 : vector<16xf32>
        %xor3A_1792 = arith.constant 2 : i32
        %xor3A_1793 = vector.broadcast %xor3A_1792 : i32 to vector<16xi32>
        %xor3A_1794 = arith.xori %iota3A, %xor3A_1793 : vector<16xi32>
        %lt3A_1795 = arith.constant 0 : i32
        %lt3A_1796 = vector.broadcast %lt3A_1795 : i32 to vector<16xi32>
        %lt3A_1797 = arith.cmpi slt, %xor3A_1794, %lt3A_1796 : vector<16xi32>
        %add3A_1798 = arith.constant 16 : i32
        %add3A_1799 = vector.broadcast %add3A_1798 : i32 to vector<16xi32>
        %add3A_1800 = arith.addi %xor3A_1794, %add3A_1799 : vector<16xi32>
        %select_n3A_1801 = arith.select %lt3A_1797, %add3A_1800, %xor3A_1794 : vector<16xi1>, vector<16xi32>
        %broadcast_in_dim3A_1802 = vector.shape_cast %select_n3A_1801 : vector<16xi32> to vector<16x1xi32>
        %gather3A_1803 = vector.shape_cast %broadcast_in_dim3A_1802 : vector<16x1xi32> to vector<16xi32>
        %gather3A_1804 = tpu.dynamic_gather %add3A_1791[%gather3A_1803] in [0] : vector<16xf32>, vector<16xi32> -> vector<16xf32>
        %add3A_1805 = arith.addf %add3A_1791, %gather3A_1804 : vector<16xf32>
        %xor3A_1806 = arith.constant 1 : i32
        %xor3A_1807 = vector.broadcast %xor3A_1806 : i32 to vector<16xi32>
        %xor3A_1808 = arith.xori %iota3A, %xor3A_1807 : vector<16xi32>
        %lt3A_1809 = arith.constant 0 : i32
        %lt3A_1810 = vector.broadcast %lt3A_1809 : i32 to vector<16xi32>
        %lt3A_1811 = arith.cmpi slt, %xor3A_1808, %lt3A_1810 : vector<16xi32>
        %add3A_1812 = arith.constant 16 : i32
        %add3A_1813 = vector.broadcast %add3A_1812 : i32 to vector<16xi32>
        %add3A_1814 = arith.addi %xor3A_1808, %add3A_1813 : vector<16xi32>
        %select_n3A_1815 = arith.select %lt3A_1811, %add3A_1814, %xor3A_1808 : vector<16xi1>, vector<16xi32>
        %broadcast_in_dim3A_1816 = vector.shape_cast %select_n3A_1815 : vector<16xi32> to vector<16x1xi32>
        %gather3A_1817 = vector.shape_cast %broadcast_in_dim3A_1816 : vector<16x1xi32> to vector<16xi32>
        %gather3A_1818 = tpu.dynamic_gather %add3A_1805[%gather3A_1817] in [0] : vector<16xf32>, vector<16xi32> -> vector<16xf32>
        %add3A_1819 = arith.addf %add3A_1805, %gather3A_1818 : vector<16xf32>
        %eq3A_1820 = arith.constant 14 : i32
        %eq3A_1821 = vector.broadcast %eq3A_1820 : i32 to vector<16xi32>
        %eq3A_1822 = arith.cmpi eq, %iota3A, %eq3A_1821 : vector<16xi32>
        %select_n3A_1823 = arith.select %eq3A_1822, %add3A_1819, %select_n3A_1712 : vector<16xi1>, vector<16xf32>
        %add3A_1824 = arith.constant 1 : i32
        %add3A_1825 = arith.addi %mul3A_126, %add3A_1824 : i32
        %add3A_1826 = arith.constant 15 : i32
        %add3A_1827 = arith.addi %add3A_1825, %add3A_1826 : i32
        %get3A_1828 = arith.index_cast %add3A_1827 : i32 to index
        %get3A_1829 = arith.constant 0 : index
        %get3A_1830 = tpu.vector_load %arg9[%get3A_1828, %get3A_1829] {strides = array<i32>} : memref<336x128xf32, #tpu.memory_space<vmem>>, vector<1x16xf32>,
        %get3A_1831 = vector.shape_cast %get3A_1830 : vector<1x16xf32> to vector<16xf32>
        %mul3A_1832 = arith.mulf %get3A_129, %get3A_1831 : vector<16xf32>
        %get3A_1833 = arith.index_cast %add3A_1827 : i32 to index
        %get3A_1834 = arith.constant 16 : index
        %get3A_1835 = tpu.vector_load %arg9[%get3A_1833, %get3A_1834] {strides = array<i32>} : memref<336x128xf32, #tpu.memory_space<vmem>>, vector<1x16xf32>,
        %get3A_1836 = vector.shape_cast %get3A_1835 : vector<1x16xf32> to vector<16xf32>
        %mul3A_1837 = arith.mulf %get3A_133, %get3A_1836 : vector<16xf32>
        %add3A_1838 = arith.addf %mul3A_1832, %mul3A_1837 : vector<16xf32>
        %get3A_1839 = arith.index_cast %add3A_1827 : i32 to index
        %get3A_1840 = arith.constant 32 : index
        %get3A_1841 = tpu.vector_load %arg9[%get3A_1839, %get3A_1840] {strides = array<i32>} : memref<336x128xf32, #tpu.memory_space<vmem>>, vector<1x16xf32>,
        %get3A_1842 = vector.shape_cast %get3A_1841 : vector<1x16xf32> to vector<16xf32>
        %mul3A_1843 = arith.mulf %get3A_137, %get3A_1842 : vector<16xf32>
        %add3A_1844 = arith.addf %add3A_1838, %mul3A_1843 : vector<16xf32>
        %get3A_1845 = arith.index_cast %add3A_1827 : i32 to index
        %get3A_1846 = arith.constant 48 : index
        %get3A_1847 = tpu.vector_load %arg9[%get3A_1845, %get3A_1846] {strides = array<i32>} : memref<336x128xf32, #tpu.memory_space<vmem>>, vector<1x16xf32>,
        %get3A_1848 = vector.shape_cast %get3A_1847 : vector<1x16xf32> to vector<16xf32>
        %mul3A_1849 = arith.mulf %get3A_141, %get3A_1848 : vector<16xf32>
        %add3A_1850 = arith.addf %add3A_1844, %mul3A_1849 : vector<16xf32>
        %get3A_1851 = arith.index_cast %add3A_1827 : i32 to index
        %get3A_1852 = arith.constant 64 : index
        %get3A_1853 = tpu.vector_load %arg9[%get3A_1851, %get3A_1852] {strides = array<i32>} : memref<336x128xf32, #tpu.memory_space<vmem>>, vector<1x16xf32>,
        %get3A_1854 = vector.shape_cast %get3A_1853 : vector<1x16xf32> to vector<16xf32>
        %mul3A_1855 = arith.mulf %get3A_145, %get3A_1854 : vector<16xf32>
        %add3A_1856 = arith.addf %add3A_1850, %mul3A_1855 : vector<16xf32>
        %get3A_1857 = arith.index_cast %add3A_1827 : i32 to index
        %get3A_1858 = arith.constant 80 : index
        %get3A_1859 = tpu.vector_load %arg9[%get3A_1857, %get3A_1858] {strides = array<i32>} : memref<336x128xf32, #tpu.memory_space<vmem>>, vector<1x16xf32>,
        %get3A_1860 = vector.shape_cast %get3A_1859 : vector<1x16xf32> to vector<16xf32>
        %mul3A_1861 = arith.mulf %get3A_149, %get3A_1860 : vector<16xf32>
        %add3A_1862 = arith.addf %add3A_1856, %mul3A_1861 : vector<16xf32>
        %get3A_1863 = arith.index_cast %add3A_1827 : i32 to index
        %get3A_1864 = arith.constant 96 : index
        %get3A_1865 = tpu.vector_load %arg9[%get3A_1863, %get3A_1864] {strides = array<i32>} : memref<336x128xf32, #tpu.memory_space<vmem>>, vector<1x16xf32>,
        %get3A_1866 = vector.shape_cast %get3A_1865 : vector<1x16xf32> to vector<16xf32>
        %mul3A_1867 = arith.mulf %get3A_153, %get3A_1866 : vector<16xf32>
        %add3A_1868 = arith.addf %add3A_1862, %mul3A_1867 : vector<16xf32>
        %get3A_1869 = arith.index_cast %add3A_1827 : i32 to index
        %get3A_1870 = arith.constant 112 : index
        %get3A_1871 = tpu.vector_load %arg9[%get3A_1869, %get3A_1870] {strides = array<i32>} : memref<336x128xf32, #tpu.memory_space<vmem>>, vector<1x16xf32>,
        %get3A_1872 = vector.shape_cast %get3A_1871 : vector<1x16xf32> to vector<16xf32>
        %mul3A_1873 = arith.mulf %get3A_157, %get3A_1872 : vector<16xf32>
        %add3A_1874 = arith.addf %add3A_1868, %mul3A_1873 : vector<16xf32>
        %xor3A_1875 = arith.constant 8 : i32
        %xor3A_1876 = vector.broadcast %xor3A_1875 : i32 to vector<16xi32>
        %xor3A_1877 = arith.xori %iota3A, %xor3A_1876 : vector<16xi32>
        %lt3A_1878 = arith.constant 0 : i32
        %lt3A_1879 = vector.broadcast %lt3A_1878 : i32 to vector<16xi32>
        %lt3A_1880 = arith.cmpi slt, %xor3A_1877, %lt3A_1879 : vector<16xi32>
        %add3A_1881 = arith.constant 16 : i32
        %add3A_1882 = vector.broadcast %add3A_1881 : i32 to vector<16xi32>
        %add3A_1883 = arith.addi %xor3A_1877, %add3A_1882 : vector<16xi32>
        %select_n3A_1884 = arith.select %lt3A_1880, %add3A_1883, %xor3A_1877 : vector<16xi1>, vector<16xi32>
        %broadcast_in_dim3A_1885 = vector.shape_cast %select_n3A_1884 : vector<16xi32> to vector<16x1xi32>
        %gather3A_1886 = vector.shape_cast %broadcast_in_dim3A_1885 : vector<16x1xi32> to vector<16xi32>
        %gather3A_1887 = tpu.dynamic_gather %add3A_1874[%gather3A_1886] in [0] : vector<16xf32>, vector<16xi32> -> vector<16xf32>
        %add3A_1888 = arith.addf %add3A_1874, %gather3A_1887 : vector<16xf32>
        %xor3A_1889 = arith.constant 4 : i32
        %xor3A_1890 = vector.broadcast %xor3A_1889 : i32 to vector<16xi32>
        %xor3A_1891 = arith.xori %iota3A, %xor3A_1890 : vector<16xi32>
        %lt3A_1892 = arith.constant 0 : i32
        %lt3A_1893 = vector.broadcast %lt3A_1892 : i32 to vector<16xi32>
        %lt3A_1894 = arith.cmpi slt, %xor3A_1891, %lt3A_1893 : vector<16xi32>
        %add3A_1895 = arith.constant 16 : i32
        %add3A_1896 = vector.broadcast %add3A_1895 : i32 to vector<16xi32>
        %add3A_1897 = arith.addi %xor3A_1891, %add3A_1896 : vector<16xi32>
        %select_n3A_1898 = arith.select %lt3A_1894, %add3A_1897, %xor3A_1891 : vector<16xi1>, vector<16xi32>
        %broadcast_in_dim3A_1899 = vector.shape_cast %select_n3A_1898 : vector<16xi32> to vector<16x1xi32>
        %gather3A_1900 = vector.shape_cast %broadcast_in_dim3A_1899 : vector<16x1xi32> to vector<16xi32>
        %gather3A_1901 = tpu.dynamic_gather %add3A_1888[%gather3A_1900] in [0] : vector<16xf32>, vector<16xi32> -> vector<16xf32>
        %add3A_1902 = arith.addf %add3A_1888, %gather3A_1901 : vector<16xf32>
        %xor3A_1903 = arith.constant 2 : i32
        %xor3A_1904 = vector.broadcast %xor3A_1903 : i32 to vector<16xi32>
        %xor3A_1905 = arith.xori %iota3A, %xor3A_1904 : vector<16xi32>
        %lt3A_1906 = arith.constant 0 : i32
        %lt3A_1907 = vector.broadcast %lt3A_1906 : i32 to vector<16xi32>
        %lt3A_1908 = arith.cmpi slt, %xor3A_1905, %lt3A_1907 : vector<16xi32>
        %add3A_1909 = arith.constant 16 : i32
        %add3A_1910 = vector.broadcast %add3A_1909 : i32 to vector<16xi32>
        %add3A_1911 = arith.addi %xor3A_1905, %add3A_1910 : vector<16xi32>
        %select_n3A_1912 = arith.select %lt3A_1908, %add3A_1911, %xor3A_1905 : vector<16xi1>, vector<16xi32>
        %broadcast_in_dim3A_1913 = vector.shape_cast %select_n3A_1912 : vector<16xi32> to vector<16x1xi32>
        %gather3A_1914 = vector.shape_cast %broadcast_in_dim3A_1913 : vector<16x1xi32> to vector<16xi32>
        %gather3A_1915 = tpu.dynamic_gather %add3A_1902[%gather3A_1914] in [0] : vector<16xf32>, vector<16xi32> -> vector<16xf32>
        %add3A_1916 = arith.addf %add3A_1902, %gather3A_1915 : vector<16xf32>
        %xor3A_1917 = arith.constant 1 : i32
        %xor3A_1918 = vector.broadcast %xor3A_1917 : i32 to vector<16xi32>
        %xor3A_1919 = arith.xori %iota3A, %xor3A_1918 : vector<16xi32>
        %lt3A_1920 = arith.constant 0 : i32
        %lt3A_1921 = vector.broadcast %lt3A_1920 : i32 to vector<16xi32>
        %lt3A_1922 = arith.cmpi slt, %xor3A_1919, %lt3A_1921 : vector<16xi32>
        %add3A_1923 = arith.constant 16 : i32
        %add3A_1924 = vector.broadcast %add3A_1923 : i32 to vector<16xi32>
        %add3A_1925 = arith.addi %xor3A_1919, %add3A_1924 : vector<16xi32>
        %select_n3A_1926 = arith.select %lt3A_1922, %add3A_1925, %xor3A_1919 : vector<16xi1>, vector<16xi32>
        %broadcast_in_dim3A_1927 = vector.shape_cast %select_n3A_1926 : vector<16xi32> to vector<16x1xi32>
        %gather3A_1928 = vector.shape_cast %broadcast_in_dim3A_1927 : vector<16x1xi32> to vector<16xi32>
        %gather3A_1929 = tpu.dynamic_gather %add3A_1916[%gather3A_1928] in [0] : vector<16xf32>, vector<16xi32> -> vector<16xf32>
        %add3A_1930 = arith.addf %add3A_1916, %gather3A_1929 : vector<16xf32>
        %eq3A_1931 = arith.constant 15 : i32
        %eq3A_1932 = vector.broadcast %eq3A_1931 : i32 to vector<16xi32>
        %eq3A_1933 = arith.cmpi eq, %iota3A, %eq3A_1932 : vector<16xi32>
        %select_n3A_1934 = arith.select %eq3A_1933, %add3A_1930, %select_n3A_1823 : vector<16xi1>, vector<16xf32>
        %add3A_1935 = arith.constant 1 : i32
        %add3A_1936 = arith.addi %mul3A_126, %add3A_1935 : i32
        %add3A_1937 = arith.constant 16 : i32
        %add3A_1938 = arith.addi %add3A_1936, %add3A_1937 : i32
        %get3A_1939 = arith.index_cast %add3A_1938 : i32 to index
        %get3A_1940 = arith.constant 0 : index
        %get3A_1941 = tpu.vector_load %arg9[%get3A_1939, %get3A_1940] {strides = array<i32>} : memref<336x128xf32, #tpu.memory_space<vmem>>, vector<1x16xf32>,
        %get3A_1942 = vector.shape_cast %get3A_1941 : vector<1x16xf32> to vector<16xf32>
        %mul3A_1943 = arith.mulf %get3A_129, %get3A_1942 : vector<16xf32>
        %get3A_1944 = arith.index_cast %add3A_1938 : i32 to index
        %get3A_1945 = arith.constant 16 : index
        %get3A_1946 = tpu.vector_load %arg9[%get3A_1944, %get3A_1945] {strides = array<i32>} : memref<336x128xf32, #tpu.memory_space<vmem>>, vector<1x16xf32>,
        %get3A_1947 = vector.shape_cast %get3A_1946 : vector<1x16xf32> to vector<16xf32>
        %mul3A_1948 = arith.mulf %get3A_133, %get3A_1947 : vector<16xf32>
        %add3A_1949 = arith.addf %mul3A_1943, %mul3A_1948 : vector<16xf32>
        %get3A_1950 = arith.index_cast %add3A_1938 : i32 to index
        %get3A_1951 = arith.constant 32 : index
        %get3A_1952 = tpu.vector_load %arg9[%get3A_1950, %get3A_1951] {strides = array<i32>} : memref<336x128xf32, #tpu.memory_space<vmem>>, vector<1x16xf32>,
        %get3A_1953 = vector.shape_cast %get3A_1952 : vector<1x16xf32> to vector<16xf32>
        %mul3A_1954 = arith.mulf %get3A_137, %get3A_1953 : vector<16xf32>
        %add3A_1955 = arith.addf %add3A_1949, %mul3A_1954 : vector<16xf32>
        %get3A_1956 = arith.index_cast %add3A_1938 : i32 to index
        %get3A_1957 = arith.constant 48 : index
        %get3A_1958 = tpu.vector_load %arg9[%get3A_1956, %get3A_1957] {strides = array<i32>} : memref<336x128xf32, #tpu.memory_space<vmem>>, vector<1x16xf32>,
        %get3A_1959 = vector.shape_cast %get3A_1958 : vector<1x16xf32> to vector<16xf32>
        %mul3A_1960 = arith.mulf %get3A_141, %get3A_1959 : vector<16xf32>
        %add3A_1961 = arith.addf %add3A_1955, %mul3A_1960 : vector<16xf32>
        %get3A_1962 = arith.index_cast %add3A_1938 : i32 to index
        %get3A_1963 = arith.constant 64 : index
        %get3A_1964 = tpu.vector_load %arg9[%get3A_1962, %get3A_1963] {strides = array<i32>} : memref<336x128xf32, #tpu.memory_space<vmem>>, vector<1x16xf32>,
        %get3A_1965 = vector.shape_cast %get3A_1964 : vector<1x16xf32> to vector<16xf32>
        %mul3A_1966 = arith.mulf %get3A_145, %get3A_1965 : vector<16xf32>
        %add3A_1967 = arith.addf %add3A_1961, %mul3A_1966 : vector<16xf32>
        %get3A_1968 = arith.index_cast %add3A_1938 : i32 to index
        %get3A_1969 = arith.constant 80 : index
        %get3A_1970 = tpu.vector_load %arg9[%get3A_1968, %get3A_1969] {strides = array<i32>} : memref<336x128xf32, #tpu.memory_space<vmem>>, vector<1x16xf32>,
        %get3A_1971 = vector.shape_cast %get3A_1970 : vector<1x16xf32> to vector<16xf32>
        %mul3A_1972 = arith.mulf %get3A_149, %get3A_1971 : vector<16xf32>
        %add3A_1973 = arith.addf %add3A_1967, %mul3A_1972 : vector<16xf32>
        %get3A_1974 = arith.index_cast %add3A_1938 : i32 to index
        %get3A_1975 = arith.constant 96 : index
        %get3A_1976 = tpu.vector_load %arg9[%get3A_1974, %get3A_1975] {strides = array<i32>} : memref<336x128xf32, #tpu.memory_space<vmem>>, vector<1x16xf32>,
        %get3A_1977 = vector.shape_cast %get3A_1976 : vector<1x16xf32> to vector<16xf32>
        %mul3A_1978 = arith.mulf %get3A_153, %get3A_1977 : vector<16xf32>
        %add3A_1979 = arith.addf %add3A_1973, %mul3A_1978 : vector<16xf32>
        %get3A_1980 = arith.index_cast %add3A_1938 : i32 to index
        %get3A_1981 = arith.constant 112 : index
        %get3A_1982 = tpu.vector_load %arg9[%get3A_1980, %get3A_1981] {strides = array<i32>} : memref<336x128xf32, #tpu.memory_space<vmem>>, vector<1x16xf32>,
        %get3A_1983 = vector.shape_cast %get3A_1982 : vector<1x16xf32> to vector<16xf32>
        %mul3A_1984 = arith.mulf %get3A_157, %get3A_1983 : vector<16xf32>
        %add3A_1985 = arith.addf %add3A_1979, %mul3A_1984 : vector<16xf32>
        %xor3A_1986 = arith.constant 8 : i32
        %xor3A_1987 = vector.broadcast %xor3A_1986 : i32 to vector<16xi32>
        %xor3A_1988 = arith.xori %iota3A, %xor3A_1987 : vector<16xi32>
        %lt3A_1989 = arith.constant 0 : i32
        %lt3A_1990 = vector.broadcast %lt3A_1989 : i32 to vector<16xi32>
        %lt3A_1991 = arith.cmpi slt, %xor3A_1988, %lt3A_1990 : vector<16xi32>
        %add3A_1992 = arith.constant 16 : i32
        %add3A_1993 = vector.broadcast %add3A_1992 : i32 to vector<16xi32>
        %add3A_1994 = arith.addi %xor3A_1988, %add3A_1993 : vector<16xi32>
        %select_n3A_1995 = arith.select %lt3A_1991, %add3A_1994, %xor3A_1988 : vector<16xi1>, vector<16xi32>
        %broadcast_in_dim3A_1996 = vector.shape_cast %select_n3A_1995 : vector<16xi32> to vector<16x1xi32>
        %gather3A_1997 = vector.shape_cast %broadcast_in_dim3A_1996 : vector<16x1xi32> to vector<16xi32>
        %gather3A_1998 = tpu.dynamic_gather %add3A_1985[%gather3A_1997] in [0] : vector<16xf32>, vector<16xi32> -> vector<16xf32>
        %add3A_1999 = arith.addf %add3A_1985, %gather3A_1998 : vector<16xf32>
        %xor3A_2000 = arith.constant 4 : i32
        %xor3A_2001 = vector.broadcast %xor3A_2000 : i32 to vector<16xi32>
        %xor3A_2002 = arith.xori %iota3A, %xor3A_2001 : vector<16xi32>
        %lt3A_2003 = arith.constant 0 : i32
        %lt3A_2004 = vector.broadcast %lt3A_2003 : i32 to vector<16xi32>
        %lt3A_2005 = arith.cmpi slt, %xor3A_2002, %lt3A_2004 : vector<16xi32>
        %add3A_2006 = arith.constant 16 : i32
        %add3A_2007 = vector.broadcast %add3A_2006 : i32 to vector<16xi32>
        %add3A_2008 = arith.addi %xor3A_2002, %add3A_2007 : vector<16xi32>
        %select_n3A_2009 = arith.select %lt3A_2005, %add3A_2008, %xor3A_2002 : vector<16xi1>, vector<16xi32>
        %broadcast_in_dim3A_2010 = vector.shape_cast %select_n3A_2009 : vector<16xi32> to vector<16x1xi32>
        %gather3A_2011 = vector.shape_cast %broadcast_in_dim3A_2010 : vector<16x1xi32> to vector<16xi32>
        %gather3A_2012 = tpu.dynamic_gather %add3A_1999[%gather3A_2011] in [0] : vector<16xf32>, vector<16xi32> -> vector<16xf32>
        %add3A_2013 = arith.addf %add3A_1999, %gather3A_2012 : vector<16xf32>
        %xor3A_2014 = arith.constant 2 : i32
        %xor3A_2015 = vector.broadcast %xor3A_2014 : i32 to vector<16xi32>
        %xor3A_2016 = arith.xori %iota3A, %xor3A_2015 : vector<16xi32>
        %lt3A_2017 = arith.constant 0 : i32
        %lt3A_2018 = vector.broadcast %lt3A_2017 : i32 to vector<16xi32>
        %lt3A_2019 = arith.cmpi slt, %xor3A_2016, %lt3A_2018 : vector<16xi32>
        %add3A_2020 = arith.constant 16 : i32
        %add3A_2021 = vector.broadcast %add3A_2020 : i32 to vector<16xi32>
        %add3A_2022 = arith.addi %xor3A_2016, %add3A_2021 : vector<16xi32>
        %select_n3A_2023 = arith.select %lt3A_2019, %add3A_2022, %xor3A_2016 : vector<16xi1>, vector<16xi32>
        %broadcast_in_dim3A_2024 = vector.shape_cast %select_n3A_2023 : vector<16xi32> to vector<16x1xi32>
        %gather3A_2025 = vector.shape_cast %broadcast_in_dim3A_2024 : vector<16x1xi32> to vector<16xi32>
        %gather3A_2026 = tpu.dynamic_gather %add3A_2013[%gather3A_2025] in [0] : vector<16xf32>, vector<16xi32> -> vector<16xf32>
        %add3A_2027 = arith.addf %add3A_2013, %gather3A_2026 : vector<16xf32>
        %xor3A_2028 = arith.constant 1 : i32
        %xor3A_2029 = vector.broadcast %xor3A_2028 : i32 to vector<16xi32>
        %xor3A_2030 = arith.xori %iota3A, %xor3A_2029 : vector<16xi32>
        %lt3A_2031 = arith.constant 0 : i32
        %lt3A_2032 = vector.broadcast %lt3A_2031 : i32 to vector<16xi32>
        %lt3A_2033 = arith.cmpi slt, %xor3A_2030, %lt3A_2032 : vector<16xi32>
        %add3A_2034 = arith.constant 16 : i32
        %add3A_2035 = vector.broadcast %add3A_2034 : i32 to vector<16xi32>
        %add3A_2036 = arith.addi %xor3A_2030, %add3A_2035 : vector<16xi32>
        %select_n3A_2037 = arith.select %lt3A_2033, %add3A_2036, %xor3A_2030 : vector<16xi1>, vector<16xi32>
        %broadcast_in_dim3A_2038 = vector.shape_cast %select_n3A_2037 : vector<16xi32> to vector<16x1xi32>
        %gather3A_2039 = vector.shape_cast %broadcast_in_dim3A_2038 : vector<16x1xi32> to vector<16xi32>
        %gather3A_2040 = tpu.dynamic_gather %add3A_2027[%gather3A_2039] in [0] : vector<16xf32>, vector<16xi32> -> vector<16xf32>
        %add3A_2041 = arith.addf %add3A_2027, %gather3A_2040 : vector<16xf32>
        %eq3A_2042 = arith.constant 0 : i32
        %eq3A_2043 = vector.broadcast %eq3A_2042 : i32 to vector<16xi32>
        %eq3A_2044 = arith.cmpi eq, %iota3A, %eq3A_2043 : vector<16xi32>
        %select_n3A_2045 = arith.select %eq3A_2044, %add3A_2041, %broadcast_in_dim3A_160 : vector<16xi1>, vector<16xf32>
        %add3A_2046 = arith.constant 1 : i32
        %add3A_2047 = arith.addi %mul3A_126, %add3A_2046 : i32
        %add3A_2048 = arith.constant 17 : i32
        %add3A_2049 = arith.addi %add3A_2047, %add3A_2048 : i32
        %get3A_2050 = arith.index_cast %add3A_2049 : i32 to index
        %get3A_2051 = arith.constant 0 : index
        %get3A_2052 = tpu.vector_load %arg9[%get3A_2050, %get3A_2051] {strides = array<i32>} : memref<336x128xf32, #tpu.memory_space<vmem>>, vector<1x16xf32>,
        %get3A_2053 = vector.shape_cast %get3A_2052 : vector<1x16xf32> to vector<16xf32>
        %mul3A_2054 = arith.mulf %get3A_129, %get3A_2053 : vector<16xf32>
        %get3A_2055 = arith.index_cast %add3A_2049 : i32 to index
        %get3A_2056 = arith.constant 16 : index
        %get3A_2057 = tpu.vector_load %arg9[%get3A_2055, %get3A_2056] {strides = array<i32>} : memref<336x128xf32, #tpu.memory_space<vmem>>, vector<1x16xf32>,
        %get3A_2058 = vector.shape_cast %get3A_2057 : vector<1x16xf32> to vector<16xf32>
        %mul3A_2059 = arith.mulf %get3A_133, %get3A_2058 : vector<16xf32>
        %add3A_2060 = arith.addf %mul3A_2054, %mul3A_2059 : vector<16xf32>
        %get3A_2061 = arith.index_cast %add3A_2049 : i32 to index
        %get3A_2062 = arith.constant 32 : index
        %get3A_2063 = tpu.vector_load %arg9[%get3A_2061, %get3A_2062] {strides = array<i32>} : memref<336x128xf32, #tpu.memory_space<vmem>>, vector<1x16xf32>,
        %get3A_2064 = vector.shape_cast %get3A_2063 : vector<1x16xf32> to vector<16xf32>
        %mul3A_2065 = arith.mulf %get3A_137, %get3A_2064 : vector<16xf32>
        %add3A_2066 = arith.addf %add3A_2060, %mul3A_2065 : vector<16xf32>
        %get3A_2067 = arith.index_cast %add3A_2049 : i32 to index
        %get3A_2068 = arith.constant 48 : index
        %get3A_2069 = tpu.vector_load %arg9[%get3A_2067, %get3A_2068] {strides = array<i32>} : memref<336x128xf32, #tpu.memory_space<vmem>>, vector<1x16xf32>,
        %get3A_2070 = vector.shape_cast %get3A_2069 : vector<1x16xf32> to vector<16xf32>
        %mul3A_2071 = arith.mulf %get3A_141, %get3A_2070 : vector<16xf32>
        %add3A_2072 = arith.addf %add3A_2066, %mul3A_2071 : vector<16xf32>
        %get3A_2073 = arith.index_cast %add3A_2049 : i32 to index
        %get3A_2074 = arith.constant 64 : index
        %get3A_2075 = tpu.vector_load %arg9[%get3A_2073, %get3A_2074] {strides = array<i32>} : memref<336x128xf32, #tpu.memory_space<vmem>>, vector<1x16xf32>,
        %get3A_2076 = vector.shape_cast %get3A_2075 : vector<1x16xf32> to vector<16xf32>
        %mul3A_2077 = arith.mulf %get3A_145, %get3A_2076 : vector<16xf32>
        %add3A_2078 = arith.addf %add3A_2072, %mul3A_2077 : vector<16xf32>
        %get3A_2079 = arith.index_cast %add3A_2049 : i32 to index
        %get3A_2080 = arith.constant 80 : index
        %get3A_2081 = tpu.vector_load %arg9[%get3A_2079, %get3A_2080] {strides = array<i32>} : memref<336x128xf32, #tpu.memory_space<vmem>>, vector<1x16xf32>,
        %get3A_2082 = vector.shape_cast %get3A_2081 : vector<1x16xf32> to vector<16xf32>
        %mul3A_2083 = arith.mulf %get3A_149, %get3A_2082 : vector<16xf32>
        %add3A_2084 = arith.addf %add3A_2078, %mul3A_2083 : vector<16xf32>
        %get3A_2085 = arith.index_cast %add3A_2049 : i32 to index
        %get3A_2086 = arith.constant 96 : index
        %get3A_2087 = tpu.vector_load %arg9[%get3A_2085, %get3A_2086] {strides = array<i32>} : memref<336x128xf32, #tpu.memory_space<vmem>>, vector<1x16xf32>,
        %get3A_2088 = vector.shape_cast %get3A_2087 : vector<1x16xf32> to vector<16xf32>
        %mul3A_2089 = arith.mulf %get3A_153, %get3A_2088 : vector<16xf32>
        %add3A_2090 = arith.addf %add3A_2084, %mul3A_2089 : vector<16xf32>
        %get3A_2091 = arith.index_cast %add3A_2049 : i32 to index
        %get3A_2092 = arith.constant 112 : index
        %get3A_2093 = tpu.vector_load %arg9[%get3A_2091, %get3A_2092] {strides = array<i32>} : memref<336x128xf32, #tpu.memory_space<vmem>>, vector<1x16xf32>,
        %get3A_2094 = vector.shape_cast %get3A_2093 : vector<1x16xf32> to vector<16xf32>
        %mul3A_2095 = arith.mulf %get3A_157, %get3A_2094 : vector<16xf32>
        %add3A_2096 = arith.addf %add3A_2090, %mul3A_2095 : vector<16xf32>
        %xor3A_2097 = arith.constant 8 : i32
        %xor3A_2098 = vector.broadcast %xor3A_2097 : i32 to vector<16xi32>
        %xor3A_2099 = arith.xori %iota3A, %xor3A_2098 : vector<16xi32>
        %lt3A_2100 = arith.constant 0 : i32
        %lt3A_2101 = vector.broadcast %lt3A_2100 : i32 to vector<16xi32>
        %lt3A_2102 = arith.cmpi slt, %xor3A_2099, %lt3A_2101 : vector<16xi32>
        %add3A_2103 = arith.constant 16 : i32
        %add3A_2104 = vector.broadcast %add3A_2103 : i32 to vector<16xi32>
        %add3A_2105 = arith.addi %xor3A_2099, %add3A_2104 : vector<16xi32>
        %select_n3A_2106 = arith.select %lt3A_2102, %add3A_2105, %xor3A_2099 : vector<16xi1>, vector<16xi32>
        %broadcast_in_dim3A_2107 = vector.shape_cast %select_n3A_2106 : vector<16xi32> to vector<16x1xi32>
        %gather3A_2108 = vector.shape_cast %broadcast_in_dim3A_2107 : vector<16x1xi32> to vector<16xi32>
        %gather3A_2109 = tpu.dynamic_gather %add3A_2096[%gather3A_2108] in [0] : vector<16xf32>, vector<16xi32> -> vector<16xf32>
        %add3A_2110 = arith.addf %add3A_2096, %gather3A_2109 : vector<16xf32>
        %xor3A_2111 = arith.constant 4 : i32
        %xor3A_2112 = vector.broadcast %xor3A_2111 : i32 to vector<16xi32>
        %xor3A_2113 = arith.xori %iota3A, %xor3A_2112 : vector<16xi32>
        %lt3A_2114 = arith.constant 0 : i32
        %lt3A_2115 = vector.broadcast %lt3A_2114 : i32 to vector<16xi32>
        %lt3A_2116 = arith.cmpi slt, %xor3A_2113, %lt3A_2115 : vector<16xi32>
        %add3A_2117 = arith.constant 16 : i32
        %add3A_2118 = vector.broadcast %add3A_2117 : i32 to vector<16xi32>
        %add3A_2119 = arith.addi %xor3A_2113, %add3A_2118 : vector<16xi32>
        %select_n3A_2120 = arith.select %lt3A_2116, %add3A_2119, %xor3A_2113 : vector<16xi1>, vector<16xi32>
        %broadcast_in_dim3A_2121 = vector.shape_cast %select_n3A_2120 : vector<16xi32> to vector<16x1xi32>
        %gather3A_2122 = vector.shape_cast %broadcast_in_dim3A_2121 : vector<16x1xi32> to vector<16xi32>
        %gather3A_2123 = tpu.dynamic_gather %add3A_2110[%gather3A_2122] in [0] : vector<16xf32>, vector<16xi32> -> vector<16xf32>
        %add3A_2124 = arith.addf %add3A_2110, %gather3A_2123 : vector<16xf32>
        %xor3A_2125 = arith.constant 2 : i32
        %xor3A_2126 = vector.broadcast %xor3A_2125 : i32 to vector<16xi32>
        %xor3A_2127 = arith.xori %iota3A, %xor3A_2126 : vector<16xi32>
        %lt3A_2128 = arith.constant 0 : i32
        %lt3A_2129 = vector.broadcast %lt3A_2128 : i32 to vector<16xi32>
        %lt3A_2130 = arith.cmpi slt, %xor3A_2127, %lt3A_2129 : vector<16xi32>
        %add3A_2131 = arith.constant 16 : i32
        %add3A_2132 = vector.broadcast %add3A_2131 : i32 to vector<16xi32>
        %add3A_2133 = arith.addi %xor3A_2127, %add3A_2132 : vector<16xi32>
        %select_n3A_2134 = arith.select %lt3A_2130, %add3A_2133, %xor3A_2127 : vector<16xi1>, vector<16xi32>
        %broadcast_in_dim3A_2135 = vector.shape_cast %select_n3A_2134 : vector<16xi32> to vector<16x1xi32>
        %gather3A_2136 = vector.shape_cast %broadcast_in_dim3A_2135 : vector<16x1xi32> to vector<16xi32>
        %gather3A_2137 = tpu.dynamic_gather %add3A_2124[%gather3A_2136] in [0] : vector<16xf32>, vector<16xi32> -> vector<16xf32>
        %add3A_2138 = arith.addf %add3A_2124, %gather3A_2137 : vector<16xf32>
        %xor3A_2139 = arith.constant 1 : i32
        %xor3A_2140 = vector.broadcast %xor3A_2139 : i32 to vector<16xi32>
        %xor3A_2141 = arith.xori %iota3A, %xor3A_2140 : vector<16xi32>
        %lt3A_2142 = arith.constant 0 : i32
        %lt3A_2143 = vector.broadcast %lt3A_2142 : i32 to vector<16xi32>
        %lt3A_2144 = arith.cmpi slt, %xor3A_2141, %lt3A_2143 : vector<16xi32>
        %add3A_2145 = arith.constant 16 : i32
        %add3A_2146 = vector.broadcast %add3A_2145 : i32 to vector<16xi32>
        %add3A_2147 = arith.addi %xor3A_2141, %add3A_2146 : vector<16xi32>
        %select_n3A_2148 = arith.select %lt3A_2144, %add3A_2147, %xor3A_2141 : vector<16xi1>, vector<16xi32>
        %broadcast_in_dim3A_2149 = vector.shape_cast %select_n3A_2148 : vector<16xi32> to vector<16x1xi32>
        %gather3A_2150 = vector.shape_cast %broadcast_in_dim3A_2149 : vector<16x1xi32> to vector<16xi32>
        %gather3A_2151 = tpu.dynamic_gather %add3A_2138[%gather3A_2150] in [0] : vector<16xf32>, vector<16xi32> -> vector<16xf32>
        %add3A_2152 = arith.addf %add3A_2138, %gather3A_2151 : vector<16xf32>
        %eq3A_2153 = arith.constant 1 : i32
        %eq3A_2154 = vector.broadcast %eq3A_2153 : i32 to vector<16xi32>
        %eq3A_2155 = arith.cmpi eq, %iota3A, %eq3A_2154 : vector<16xi32>
        %select_n3A_2156 = arith.select %eq3A_2155, %add3A_2152, %select_n3A_2045 : vector<16xi1>, vector<16xf32>
        %add3A_2157 = arith.constant 1 : i32
        %add3A_2158 = arith.addi %mul3A_126, %add3A_2157 : i32
        %add3A_2159 = arith.constant 18 : i32
        %add3A_2160 = arith.addi %add3A_2158, %add3A_2159 : i32
        %get3A_2161 = arith.index_cast %add3A_2160 : i32 to index
        %get3A_2162 = arith.constant 0 : index
        %get3A_2163 = tpu.vector_load %arg9[%get3A_2161, %get3A_2162] {strides = array<i32>} : memref<336x128xf32, #tpu.memory_space<vmem>>, vector<1x16xf32>,
        %get3A_2164 = vector.shape_cast %get3A_2163 : vector<1x16xf32> to vector<16xf32>
        %mul3A_2165 = arith.mulf %get3A_129, %get3A_2164 : vector<16xf32>
        %get3A_2166 = arith.index_cast %add3A_2160 : i32 to index
        %get3A_2167 = arith.constant 16 : index
        %get3A_2168 = tpu.vector_load %arg9[%get3A_2166, %get3A_2167] {strides = array<i32>} : memref<336x128xf32, #tpu.memory_space<vmem>>, vector<1x16xf32>,
        %get3A_2169 = vector.shape_cast %get3A_2168 : vector<1x16xf32> to vector<16xf32>
        %mul3A_2170 = arith.mulf %get3A_133, %get3A_2169 : vector<16xf32>
        %add3A_2171 = arith.addf %mul3A_2165, %mul3A_2170 : vector<16xf32>
        %get3A_2172 = arith.index_cast %add3A_2160 : i32 to index
        %get3A_2173 = arith.constant 32 : index
        %get3A_2174 = tpu.vector_load %arg9[%get3A_2172, %get3A_2173] {strides = array<i32>} : memref<336x128xf32, #tpu.memory_space<vmem>>, vector<1x16xf32>,
        %get3A_2175 = vector.shape_cast %get3A_2174 : vector<1x16xf32> to vector<16xf32>
        %mul3A_2176 = arith.mulf %get3A_137, %get3A_2175 : vector<16xf32>
        %add3A_2177 = arith.addf %add3A_2171, %mul3A_2176 : vector<16xf32>
        %get3A_2178 = arith.index_cast %add3A_2160 : i32 to index
        %get3A_2179 = arith.constant 48 : index
        %get3A_2180 = tpu.vector_load %arg9[%get3A_2178, %get3A_2179] {strides = array<i32>} : memref<336x128xf32, #tpu.memory_space<vmem>>, vector<1x16xf32>,
        %get3A_2181 = vector.shape_cast %get3A_2180 : vector<1x16xf32> to vector<16xf32>
        %mul3A_2182 = arith.mulf %get3A_141, %get3A_2181 : vector<16xf32>
        %add3A_2183 = arith.addf %add3A_2177, %mul3A_2182 : vector<16xf32>
        %get3A_2184 = arith.index_cast %add3A_2160 : i32 to index
        %get3A_2185 = arith.constant 64 : index
        %get3A_2186 = tpu.vector_load %arg9[%get3A_2184, %get3A_2185] {strides = array<i32>} : memref<336x128xf32, #tpu.memory_space<vmem>>, vector<1x16xf32>,
        %get3A_2187 = vector.shape_cast %get3A_2186 : vector<1x16xf32> to vector<16xf32>
        %mul3A_2188 = arith.mulf %get3A_145, %get3A_2187 : vector<16xf32>
        %add3A_2189 = arith.addf %add3A_2183, %mul3A_2188 : vector<16xf32>
        %get3A_2190 = arith.index_cast %add3A_2160 : i32 to index
        %get3A_2191 = arith.constant 80 : index
        %get3A_2192 = tpu.vector_load %arg9[%get3A_2190, %get3A_2191] {strides = array<i32>} : memref<336x128xf32, #tpu.memory_space<vmem>>, vector<1x16xf32>,
        %get3A_2193 = vector.shape_cast %get3A_2192 : vector<1x16xf32> to vector<16xf32>
        %mul3A_2194 = arith.mulf %get3A_149, %get3A_2193 : vector<16xf32>
        %add3A_2195 = arith.addf %add3A_2189, %mul3A_2194 : vector<16xf32>
        %get3A_2196 = arith.index_cast %add3A_2160 : i32 to index
        %get3A_2197 = arith.constant 96 : index
        %get3A_2198 = tpu.vector_load %arg9[%get3A_2196, %get3A_2197] {strides = array<i32>} : memref<336x128xf32, #tpu.memory_space<vmem>>, vector<1x16xf32>,
        %get3A_2199 = vector.shape_cast %get3A_2198 : vector<1x16xf32> to vector<16xf32>
        %mul3A_2200 = arith.mulf %get3A_153, %get3A_2199 : vector<16xf32>
        %add3A_2201 = arith.addf %add3A_2195, %mul3A_2200 : vector<16xf32>
        %get3A_2202 = arith.index_cast %add3A_2160 : i32 to index
        %get3A_2203 = arith.constant 112 : index
        %get3A_2204 = tpu.vector_load %arg9[%get3A_2202, %get3A_2203] {strides = array<i32>} : memref<336x128xf32, #tpu.memory_space<vmem>>, vector<1x16xf32>,
        %get3A_2205 = vector.shape_cast %get3A_2204 : vector<1x16xf32> to vector<16xf32>
        %mul3A_2206 = arith.mulf %get3A_157, %get3A_2205 : vector<16xf32>
        %add3A_2207 = arith.addf %add3A_2201, %mul3A_2206 : vector<16xf32>
        %xor3A_2208 = arith.constant 8 : i32
        %xor3A_2209 = vector.broadcast %xor3A_2208 : i32 to vector<16xi32>
        %xor3A_2210 = arith.xori %iota3A, %xor3A_2209 : vector<16xi32>
        %lt3A_2211 = arith.constant 0 : i32
        %lt3A_2212 = vector.broadcast %lt3A_2211 : i32 to vector<16xi32>
        %lt3A_2213 = arith.cmpi slt, %xor3A_2210, %lt3A_2212 : vector<16xi32>
        %add3A_2214 = arith.constant 16 : i32
        %add3A_2215 = vector.broadcast %add3A_2214 : i32 to vector<16xi32>
        %add3A_2216 = arith.addi %xor3A_2210, %add3A_2215 : vector<16xi32>
        %select_n3A_2217 = arith.select %lt3A_2213, %add3A_2216, %xor3A_2210 : vector<16xi1>, vector<16xi32>
        %broadcast_in_dim3A_2218 = vector.shape_cast %select_n3A_2217 : vector<16xi32> to vector<16x1xi32>
        %gather3A_2219 = vector.shape_cast %broadcast_in_dim3A_2218 : vector<16x1xi32> to vector<16xi32>
        %gather3A_2220 = tpu.dynamic_gather %add3A_2207[%gather3A_2219] in [0] : vector<16xf32>, vector<16xi32> -> vector<16xf32>
        %add3A_2221 = arith.addf %add3A_2207, %gather3A_2220 : vector<16xf32>
        %xor3A_2222 = arith.constant 4 : i32
        %xor3A_2223 = vector.broadcast %xor3A_2222 : i32 to vector<16xi32>
        %xor3A_2224 = arith.xori %iota3A, %xor3A_2223 : vector<16xi32>
        %lt3A_2225 = arith.constant 0 : i32
        %lt3A_2226 = vector.broadcast %lt3A_2225 : i32 to vector<16xi32>
        %lt3A_2227 = arith.cmpi slt, %xor3A_2224, %lt3A_2226 : vector<16xi32>
        %add3A_2228 = arith.constant 16 : i32
        %add3A_2229 = vector.broadcast %add3A_2228 : i32 to vector<16xi32>
        %add3A_2230 = arith.addi %xor3A_2224, %add3A_2229 : vector<16xi32>
        %select_n3A_2231 = arith.select %lt3A_2227, %add3A_2230, %xor3A_2224 : vector<16xi1>, vector<16xi32>
        %broadcast_in_dim3A_2232 = vector.shape_cast %select_n3A_2231 : vector<16xi32> to vector<16x1xi32>
        %gather3A_2233 = vector.shape_cast %broadcast_in_dim3A_2232 : vector<16x1xi32> to vector<16xi32>
        %gather3A_2234 = tpu.dynamic_gather %add3A_2221[%gather3A_2233] in [0] : vector<16xf32>, vector<16xi32> -> vector<16xf32>
        %add3A_2235 = arith.addf %add3A_2221, %gather3A_2234 : vector<16xf32>
        %xor3A_2236 = arith.constant 2 : i32
        %xor3A_2237 = vector.broadcast %xor3A_2236 : i32 to vector<16xi32>
        %xor3A_2238 = arith.xori %iota3A, %xor3A_2237 : vector<16xi32>
        %lt3A_2239 = arith.constant 0 : i32
        %lt3A_2240 = vector.broadcast %lt3A_2239 : i32 to vector<16xi32>
        %lt3A_2241 = arith.cmpi slt, %xor3A_2238, %lt3A_2240 : vector<16xi32>
        %add3A_2242 = arith.constant 16 : i32
        %add3A_2243 = vector.broadcast %add3A_2242 : i32 to vector<16xi32>
        %add3A_2244 = arith.addi %xor3A_2238, %add3A_2243 : vector<16xi32>
        %select_n3A_2245 = arith.select %lt3A_2241, %add3A_2244, %xor3A_2238 : vector<16xi1>, vector<16xi32>
        %broadcast_in_dim3A_2246 = vector.shape_cast %select_n3A_2245 : vector<16xi32> to vector<16x1xi32>
        %gather3A_2247 = vector.shape_cast %broadcast_in_dim3A_2246 : vector<16x1xi32> to vector<16xi32>
        %gather3A_2248 = tpu.dynamic_gather %add3A_2235[%gather3A_2247] in [0] : vector<16xf32>, vector<16xi32> -> vector<16xf32>
        %add3A_2249 = arith.addf %add3A_2235, %gather3A_2248 : vector<16xf32>
        %xor3A_2250 = arith.constant 1 : i32
        %xor3A_2251 = vector.broadcast %xor3A_2250 : i32 to vector<16xi32>
        %xor3A_2252 = arith.xori %iota3A, %xor3A_2251 : vector<16xi32>
        %lt3A_2253 = arith.constant 0 : i32
        %lt3A_2254 = vector.broadcast %lt3A_2253 : i32 to vector<16xi32>
        %lt3A_2255 = arith.cmpi slt, %xor3A_2252, %lt3A_2254 : vector<16xi32>
        %add3A_2256 = arith.constant 16 : i32
        %add3A_2257 = vector.broadcast %add3A_2256 : i32 to vector<16xi32>
        %add3A_2258 = arith.addi %xor3A_2252, %add3A_2257 : vector<16xi32>
        %select_n3A_2259 = arith.select %lt3A_2255, %add3A_2258, %xor3A_2252 : vector<16xi1>, vector<16xi32>
        %broadcast_in_dim3A_2260 = vector.shape_cast %select_n3A_2259 : vector<16xi32> to vector<16x1xi32>
        %gather3A_2261 = vector.shape_cast %broadcast_in_dim3A_2260 : vector<16x1xi32> to vector<16xi32>
        %gather3A_2262 = tpu.dynamic_gather %add3A_2249[%gather3A_2261] in [0] : vector<16xf32>, vector<16xi32> -> vector<16xf32>
        %add3A_2263 = arith.addf %add3A_2249, %gather3A_2262 : vector<16xf32>
        %eq3A_2264 = arith.constant 2 : i32
        %eq3A_2265 = vector.broadcast %eq3A_2264 : i32 to vector<16xi32>
        %eq3A_2266 = arith.cmpi eq, %iota3A, %eq3A_2265 : vector<16xi32>
        %select_n3A_2267 = arith.select %eq3A_2266, %add3A_2263, %select_n3A_2156 : vector<16xi1>, vector<16xf32>
        %add3A_2268 = arith.constant 1 : i32
        %add3A_2269 = arith.addi %mul3A_126, %add3A_2268 : i32
        %add3A_2270 = arith.constant 19 : i32
        %add3A_2271 = arith.addi %add3A_2269, %add3A_2270 : i32
        %get3A_2272 = arith.index_cast %add3A_2271 : i32 to index
        %get3A_2273 = arith.constant 0 : index
        %get3A_2274 = tpu.vector_load %arg9[%get3A_2272, %get3A_2273] {strides = array<i32>} : memref<336x128xf32, #tpu.memory_space<vmem>>, vector<1x16xf32>,
        %get3A_2275 = vector.shape_cast %get3A_2274 : vector<1x16xf32> to vector<16xf32>
        %mul3A_2276 = arith.mulf %get3A_129, %get3A_2275 : vector<16xf32>
        %get3A_2277 = arith.index_cast %add3A_2271 : i32 to index
        %get3A_2278 = arith.constant 16 : index
        %get3A_2279 = tpu.vector_load %arg9[%get3A_2277, %get3A_2278] {strides = array<i32>} : memref<336x128xf32, #tpu.memory_space<vmem>>, vector<1x16xf32>,
        %get3A_2280 = vector.shape_cast %get3A_2279 : vector<1x16xf32> to vector<16xf32>
        %mul3A_2281 = arith.mulf %get3A_133, %get3A_2280 : vector<16xf32>
        %add3A_2282 = arith.addf %mul3A_2276, %mul3A_2281 : vector<16xf32>
        %get3A_2283 = arith.index_cast %add3A_2271 : i32 to index
        %get3A_2284 = arith.constant 32 : index
        %get3A_2285 = tpu.vector_load %arg9[%get3A_2283, %get3A_2284] {strides = array<i32>} : memref<336x128xf32, #tpu.memory_space<vmem>>, vector<1x16xf32>,
        %get3A_2286 = vector.shape_cast %get3A_2285 : vector<1x16xf32> to vector<16xf32>
        %mul3A_2287 = arith.mulf %get3A_137, %get3A_2286 : vector<16xf32>
        %add3A_2288 = arith.addf %add3A_2282, %mul3A_2287 : vector<16xf32>
        %get3A_2289 = arith.index_cast %add3A_2271 : i32 to index
        %get3A_2290 = arith.constant 48 : index
        %get3A_2291 = tpu.vector_load %arg9[%get3A_2289, %get3A_2290] {strides = array<i32>} : memref<336x128xf32, #tpu.memory_space<vmem>>, vector<1x16xf32>,
        %get3A_2292 = vector.shape_cast %get3A_2291 : vector<1x16xf32> to vector<16xf32>
        %mul3A_2293 = arith.mulf %get3A_141, %get3A_2292 : vector<16xf32>
        %add3A_2294 = arith.addf %add3A_2288, %mul3A_2293 : vector<16xf32>
        %get3A_2295 = arith.index_cast %add3A_2271 : i32 to index
        %get3A_2296 = arith.constant 64 : index
        %get3A_2297 = tpu.vector_load %arg9[%get3A_2295, %get3A_2296] {strides = array<i32>} : memref<336x128xf32, #tpu.memory_space<vmem>>, vector<1x16xf32>,
        %get3A_2298 = vector.shape_cast %get3A_2297 : vector<1x16xf32> to vector<16xf32>
        %mul3A_2299 = arith.mulf %get3A_145, %get3A_2298 : vector<16xf32>
        %add3A_2300 = arith.addf %add3A_2294, %mul3A_2299 : vector<16xf32>
        %get3A_2301 = arith.index_cast %add3A_2271 : i32 to index
        %get3A_2302 = arith.constant 80 : index
        %get3A_2303 = tpu.vector_load %arg9[%get3A_2301, %get3A_2302] {strides = array<i32>} : memref<336x128xf32, #tpu.memory_space<vmem>>, vector<1x16xf32>,
        %get3A_2304 = vector.shape_cast %get3A_2303 : vector<1x16xf32> to vector<16xf32>
        %mul3A_2305 = arith.mulf %get3A_149, %get3A_2304 : vector<16xf32>
        %add3A_2306 = arith.addf %add3A_2300, %mul3A_2305 : vector<16xf32>
        %get3A_2307 = arith.index_cast %add3A_2271 : i32 to index
        %get3A_2308 = arith.constant 96 : index
        %get3A_2309 = tpu.vector_load %arg9[%get3A_2307, %get3A_2308] {strides = array<i32>} : memref<336x128xf32, #tpu.memory_space<vmem>>, vector<1x16xf32>,
        %get3A_2310 = vector.shape_cast %get3A_2309 : vector<1x16xf32> to vector<16xf32>
        %mul3A_2311 = arith.mulf %get3A_153, %get3A_2310 : vector<16xf32>
        %add3A_2312 = arith.addf %add3A_2306, %mul3A_2311 : vector<16xf32>
        %get3A_2313 = arith.index_cast %add3A_2271 : i32 to index
        %get3A_2314 = arith.constant 112 : index
        %get3A_2315 = tpu.vector_load %arg9[%get3A_2313, %get3A_2314] {strides = array<i32>} : memref<336x128xf32, #tpu.memory_space<vmem>>, vector<1x16xf32>,
        %get3A_2316 = vector.shape_cast %get3A_2315 : vector<1x16xf32> to vector<16xf32>
        %mul3A_2317 = arith.mulf %get3A_157, %get3A_2316 : vector<16xf32>
        %add3A_2318 = arith.addf %add3A_2312, %mul3A_2317 : vector<16xf32>
        %xor3A_2319 = arith.constant 8 : i32
        %xor3A_2320 = vector.broadcast %xor3A_2319 : i32 to vector<16xi32>
        %xor3A_2321 = arith.xori %iota3A, %xor3A_2320 : vector<16xi32>
        %lt3A_2322 = arith.constant 0 : i32
        %lt3A_2323 = vector.broadcast %lt3A_2322 : i32 to vector<16xi32>
        %lt3A_2324 = arith.cmpi slt, %xor3A_2321, %lt3A_2323 : vector<16xi32>
        %add3A_2325 = arith.constant 16 : i32
        %add3A_2326 = vector.broadcast %add3A_2325 : i32 to vector<16xi32>
        %add3A_2327 = arith.addi %xor3A_2321, %add3A_2326 : vector<16xi32>
        %select_n3A_2328 = arith.select %lt3A_2324, %add3A_2327, %xor3A_2321 : vector<16xi1>, vector<16xi32>
        %broadcast_in_dim3A_2329 = vector.shape_cast %select_n3A_2328 : vector<16xi32> to vector<16x1xi32>
        %gather3A_2330 = vector.shape_cast %broadcast_in_dim3A_2329 : vector<16x1xi32> to vector<16xi32>
        %gather3A_2331 = tpu.dynamic_gather %add3A_2318[%gather3A_2330] in [0] : vector<16xf32>, vector<16xi32> -> vector<16xf32>
        %add3A_2332 = arith.addf %add3A_2318, %gather3A_2331 : vector<16xf32>
        %xor3A_2333 = arith.constant 4 : i32
        %xor3A_2334 = vector.broadcast %xor3A_2333 : i32 to vector<16xi32>
        %xor3A_2335 = arith.xori %iota3A, %xor3A_2334 : vector<16xi32>
        %lt3A_2336 = arith.constant 0 : i32
        %lt3A_2337 = vector.broadcast %lt3A_2336 : i32 to vector<16xi32>
        %lt3A_2338 = arith.cmpi slt, %xor3A_2335, %lt3A_2337 : vector<16xi32>
        %add3A_2339 = arith.constant 16 : i32
        %add3A_2340 = vector.broadcast %add3A_2339 : i32 to vector<16xi32>
        %add3A_2341 = arith.addi %xor3A_2335, %add3A_2340 : vector<16xi32>
        %select_n3A_2342 = arith.select %lt3A_2338, %add3A_2341, %xor3A_2335 : vector<16xi1>, vector<16xi32>
        %broadcast_in_dim3A_2343 = vector.shape_cast %select_n3A_2342 : vector<16xi32> to vector<16x1xi32>
        %gather3A_2344 = vector.shape_cast %broadcast_in_dim3A_2343 : vector<16x1xi32> to vector<16xi32>
        %gather3A_2345 = tpu.dynamic_gather %add3A_2332[%gather3A_2344] in [0] : vector<16xf32>, vector<16xi32> -> vector<16xf32>
        %add3A_2346 = arith.addf %add3A_2332, %gather3A_2345 : vector<16xf32>
        %xor3A_2347 = arith.constant 2 : i32
        %xor3A_2348 = vector.broadcast %xor3A_2347 : i32 to vector<16xi32>
        %xor3A_2349 = arith.xori %iota3A, %xor3A_2348 : vector<16xi32>
        %lt3A_2350 = arith.constant 0 : i32
        %lt3A_2351 = vector.broadcast %lt3A_2350 : i32 to vector<16xi32>
        %lt3A_2352 = arith.cmpi slt, %xor3A_2349, %lt3A_2351 : vector<16xi32>
        %add3A_2353 = arith.constant 16 : i32
        %add3A_2354 = vector.broadcast %add3A_2353 : i32 to vector<16xi32>
        %add3A_2355 = arith.addi %xor3A_2349, %add3A_2354 : vector<16xi32>
        %select_n3A_2356 = arith.select %lt3A_2352, %add3A_2355, %xor3A_2349 : vector<16xi1>, vector<16xi32>
        %broadcast_in_dim3A_2357 = vector.shape_cast %select_n3A_2356 : vector<16xi32> to vector<16x1xi32>
        %gather3A_2358 = vector.shape_cast %broadcast_in_dim3A_2357 : vector<16x1xi32> to vector<16xi32>
        %gather3A_2359 = tpu.dynamic_gather %add3A_2346[%gather3A_2358] in [0] : vector<16xf32>, vector<16xi32> -> vector<16xf32>
        %add3A_2360 = arith.addf %add3A_2346, %gather3A_2359 : vector<16xf32>
        %xor3A_2361 = arith.constant 1 : i32
        %xor3A_2362 = vector.broadcast %xor3A_2361 : i32 to vector<16xi32>
        %xor3A_2363 = arith.xori %iota3A, %xor3A_2362 : vector<16xi32>
        %lt3A_2364 = arith.constant 0 : i32
        %lt3A_2365 = vector.broadcast %lt3A_2364 : i32 to vector<16xi32>
        %lt3A_2366 = arith.cmpi slt, %xor3A_2363, %lt3A_2365 : vector<16xi32>
        %add3A_2367 = arith.constant 16 : i32
        %add3A_2368 = vector.broadcast %add3A_2367 : i32 to vector<16xi32>
        %add3A_2369 = arith.addi %xor3A_2363, %add3A_2368 : vector<16xi32>
        %select_n3A_2370 = arith.select %lt3A_2366, %add3A_2369, %xor3A_2363 : vector<16xi1>, vector<16xi32>
        %broadcast_in_dim3A_2371 = vector.shape_cast %select_n3A_2370 : vector<16xi32> to vector<16x1xi32>
        %gather3A_2372 = vector.shape_cast %broadcast_in_dim3A_2371 : vector<16x1xi32> to vector<16xi32>
        %gather3A_2373 = tpu.dynamic_gather %add3A_2360[%gather3A_2372] in [0] : vector<16xf32>, vector<16xi32> -> vector<16xf32>
        %add3A_2374 = arith.addf %add3A_2360, %gather3A_2373 : vector<16xf32>
        %eq3A_2375 = arith.constant 3 : i32
        %eq3A_2376 = vector.broadcast %eq3A_2375 : i32 to vector<16xi32>
        %eq3A_2377 = arith.cmpi eq, %iota3A, %eq3A_2376 : vector<16xi32>
        %select_n3A_2378 = arith.select %eq3A_2377, %add3A_2374, %select_n3A_2267 : vector<16xi1>, vector<16xf32>
        %mul3A_2379 = arith.constant 20 : i32
        %mul3A_2380 = arith.muli %scan3A_124, %mul3A_2379 : i32
        %swap3A = arith.index_cast %mul3A_2380 : i32 to index
        %swap3A_2381 = tpu.vector_load %arg11[%swap3A] {strides = array<i32>} : memref<336xf32, #tpu.memory_space<vmem>>, vector<16xf32>,
        %swap3A_2382 = vector.shape_cast %swap3A_2381 : vector<16xf32> to vector<16xf32>
        %swap3A_2383 = vector.shape_cast %select_n3A_1934 : vector<16xf32> to vector<16xf32>
        tpu.vector_store %arg11[%swap3A], %swap3A_2383 {strides = array<i32>} : memref<336xf32, #tpu.memory_space<vmem>>, vector<16xf32>,
        %mul3A_2384 = arith.constant 20 : i32
        %mul3A_2385 = arith.muli %scan3A_124, %mul3A_2384 : i32
        %add3A_2386 = arith.constant 16 : i32
        %add3A_2387 = arith.addi %mul3A_2385, %add3A_2386 : i32
        %swap3A_2388 = arith.index_cast %add3A_2387 : i32 to index
        %swap3A_2389 = tpu.vector_load %arg11[%swap3A_2388] {strides = array<i32>} : memref<336xf32, #tpu.memory_space<vmem>>, vector<16xf32>,
        %swap3A_2390 = vector.shape_cast %swap3A_2389 : vector<16xf32> to vector<16xf32>
        %swap3A_2391 = vector.shape_cast %select_n3A_2378 : vector<16xf32> to vector<16xf32>
        tpu.vector_store %arg11[%swap3A_2388], %swap3A_2391 {strides = array<i32>} : memref<336xf32, #tpu.memory_space<vmem>>, vector<16xf32>,
      }
      %scan3A_112 = arith.constant 16 : i32
      %mul3A_113 = arith.constant 16 : i32
      %mul3A_114 = arith.muli %add3A_91, %mul3A_113 : i32
      %add3A_115 = arith.addi %mul3A_2, %mul3A_114 : i32
      %mul3A_116 = arith.constant 20 : i32
      %mul3A_117 = arith.muli %add3A_115, %mul3A_116 : i32
      %dma_start3A_118 = arith.constant 0 : i32
      %dma_start3A_119 = tpu.memref_slice %arg11[%dma_start3A_118] : memref<336xf32, #tpu.memory_space<vmem>> -> memref<320xf32, #tpu.memory_space<vmem>>
      %dma_start3A_120 = tpu.memref_slice %arg5[%mul3A_117] : memref<655360xf32, #tpu.memory_space<hbm>> -> memref<320xf32, #tpu.memory_space<hbm>>
      %dma_start3A_121 = tpu.memref_slice %arg5[%mul3A_117] : memref<655360xf32, #tpu.memory_space<hbm>> -> memref<320xf32, #tpu.memory_space<hbm>>
      %dma_start3A_122 = arith.constant 0 : i32
      %dma_start3A_123 = tpu.memref_slice %arg11[%dma_start3A_122] : memref<336xf32, #tpu.memory_space<vmem>> -> memref<320xf32, #tpu.memory_space<vmem>>
      tpu.enqueue_dma source(%dma_start3A_123 : memref<320xf32, #tpu.memory_space<vmem>>) target(%dma_start3A_121 : memref<320xf32, #tpu.memory_space<hbm>>) target_semaphore(%arg15 : memref<!tpu.dma_semaphore, #tpu.memory_space<semaphore_mem>>)
    }
    %scan3A_31 = arith.constant 32 : i32
    %add3A_32 = arith.constant 992 : i32
    %add3A_33 = arith.addi %mul3A_2, %add3A_32 : i32
    %mul3A_34 = arith.constant 20 : i32
    %mul3A_35 = arith.muli %add3A_33, %mul3A_34 : i32
    %dma_wait3A = arith.constant 0 : i32
    %dma_wait3A_36 = tpu.memref_slice %arg10[%dma_wait3A] : memref<336xf32, #tpu.memory_space<vmem>> -> memref<320xf32, #tpu.memory_space<vmem>>
    %dma_wait3A_37 = tpu.memref_slice %arg5[%mul3A_35] : memref<655360xf32, #tpu.memory_space<hbm>> -> memref<320xf32, #tpu.memory_space<hbm>>
    %dma_wait3A_38 = tpu.memref_slice %arg5[%mul3A_35] : memref<655360xf32, #tpu.memory_space<hbm>> -> memref<320xf32, #tpu.memory_space<hbm>>
    %dma_wait3A_39 = arith.constant 0 : i32
    %dma_wait3A_40 = tpu.memref_slice %arg10[%dma_wait3A_39] : memref<336xf32, #tpu.memory_space<vmem>> -> memref<320xf32, #tpu.memory_space<vmem>>
    tpu.wait_dma2 semaphore(%arg14 : memref<!tpu.dma_semaphore, #tpu.memory_space<semaphore_mem>>) src(%dma_wait3A_40 : memref<320xf32, #tpu.memory_space<vmem>>) dst(%dma_wait3A_38 : memref<320xf32, #tpu.memory_space<hbm>>)
    %add3A_41 = arith.constant 1008 : i32
    %add3A_42 = arith.addi %mul3A_2, %add3A_41 : i32
    %mul3A_43 = arith.constant 20 : i32
    %mul3A_44 = arith.muli %add3A_42, %mul3A_43 : i32
    %dma_wait3A_45 = arith.constant 0 : i32
    %dma_wait3A_46 = tpu.memref_slice %arg11[%dma_wait3A_45] : memref<336xf32, #tpu.memory_space<vmem>> -> memref<320xf32, #tpu.memory_space<vmem>>
    %dma_wait3A_47 = tpu.memref_slice %arg5[%mul3A_44] : memref<655360xf32, #tpu.memory_space<hbm>> -> memref<320xf32, #tpu.memory_space<hbm>>
    %dma_wait3A_48 = tpu.memref_slice %arg5[%mul3A_44] : memref<655360xf32, #tpu.memory_space<hbm>> -> memref<320xf32, #tpu.memory_space<hbm>>
    %dma_wait3A_49 = arith.constant 0 : i32
    %dma_wait3A_50 = tpu.memref_slice %arg11[%dma_wait3A_49] : memref<336xf32, #tpu.memory_space<vmem>> -> memref<320xf32, #tpu.memory_space<vmem>>
    tpu.wait_dma2 semaphore(%arg15 : memref<!tpu.dma_semaphore, #tpu.memory_space<semaphore_mem>>) src(%dma_wait3A_50 : memref<320xf32, #tpu.memory_space<vmem>>) dst(%dma_wait3A_48 : memref<320xf32, #tpu.memory_space<hbm>>)
    return
  }
}

module attributes {stable_mosaic.version = 14 : i64} {
  func.func @_tc_loss_body(%arg0: memref<2560x256xf32, #tpu.memory_space<vmem>>, %arg1: memref<1x1xf32, #tpu.memory_space<smem>>) attributes {dimension_semantics = [], scalar_prefetch = 0 : i64, scratch_operands = 0 : i64, tpu.core_type = #tpu.core_type<tc>} {
    %get3A = arith.constant 0 : index
    %get3A_0 = arith.constant 0 : index
    %get3A_1 = vector.load %arg0[%get3A, %get3A_0] : memref<2560x256xf32, #tpu.memory_space<vmem>>, vector<2560x256xf32>
    %slice3A = vector.extract_strided_slice %get3A_1 {offsets = [0, 0], sizes = [1280, 256], strides = [1, 1]} : vector<2560x256xf32> to vector<1280x256xf32>
    %slice3A_2 = vector.extract_strided_slice %get3A_1 {offsets = [1280, 0], sizes = [1280, 256], strides = [1, 1]} : vector<2560x256xf32> to vector<1280x256xf32>
    %logistic3A = arith.negf %slice3A : vector<1280x256xf32>
    %logistic3A_3 = math.exp %logistic3A : vector<1280x256xf32>
    %logistic3A_4 = arith.constant 1.000000e+00 : f32
    %logistic3A_5 = vector.broadcast %logistic3A_4 : f32 to vector<1280x256xf32>
    %logistic3A_6 = arith.addf %logistic3A_5, %logistic3A_3 : vector<1280x256xf32>
    %logistic3A_7 = arith.divf %logistic3A_5, %logistic3A_6 : vector<1280x256xf32>
    %add3A = arith.constant 1.000000e-15 : f32
    %add3A_8 = vector.broadcast %add3A : f32 to vector<1280x256xf32>
    %add3A_9 = arith.addf %logistic3A_7, %add3A_8 : vector<1280x256xf32>
    %log3A = math.log %add3A_9 : vector<1280x256xf32>
    %neg3A = arith.constant 0.000000e+00 : f32
    %neg3A_10 = vector.broadcast %neg3A : f32 to vector<1280x256xf32>
    %neg3A_11 = arith.subf %neg3A_10, %log3A : vector<1280x256xf32>
    %logistic3A_12 = arith.negf %slice3A_2 : vector<1280x256xf32>
    %logistic3A_13 = math.exp %logistic3A_12 : vector<1280x256xf32>
    %logistic3A_14 = arith.constant 1.000000e+00 : f32
    %logistic3A_15 = vector.broadcast %logistic3A_14 : f32 to vector<1280x256xf32>
    %logistic3A_16 = arith.addf %logistic3A_15, %logistic3A_13 : vector<1280x256xf32>
    %logistic3A_17 = arith.divf %logistic3A_15, %logistic3A_16 : vector<1280x256xf32>
    %sub3A = arith.constant 1.000000e+00 : f32
    %sub3A_18 = vector.broadcast %sub3A : f32 to vector<1280x256xf32>
    %sub3A_19 = arith.subf %sub3A_18, %logistic3A_17 : vector<1280x256xf32>
    %add3A_20 = arith.constant 1.000000e-15 : f32
    %add3A_21 = vector.broadcast %add3A_20 : f32 to vector<1280x256xf32>
    %add3A_22 = arith.addf %sub3A_19, %add3A_21 : vector<1280x256xf32>
    %log3A_23 = math.log %add3A_22 : vector<1280x256xf32>
    %neg3A_24 = arith.constant 0.000000e+00 : f32
    %neg3A_25 = vector.broadcast %neg3A_24 : f32 to vector<1280x256xf32>
    %neg3A_26 = arith.subf %neg3A_25, %log3A_23 : vector<1280x256xf32>
    %reduce_sum3A = vector.shape_cast %neg3A_11 : vector<1280x256xf32> to vector<1x1280x256xf32>
    %reduce_sum3A_27 = arith.constant dense<0.000000e+00> : vector<1xf32>
    %reduce_sum3A_28 = vector.multi_reduction <add>, %reduce_sum3A, %reduce_sum3A_27 [1, 2] : vector<1x1280x256xf32> to vector<1xf32>
    %reduce_sum3A_29 = vector.shape_cast %reduce_sum3A_28 : vector<1xf32> to vector<1x1x1xf32>
    %reduce_sum3A_30 = vector.extract %reduce_sum3A_29[0, 0, 0] : f32 from vector<1x1x1xf32>
    %reduce_sum3A_31 = vector.shape_cast %neg3A_26 : vector<1280x256xf32> to vector<1x1280x256xf32>
    %reduce_sum3A_32 = arith.constant dense<0.000000e+00> : vector<1xf32>
    %reduce_sum3A_33 = vector.multi_reduction <add>, %reduce_sum3A_31, %reduce_sum3A_32 [1, 2] : vector<1x1280x256xf32> to vector<1xf32>
    %reduce_sum3A_34 = vector.shape_cast %reduce_sum3A_33 : vector<1xf32> to vector<1x1x1xf32>
    %reduce_sum3A_35 = vector.extract %reduce_sum3A_34[0, 0, 0] : f32 from vector<1x1x1xf32>
    %add3A_36 = arith.addf %reduce_sum3A_30, %reduce_sum3A_35 : f32
    %div3A = arith.constant 3.276800e+05 : f32
    %div3A_37 = arith.divf %add3A_36, %div3A : f32
    %swap3A = arith.constant 0 : index
    %swap3A_38 = arith.constant 0 : index
    %swap3A_39 = memref.load %arg1[%swap3A, %swap3A_38] : memref<1x1xf32, #tpu.memory_space<smem>>
    memref.store %div3A_37, %arg1[%swap3A, %swap3A_38] : memref<1x1xf32, #tpu.memory_space<smem>>
    return
  }
}

</mosaic_0001>

<sc_bundles>
// kernel: kernel.4.cloned.1.call-start
scs
__scs_entry_jumppad:
0x0: {  	(pc) =	sbr.rel $0x88, $3  }
0x1: {  	(tag) =	ssettag $0x0;
	lr =	simm.s32 $0x1  }
0x2: {  	[smem:$0x3F9E] =	sst lr;
	_ =	strace $0xD0000000  }
0x3: {  	_ = 	snop  }
0x4: {  	_ = 	snop  }
0x5: {  	_ = 	snop  }
0x6: {  	_ = 	snop  }
0x7: {  	_ = 	snop  }
__scs_overlays_trampoline_lowered:
0x8: {  	[smem:$0x3FAD] =	sst s0  }
0x9: {  	[smem:$0x3FAE] =	sst s1  }
0xa: {  	[smem:$0x3FAF] =	sst s2  }
0xb: {  	[smem:$0x3FB0] =	sst s3  }
0xc: {  	[smem:$0x3FB1] =	sst s4  }
0xd: {  	[smem:$0x3FB2] =	sst s5  }
0xe: {  	[smem:$0x3FB3] =	sst s6  }
0xf: {  	[smem:$0x3FB4] =	sst s7  }
0x10: {  	[smem:$0x3FB5] =	sst s8  }
0x11: {  	[smem:$0x3FB6] =	sst s9;
	s0 =	simm.s32 @!p0 $0x0  }
0x12: {  	s1 =	sld [smem:$0x3F9C];
	s0 =	simm.s32 @p0 $0x1  }
0x13: {  	[smem:$0x3FB7] =	sst s0;
	s0 =	simm.s32 @!p1 $0x0  }
0x14: {  	s2 =	sld [smem:$0x3F9B];
	s0 =	simm.s32 @p1 $0x1  }
0x15: {  	[smem:$0x3FB8] =	sst s0;
	s0 =	simm.s32 @!p2 $0x0  }
0x16: {  	s3 =	sld [smem:$0x3FDB];
	s0 =	simm.s32 @p2 $0x1  }
0x17: {  	s4 =	simm.s32 $0x1BF5;
	[smem:$0x3FBA] =	sst s0  }
0x18: {  	s0 =	sld [smem:$0x3F9D];
	_ =	swait.ge [sflag:s4], $0x0  }
0x19: {  	s7 =	sld [smem:$0x3F9E]  }
0x1a: {  	s8 =	sadd.s32 $0xFFFFE003, lr  }
0x1b: {  	s9 =	sadd.s32 $0xFFFFFEF7, lr;
	s5 =	simm.s32 $0xFFFFFFFF;
	p2 =	slt.u32 s8, $0xFFFFF086  }
0x1c: {  	p1 =	slt.u32 s9, $0xF7A;
	s5 =	simm.s32 @!p2 $0x0  }
0x1d: {  	s5 =	simm.s32 @p1 $0x1;
	p0 =	seq.s32 s7, s2  }
0x1e: {  	s7 =	smul.u32 @!p0 $0xF7A, s2;
	p2 =	seq.s32 @!p0 s5, $0x0  }
0x1f: {  	s9 =	smul.u32 $0xF7A, s1;
	s8 =	simm.s32 @!p0 $0x1BF5;
	p2 =	por !p2, p0  }
0x20: {  	[sflag:s8] =	ssyncset.s32 @!p0 $0xFFFFF086;
	s6 =	sadd.s32 @!p0 s3, s7;
	s7 =	simm.s32 @!p0 $0x108  }
0x21: {  	s3 =	sadd.s32 s3, s9;
	s6 =	sadd.s32 @!p0 $0x88, s6;
	s7 =	simm.s32 @p2 $0x1082  }
0x22: {  	[simem:s7], [sflag:s8] =	dma.local @!p0 [hbm:s6], $0xF7A  }
0x23: {  	s9 =	sor.u32 $0xD0000000, s2;
	s6 =	simm.s32 $0x108;
	_ =	swait.ge @!p0 [sflag:s8], $0x0  }
0x24: {  	s3 =	sadd.s32 $0x88, s3;
	s6 =	simm.s32 @!p1 $0x1082;
	[sflag:s4] =	ssyncset.s32 $0xFFFFF086  }
0x25: {  	[simem:s6], [sflag:s4] =	dma.local [hbm:s3], $0xF7A  }
0x26: {  	[smem:$0x3F9E] =	sst s1;
	(tag) =	ssettag s2;
	_ =	strace s9  }
0x27: {  	s1 =	sld [smem:$0x3FAE]  }
0x28: {  	s2 =	sld [smem:$0x3FAF]  }
0x29: {  	s4 =	sld [smem:$0x3FB1]  }
0x2a: {  	p0 =	seq.s32 s5, $0x0;
	s5 =	sld [smem:$0x3FB2]  }
0x2b: {  	s6 =	sld [smem:$0x3FB3]  }
0x2c: {  	s7 =	sld [smem:$0x3FB4]  }
0x2d: {  	s3 =	simm.s32 $0x108;
	s8 =	sld [smem:$0x3FB5]  }
0x2e: {  	s3 =	simm.s32 @!p0 $0x1082;
	s9 =	sld [smem:$0x3FB6]  }
0x2f: {  	lr =	sadd.s32 s0, s3;
	s0 =	sld [smem:$0x3FAD]  }
0x30: {  	s3 =	sld [smem:$0x3FB0]  }
0x31: {  	[smem:$0x3FB9] =	sst s10  }
0x32: {  	s10 =	sld [smem:$0x3FB7];
	_ =	sdelay $0x3  }
0x33: {  	p0 =	seq.s32 s10, $0x1;
	s10 =	sld [smem:$0x3FB9];
	_ =	sdelay $0x3  }
0x34: {  	[smem:$0x3FB9] =	sst s10  }
0x35: {  	s10 =	sld [smem:$0x3FB8];
	_ =	sdelay $0x3  }
0x36: {  	p1 =	seq.s32 s10, $0x1;
	s10 =	sld [smem:$0x3FB9];
	_ =	sdelay $0x3  }
0x37: {  	[smem:$0x3FB9] =	sst s10  }
0x38: {  	s10 =	sld [smem:$0x3FBA]  }
0x39: {  	_ = 	snop;
	(pc) =	sbr.ind lr, $3  }
0x3a: {  	_ = 	snop  }
0x3b: {  	_ = 	snop  }
0x3c: {  	p2 =	seq.s32 s10, $0x1;
	s10 =	sld [smem:$0x3FB9]  }
0x3d: {  	_ =	shalt  }
0x3e: {  	_ =	shalt  }
0x3f: {  	_ =	shalt  }
0x40: {  	_ =	shalt  }
0x41: {  	_ =	shalt  }
0x42: {  	_ =	shalt  }
0x43: {  	_ =	shalt  }
0x44: {  	_ =	shalt  }
0x45: {  	_ =	shalt  }
0x46: {  	_ =	shalt  }
0x47: {  	_ =	shalt  }
0x48: {  	_ =	shalt  }
0x49: {  	_ =	shalt  }
0x4a: {  	_ =	shalt  }
0x4b: {  	_ =	shalt  }
0x4c: {  	_ =	shalt  }
0x4d: {  	_ =	shalt  }
0x4e: {  	_ =	shalt  }
0x4f: {  	_ =	shalt  }
0x50: {  	_ =	shalt  }
0x51: {  	_ =	shalt  }
0x52: {  	_ =	shalt  }
0x53: {  	_ =	shalt  }
0x54: {  	_ =	shalt  }
0x55: {  	_ =	shalt  }
0x56: {  	_ =	shalt  }
0x57: {  	_ =	shalt  }
0x58: {  	_ =	shalt  }
0x59: {  	_ =	shalt  }
0x5a: {  	_ =	shalt  }
0x5b: {  	_ =	shalt  }
0x5c: {  	_ =	shalt  }
0x5d: {  	_ =	shalt  }
0x5e: {  	_ =	shalt  }
0x5f: {  	_ =	shalt  }
0x60: {  	_ =	shalt  }
0x61: {  	_ =	shalt  }
0x62: {  	_ =	shalt  }
0x63: {  	_ =	shalt  }
0x64: {  	_ =	shalt  }
0x65: {  	_ =	shalt  }
0x66: {  	_ =	shalt  }
0x67: {  	_ =	shalt  }
0x68: {  	_ =	shalt  }
0x69: {  	_ =	shalt  }
0x6a: {  	_ =	shalt  }
0x6b: {  	_ =	shalt  }
0x6c: {  	_ =	shalt  }
0x6d: {  	_ =	shalt  }
0x6e: {  	_ =	shalt  }
0x6f: {  	_ =	shalt  }
0x70: {  	_ =	shalt  }
0x71: {  	_ =	shalt  }
0x72: {  	_ =	shalt  }
0x73: {  	_ =	shalt  }
0x74: {  	_ =	shalt  }
0x75: {  	_ =	shalt  }
0x76: {  	_ =	shalt  }
0x77: {  	_ =	shalt  }
0x78: {  	_ =	shalt  }
0x79: {  	_ =	shalt  }
0x7a: {  	_ =	shalt  }
0x7b: {  	_ =	shalt  }
0x7c: {  	_ =	shalt  }
0x7d: {  	_ =	shalt  }
0x7e: {  	_ =	shalt  }
0x7f: {  	_ =	shalt  }
0x80: {  	_ =	shalt  }
0x81: {  	_ =	shalt  }
0x82: {  	_ =	shalt  }
0x83: {  	_ =	shalt  }
0x84: {  	_ =	shalt  }
0x85: {  	_ =	shalt  }
0x86: {  	_ =	shalt  }
0x87: {  	_ =	shalt  }
.Lfunc_end0:
.L_simem_size_0:
called_computation_lowered:
.L_overlay_start_0:
0x88: {  	s2 =	sld [smem:$0x3FD9]  }
0x89: {  	s3 =	sld [smem:$0x3FFE];
	_ =	sdelay $0x1  }
0x8a: {  	s1 =	srdreg.scid  }
0x8b: {  	s0 =	sand.u32 $0x1, s1  }
0x8c: {  	s17 =	sshll.u32 s0, $0xA;
	s2 =	sadd.s32 s3, s2  }
0x8d: {  	s2 =	sadd.s32 s2, s17  }
0x8e: {  	[smem:$0x3FC5] =	sst s2  }
0x8f: {  	_ = 	snop  }
0x90: {  	s2 =	sld [smem:$0x3FC9];
	(tm) =	ssettm $0x1  }
0x91: {  	s18 =	sld [smem:$0x3FFB];
	_ =	sdelay $0x3  }
0x92: {  	_ =	strace s18  }
0x93: {  	s3 =	sld [smem:$0x3FFC];
	_ =	sdelay $0x3  }
0x94: {  	_ =	strace s3  }
0x95: {  	s3 =	sld [smem:$0x3FFD];
	_ =	sdelay $0x3  }
0x96: {  	_ =	strace s3  }
0x97: {  	_ =	strace $0x8FFFFFFF  }
0x98: {  	s19 =	sld [smem:$0x3FDB];
	_ =	sdelay $0x1  }
0x99: {  	s4 =	simm.s32 $_scs_section_size  }
0x9a: {  	s5 =	simm.s32 $_size__tile_overlayer_lowered;
	s6 =	simm.s32 $_tile_overlayer_lowered  }
0x9b: {  	s22 =	simm.s32 $0x1BFF;
	s21 =	sshll.u32 s6, $0x1;
	s3 =	sadd.s32 s4, s19  }
0x9c: {  	s7 =	simm.s32 $0x0;
	s20 =	sshll.u32 s5, $0x1;
	s5 =	sadd.s32 s21, s3  }
0x9d: {  	[timem:s7], [sflag:s22] =	dma.local [hbm:s5], s20  }
0x9e: {  	_ =	swait.ge [sflag:s22], s20  }
0x9f: {  	s4 =	ssub.s32 $0x0, s20;
	[sflag:s22] =	ssyncset.done $0x0  }
0xa0: {  	[sflag:s22] =	ssyncadd.s32 s4;
	_ =	sdelay $0x1  }
0xa1: {  	s23 =	simm.s32 $0x1B8B  }
0xa2: {  	_ =	swait.ge [sflag:s23], $0x1  }
0xa3: {  	[sflag:s23] =	ssyncset.done $0x0  }
0xa4: {  	s25 =	simm.s32 $0x1B8E;
	s24 =	sld [smem:$0x3FFE];
	[sflag:s23] =	ssyncadd.s32 $0xFFFFFFFF  }
0xa5: {  	s26 =	simm.s32 $execute0_lowered;
	[smem:$0x3FD2] =	sst s25  }
0xa6: {  	s5 =	sshll.u32 s26, $0x1;
	_ =	strace $0x80000046;
	[dreg:$0x1] =	wrdreg $0xFFFFFFFF  }
0xa7: {  	s28 =	simm.s32 $_size_execute0_lowered;
	s3 =	sadd.s32 s3, s5;
	[dreg:$0x0] =	wrdreg $0x0  }
0xa8: {  	s5 =	sshll.u32 s28, $0x1;
	[dreg:$0x2] =	wrdreg s3  }
0xa9: {  	[dreg:$0x3] =	wrdreg s5  }
0xaa: {  	[dreg:$0x4] =	wrdreg $0xC0  }
0xab: {  	_ =	task [dreg:s7], $0x5FFFF  }
0xac: {  	[dreg:$0x1] =	wrdreg $0xFFFFFFFF  }
0xad: {  	[dreg:$0x0] =	wrdreg $0x60  }
0xae: {  	[dreg:$0x2] =	wrdreg s2  }
0xaf: {  	[dreg:$0x3] =	wrdreg s24  }
0xb0: {  	[dreg:$0x4] =	wrdreg $0x9  }
0xb1: {  	_ =	task.clear_ibuf [dreg:s7], $0x5FFFF;
	_ =	strace $0x90000046  }
0xb2: {  	s29 =	simm.s32 $0x9;
	_ =	strace $0x80000048  }
0xb3: {  	_ =	swait.ge [sflag:s29], $0x1  }
0xb4: {  	[sflag:s29] =	ssyncadd.s32 $0xFFFFFFFF  }
0xb5: {  	_ =	strace $0x90000048  }
0xb6: {  	_ =	sfence  }
0xb7: {  	s30 =	sld [smem:$0x0];
	_ =	sdelay $0x2  }
0xb8: {  	s31 =	sshll.u32 s1, $0xD;
	s1 =	sshrl.u32 s1, $0x2  }
0xb9: {  	s3 =	sand.u32 $0x4000, s31;
	s1 =	sadd.s32 s1, s30  }
0xba: {  	s0 =	sor.u32 s3, s0;
	s1 =	sshll.u32 s1, $0x11  }
0xbb: {  	s0 =	sor.u32 s1, s0  }
0xbc: {  	s0 =	sadd.s32 $0x8F2B, s0  }
0xbd: {  	[sflag:s0] =	ssyncadd.remote.s32 $0x1  }
0xbe: {  	_ =	sfence.sel $0xFFFF  }
0xbf: {  	[dreg:$0x0] =	wrdreg $0xFFFFFFFF;
	(pc) =	sbr.abs _section_cstart, $3  }
0xc0: {  	[dreg:$0x1] =	wrdreg $0xFFFFFFFF  }
0xc1: {  	_ =	task.clear_ibuf [dreg:s7], $0x2FFFF;
	_ =	strace $0x9FFFFFFF  }
0xc2: {  	(tm) =	ssettm $0x7FFFFFFF  }
0xc3: {  	_ =	shalt  }
tec
execute0_lowered:
.L_overlay_start_1:
0x0: {  	(tag) =	ssettag $0x1  }
0x1: {  	v0 =	vimm.s32 $0xFEDCBA98;
	v1 =	vimm.s32 $0x76543210  }
0x2: {  	v2 =	vimm.s32 $0xBA98FEDC;
	v3 =	vimm.s32 $0x32107654;
	v4 =	vimm.s32 $0xDCFE98BA  }
0x3: {  	s0 =	rddreg [dreg:$0x0];
	v5 =	vimm.s32 $0x54761032;
	v6 =	vimm.s32 $0xEFCDAB89;
	v7 =	vimm.s32 $0x67452301  }
0x4: {  	s7 =	rddreg [dreg:$0x1];
	vm0 =	vmmov $0x1;
	vm1 =	vmmov $0x3;
	vm2 =	vmmov $0x7  }
0x5: {  	s1 =	rddreg [dreg:$0x2];
	s2 =	simm.s32 $0x0;
	s4 =	srdreg.scid;
	vm3 =	vmmov $0xf;
	vm4 =	vmmov $0x1f;
	vm5 =	vmmov $0x3f  }
0x6: {  	s3 =	stileid.u32;
	s10 =	simm.s32 $0xAE00;
	s12 =	simm.s32 $0x150;
	vm6 =	vmmov $0x7f;
	vm7 =	vmmov $0xff;
	vm8 =	vmmov $0x1ff  }
0x7: {  	s13 =	simm.s32 $0x300;
	s14 =	simm.s32 $0x180;
	s15 =	simm.s32 $0xAB00;
	vm9 =	vmmov $0x3ff;
	vm10 =	vmmov $0x7ff;
	vm11 =	vmmov $0xfff  }
0x8: {  	s16 =	simm.s32 $0x1;
	s17 =	simm.s32 $0x15300;
	s18 =	simm.s32 $0x2;
	v0 =	vunpack.c.l.s4.s8 v0;
	v1 =	vunpack.c.l.s4.s8 v1;
	v2 =	vunpack.c.l.s4.s8 v2  }
0x9: {  	s19 =	simm.s32 $0x4;
	s20 =	simm.s32 $0x15480;
	s21 =	simm.s32 $0x3;
	v3 =	vunpack.c.l.s4.s8 v3;
	v4 =	vunpack.c.l.s4.s8 v4;
	v5 =	vunpack.c.l.s4.s8 v5  }
0xa: {  	s22 =	simm.s32 $0x0;
	v6 =	vunpack.c.l.s4.s8 v6;
	v7 =	vunpack.c.l.s4.s8 v7;
	[smem:$0x7FF] =	sst s2;
	s5 =	sand.u32 $0x1, s4;
	v0 =	vunpack.c.0.s8.s32 v0  }
0xb: {  	s8 =	sshll.u32 s3, $0x1;
	s4 =	sadd.s32 $0x15600, s7;
	p0 =	sgt.u32 s3, $0x7;
	v2 =	vunpack.c.0.s8.s32 v2;
	v3 =	vunpack.c.0.s8.s32 v3;
	v4 =	vunpack.c.0.s8.s32 v4  }
0xc: {  	_ =	strace $0x80000047;
	s6 =	ssub.s32 $0x2, s5;
	s5 =	sor.u32 s5, s8;
	v5 =	vunpack.c.0.s8.s32 v5;
	v6 =	vunpack.c.0.s8.s32 v6;
	v7 =	vunpack.c.0.s8.s32 v7  }
0xd: {  	vm12 =	vmmov $0x1fff;
	s10 =	simm.s32 @!p0 $0x600;
	v1 =	vunpack.c.0.s8.s32 v1;
	s9 =	sshrl.u32 s6, $0x1;
	s8 =	sand.u32 $0xF, s5;
	v2 =	vcombine.low v3, v2  }
0xe: {  	s9 =	ssub.s32 s6, s9;
	s11 =	smul.u32 $0xA80, s8;
	s6 =	sshll.u32 s8, $0xA;
	v3 =	vcombine.low v5, v4;
	v4 =	vcombine.low v7, v6;
	v0 =	vand.u32 $0xF, v0  }
0xf: {  	vm13 =	vmmov $0x3fff;
	vm14 =	vmmov $0x7fff;
	s5 =	sshll.u32 s5, $0xA;
	s7 =	sadd.s32 s10, s7;
	s8 =	sor.u32 $0x20, s6;
	v0 =	vcombine.low v0, v1  }
0x10: {  	s9 =	smax.u32 s9, $0x1;
	s10 =	sadd.s32 s7, s11;
	s11 =	simm.s32 $0x5;
	v1 =	vand.u32 $0xF, v2;
	v2 =	vand.u32 $0xF, v3;
	v3 =	vand.u32 $0xF, v4  }
.LBB2_1:
0x11: {  	[tilespmem:s2], [sflag:$0x5] =	stream.linear.gather [hbm4b:s10+s2], $0x150, $0x38;
	[tilespmem:$0x15600] =	vst v63  }
0x12: {  	_ =	swait.ge [sflag:s11], $0x150  }
0x13: {  	[sflag:s11] =	ssyncset.done $0x0  }
0x14: {  	s23 =	simm.s32 $0x0;
	[sflag:s11] =	ssyncadd.s32 $0xFFFFFEB0  }
0x15: {  	[tilespmem:s13], [sflag:$0x1] =	stream.indirect.gather [hbm4b:s0+s12], $0x80, s2, s12, $0xb8;
	[tilespmem:$0x15600] =	vst v63  }
.LBB2_2:
0x16: {  	s25 =	sshll.u32 s23, $0x5  }
0x17: {  	s24 =	sor.u32 $0x10, s25  }
0x18: {  	s26 =	sor.u32 s6, s24  }
0x19: {  	s26 =	smul.u32 $0x15, s26;
	_ =	sdelay $0x1  }
0x1a: {  	s26 =	sshrl.u32 s26, $0x3  }
0x1b: {  	s26 =	sadd.s32 s7, s26  }
0x1c: {  	[tilespmem:s14], [sflag:$0x5] =	stream.linear.gather [hbm4b:s26+s2], $0x150, $0x38;
	[tilespmem:$0x15600] =	vst v63  }
0x1d: {  	_ =	swait.ge [sflag:s11], $0x150  }
0x1e: {  	[sflag:s11] =	ssyncset.done $0x0  }
0x1f: {  	[sflag:s11] =	ssyncadd.s32 $0xFFFFFEB0  }
0x20: {  	[tilespmem:s15], [sflag:$0x2] =	stream.indirect.gather [hbm4b:s0+s12], $0x80, s14, s12, $0xb8;
	[tilespmem:$0x15600] =	vst v63  }
0x21: {  	_ =	swait.ge [sflag:s16], $0xA800  }
0x22: {  	p0 =	seq.s32 s23, $0x0;
	[sflag:s16] =	ssyncset.done $0x0  }
0x23: {  	s26 =	simm.s32 @!p0 $0x3;
	[sflag:s16] =	ssyncadd.s32 $0xFFFF5800  }
0x24: {  	_ =	swait.ge @!p0 [sflag:s26], $0x140  }
0x25: {  	[sflag:s26] =	ssyncset.done @!p0 $0x0  }
0x26: {  	s28 =	simm.s32 $0x840;
	[sflag:s26] =	ssyncadd.s32 @!p0 $0xFFFFFEC0;
	s26 =	simm.s32 $0x0  }
.LBB2_3:
0x27: {  	v10 =	vld [tilespmem:s28+$0xFFFFFAC0]  }
0x28: {  	v11 =	vld [tilespmem:s28+$0xFFFFFAD0]  }
0x29: {  	v9 =	vld [tilespmem:s28+$0xFFFFFAE0]  }
0x2a: {  	v8 =	vld [tilespmem:s28+$0xFFFFFAF0]  }
0x2b: {  	v7 =	vld [tilespmem:s28+$0xFFFFFB00]  }
0x2c: {  	v6 =	vld [tilespmem:s28+$0xFFFFFB10]  }
0x2d: {  	v5 =	vld [tilespmem:s28+$0xFFFFFB20]  }
0x2e: {  	v4 =	vld [tilespmem:s28+$0xFFFFFB30]  }
0x2f: {  	v12 =	vld [tilespmem:s28+$0xFFFFFB40]  }
0x30: {  	v13 =	vld [tilespmem:s28+$0xFFFFFB50]  }
0x31: {  	v14 =	vld [tilespmem:s28+$0xFFFFFB60]  }
0x32: {  	v15 =	vld [tilespmem:s28+$0xFFFFFB70]  }
0x33: {  	v16 =	vld [tilespmem:s28+$0xFFFFFB80]  }
0x34: {  	v17 =	vld [tilespmem:s28+$0xFFFFFB90]  }
0x35: {  	v18 =	vld [tilespmem:s28+$0xFFFFFBA0]  }
0x36: {  	v19 =	vld [tilespmem:s28+$0xFFFFFBB0]  }
0x37: {  	v20 =	vld [tilespmem:s28+$0xFFFFFBC0]  }
0x38: {  	v21 =	vld [tilespmem:s28+$0xFFFFFBD0]  }
0x39: {  	v22 =	vld [tilespmem:s28+$0xFFFFFBE0]  }
0x3a: {  	v23 =	vld [tilespmem:s28+$0xFFFFFBF0]  }
0x3b: {  	v24 =	vld [tilespmem:s28+$0xFFFFFC00]  }
0x3c: {  	v25 =	vld [tilespmem:s28+$0xFFFFFC10]  }
0x3d: {  	v26 =	vld [tilespmem:s28+$0xFFFFFC20]  }
0x3e: {  	v27 =	vld [tilespmem:s28+$0xFFFFFC30]  }
0x3f: {  	v28 =	vld [tilespmem:s28+$0xFFFFFC40]  }
0x40: {  	v29 =	vld [tilespmem:s28+$0xFFFFFC50]  }
0x41: {  	v30 =	vld [tilespmem:s28+$0xFFFFFC60]  }
0x42: {  	v31 =	vld [tilespmem:s28+$0xFFFFFC70]  }
0x43: {  	v32 =	vld [tilespmem:s28+$0xFFFFFC80]  }
0x44: {  	v33 =	vld [tilespmem:s28+$0xFFFFFCA0]  }
0x45: {  	v34 =	vld [tilespmem:s28+$0xFFFFFCC0];
	v12 =	vmul.f32 v12, v10  }
0x46: {  	v44 =	vld [tilespmem:s28+$0xFFFFFCD0];
	v13 =	vmul.f32 v13, v11;
	v41 =	vmul.f32 v14, v9  }
0x47: {  	v46 =	vld [tilespmem:s28+$0xFFFFFCE0];
	v42 =	vmul.f32 v15, v8;
	v20 =	vmul.f32 v20, v10  }
0x48: {  	v48 =	vld [tilespmem:s28+$0xFFFFFCF0];
	v21 =	vmul.f32 v21, v11;
	v43 =	vmul.f32 v16, v7  }
0x49: {  	v50 =	vld [tilespmem:s28+$0xFFFFFD00];
	v45 =	vmul.f32 v22, v9;
	v47 =	vmul.f32 v17, v6  }
0x4a: {  	v53 =	vld [tilespmem:s28+$0xFFFFFD10];
	v18 =	vmul.f32 v18, v5;
	v49 =	vmul.f32 v23, v8  }
0x4b: {  	v56 =	vld [tilespmem:s28+$0xFFFFFD20];
	v51 =	vmul.f32 v19, v4;
	v52 =	vmul.f32 v24, v7  }
0x4c: {  	v61 =	vld [tilespmem:s28+$0xFFFFFD40];
	v54 =	vmul.f32 v28, v10;
	v55 =	vmul.f32 v29, v11  }
0x4d: {  	v63 =	vld [tilespmem:s28+$0xFFFFFD50];
	v57 =	vmul.f32 v34, v10;
	v16 =	vmul.f32 v44, v11  }
0x4e: {  	v36 =	vld [tilespmem:s28+$0xFFFFFD60];
	v60 =	vmul.f32 v30, v9;
	v25 =	vmul.f32 v25, v6  }
0x4f: {  	v40 =	vld [tilespmem:s28+$0xFFFFFD80];
	v62 =	vmul.f32 v46, v9;
	v35 =	vmul.f32 v31, v8  }
0x50: {  	v14 =	vld [tilespmem:s28+$0xFFFFFC90];
	v17 =	vmul.f32 v48, v8;
	v38 =	vmul.f32 v26, v5  }
0x51: {  	v15 =	vld [tilespmem:s28+$0xFFFFFCB0];
	v39 =	vmul.f32 v32, v7;
	v46 =	vmul.f32 v53, v6  }
0x52: {  	v44 =	vld [tilespmem:s28+$0xFFFFFDA0];
	v48 =	vmul.f32 v61, v10;
	v12 =	vadd.f32 v13, v12;
	v20 =	vadd.f32 v21, v20  }
0x53: {  	v22 =	vmul.f32 v63, v11;
	v28 =	vld [tilespmem:s28+$0x110];
	v59 =	vadd.f32 v55, v54;
	v16 =	vadd.f32 v16, v57  }
0x54: {  	v58 =	vld [tilespmem:s28+$0xFFFFFD30];
	v21 =	vmul.f32 v36, v9;
	v54 =	vmul.f32 v40, v7;
	v12 =	vadd.f32 v41, v12  }
0x55: {  	v37 =	vld [tilespmem:s28+$0xFFFFFD70];
	v20 =	vadd.f32 v45, v20;
	v30 =	vadd.f32 v60, v59;
	v45 =	vmul.f32 v27, v4  }
0x56: {  	v61 =	vld [tilespmem:s28+$0xFFFFFE50];
	v16 =	vadd.f32 v62, v16;
	v14 =	vmul.f32 v14, v6;
	v15 =	vmul.f32 v15, v4  }
0x57: {  	v63 =	vld [tilespmem:s28+$0xFFFFFE60];
	v62 =	vmul.f32 v44, v5;
	v12 =	vadd.f32 v42, v12;
	v20 =	vadd.f32 v49, v20  }
0x58: {  	v27 =	vld [tilespmem:s28+$0xFFFFFDC0];
	v28 =	vmul.f32 v28, v6;
	v13 =	vadd.f32 v35, v30;
	v16 =	vadd.f32 v17, v16  }
0x59: {  	v42 =	vmul.f32 v50, v7;
	v49 =	vmul.f32 v33, v5;
	v17 =	vld [tilespmem:s28+$0xFFFFFDF0];
	v12 =	vadd.f32 v43, v12  }
0x5a: {  	v50 =	vmul.f32 v56, v5;
	v30 =	vld [tilespmem:s28+$0xFFFFFE30];
	v19 =	vadd.f32 v52, v20;
	v13 =	vadd.f32 v39, v13  }
0x5b: {  	v43 =	vld [tilespmem:s28+$0xFFFFFD90];
	v16 =	vadd.f32 v42, v16;
	v52 =	vmul.f32 v58, v4;
	v12 =	vadd.f32 v47, v12  }
0x5c: {  	v20 =	vmul.f32 v63, v9;
	v19 =	vadd.f32 v25, v19;
	v47 =	vld [tilespmem:s28+$0xFFFFFDB0];
	v13 =	vadd.f32 v14, v13  }
0x5d: {  	v27 =	vmul.f32 v27, v10;
	v16 =	vadd.f32 v46, v16;
	v14 =	vadd.f32 v22, v48;
	v22 =	vld [tilespmem:s28+$0xFFFFFDE0]  }
0x5e: {  	v25 =	vld [tilespmem:s28+$0xFFFFFE20];
	v17 =	vmul.f32 v17, v8;
	v12 =	vadd.f32 v18, v12;
	v19 =	vadd.f32 v38, v19  }
0x5f: {  	v59 =	vld [tilespmem:s28+$0xFFFFFE40];
	v30 =	vmul.f32 v30, v4;
	v13 =	vadd.f32 v49, v13;
	v16 =	vadd.f32 v50, v16  }
0x60: {  	v14 =	vadd.f32 v21, v14;
	v18 =	vmul.f32 v37, v8;
	v21 =	vld [tilespmem:s28+$0xFFFFFE00];
	v12 =	vadd.f32 v51, v12  }
0x61: {  	v50 =	vld [tilespmem:s28+$0xFFFFFED0];
	v58 =	vmul.f32 v43, v6;
	v19 =	vadd.f32 v45, v19;
	v13 =	vadd.f32 v15, v13  }
0x62: {  	v51 =	vld [tilespmem:s28+$0xFFFFFDD0];
	v16 =	vadd.f32 v52, v16;
	v43 =	vmul.f32 v47, v4;
	v22 =	vmul.f32 v22, v9  }
0x63: {  	v15 =	vld [tilespmem:s28+$0xFFFFFE10];
	v14 =	vadd.f32 v18, v14;
	v25 =	vmul.f32 v25, v5;
	v41 =	vperm.xlane v12, v0  }
0x64: {  	v45 =	vld [tilespmem:s28+$0xFFFFFE90];
	v53 =	vperm.xlane v19, v0;
	v56 =	vperm.xlane v13, v0  }
0x65: {  	v57 =	vperm.xlane v16, v0;
	v14 =	vadd.f32 v54, v14;
	v21 =	vmul.f32 v21, v7  }
0x66: {  	v44 =	vld [tilespmem:s28+$0xFFFFFE80];
	v33 =	vmul.f32 v50, v11;
	v12 =	vadd.f32 v12, v41;
	v13 =	vadd.f32 v13, v56  }
0x67: {  	v18 =	vld [tilespmem:s28+$0xFFFFFEA0];
	v16 =	vadd.f32 v16, v57;
	v56 =	vmul.f32 v59, v10;
	v57 =	vmul.f32 v61, v11  }
0x68: {  	v37 =	vld [tilespmem:s28+$0xFFFFFEC0];
	v19 =	vadd.f32 v19, v53;
	v29 =	vmul.f32 v51, v11;
	v15 =	vmul.f32 v15, v6  }
0x69: {  	v52 =	vld [tilespmem:s28+$0xFFFFFEF0];
	v14 =	vadd.f32 v58, v14;
	v45 =	vmul.f32 v45, v6;
	v55 =	vperm.xlane v12, v1  }
0x6a: {  	v32 =	vld [tilespmem:s28+$0xFFFFFE70];
	v60 =	vperm.xlane v19, v1;
	v41 =	vperm.xlane v13, v1  }
0x6b: {  	v35 =	vld [tilespmem:s28+$0xFFFFFEB0];
	v42 =	vperm.xlane v16, v1;
	v14 =	vadd.f32 v62, v14;
	v27 =	vadd.f32 v29, v27  }
0x6c: {  	v58 =	vld [tilespmem:s28+$0xFFFFFF40];
	v18 =	vmul.f32 v18, v5;
	v12 =	vadd.f32 v12, v55;
	v19 =	vadd.f32 v19, v60  }
0x6d: {  	v51 =	vld [tilespmem:s28+$0xFFFFFEE0];
	v62 =	vmul.f32 v37, v10;
	v13 =	vadd.f32 v13, v41;
	v16 =	vadd.f32 v16, v42  }
0x6e: {  	v14 =	vadd.f32 v43, v14;
	v55 =	vld [tilespmem:s28+$0xFFFFFF10];
	v41 =	vmul.f32 v44, v7;
	v43 =	vmul.f32 v52, v8  }
0x6f: {  	v60 =	vld [tilespmem:s28+$0xFFFFFF50];
	v22 =	vadd.f32 v22, v27;
	v40 =	vperm.xlane v12, v2;
	v46 =	vperm.xlane v19, v2  }
0x70: {  	v37 =	vld [tilespmem:s28+$0xFFFFFF80];
	v48 =	vperm.xlane v13, v2;
	v49 =	vperm.xlane v16, v2  }
0x71: {  	v24 =	vld [tilespmem:s28+$0x80];
	v36 =	vperm.xlane v14, v0;
	v17 =	vadd.f32 v17, v22;
	v12 =	vadd.f32 v12, v40  }
0x72: {  	v54 =	vld [tilespmem:s28+$0xFFFFFF00];
	v31 =	vmul.f32 v51, v9;
	v19 =	vadd.f32 v19, v46;
	v16 =	vadd.f32 v16, v49  }
0x73: {  	v61 =	vld [tilespmem:s28+$0xFFFFFF60];
	v14 =	vadd.f32 v14, v36;
	v36 =	vmul.f32 v32, v8;
	v49 =	vmul.f32 v58, v10  }
0x74: {  	v42 =	vld [tilespmem:s28+$0xFFFFFFA0];
	v17 =	vadd.f32 v21, v17;
	v21 =	vmul.f32 v60, v11;
	v51 =	vmul.f32 v55, v6  }
0x75: {  	v44 =	vld [tilespmem:s28+$0xFFFFFFB0];
	v13 =	vadd.f32 v13, v48;
	v55 =	vmul.f32 v35, v4;
	v60 =	vmul.f32 v37, v7  }
0x76: {  	vm15 =	vcmask $0x310;
	v46 =	vld [tilespmem:s28+$0xFFFFFFC0];
	v47 =	vperm.xlane v12, v3;
	v38 =	vperm.xlane v19, v3  }
0x77: {  	v58 =	vld [tilespmem:s28+$0x20];
	v34 =	vperm.xlane v13, v3;
	v53 =	vperm.xlane v16, v3;
	v15 =	vadd.f32 v15, v17  }
0x78: {  	v63 =	vld [tilespmem:s28+$0xFFFFFF70];
	v39 =	vperm.xlane v14, v1;
	v17 =	vadd.f32 v21, v49;
	v12 =	vadd.f32 v12, v47  }
0x79: {  	v52 =	vld [tilespmem:s28+$0xFFFFFFF0];
	v35 =	vmul.f32 v42, v5;
	v19 =	vadd.f32 v19, v38;
	v13 =	vadd.f32 v13, v34  }
0x7a: {  	v22 =	vld [tilespmem:s28+$0xFFFFFF30];
	v37 =	vmul.f32 v44, v4;
	v16 =	vadd.f32 v16, v53;
	v14 =	vadd.f32 v14, v39  }
0x7b: {  	v48 =	vld [tilespmem:s28+$0xFFFFFFD0];
	v47 =	vmul.f32 v54, v7;
	v53 =	vmul.f32 v61, v9;
	v15 =	vadd.f32 v25, v15  }
0x7c: {  	v39 =	vld [tilespmem:s28+$0xFFFFFF90];
	v38 =	vmul.f32 v46, v10;
	v58 =	vmul.f32 v58, v5;
	v12 =	vsel vm0, v12, v19  }
0x7d: {  	v54 =	vld [tilespmem:s28+$0x0];
	v59 =	vperm.xlane v14, v2;
	v17 =	vadd.f32 v53, v17;
	v12 =	vsel vm1, v12, v13  }
0x7e: {  	v50 =	vld [tilespmem:s28+$0xFFFFFFE0];
	v13 =	vadd.f32 v57, v56;
	v15 =	vadd.f32 v30, v15;
	v57 =	vmul.f32 v63, v8  }
0x7f: {  	v25 =	vld [tilespmem:s28+$0x120];
	v12 =	vsel vm2, v12, v16;
	v14 =	vadd.f32 v14, v59;
	v16 =	vadd.f32 v33, v62  }
0x80: {  	v19 =	vld [tilespmem:s28+$0xFFFFFF20];
	v59 =	vmul.f32 v22, v4;
	v13 =	vadd.f32 v20, v13;
	v30 =	vperm.xlane v15, v0  }
0x81: {  	v61 =	vld [tilespmem:s28+$0x40];
	v63 =	vmul.f32 v39, v6;
	v39 =	vmul.f32 v48, v11;
	v16 =	vadd.f32 v31, v16  }
0x82: {  	v44 =	vld [tilespmem:s28+$0xC0];
	v17 =	vadd.f32 v57, v17;
	v48 =	vmul.f32 v52, v8;
	v53 =	vmul.f32 v54, v7  }
0x83: {  	v49 =	vld [tilespmem:s28+$0xE0];
	v40 =	vperm.xlane v14, v3;
	v13 =	vadd.f32 v36, v13;
	v16 =	vadd.f32 v43, v16  }
0x84: {  	v29 =	vld [tilespmem:s28+$0x90];
	v25 =	vmul.f32 v25, v5;
	v15 =	vadd.f32 v15, v30;
	v17 =	vadd.f32 v60, v17  }
0x85: {  	v56 =	vld [tilespmem:s28+$0x10];
	v19 =	vmul.f32 v19, v5;
	v13 =	vadd.f32 v41, v13;
	v16 =	vadd.f32 v47, v16  }
0x86: {  	v22 =	vld [tilespmem:s28+$0x30];
	v42 =	vadd.f32 v39, v38;
	v60 =	vmul.f32 v61, v10;
	v30 =	vperm.xlane v15, v1  }
0x87: {  	v61 =	vld [tilespmem:s28+$0x150];
	v39 =	vmul.f32 v44, v10;
	v13 =	vadd.f32 v45, v13;
	v16 =	vadd.f32 v51, v16  }
0x88: {  	v62 =	vld [tilespmem:s28+$0x50];
	v44 =	vmul.f32 v49, v9;
	v17 =	vadd.f32 v63, v17;
	v15 =	vadd.f32 v15, v30  }
0x89: {  	v49 =	vmul.f32 v29, v6;
	v63 =	vld [tilespmem:s28+$0x160];
	v13 =	vadd.f32 v18, v13;
	v16 =	vadd.f32 v19, v16  }
0x8a: {  	v32 =	vld [tilespmem:s28+$0x60];
	v14 =	vadd.f32 v14, v40;
	v43 =	vmul.f32 v50, v9;
	v56 =	vmul.f32 v56, v6  }
0x8b: {  	v46 =	vld [tilespmem:s28+$0xD0];
	v40 =	vperm.xlane v15, v2;
	v13 =	vadd.f32 v55, v13;
	v16 =	vadd.f32 v59, v16  }
0x8c: {  	v21 =	vld [tilespmem:s28+$0x100];
	v22 =	vmul.f32 v22, v4;
	v12 =	vsel vm3, v12, v14;
	v20 =	vmul.f32 v61, v11  }
0x8d: {  	v52 =	vld [tilespmem:s28+$0xF0];
	v15 =	vadd.f32 v15, v40;
	v23 =	vperm.xlane v13, v0;
	v33 =	vperm.xlane v16, v0  }
0x8e: {  	v31 =	vld [tilespmem:s28+$0xA0];
	v17 =	vadd.f32 v35, v17;
	v19 =	vmul.f32 v62, v11;
	v18 =	vmul.f32 v63, v9  }
0x8f: {  	v59 =	vld [tilespmem:s28+$0x140];
	v50 =	vperm.xlane v15, v3;
	v13 =	vadd.f32 v13, v23;
	v14 =	vadd.f32 v16, v33  }
0x90: {  	v38 =	vld [tilespmem:s28+$0x170];
	v40 =	vmul.f32 v46, v11;
	v16 =	vadd.f32 v37, v17;
	v17 =	vadd.f32 v43, v42  }
0x91: {  	v23 =	vld [tilespmem:s28+$0x70];
	v15 =	vadd.f32 v15, v50;
	v36 =	vperm.xlane v13, v1;
	v41 =	vperm.xlane v14, v1  }
0x92: {  	v35 =	vld [tilespmem:s28+$0xB0];
	v50 =	vmul.f32 v52, v8;
	v47 =	vperm.xlane v16, v0;
	v17 =	vadd.f32 v48, v17  }
0x93: {  	v13 =	vadd.f32 v13, v36;
	v36 =	vmul.f32 v32, v9;
	v32 =	vld [tilespmem:s28+$0x3B0];
	v14 =	vadd.f32 v14, v41  }
0x94: {  	v12 =	vsel vm4, v12, v15;
	v52 =	vmul.f32 v59, v10;
	v17 =	vadd.f32 v53, v17;
	v53 =	vld [tilespmem:s28+$0x1D0]  }
0x95: {  	v16 =	vadd.f32 v16, v47;
	v41 =	vld [tilespmem:s28+$0x180];
	v45 =	vperm.xlane v13, v2;
	v51 =	vperm.xlane v14, v2  }
0x96: {  	v29 =	vld [tilespmem:s28+$0x240];
	v42 =	vmul.f32 v23, v8;
	v47 =	vmul.f32 v24, v7;
	v17 =	vadd.f32 v56, v17  }
0x97: {  	v59 =	vld [tilespmem:s28+$0x200];
	v55 =	vperm.xlane v16, v1;
	v13 =	vadd.f32 v13, v45;
	v14 =	vadd.f32 v14, v51  }
0x98: {  	v45 =	vld [tilespmem:s28+$0x1A0];
	v17 =	vadd.f32 v58, v17;
	v58 =	vmul.f32 v35, v4;
	v32 =	vmul.f32 v32, v4  }
0x99: {  	v16 =	vadd.f32 v16, v55;
	v51 =	vld [tilespmem:s28+$0x1C0];
	v54 =	vperm.xlane v13, v3;
	v63 =	vmul.f32 v53, v11  }
0x9a: {  	v55 =	vld [tilespmem:s28+$0x1E0];
	v37 =	vmul.f32 v41, v7;
	v57 =	vperm.xlane v14, v3;
	v17 =	vadd.f32 v22, v17  }
0x9b: {  	v56 =	vld [tilespmem:s28+$0x1F0];
	v62 =	vperm.xlane v16, v2;
	v13 =	vadd.f32 v13, v54;
	v54 =	vmul.f32 v21, v7  }
0x9c: {  	v43 =	vld [tilespmem:s28+$0x190];
	v14 =	vadd.f32 v14, v57;
	v46 =	vperm.xlane v17, v0;
	v57 =	vmul.f32 v31, v5  }
0x9d: {  	v33 =	vld [tilespmem:s28+$0x130];
	v15 =	vadd.f32 v16, v62;
	v41 =	vmul.f32 v45, v5;
	v16 =	vmul.f32 v59, v7  }
0x9e: {  	v22 =	vld [tilespmem:s28+$0x250];
	v12 =	vsel vm5, v12, v13;
	v13 =	vadd.f32 v19, v60;
	v60 =	vmul.f32 v38, v8  }
0x9f: {  	v61 =	vld [tilespmem:s28+$0x210];
	v19 =	vadd.f32 v20, v52;
	v62 =	vmul.f32 v51, v10;
	v21 =	vmul.f32 v55, v9  }
0xa0: {  	v48 =	vld [tilespmem:s28+$0x1B0];
	v20 =	vmul.f32 v56, v8;
	v14 =	vsel vm6, v12, v14;
	v12 =	vadd.f32 v40, v39  }
0xa1: {  	v38 =	vld [tilespmem:s28+$0x230];
	v17 =	vadd.f32 v17, v46;
	v39 =	vmul.f32 v43, v6;
	v13 =	vadd.f32 v36, v13  }
0xa2: {  	v52 =	vld [tilespmem:s28+$0x2E0];
	v40 =	vmul.f32 v33, v4;
	v18 =	vadd.f32 v18, v19;
	v26 =	vadd.f32 v63, v62  }
0xa3: {  	v36 =	vld [tilespmem:s28+$0x220];
	v22 =	vmul.f32 v22, v11;
	v12 =	vadd.f32 v44, v12;
	v43 =	vperm.xlane v17, v1  }
0xa4: {  	v44 =	vmul.f32 v61, v6;
	v13 =	vadd.f32 v42, v13;
	v18 =	vadd.f32 v60, v18  }
0xa5: {  	v63 =	vld [tilespmem:s28+$0x350];
	v21 =	vadd.f32 v21, v26;
	v42 =	vmul.f32 v48, v4;
	v12 =	vadd.f32 v50, v12  }
0xa6: {  	v35 =	vld [tilespmem:s28+$0x310];
	v17 =	vadd.f32 v17, v43;
	v51 =	vmul.f32 v38, v4;
	v43 =	vmul.f32 v29, v10  }
0xa7: {  	v19 =	vld [tilespmem:s28+$0x2B0];
	v52 =	vmul.f32 v52, v9;
	v13 =	vadd.f32 v47, v13;
	v18 =	vadd.f32 v37, v18  }
0xa8: {  	v23 =	vld [tilespmem:s28+$0x270];
	v20 =	vadd.f32 v20, v21;
	v12 =	vadd.f32 v54, v12;
	v46 =	vmul.f32 v36, v5  }
0xa9: {  	v50 =	vperm.xlane v17, v2;
	v54 =	vperm.xlane v15, v3;
	v13 =	vadd.f32 v49, v13  }
0xaa: {  	v21 =	vld [tilespmem:s28+$0x280];
	v63 =	vmul.f32 v63, v11;
	v18 =	vadd.f32 v39, v18;
	v16 =	vadd.f32 v16, v20  }
0xab: {  	v36 =	vmul.f32 v35, v6;
	v49 =	vld [tilespmem:s28+$0x2D0];
	v12 =	vadd.f32 v28, v12;
	v17 =	vadd.f32 v17, v50  }
0xac: {  	v38 =	vld [tilespmem:s28+$0x360];
	v19 =	vmul.f32 v19, v4;
	v15 =	vadd.f32 v15, v54;
	v13 =	vadd.f32 v57, v13  }
0xad: {  	v39 =	vld [tilespmem:s28+$0x430];
	v50 =	vmul.f32 v23, v8;
	v18 =	vadd.f32 v41, v18;
	v16 =	vadd.f32 v44, v16  }
0xae: {  	v34 =	vld [tilespmem:s28+$0x390];
	v12 =	vadd.f32 v25, v12;
	v57 =	vperm.xlane v17, v3;
	v14 =	vsel vm7, v14, v15  }
0xaf: {  	v30 =	vld [tilespmem:s28+$0x2A0];
	v21 =	vmul.f32 v21, v7;
	v13 =	vadd.f32 v58, v13;
	v18 =	vadd.f32 v42, v18  }
0xb0: {  	v26 =	vld [tilespmem:s28+$0x2C0];
	v16 =	vadd.f32 v46, v16;
	v12 =	vadd.f32 v40, v12;
	v49 =	vmul.f32 v49, v11  }
0xb1: {  	v24 =	vld [tilespmem:s28+$0x290];
	v60 =	vadd.f32 v17, v57;
	v40 =	vmul.f32 v38, v9;
	v27 =	vperm.xlane v13, v0  }
0xb2: {  	v17 =	vld [tilespmem:s28+$0x340];
	v39 =	vmul.f32 v39, v4;
	v48 =	vperm.xlane v18, v0;
	v16 =	vadd.f32 v51, v16  }
0xb3: {  	v25 =	vld [tilespmem:s28+$0x260];
	v45 =	vperm.xlane v12, v0;
	v14 =	vsel vm8, v14, v60;
	v13 =	vadd.f32 v13, v27  }
0xb4: {  	v33 =	vld [tilespmem:s28+$0x370];
	v60 =	vmul.f32 v30, v5;
	v18 =	vadd.f32 v18, v48;
	v58 =	vperm.xlane v16, v0  }
0xb5: {  	v29 =	vld [tilespmem:s28+$0x380];
	v48 =	vmul.f32 v26, v10;
	v12 =	vadd.f32 v12, v45;
	v47 =	vperm.xlane v13, v1  }
0xb6: {  	v27 =	vld [tilespmem:s28+$0x2F0];
	v56 =	vperm.xlane v18, v1;
	v16 =	vadd.f32 v16, v58;
	v58 =	vmul.f32 v24, v6  }
0xb7: {  	v37 =	vld [tilespmem:s28+$0x320];
	v17 =	vmul.f32 v17, v10;
	v53 =	vperm.xlane v12, v1;
	v13 =	vadd.f32 v13, v47  }
0xb8: {  	v20 =	vld [tilespmem:s28+$0x300];
	v18 =	vadd.f32 v18, v56;
	v41 =	vperm.xlane v16, v1;
	v47 =	vmul.f32 v25, v9  }
0xb9: {  	v17 =	vadd.f32 v63, v17;
	v31 =	vadd.f32 v12, v53;
	v53 =	vld [tilespmem:s28+$0x3D0];
	v55 =	vperm.xlane v13, v2  }
0xba: {  	v30 =	vld [tilespmem:s28+$0x420];
	v62 =	vperm.xlane v18, v2;
	v15 =	vadd.f32 v16, v41;
	v16 =	vadd.f32 v22, v43  }
0xbb: {  	v12 =	vld [tilespmem:s28+$0x330];
	v56 =	vmul.f32 v27, v8;
	v17 =	vadd.f32 v40, v17;
	v13 =	vadd.f32 v13, v55  }
0xbc: {  	v57 =	vld [tilespmem:s28+$0x3F0];
	v59 =	vperm.xlane v31, v2;
	v18 =	vadd.f32 v18, v62;
	v46 =	vperm.xlane v15, v2  }
0xbd: {  	v51 =	vld [tilespmem:s28+$0x3C0];
	v16 =	vadd.f32 v47, v16;
	v47 =	vmul.f32 v37, v5;
	v61 =	vperm.xlane v13, v3  }
0xbe: {  	v55 =	vld [tilespmem:s28+$0x3E0];
	v31 =	vadd.f32 v31, v59;
	v45 =	vperm.xlane v18, v3;
	v43 =	vmul.f32 v53, v11  }
0xbf: {  	v41 =	vld [tilespmem:s28+$0x440];
	v15 =	vadd.f32 v15, v46;
	v53 =	vmul.f32 v34, v6;
	v34 =	vmul.f32 v30, v5  }
0xc0: {  	v62 =	vld [tilespmem:s28+$0x410];
	v16 =	vadd.f32 v50, v16;
	v40 =	vmul.f32 v12, v4;
	v42 =	vperm.xlane v31, v3  }
0xc1: {  	v59 =	vld [tilespmem:s28+$0x400];
	v13 =	vadd.f32 v13, v61;
	v18 =	vadd.f32 v18, v45;
	v54 =	vperm.xlane v15, v3  }
0xc2: {  	v46 =	vld [tilespmem:s28+$0x4C0];
	v16 =	vadd.f32 v21, v16;
	v61 =	vmul.f32 v20, v7;
	v45 =	vmul.f32 v33, v8  }
0xc3: {  	v50 =	vld [tilespmem:s28+$0x460];
	v44 =	vadd.f32 v31, v42;
	v42 =	vmul.f32 v51, v10;
	v22 =	vmul.f32 v55, v9  }
0xc4: {  	v25 =	vld [tilespmem:s28+$0x3A0];
	v51 =	vmul.f32 v57, v8;
	v55 =	vmul.f32 v41, v10;
	v13 =	vsel vm9, v14, v13  }
0xc5: {  	v20 =	vmul.f32 v62, v6;
	v14 =	vadd.f32 v49, v48;
	v13 =	vsel vm10, v13, v44;
	v44 =	vld [tilespmem:s28+$0x450]  }
0xc6: {  	v15 =	vadd.f32 v15, v54;
	v16 =	vadd.f32 v58, v16;
	v48 =	vld [tilespmem:s28+$0x4D0];
	v49 =	vmul.f32 v29, v7  }
0xc7: {  	v33 =	vld [tilespmem:s28+$0x4B0];
	v17 =	vadd.f32 v45, v17;
	v24 =	vmul.f32 v59, v7;
	v10 =	vmul.f32 v46, v10  }
0xc8: {  	v21 =	vmul.f32 v50, v9;
	v13 =	vsel vm11, v13, v18;
	v14 =	vadd.f32 v52, v14;
	v52 =	vld [tilespmem:s28+$0x4E0]  }
0xc9: {  	v54 =	vld [tilespmem:s28+$0x470];
	v16 =	vadd.f32 v60, v16;
	v17 =	vadd.f32 v49, v17;
	v13 =	vsel vm12, v13, v15  }
0xca: {  	v57 =	vld [tilespmem:s28+$0x4F0];
	v15 =	vadd.f32 v43, v42;
	v14 =	vadd.f32 v56, v14;
	v56 =	vmul.f32 v44, v11  }
0xcb: {  	v58 =	vld [tilespmem:s28+$0x480];
	v60 =	vmul.f32 v25, v5;
	v16 =	vadd.f32 v19, v16;
	v11 =	vmul.f32 v48, v11  }
0xcc: {  	v59 =	vld [tilespmem:s28+$0x500];
	v41 =	vmul.f32 v33, v4;
	v15 =	vadd.f32 v22, v15;
	v22 =	vadd.f32 v56, v55  }
0xcd: {  	v14 =	vadd.f32 v61, v14;
	v61 =	vld [tilespmem:s28+$0x490];
	v9 =	vmul.f32 v52, v9;
	v10 =	vadd.f32 v11, v10  }
0xce: {  	v63 =	vld [tilespmem:s28+$0x510];
	v17 =	vadd.f32 v53, v17;
	v62 =	vmul.f32 v54, v8;
	v21 =	vadd.f32 v21, v22  }
0xcf: {  	v28 =	vld [tilespmem:s28+$0x4A0];
	v8 =	vmul.f32 v57, v8;
	v15 =	vadd.f32 v51, v15;
	v9 =	vadd.f32 v9, v10  }
0xd0: {  	v31 =	vld [tilespmem:s28+$0x520];
	v19 =	vmul.f32 v58, v7;
	v14 =	vadd.f32 v36, v14;
	v29 =	vadd.f32 v62, v21  }
0xd1: {  	v7 =	vmul.f32 v59, v7;
	v36 =	vld [tilespmem:s28+$0x530];
	v15 =	vadd.f32 v24, v15;
	v8 =	vadd.f32 v8, v9  }
0xd2: {  	v11 =	vadd.f32 v60, v17;
	v35 =	vmul.f32 v61, v6;
	v17 =	vadd.f32 v19, v29  }
0xd3: {  	v15 =	vadd.f32 v20, v15;
	v6 =	vmul.f32 v63, v6;
	v7 =	vadd.f32 v7, v8  }
0xd4: {  	v10 =	vmul.f32 v28, v5;
	v9 =	vadd.f32 v32, v11;
	v38 =	vadd.f32 v35, v17  }
0xd5: {  	v5 =	vmul.f32 v31, v5;
	v37 =	vadd.f32 v34, v15;
	v6 =	vadd.f32 v6, v7  }
0xd6: {  	v14 =	vadd.f32 v47, v14;
	v4 =	vmul.f32 v36, v4;
	v10 =	vadd.f32 v10, v38  }
0xd7: {  	v43 =	vperm.xlane v9, v0;
	v7 =	vadd.f32 v39, v37;
	v5 =	vadd.f32 v5, v6  }
0xd8: {  	v44 =	vperm.xlane v16, v0;
	v42 =	vadd.f32 v40, v14;
	v10 =	vadd.f32 v41, v10  }
0xd9: {  	v8 =	vadd.f32 v9, v43;
	v45 =	vperm.xlane v7, v0;
	v4 =	vadd.f32 v4, v5  }
0xda: {  	v11 =	vadd.f32 v16, v44;
	v5 =	vperm.xlane v42, v0;
	v46 =	vperm.xlane v10, v0  }
0xdb: {  	v48 =	vperm.xlane v8, v1;
	v7 =	vadd.f32 v7, v45;
	v47 =	vperm.xlane v4, v0  }
0xdc: {  	v49 =	vperm.xlane v11, v1;
	v5 =	vadd.f32 v42, v5;
	v9 =	vadd.f32 v10, v46  }
0xdd: {  	v6 =	vadd.f32 v8, v48;
	v50 =	vperm.xlane v7, v1;
	v4 =	vadd.f32 v4, v47  }
0xde: {  	v51 =	vperm.xlane v5, v1;
	v10 =	vadd.f32 v11, v49;
	v52 =	vperm.xlane v9, v1  }
0xdf: {  	v54 =	vperm.xlane v6, v2;
	v7 =	vadd.f32 v7, v50;
	v53 =	vperm.xlane v4, v1  }
0xe0: {  	v5 =	vadd.f32 v5, v51;
	v55 =	vperm.xlane v10, v2;
	v8 =	vadd.f32 v9, v52  }
0xe1: {  	v6 =	vadd.f32 v6, v54;
	v14 =	vperm.xlane v7, v2;
	v4 =	vadd.f32 v4, v53  }
0xe2: {  	v56 =	vperm.xlane v5, v2;
	v9 =	vadd.f32 v10, v55;
	v57 =	vperm.xlane v8, v2  }
0xe3: {  	v59 =	vperm.xlane v6, v3;
	v7 =	vadd.f32 v7, v14;
	v58 =	vperm.xlane v4, v2  }
0xe4: {  	v5 =	vadd.f32 v5, v56;
	v60 =	vperm.xlane v9, v3;
	v8 =	vadd.f32 v8, v57  }
0xe5: {  	v6 =	vadd.f32 v6, v59;
	v14 =	vperm.xlane v7, v3;
	v4 =	vadd.f32 v4, v58  }
0xe6: {  	v61 =	vperm.xlane v5, v3;
	v9 =	vadd.f32 v9, v60;
	v62 =	vperm.xlane v8, v3  }
0xe7: {  	p1 =	sne.s32 s26, $0x4B0;
	v6 =	vnsel vm0, $0x0, v6;
	v7 =	vadd.f32 v7, v14;
	v63 =	vperm.xlane v4, v3  }
.Ltmp0:
0xe8: {  	v5 =	vadd.f32 v5, v61;
	v9 =	vsel vm13, v13, v9;
	v8 =	vadd.f32 v8, v62;
	(pc) =	sbr.rel @p1 .LBB2_3-.Ltmp0, $4  }
0xe9: {  	v6 =	vsel vm15, v6, v7;
	vm15 =	vcmask $0x710;
	v4 =	vadd.f32 v4, v63  }
0xea: {  	s29 =	sshra.s32 s26, $0x2;
	v5 =	vsel vm14, v9, v5;
	v6 =	vsel vm15, v6, v8;
	vm15 =	vcmask $0xB10  }
0xeb: {  	[tilespmem:s29+$0x15300] =	vst v5;
	v4 =	vsel vm15, v6, v4  }
0xec: {  	s26 =	sadd.s32 $0x50, s26;
	s28 =	sadd.s32 $0xA80, s28;
	[tilespmem:s29+$0x15310] =	vst v4  }
0xed: {  	s26 =	sadd.s32 s5, s25  }
0xee: {  	p1 =	sne.s32 s23, $0x1F;
	s26 =	smul.u32 $0x14, s26  }
.Ltmp1:
0xef: {  	_ = 	snop;
	(pc) =	sbr.rel @p1 .LBB2_6-.Ltmp1, $4  }
0xf0: {  	_ = 	snop  }
0xf1: {  	s26 =	sshrl.u32 s26, $0x3  }
0xf2: {  	s26 =	sadd.s32 s4, s26  }
0xf3: {  	[hbm4b:s26+s2] =	stream.linear.scatter [tilespmem:s17], [sflag:$0x3], $0x140, $0x38;
	[tilespmem:$0x15600] =	vst v63  }
.Ltmp2:
0xf4: {  	(pc) =	sbr.rel .LBB2_7-.Ltmp2, $4  }
0xf5: {  	_ = 	snop  }
0xf6: {  	_ =	swait.ge [sflag:s18], $0xA800  }
0xf7: {  	[sflag:s18] =	ssyncset.done $0x0  }
0xf8: {  	[sflag:s18] =	ssyncadd.s32 $0xFFFF5800  }
.LBB2_6:
0xf9: {  	s25 =	sadd.s32 s25, s8  }
0xfa: {  	s25 =	smul.u32 $0x15, s25;
	_ =	sdelay $0x1  }
0xfb: {  	s25 =	sshrl.u32 s25, $0x3  }
0xfc: {  	s25 =	sadd.s32 s7, s25  }
0xfd: {  	[tilespmem:s2], [sflag:$0x5] =	stream.linear.gather [hbm4b:s25+s2], $0x150, $0x38;
	[tilespmem:$0x15600] =	vst v63  }
0xfe: {  	_ =	swait.ge [sflag:s11], $0x150  }
0xff: {  	[sflag:s11] =	ssyncset.done $0x0  }
.Ltmp3:
0x100: {  	[sflag:s11] =	ssyncadd.s32 $0xFFFFFEB0;
	(pc) =	sbr.rel @p0 .LBB2_8-.Ltmp3, $4  }
0x101: {  	[tilespmem:s13], [sflag:$0x1] =	stream.indirect.gather [hbm4b:s0+s12], $0x80, s2, s12, $0xb8;
	[tilespmem:$0x15600] =	vst v63  }
0x102: {  	_ =	swait.ge [sflag:s18], $0xA800  }
0x103: {  	[sflag:s18] =	ssyncset.done $0x0  }
0x104: {  	[sflag:s18] =	ssyncadd.s32 $0xFFFF5800  }
.LBB2_7:
0x105: {  	_ =	swait.ge [sflag:s19], $0x140  }
0x106: {  	[sflag:s19] =	ssyncset.done $0x0  }
0x107: {  	[sflag:s19] =	ssyncadd.s32 $0xFFFFFEC0  }
.LBB2_8:
0x108: {  	s25 =	simm.s32 $0x0;
	s26 =	simm.s32 $0xB040  }
.LBB2_9:
0x109: {  	v10 =	vld [tilespmem:s26+$0xFFFFFAC0]  }
0x10a: {  	v11 =	vld [tilespmem:s26+$0xFFFFFAD0]  }
0x10b: {  	v9 =	vld [tilespmem:s26+$0xFFFFFAE0]  }
0x10c: {  	v8 =	vld [tilespmem:s26+$0xFFFFFAF0]  }
0x10d: {  	v7 =	vld [tilespmem:s26+$0xFFFFFB00]  }
0x10e: {  	v6 =	vld [tilespmem:s26+$0xFFFFFB10]  }
0x10f: {  	v5 =	vld [tilespmem:s26+$0xFFFFFB20]  }
0x110: {  	v4 =	vld [tilespmem:s26+$0xFFFFFB30]  }
0x111: {  	v12 =	vld [tilespmem:s26+$0xFFFFFB40]  }
0x112: {  	v13 =	vld [tilespmem:s26+$0xFFFFFB50]  }
0x113: {  	v14 =	vld [tilespmem:s26+$0xFFFFFB60]  }
0x114: {  	v15 =	vld [tilespmem:s26+$0xFFFFFB70]  }
0x115: {  	v16 =	vld [tilespmem:s26+$0xFFFFFB80]  }
0x116: {  	v17 =	vld [tilespmem:s26+$0xFFFFFB90]  }
0x117: {  	v18 =	vld [tilespmem:s26+$0xFFFFFBA0]  }
0x118: {  	v19 =	vld [tilespmem:s26+$0xFFFFFBB0]  }
0x119: {  	v20 =	vld [tilespmem:s26+$0xFFFFFBC0]  }
0x11a: {  	v21 =	vld [tilespmem:s26+$0xFFFFFBD0]  }
0x11b: {  	v22 =	vld [tilespmem:s26+$0xFFFFFBE0]  }
0x11c: {  	v23 =	vld [tilespmem:s26+$0xFFFFFBF0]  }
0x11d: {  	v24 =	vld [tilespmem:s26+$0xFFFFFC00]  }
0x11e: {  	v25 =	vld [tilespmem:s26+$0xFFFFFC10]  }
0x11f: {  	v26 =	vld [tilespmem:s26+$0xFFFFFC20]  }
0x120: {  	v27 =	vld [tilespmem:s26+$0xFFFFFC30]  }
0x121: {  	v28 =	vld [tilespmem:s26+$0xFFFFFC40]  }
0x122: {  	v29 =	vld [tilespmem:s26+$0xFFFFFC50]  }
0x123: {  	v30 =	vld [tilespmem:s26+$0xFFFFFC60]  }
0x124: {  	v31 =	vld [tilespmem:s26+$0xFFFFFC70]  }
0x125: {  	v32 =	vld [tilespmem:s26+$0xFFFFFC80]  }
0x126: {  	v33 =	vld [tilespmem:s26+$0xFFFFFCA0]  }
0x127: {  	v34 =	vld [tilespmem:s26+$0xFFFFFCC0];
	v12 =	vmul.f32 v12, v10  }
0x128: {  	v44 =	vld [tilespmem:s26+$0xFFFFFCD0];
	v13 =	vmul.f32 v13, v11;
	v41 =	vmul.f32 v14, v9  }
0x129: {  	v46 =	vld [tilespmem:s26+$0xFFFFFCE0];
	v42 =	vmul.f32 v15, v8;
	v20 =	vmul.f32 v20, v10  }
0x12a: {  	v48 =	vld [tilespmem:s26+$0xFFFFFCF0];
	v21 =	vmul.f32 v21, v11;
	v43 =	vmul.f32 v16, v7  }
0x12b: {  	v50 =	vld [tilespmem:s26+$0xFFFFFD00];
	v45 =	vmul.f32 v22, v9;
	v47 =	vmul.f32 v17, v6  }
0x12c: {  	v53 =	vld [tilespmem:s26+$0xFFFFFD10];
	v18 =	vmul.f32 v18, v5;
	v49 =	vmul.f32 v23, v8  }
0x12d: {  	v56 =	vld [tilespmem:s26+$0xFFFFFD20];
	v51 =	vmul.f32 v19, v4;
	v52 =	vmul.f32 v24, v7  }
0x12e: {  	v61 =	vld [tilespmem:s26+$0xFFFFFD40];
	v54 =	vmul.f32 v28, v10;
	v55 =	vmul.f32 v29, v11  }
0x12f: {  	v63 =	vld [tilespmem:s26+$0xFFFFFD50];
	v57 =	vmul.f32 v34, v10;
	v16 =	vmul.f32 v44, v11  }
0x130: {  	v36 =	vld [tilespmem:s26+$0xFFFFFD60];
	v60 =	vmul.f32 v30, v9;
	v25 =	vmul.f32 v25, v6  }
0x131: {  	v40 =	vld [tilespmem:s26+$0xFFFFFD80];
	v62 =	vmul.f32 v46, v9;
	v35 =	vmul.f32 v31, v8  }
0x132: {  	v14 =	vld [tilespmem:s26+$0xFFFFFC90];
	v17 =	vmul.f32 v48, v8;
	v38 =	vmul.f32 v26, v5  }
0x133: {  	v15 =	vld [tilespmem:s26+$0xFFFFFCB0];
	v39 =	vmul.f32 v32, v7;
	v46 =	vmul.f32 v53, v6  }
0x134: {  	v44 =	vld [tilespmem:s26+$0xFFFFFDA0];
	v48 =	vmul.f32 v61, v10;
	v12 =	vadd.f32 v13, v12;
	v20 =	vadd.f32 v21, v20  }
0x135: {  	v22 =	vmul.f32 v63, v11;
	v28 =	vld [tilespmem:s26+$0x110];
	v59 =	vadd.f32 v55, v54;
	v16 =	vadd.f32 v16, v57  }
0x136: {  	v58 =	vld [tilespmem:s26+$0xFFFFFD30];
	v21 =	vmul.f32 v36, v9;
	v54 =	vmul.f32 v40, v7;
	v12 =	vadd.f32 v41, v12  }
0x137: {  	v37 =	vld [tilespmem:s26+$0xFFFFFD70];
	v20 =	vadd.f32 v45, v20;
	v30 =	vadd.f32 v60, v59;
	v45 =	vmul.f32 v27, v4  }
0x138: {  	v61 =	vld [tilespmem:s26+$0xFFFFFE50];
	v16 =	vadd.f32 v62, v16;
	v14 =	vmul.f32 v14, v6;
	v15 =	vmul.f32 v15, v4  }
0x139: {  	v63 =	vld [tilespmem:s26+$0xFFFFFE60];
	v62 =	vmul.f32 v44, v5;
	v12 =	vadd.f32 v42, v12;
	v20 =	vadd.f32 v49, v20  }
0x13a: {  	v27 =	vld [tilespmem:s26+$0xFFFFFDC0];
	v28 =	vmul.f32 v28, v6;
	v13 =	vadd.f32 v35, v30;
	v16 =	vadd.f32 v17, v16  }
0x13b: {  	v42 =	vmul.f32 v50, v7;
	v49 =	vmul.f32 v33, v5;
	v17 =	vld [tilespmem:s26+$0xFFFFFDF0];
	v12 =	vadd.f32 v43, v12  }
0x13c: {  	v50 =	vmul.f32 v56, v5;
	v30 =	vld [tilespmem:s26+$0xFFFFFE30];
	v19 =	vadd.f32 v52, v20;
	v13 =	vadd.f32 v39, v13  }
0x13d: {  	v43 =	vld [tilespmem:s26+$0xFFFFFD90];
	v16 =	vadd.f32 v42, v16;
	v52 =	vmul.f32 v58, v4;
	v12 =	vadd.f32 v47, v12  }
0x13e: {  	v20 =	vmul.f32 v63, v9;
	v19 =	vadd.f32 v25, v19;
	v47 =	vld [tilespmem:s26+$0xFFFFFDB0];
	v13 =	vadd.f32 v14, v13  }
0x13f: {  	v27 =	vmul.f32 v27, v10;
	v16 =	vadd.f32 v46, v16;
	v14 =	vadd.f32 v22, v48;
	v22 =	vld [tilespmem:s26+$0xFFFFFDE0]  }
0x140: {  	v25 =	vld [tilespmem:s26+$0xFFFFFE20];
	v17 =	vmul.f32 v17, v8;
	v12 =	vadd.f32 v18, v12;
	v19 =	vadd.f32 v38, v19  }
0x141: {  	v59 =	vld [tilespmem:s26+$0xFFFFFE40];
	v30 =	vmul.f32 v30, v4;
	v13 =	vadd.f32 v49, v13;
	v16 =	vadd.f32 v50, v16  }
0x142: {  	v14 =	vadd.f32 v21, v14;
	v18 =	vmul.f32 v37, v8;
	v21 =	vld [tilespmem:s26+$0xFFFFFE00];
	v12 =	vadd.f32 v51, v12  }
0x143: {  	v50 =	vld [tilespmem:s26+$0xFFFFFED0];
	v58 =	vmul.f32 v43, v6;
	v19 =	vadd.f32 v45, v19;
	v13 =	vadd.f32 v15, v13  }
0x144: {  	v51 =	vld [tilespmem:s26+$0xFFFFFDD0];
	v16 =	vadd.f32 v52, v16;
	v43 =	vmul.f32 v47, v4;
	v22 =	vmul.f32 v22, v9  }
0x145: {  	v15 =	vld [tilespmem:s26+$0xFFFFFE10];
	v14 =	vadd.f32 v18, v14;
	v25 =	vmul.f32 v25, v5;
	v41 =	vperm.xlane v12, v0  }
0x146: {  	v45 =	vld [tilespmem:s26+$0xFFFFFE90];
	v53 =	vperm.xlane v19, v0;
	v56 =	vperm.xlane v13, v0  }
0x147: {  	v57 =	vperm.xlane v16, v0;
	v14 =	vadd.f32 v54, v14;
	v21 =	vmul.f32 v21, v7  }
0x148: {  	v44 =	vld [tilespmem:s26+$0xFFFFFE80];
	v33 =	vmul.f32 v50, v11;
	v12 =	vadd.f32 v12, v41;
	v13 =	vadd.f32 v13, v56  }
0x149: {  	v18 =	vld [tilespmem:s26+$0xFFFFFEA0];
	v16 =	vadd.f32 v16, v57;
	v56 =	vmul.f32 v59, v10;
	v57 =	vmul.f32 v61, v11  }
0x14a: {  	v37 =	vld [tilespmem:s26+$0xFFFFFEC0];
	v19 =	vadd.f32 v19, v53;
	v29 =	vmul.f32 v51, v11;
	v15 =	vmul.f32 v15, v6  }
0x14b: {  	v52 =	vld [tilespmem:s26+$0xFFFFFEF0];
	v14 =	vadd.f32 v58, v14;
	v45 =	vmul.f32 v45, v6;
	v55 =	vperm.xlane v12, v1  }
0x14c: {  	v32 =	vld [tilespmem:s26+$0xFFFFFE70];
	v60 =	vperm.xlane v19, v1;
	v41 =	vperm.xlane v13, v1  }
0x14d: {  	v35 =	vld [tilespmem:s26+$0xFFFFFEB0];
	v42 =	vperm.xlane v16, v1;
	v14 =	vadd.f32 v62, v14;
	v27 =	vadd.f32 v29, v27  }
0x14e: {  	v58 =	vld [tilespmem:s26+$0xFFFFFF40];
	v18 =	vmul.f32 v18, v5;
	v12 =	vadd.f32 v12, v55;
	v19 =	vadd.f32 v19, v60  }
0x14f: {  	v51 =	vld [tilespmem:s26+$0xFFFFFEE0];
	v62 =	vmul.f32 v37, v10;
	v13 =	vadd.f32 v13, v41;
	v16 =	vadd.f32 v16, v42  }
0x150: {  	v14 =	vadd.f32 v43, v14;
	v55 =	vld [tilespmem:s26+$0xFFFFFF10];
	v41 =	vmul.f32 v44, v7;
	v43 =	vmul.f32 v52, v8  }
0x151: {  	v60 =	vld [tilespmem:s26+$0xFFFFFF50];
	v22 =	vadd.f32 v22, v27;
	v40 =	vperm.xlane v12, v2;
	v46 =	vperm.xlane v19, v2  }
0x152: {  	v37 =	vld [tilespmem:s26+$0xFFFFFF80];
	v48 =	vperm.xlane v13, v2;
	v49 =	vperm.xlane v16, v2  }
0x153: {  	v24 =	vld [tilespmem:s26+$0x80];
	v36 =	vperm.xlane v14, v0;
	v17 =	vadd.f32 v17, v22;
	v12 =	vadd.f32 v12, v40  }
0x154: {  	v54 =	vld [tilespmem:s26+$0xFFFFFF00];
	v31 =	vmul.f32 v51, v9;
	v19 =	vadd.f32 v19, v46;
	v16 =	vadd.f32 v16, v49  }
0x155: {  	v61 =	vld [tilespmem:s26+$0xFFFFFF60];
	v14 =	vadd.f32 v14, v36;
	v36 =	vmul.f32 v32, v8;
	v49 =	vmul.f32 v58, v10  }
0x156: {  	v42 =	vld [tilespmem:s26+$0xFFFFFFA0];
	v17 =	vadd.f32 v21, v17;
	v21 =	vmul.f32 v60, v11;
	v51 =	vmul.f32 v55, v6  }
0x157: {  	v44 =	vld [tilespmem:s26+$0xFFFFFFB0];
	v13 =	vadd.f32 v13, v48;
	v55 =	vmul.f32 v35, v4;
	v60 =	vmul.f32 v37, v7  }
0x158: {  	vm15 =	vcmask $0x310;
	v46 =	vld [tilespmem:s26+$0xFFFFFFC0];
	v47 =	vperm.xlane v12, v3;
	v38 =	vperm.xlane v19, v3  }
0x159: {  	v58 =	vld [tilespmem:s26+$0x20];
	v34 =	vperm.xlane v13, v3;
	v53 =	vperm.xlane v16, v3;
	v15 =	vadd.f32 v15, v17  }
0x15a: {  	v63 =	vld [tilespmem:s26+$0xFFFFFF70];
	v39 =	vperm.xlane v14, v1;
	v17 =	vadd.f32 v21, v49;
	v12 =	vadd.f32 v12, v47  }
0x15b: {  	v52 =	vld [tilespmem:s26+$0xFFFFFFF0];
	v35 =	vmul.f32 v42, v5;
	v19 =	vadd.f32 v19, v38;
	v13 =	vadd.f32 v13, v34  }
0x15c: {  	v22 =	vld [tilespmem:s26+$0xFFFFFF30];
	v37 =	vmul.f32 v44, v4;
	v16 =	vadd.f32 v16, v53;
	v14 =	vadd.f32 v14, v39  }
0x15d: {  	v48 =	vld [tilespmem:s26+$0xFFFFFFD0];
	v47 =	vmul.f32 v54, v7;
	v53 =	vmul.f32 v61, v9;
	v15 =	vadd.f32 v25, v15  }
0x15e: {  	v39 =	vld [tilespmem:s26+$0xFFFFFF90];
	v38 =	vmul.f32 v46, v10;
	v58 =	vmul.f32 v58, v5;
	v12 =	vsel vm0, v12, v19  }
0x15f: {  	v54 =	vld [tilespmem:s26+$0x0];
	v59 =	vperm.xlane v14, v2;
	v17 =	vadd.f32 v53, v17;
	v12 =	vsel vm1, v12, v13  }
0x160: {  	v50 =	vld [tilespmem:s26+$0xFFFFFFE0];
	v13 =	vadd.f32 v57, v56;
	v15 =	vadd.f32 v30, v15;
	v57 =	vmul.f32 v63, v8  }
0x161: {  	v25 =	vld [tilespmem:s26+$0x120];
	v12 =	vsel vm2, v12, v16;
	v14 =	vadd.f32 v14, v59;
	v16 =	vadd.f32 v33, v62  }
0x162: {  	v19 =	vld [tilespmem:s26+$0xFFFFFF20];
	v59 =	vmul.f32 v22, v4;
	v13 =	vadd.f32 v20, v13;
	v30 =	vperm.xlane v15, v0  }
0x163: {  	v61 =	vld [tilespmem:s26+$0x40];
	v63 =	vmul.f32 v39, v6;
	v39 =	vmul.f32 v48, v11;
	v16 =	vadd.f32 v31, v16  }
0x164: {  	v44 =	vld [tilespmem:s26+$0xC0];
	v17 =	vadd.f32 v57, v17;
	v48 =	vmul.f32 v52, v8;
	v53 =	vmul.f32 v54, v7  }
0x165: {  	v49 =	vld [tilespmem:s26+$0xE0];
	v40 =	vperm.xlane v14, v3;
	v13 =	vadd.f32 v36, v13;
	v16 =	vadd.f32 v43, v16  }
0x166: {  	v29 =	vld [tilespmem:s26+$0x90];
	v25 =	vmul.f32 v25, v5;
	v15 =	vadd.f32 v15, v30;
	v17 =	vadd.f32 v60, v17  }
0x167: {  	v56 =	vld [tilespmem:s26+$0x10];
	v19 =	vmul.f32 v19, v5;
	v13 =	vadd.f32 v41, v13;
	v16 =	vadd.f32 v47, v16  }
0x168: {  	v22 =	vld [tilespmem:s26+$0x30];
	v42 =	vadd.f32 v39, v38;
	v60 =	vmul.f32 v61, v10;
	v30 =	vperm.xlane v15, v1  }
0x169: {  	v61 =	vld [tilespmem:s26+$0x150];
	v39 =	vmul.f32 v44, v10;
	v13 =	vadd.f32 v45, v13;
	v16 =	vadd.f32 v51, v16  }
0x16a: {  	v62 =	vld [tilespmem:s26+$0x50];
	v44 =	vmul.f32 v49, v9;
	v17 =	vadd.f32 v63, v17;
	v15 =	vadd.f32 v15, v30  }
0x16b: {  	v49 =	vmul.f32 v29, v6;
	v63 =	vld [tilespmem:s26+$0x160];
	v13 =	vadd.f32 v18, v13;
	v16 =	vadd.f32 v19, v16  }
0x16c: {  	v32 =	vld [tilespmem:s26+$0x60];
	v14 =	vadd.f32 v14, v40;
	v43 =	vmul.f32 v50, v9;
	v56 =	vmul.f32 v56, v6  }
0x16d: {  	v46 =	vld [tilespmem:s26+$0xD0];
	v40 =	vperm.xlane v15, v2;
	v13 =	vadd.f32 v55, v13;
	v16 =	vadd.f32 v59, v16  }
0x16e: {  	v21 =	vld [tilespmem:s26+$0x100];
	v22 =	vmul.f32 v22, v4;
	v12 =	vsel vm3, v12, v14;
	v20 =	vmul.f32 v61, v11  }
0x16f: {  	v52 =	vld [tilespmem:s26+$0xF0];
	v15 =	vadd.f32 v15, v40;
	v23 =	vperm.xlane v13, v0;
	v33 =	vperm.xlane v16, v0  }
0x170: {  	v31 =	vld [tilespmem:s26+$0xA0];
	v17 =	vadd.f32 v35, v17;
	v19 =	vmul.f32 v62, v11;
	v18 =	vmul.f32 v63, v9  }
0x171: {  	v59 =	vld [tilespmem:s26+$0x140];
	v50 =	vperm.xlane v15, v3;
	v13 =	vadd.f32 v13, v23;
	v14 =	vadd.f32 v16, v33  }
0x172: {  	v38 =	vld [tilespmem:s26+$0x170];
	v40 =	vmul.f32 v46, v11;
	v16 =	vadd.f32 v37, v17;
	v17 =	vadd.f32 v43, v42  }
0x173: {  	v23 =	vld [tilespmem:s26+$0x70];
	v15 =	vadd.f32 v15, v50;
	v36 =	vperm.xlane v13, v1;
	v41 =	vperm.xlane v14, v1  }
0x174: {  	v35 =	vld [tilespmem:s26+$0xB0];
	v50 =	vmul.f32 v52, v8;
	v47 =	vperm.xlane v16, v0;
	v17 =	vadd.f32 v48, v17  }
0x175: {  	v13 =	vadd.f32 v13, v36;
	v36 =	vmul.f32 v32, v9;
	v32 =	vld [tilespmem:s26+$0x3B0];
	v14 =	vadd.f32 v14, v41  }
0x176: {  	v12 =	vsel vm4, v12, v15;
	v52 =	vmul.f32 v59, v10;
	v17 =	vadd.f32 v53, v17;
	v53 =	vld [tilespmem:s26+$0x1D0]  }
0x177: {  	v16 =	vadd.f32 v16, v47;
	v41 =	vld [tilespmem:s26+$0x180];
	v45 =	vperm.xlane v13, v2;
	v51 =	vperm.xlane v14, v2  }
0x178: {  	v29 =	vld [tilespmem:s26+$0x240];
	v42 =	vmul.f32 v23, v8;
	v47 =	vmul.f32 v24, v7;
	v17 =	vadd.f32 v56, v17  }
0x179: {  	v59 =	vld [tilespmem:s26+$0x200];
	v55 =	vperm.xlane v16, v1;
	v13 =	vadd.f32 v13, v45;
	v14 =	vadd.f32 v14, v51  }
0x17a: {  	v45 =	vld [tilespmem:s26+$0x1A0];
	v17 =	vadd.f32 v58, v17;
	v58 =	vmul.f32 v35, v4;
	v32 =	vmul.f32 v32, v4  }
0x17b: {  	v16 =	vadd.f32 v16, v55;
	v51 =	vld [tilespmem:s26+$0x1C0];
	v54 =	vperm.xlane v13, v3;
	v63 =	vmul.f32 v53, v11  }
0x17c: {  	v55 =	vld [tilespmem:s26+$0x1E0];
	v37 =	vmul.f32 v41, v7;
	v57 =	vperm.xlane v14, v3;
	v17 =	vadd.f32 v22, v17  }
0x17d: {  	v56 =	vld [tilespmem:s26+$0x1F0];
	v62 =	vperm.xlane v16, v2;
	v13 =	vadd.f32 v13, v54;
	v54 =	vmul.f32 v21, v7  }
0x17e: {  	v43 =	vld [tilespmem:s26+$0x190];
	v14 =	vadd.f32 v14, v57;
	v46 =	vperm.xlane v17, v0;
	v57 =	vmul.f32 v31, v5  }
0x17f: {  	v33 =	vld [tilespmem:s26+$0x130];
	v15 =	vadd.f32 v16, v62;
	v41 =	vmul.f32 v45, v5;
	v16 =	vmul.f32 v59, v7  }
0x180: {  	v22 =	vld [tilespmem:s26+$0x250];
	v12 =	vsel vm5, v12, v13;
	v13 =	vadd.f32 v19, v60;
	v60 =	vmul.f32 v38, v8  }
0x181: {  	v61 =	vld [tilespmem:s26+$0x210];
	v19 =	vadd.f32 v20, v52;
	v62 =	vmul.f32 v51, v10;
	v21 =	vmul.f32 v55, v9  }
0x182: {  	v48 =	vld [tilespmem:s26+$0x1B0];
	v20 =	vmul.f32 v56, v8;
	v14 =	vsel vm6, v12, v14;
	v12 =	vadd.f32 v40, v39  }
0x183: {  	v38 =	vld [tilespmem:s26+$0x230];
	v17 =	vadd.f32 v17, v46;
	v39 =	vmul.f32 v43, v6;
	v13 =	vadd.f32 v36, v13  }
0x184: {  	v52 =	vld [tilespmem:s26+$0x2E0];
	v40 =	vmul.f32 v33, v4;
	v18 =	vadd.f32 v18, v19;
	v26 =	vadd.f32 v63, v62  }
0x185: {  	v36 =	vld [tilespmem:s26+$0x220];
	v22 =	vmul.f32 v22, v11;
	v12 =	vadd.f32 v44, v12;
	v43 =	vperm.xlane v17, v1  }
0x186: {  	v44 =	vmul.f32 v61, v6;
	v13 =	vadd.f32 v42, v13;
	v18 =	vadd.f32 v60, v18  }
0x187: {  	v63 =	vld [tilespmem:s26+$0x350];
	v21 =	vadd.f32 v21, v26;
	v42 =	vmul.f32 v48, v4;
	v12 =	vadd.f32 v50, v12  }
0x188: {  	v35 =	vld [tilespmem:s26+$0x310];
	v17 =	vadd.f32 v17, v43;
	v51 =	vmul.f32 v38, v4;
	v43 =	vmul.f32 v29, v10  }
0x189: {  	v19 =	vld [tilespmem:s26+$0x2B0];
	v52 =	vmul.f32 v52, v9;
	v13 =	vadd.f32 v47, v13;
	v18 =	vadd.f32 v37, v18  }
0x18a: {  	v23 =	vld [tilespmem:s26+$0x270];
	v20 =	vadd.f32 v20, v21;
	v12 =	vadd.f32 v54, v12;
	v46 =	vmul.f32 v36, v5  }
0x18b: {  	v50 =	vperm.xlane v17, v2;
	v54 =	vperm.xlane v15, v3;
	v13 =	vadd.f32 v49, v13  }
0x18c: {  	v21 =	vld [tilespmem:s26+$0x280];
	v63 =	vmul.f32 v63, v11;
	v18 =	vadd.f32 v39, v18;
	v16 =	vadd.f32 v16, v20  }
0x18d: {  	v36 =	vmul.f32 v35, v6;
	v49 =	vld [tilespmem:s26+$0x2D0];
	v12 =	vadd.f32 v28, v12;
	v17 =	vadd.f32 v17, v50  }
0x18e: {  	v38 =	vld [tilespmem:s26+$0x360];
	v19 =	vmul.f32 v19, v4;
	v15 =	vadd.f32 v15, v54;
	v13 =	vadd.f32 v57, v13  }
0x18f: {  	v39 =	vld [tilespmem:s26+$0x430];
	v50 =	vmul.f32 v23, v8;
	v18 =	vadd.f32 v41, v18;
	v16 =	vadd.f32 v44, v16  }
0x190: {  	v34 =	vld [tilespmem:s26+$0x390];
	v12 =	vadd.f32 v25, v12;
	v57 =	vperm.xlane v17, v3;
	v14 =	vsel vm7, v14, v15  }
0x191: {  	v30 =	vld [tilespmem:s26+$0x2A0];
	v21 =	vmul.f32 v21, v7;
	v13 =	vadd.f32 v58, v13;
	v18 =	vadd.f32 v42, v18  }
0x192: {  	v26 =	vld [tilespmem:s26+$0x2C0];
	v16 =	vadd.f32 v46, v16;
	v12 =	vadd.f32 v40, v12;
	v49 =	vmul.f32 v49, v11  }
0x193: {  	v24 =	vld [tilespmem:s26+$0x290];
	v60 =	vadd.f32 v17, v57;
	v40 =	vmul.f32 v38, v9;
	v27 =	vperm.xlane v13, v0  }
0x194: {  	v17 =	vld [tilespmem:s26+$0x340];
	v39 =	vmul.f32 v39, v4;
	v48 =	vperm.xlane v18, v0;
	v16 =	vadd.f32 v51, v16  }
0x195: {  	v25 =	vld [tilespmem:s26+$0x260];
	v45 =	vperm.xlane v12, v0;
	v14 =	vsel vm8, v14, v60;
	v13 =	vadd.f32 v13, v27  }
0x196: {  	v33 =	vld [tilespmem:s26+$0x370];
	v60 =	vmul.f32 v30, v5;
	v18 =	vadd.f32 v18, v48;
	v58 =	vperm.xlane v16, v0  }
0x197: {  	v29 =	vld [tilespmem:s26+$0x380];
	v48 =	vmul.f32 v26, v10;
	v12 =	vadd.f32 v12, v45;
	v47 =	vperm.xlane v13, v1  }
0x198: {  	v27 =	vld [tilespmem:s26+$0x2F0];
	v56 =	vperm.xlane v18, v1;
	v16 =	vadd.f32 v16, v58;
	v58 =	vmul.f32 v24, v6  }
0x199: {  	v37 =	vld [tilespmem:s26+$0x320];
	v17 =	vmul.f32 v17, v10;
	v53 =	vperm.xlane v12, v1;
	v13 =	vadd.f32 v13, v47  }
0x19a: {  	v20 =	vld [tilespmem:s26+$0x300];
	v18 =	vadd.f32 v18, v56;
	v41 =	vperm.xlane v16, v1;
	v47 =	vmul.f32 v25, v9  }
0x19b: {  	v17 =	vadd.f32 v63, v17;
	v31 =	vadd.f32 v12, v53;
	v53 =	vld [tilespmem:s26+$0x3D0];
	v55 =	vperm.xlane v13, v2  }
0x19c: {  	v30 =	vld [tilespmem:s26+$0x420];
	v62 =	vperm.xlane v18, v2;
	v15 =	vadd.f32 v16, v41;
	v16 =	vadd.f32 v22, v43  }
0x19d: {  	v12 =	vld [tilespmem:s26+$0x330];
	v56 =	vmul.f32 v27, v8;
	v17 =	vadd.f32 v40, v17;
	v13 =	vadd.f32 v13, v55  }
0x19e: {  	v57 =	vld [tilespmem:s26+$0x3F0];
	v59 =	vperm.xlane v31, v2;
	v18 =	vadd.f32 v18, v62;
	v46 =	vperm.xlane v15, v2  }
0x19f: {  	v51 =	vld [tilespmem:s26+$0x3C0];
	v16 =	vadd.f32 v47, v16;
	v47 =	vmul.f32 v37, v5;
	v61 =	vperm.xlane v13, v3  }
0x1a0: {  	v55 =	vld [tilespmem:s26+$0x3E0];
	v31 =	vadd.f32 v31, v59;
	v45 =	vperm.xlane v18, v3;
	v43 =	vmul.f32 v53, v11  }
0x1a1: {  	v41 =	vld [tilespmem:s26+$0x440];
	v15 =	vadd.f32 v15, v46;
	v53 =	vmul.f32 v34, v6;
	v34 =	vmul.f32 v30, v5  }
0x1a2: {  	v62 =	vld [tilespmem:s26+$0x410];
	v16 =	vadd.f32 v50, v16;
	v40 =	vmul.f32 v12, v4;
	v42 =	vperm.xlane v31, v3  }
0x1a3: {  	v59 =	vld [tilespmem:s26+$0x400];
	v13 =	vadd.f32 v13, v61;
	v18 =	vadd.f32 v18, v45;
	v54 =	vperm.xlane v15, v3  }
0x1a4: {  	v46 =	vld [tilespmem:s26+$0x4C0];
	v16 =	vadd.f32 v21, v16;
	v61 =	vmul.f32 v20, v7;
	v45 =	vmul.f32 v33, v8  }
0x1a5: {  	v50 =	vld [tilespmem:s26+$0x460];
	v44 =	vadd.f32 v31, v42;
	v42 =	vmul.f32 v51, v10;
	v22 =	vmul.f32 v55, v9  }
0x1a6: {  	v25 =	vld [tilespmem:s26+$0x3A0];
	v51 =	vmul.f32 v57, v8;
	v55 =	vmul.f32 v41, v10;
	v13 =	vsel vm9, v14, v13  }
0x1a7: {  	v20 =	vmul.f32 v62, v6;
	v14 =	vadd.f32 v49, v48;
	v13 =	vsel vm10, v13, v44;
	v44 =	vld [tilespmem:s26+$0x450]  }
0x1a8: {  	v15 =	vadd.f32 v15, v54;
	v16 =	vadd.f32 v58, v16;
	v48 =	vld [tilespmem:s26+$0x4D0];
	v49 =	vmul.f32 v29, v7  }
0x1a9: {  	v33 =	vld [tilespmem:s26+$0x4B0];
	v17 =	vadd.f32 v45, v17;
	v24 =	vmul.f32 v59, v7;
	v10 =	vmul.f32 v46, v10  }
0x1aa: {  	v21 =	vmul.f32 v50, v9;
	v13 =	vsel vm11, v13, v18;
	v14 =	vadd.f32 v52, v14;
	v52 =	vld [tilespmem:s26+$0x4E0]  }
0x1ab: {  	v54 =	vld [tilespmem:s26+$0x470];
	v16 =	vadd.f32 v60, v16;
	v17 =	vadd.f32 v49, v17;
	v13 =	vsel vm12, v13, v15  }
0x1ac: {  	v57 =	vld [tilespmem:s26+$0x4F0];
	v15 =	vadd.f32 v43, v42;
	v14 =	vadd.f32 v56, v14;
	v56 =	vmul.f32 v44, v11  }
0x1ad: {  	v58 =	vld [tilespmem:s26+$0x480];
	v60 =	vmul.f32 v25, v5;
	v16 =	vadd.f32 v19, v16;
	v11 =	vmul.f32 v48, v11  }
0x1ae: {  	v59 =	vld [tilespmem:s26+$0x500];
	v41 =	vmul.f32 v33, v4;
	v15 =	vadd.f32 v22, v15;
	v22 =	vadd.f32 v56, v55  }
0x1af: {  	v14 =	vadd.f32 v61, v14;
	v61 =	vld [tilespmem:s26+$0x490];
	v9 =	vmul.f32 v52, v9;
	v10 =	vadd.f32 v11, v10  }
0x1b0: {  	v63 =	vld [tilespmem:s26+$0x510];
	v17 =	vadd.f32 v53, v17;
	v62 =	vmul.f32 v54, v8;
	v21 =	vadd.f32 v21, v22  }
0x1b1: {  	v28 =	vld [tilespmem:s26+$0x4A0];
	v8 =	vmul.f32 v57, v8;
	v15 =	vadd.f32 v51, v15;
	v9 =	vadd.f32 v9, v10  }
0x1b2: {  	v31 =	vld [tilespmem:s26+$0x520];
	v19 =	vmul.f32 v58, v7;
	v14 =	vadd.f32 v36, v14;
	v29 =	vadd.f32 v62, v21  }
0x1b3: {  	v7 =	vmul.f32 v59, v7;
	v36 =	vld [tilespmem:s26+$0x530];
	v15 =	vadd.f32 v24, v15;
	v8 =	vadd.f32 v8, v9  }
0x1b4: {  	v11 =	vadd.f32 v60, v17;
	v35 =	vmul.f32 v61, v6;
	v17 =	vadd.f32 v19, v29  }
0x1b5: {  	v15 =	vadd.f32 v20, v15;
	v6 =	vmul.f32 v63, v6;
	v7 =	vadd.f32 v7, v8  }
0x1b6: {  	v10 =	vmul.f32 v28, v5;
	v9 =	vadd.f32 v32, v11;
	v38 =	vadd.f32 v35, v17  }
0x1b7: {  	v5 =	vmul.f32 v31, v5;
	v37 =	vadd.f32 v34, v15;
	v6 =	vadd.f32 v6, v7  }
0x1b8: {  	v14 =	vadd.f32 v47, v14;
	v4 =	vmul.f32 v36, v4;
	v10 =	vadd.f32 v10, v38  }
0x1b9: {  	v43 =	vperm.xlane v9, v0;
	v7 =	vadd.f32 v39, v37;
	v5 =	vadd.f32 v5, v6  }
0x1ba: {  	v44 =	vperm.xlane v16, v0;
	v42 =	vadd.f32 v40, v14;
	v10 =	vadd.f32 v41, v10  }
0x1bb: {  	v8 =	vadd.f32 v9, v43;
	v45 =	vperm.xlane v7, v0;
	v4 =	vadd.f32 v4, v5  }
0x1bc: {  	v11 =	vadd.f32 v16, v44;
	v5 =	vperm.xlane v42, v0;
	v46 =	vperm.xlane v10, v0  }
0x1bd: {  	v48 =	vperm.xlane v8, v1;
	v7 =	vadd.f32 v7, v45;
	v47 =	vperm.xlane v4, v0  }
0x1be: {  	v49 =	vperm.xlane v11, v1;
	v5 =	vadd.f32 v42, v5;
	v9 =	vadd.f32 v10, v46  }
0x1bf: {  	v6 =	vadd.f32 v8, v48;
	v50 =	vperm.xlane v7, v1;
	v4 =	vadd.f32 v4, v47  }
0x1c0: {  	v51 =	vperm.xlane v5, v1;
	v10 =	vadd.f32 v11, v49;
	v52 =	vperm.xlane v9, v1  }
0x1c1: {  	v54 =	vperm.xlane v6, v2;
	v7 =	vadd.f32 v7, v50;
	v53 =	vperm.xlane v4, v1  }
0x1c2: {  	v5 =	vadd.f32 v5, v51;
	v55 =	vperm.xlane v10, v2;
	v8 =	vadd.f32 v9, v52  }
0x1c3: {  	v6 =	vadd.f32 v6, v54;
	v14 =	vperm.xlane v7, v2;
	v4 =	vadd.f32 v4, v53  }
0x1c4: {  	v56 =	vperm.xlane v5, v2;
	v9 =	vadd.f32 v10, v55;
	v57 =	vperm.xlane v8, v2  }
0x1c5: {  	v59 =	vperm.xlane v6, v3;
	v7 =	vadd.f32 v7, v14;
	v58 =	vperm.xlane v4, v2  }
0x1c6: {  	v5 =	vadd.f32 v5, v56;
	v60 =	vperm.xlane v9, v3;
	v8 =	vadd.f32 v8, v57  }
0x1c7: {  	v6 =	vadd.f32 v6, v59;
	v14 =	vperm.xlane v7, v3;
	v4 =	vadd.f32 v4, v58  }
0x1c8: {  	v61 =	vperm.xlane v5, v3;
	v9 =	vadd.f32 v9, v60;
	v62 =	vperm.xlane v8, v3  }
0x1c9: {  	p0 =	sne.s32 s25, $0x4B0;
	v6 =	vnsel vm0, $0x0, v6;
	v7 =	vadd.f32 v7, v14;
	v63 =	vperm.xlane v4, v3  }
.Ltmp4:
0x1ca: {  	v5 =	vadd.f32 v5, v61;
	v9 =	vsel vm13, v13, v9;
	v8 =	vadd.f32 v8, v62;
	(pc) =	sbr.rel @p0 .LBB2_9-.Ltmp4, $4  }
0x1cb: {  	v6 =	vsel vm15, v6, v7;
	vm15 =	vcmask $0x710;
	v4 =	vadd.f32 v4, v63  }
0x1cc: {  	s28 =	sshra.s32 s25, $0x2;
	v5 =	vsel vm14, v9, v5;
	v6 =	vsel vm15, v6, v8;
	vm15 =	vcmask $0xB10  }
0x1cd: {  	[tilespmem:s28+$0x15480] =	vst v5;
	v4 =	vsel vm15, v6, v4  }
0x1ce: {  	s25 =	sadd.s32 $0x50, s25;
	s26 =	sadd.s32 $0xA80, s26;
	[tilespmem:s28+$0x15490] =	vst v4  }
0x1cf: {  	s24 =	sadd.s32 s5, s24;
	s23 =	sadd.s32 $0x1, s23  }
0x1d0: {  	s24 =	smul.u32 $0x14, s24;
	p0 =	sne.s32 s23, $0x20  }
.Ltmp5:
0x1d1: {  	_ = 	snop;
	(pc) =	sbr.rel @p0 .LBB2_2-.Ltmp5, $4  }
0x1d2: {  	_ = 	snop  }
0x1d3: {  	s24 =	sshrl.u32 s24, $0x3  }
0x1d4: {  	s24 =	sadd.s32 s4, s24  }
0x1d5: {  	[hbm4b:s24+s2] =	stream.linear.scatter [tilespmem:s20], [sflag:$0x4], $0x140, $0x38;
	[tilespmem:$0x15600] =	vst v63  }
0x1d6: {  	s22 =	sadd.s32 $0x1, s22  }
0x1d7: {  	_ =	swait.ge [sflag:s21], $0x140;
	p0 =	sne.s32 s22, s9  }
.Ltmp6:
0x1d8: {  	[sflag:s21] =	ssyncset.done $0x0;
	(pc) =	sbr.rel @p0 .LBB2_1-.Ltmp6, $4  }
0x1d9: {  	[sflag:s21] =	ssyncadd.s32 $0xFFFFFEC0  }
0x1da: {  	_ =	swait.ge [sflag:s19], $0x140  }
0x1db: {  	[sflag:s19] =	ssyncset.done $0x0  }
0x1dc: {  	[sflag:s19] =	ssyncadd.s32 $0xFFFFFEC0  }
0x1dd: {  	_ =	sfence.sel $0x180000  }
0x1de: {  	[bflag:$0x0] =	sbarrier.arrive $0xFFFF  }
0x1df: {  	p0 =	sne.s32 s3, $0x0;
	_ =	strace $0x90000047  }
0x1e0: {  	s0 =	sadd.s32 @!p0 $0x100000, s1;
	[bflag:$0x2] =	sbarrier.arrive $0xFFFF  }
0x1e1: {  	[sflag:s0] =	ssyncadd.tile.s32 @!p0 $0x1;
	_ =	shalt  }
.Lfunc_end2:
_tile_overlayer_lowered:
.L_overlay_start_2:
0x1e2: {  	(tag) =	ssettag $0x2  }
0x1e3: {  	s0 =	rddreg [dreg:$0x0];
	s2 =	stileid.u32  }
0x1e4: {  	s1 =	rddreg [dreg:$0x1];
	p0 =	sne.s32 s2, $0x0  }
0x1e5: {  	s3 =	rddreg [dreg:$0x2];
	[bflag:$0x3] =	sbarrier.arrive $0xFFFF;
	s2 =	simm.s32 @!p0 $0x1C05  }
0x1e6: {  	[timem:s3], [sflag:s2] =	dma.local @!p0 [hbm:s0], s1  }
0x1e7: {  	s0 =	simm.s32 @!p0 $0x5  }
0x1e8: {  	_ =	swait.ge @!p0 [sflag:s0], s1  }
0x1e9: {  	s1 =	ssub.s32 @!p0 $0x0, s1;
	[sflag:s0] =	ssyncset.done @!p0 $0x0  }
0x1ea: {  	[sflag:s0] =	ssyncadd.s32 @!p0 s1  }
0x1eb: {  	[bflag:$0x3] =	sbarrier.arrive $0xFFFF  }
0x1ec: {  	_ =	shalt  }

</sc_bundles>
